<compile_context>
chip_gen: v7x
topology: tpu7x:2x2x1
jax: 0.10.2.dev20260603
libtpu: 0.0.44.dev20260713+nightly
codegen_flags: <defaults>
</compile_context>

<pallas_src>
import functools

import jax
import jax.numpy as jnp
from jax import lax
from jax.experimental import pallas as pl
from jax.experimental.pallas import tpu as pltpu
from jax.experimental.pallas import tpu_sc as plsc

B = 16384
W = 50
S = 19
D = 16
ED = 768
CD = 64
BLK = 2048
BLK2 = 4096

SH = 24

_info = plsc.get_sparse_core_info()
_NC, _NS, _L = _info.num_cores, _info.num_subcores, _info.num_lanes
_NW = _NC * _NS
_RPW = B // _NW
_NG = _RPW // _L


def _sc_body(ids_hbm, mask_hbm, out_hbm, ids_v, mask_v, zsrc_v, idx_v, wh_sh, sem):
    sid = lax.axis_index("s")
    wid = sid * _NC + lax.axis_index("c")
    base = wid * _RPW
    copies = []
    for w in range(W):
        copies.append(pltpu.async_copy(
            ids_hbm.at[pl.ds(w * B + base, _RPW)],
            ids_v.at[pl.ds(w * _RPW, _RPW)], sem))
        copies.append(pltpu.async_copy(
            mask_hbm.at[pl.ds(w * B + base, _RPW)],
            mask_v.at[pl.ds(w * _RPW, _RPW)], sem))

    zeros = jnp.zeros((_L,), jnp.float32)

    def _zero(i, _):
        zsrc_v[pl.ds(i * _L, _L)] = zeros
        return 0

    lax.fori_loop(0, (_RPW * SH) // _L, _zero, 0)
    shbase = sid * _RPW * SH
    pltpu.sync_copy(zsrc_v, wh_sh.at[pl.ds(shbase, _RPW * SH)])

    for c in copies:
        c.wait()

    lane = lax.iota(jnp.int32, _L)

    def _group(g, _):
        rowv = shbase + g * _L + lane

        def _slot(w, _):
            k = w * _RPW + g * _L
            idx_v[pl.ds(k, _L)] = rowv + ids_v[pl.ds(k, _L)] * _RPW
            return 0

        lax.fori_loop(0, W, _slot, 0)
        return 0

    lax.fori_loop(0, _NG, _group, 0)

    pltpu.sync_copy(mask_v, wh_sh.at[idx_v], add=True)
    out_copies = []
    for s in range(SH):
        out_copies.append(pltpu.async_copy(
            wh_sh.at[pl.ds(shbase + s * _RPW, _RPW)],
            out_hbm.at[pl.ds(s * B + base, _RPW)], sem))
    for c in out_copies:
        c.wait()


@functools.partial(
    pl.kernel,
    out_type=jax.ShapeDtypeStruct((SH * B,), jnp.float32),
    mesh=plsc.VectorSubcoreMesh(core_axis_name="c", subcore_axis_name="s"),
    scratch_types=[
        pltpu.VMEM((_RPW * W,), jnp.int32),
        pltpu.VMEM((_RPW * W,), jnp.float32),
        pltpu.VMEM((_RPW * SH,), jnp.float32),
        pltpu.VMEM((_RPW * W,), jnp.int32),
        pltpu.VMEM_SHARED((_NS * _RPW * SH,), jnp.float32),
        pltpu.SemaphoreType.DMA,
    ],
)
def _sc_whist(ids_hbm, mask_hbm, out_hbm, ids_v, mask_v, zsrc_v, idx_v, wh_sh, sem):
    _sc_body(ids_hbm, mask_hbm, out_hbm, ids_v, mask_v, zsrc_v, idx_v, wh_sh, sem)


def _tc1_body(intent_ref, W1_ref, b1_ref, out_ref):
    dn = (((0,), (1,)), ((), ()))
    out_ref[...] = lax.dot_general(
        W1_ref[:ED, :], intent_ref[...], dn,
        preferred_element_type=jnp.float32) + b1_ref[...]


def _tc1(intent_embedding, W1, b1):
    return pl.pallas_call(
        _tc1_body,
        grid=(B // BLK,),
        in_specs=[
            pl.BlockSpec((BLK, ED), lambda i: (i, 0)),
            pl.BlockSpec((ED + S * D, CD), lambda i: (0, 0)),
            pl.BlockSpec((CD, 1), lambda i: (0, 0)),
        ],
        out_specs=pl.BlockSpec((CD, BLK), lambda i: (0, i)),
        out_shape=jax.ShapeDtypeStruct((CD, B), jnp.float32),
    )(intent_embedding, W1, b1.reshape(CD, 1))


def _tc2_body(g_ref, wh_ref, table_ref, W1_ref, W2_ref, b2_ref, out_ref):
    wh = wh_ref[...]
    den_raw = jnp.sum(wh, axis=0, keepdims=True)
    den = jnp.where(den_raw > 0.0, den_raw, 1.0)
    whn = wh / den

    m_rows = [
        jnp.dot(table_ref[s:s + 1, :], W1_ref[ED + D * s: ED + D * (s + 1), :],
                preferred_element_type=jnp.float32)
        for s in range(S)
    ]
    m_rows.append(jnp.zeros((SH - S, CD), dtype=jnp.float32))
    M = jnp.concatenate(m_rows, axis=0)

    dn0 = (((0,), (0,)), ((), ()))
    acc = lax.dot_general(M, whn, dn0,
                          preferred_element_type=jnp.float32)
    h = jnp.maximum(g_ref[...] + acc, 0.0)
    out = lax.dot_general(W2_ref[...], h, dn0,
                          preferred_element_type=jnp.float32)
    out_ref[...] = jnp.tanh(out + b2_ref[...]).reshape(BLK2)


def _tc2(Gt, whist_t, table, W1, W2, b2):
    return pl.pallas_call(
        _tc2_body,
        grid=(B // BLK2,),
        in_specs=[
            pl.BlockSpec((CD, BLK2), lambda i: (0, i)),
            pl.BlockSpec((SH, BLK2), lambda i: (0, i)),
            pl.BlockSpec((S, D), lambda i: (0, 0)),
            pl.BlockSpec((ED + S * D, CD), lambda i: (0, 0)),
            pl.BlockSpec((CD, 1), lambda i: (0, 0)),
            pl.BlockSpec((1, 1), lambda i: (0, 0)),
        ],
        out_specs=pl.BlockSpec((BLK2,), lambda i: (i,)),
        out_shape=jax.ShapeDtypeStruct((B,), jnp.float32),
    )(Gt, whist_t, table, W1, W2, b2.reshape(1, 1))


@jax.jit
def kernel(intent_embedding, scenario_ids, scenario_mask, table, W1, b1, W2, b2):
    whist_t = _sc_whist(scenario_ids.astype(jnp.int32).T.reshape(W * B),
                        scenario_mask.T.reshape(W * B)).reshape(SH, B)
    Gt = _tc1(intent_embedding, W1, b1)
    return _tc2(Gt, whist_t, table, W1, W2, b2).reshape(B, 1)

# --- scband reference (transcript-rebuilt; emitter-appended) ---
"""Pipeline reference for scband-composition-scorer-net-19499151524542 (READ-ONLY COPY).

The authoritative reference and input builder live on the scoring server;
editing this copy changes nothing except your own understanding.
"""

import jax, jax.numpy as jnp
import numpy as np

B = 16384
W = 50
S = 19
D = 16
ED = 768
CD = 64
INPUT_DIM = ED + S * D


def setup_inputs(seed: int = 0) -> dict:
    key = jax.random.key(seed)
    k1, k2, k3, k4, k5 = jax.random.split(key, 5)
    intent_embedding = jax.random.normal(k1, (B, ED), dtype=jnp.float32)
    scenario_ids = jax.random.randint(k2, (B, W), 0, S)
    scenario_mask = jnp.ones((B, W), dtype=jnp.float32)
    table = (jax.random.normal(k3, (S, D), dtype=jnp.float32) * 0.01)
    W1 = (jax.random.normal(k4, (INPUT_DIM, CD), dtype=jnp.float32) * 0.01)
    b1 = jnp.zeros((CD,), dtype=jnp.float32)
    W2 = (jax.random.normal(k5, (CD, 1), dtype=jnp.float32) * 0.01)
    b2 = jnp.zeros((1,), dtype=jnp.float32)
    return {
        "intent_embedding": intent_embedding,
        "scenario_ids": scenario_ids,
        "scenario_mask": scenario_mask,
        "table": table,
        "W1": W1,
        "b1": b1,
        "W2": W2,
        "b2": b2,
    }


def reference(intent_embedding, scenario_ids, scenario_mask, table, W1, b1, W2, b2):
    # embedding lookup: (B, W, D)
    scenario_embeds = jnp.take(table, scenario_ids, axis=0)
    masked = scenario_embeds * scenario_mask[..., None]
    Bn = intent_embedding.shape[0]
    # bag-of-scenarios scatter-add: bag_vec[b, sid*D:(sid+1)*D] += embed
    bag = jnp.zeros((Bn, S, D), dtype=jnp.float32)
    bag = bag.at[jnp.arange(Bn)[:, None], scenario_ids].add(masked)
    n_widgets = scenario_mask.sum(axis=1)
    denom = jnp.where(n_widgets > 0, n_widgets, 1.0)
    bag = bag / denom[:, None, None]
    bag_vec = bag.reshape(Bn, S * D)
    combined = jnp.concatenate([intent_embedding, bag_vec], axis=1)
    h = jnp.maximum(combined @ W1 + b1, 0.0)  # Linear + ReLU (dropout = identity in eval)
    out = jnp.tanh(h @ W2 + b2)
    return out

if __name__ == "__main__":
    import jax
    _d = setup_inputs()
    print(jax.jit(kernel)(*tuple(_d.values())))

</pallas_src>

<mosaic_0001>
#map = affine_map<(d0, d1) -> (0)>
module attributes {stable_mosaic.version = 14 : i64} {
  func.func @_sc_whist(%arg0: i32, %arg1: i32, %arg2: memref<819200xi32, #tpu.memory_space<hbm>>, %arg3: memref<819200xf32, #tpu.memory_space<hbm>>, %arg4: memref<393216xf32, #tpu.memory_space<hbm>>, %arg5: memref<25600xi32, #tpu.memory_space<vmem>>, %arg6: memref<25600xf32, #tpu.memory_space<vmem>>, %arg7: memref<12288xf32, #tpu.memory_space<vmem>>, %arg8: memref<25600xi32, #tpu.memory_space<vmem>>, %arg9: memref<196608xf32, #tpu.memory_space<vmem_shared>>, %arg10: memref<!tpu.dma_semaphore, #tpu.memory_space<semaphore_mem>>) attributes {dimension_semantics = [#tpu.dimension_semantics<core_parallel>, #tpu.dimension_semantics<subcore_parallel>], iteration_bounds = array<i64: 2, 16>, scalar_prefetch = 0 : i64, scratch_operands = 6 : i64, tpu.core_type = #tpu.core_type<sc_vector_subcore>, window_params = [{transform_indices = #map}, {transform_indices = #map}, {transform_indices = #map}]} {
    %mul3A = arith.constant 2 : i32
    %mul3A_0 = arith.muli %arg1, %mul3A : i32
    %add3A = arith.addi %mul3A_0, %arg0 : i32
    %mul3A_1 = arith.constant 512 : i32
    %mul3A_2 = arith.muli %add3A, %mul3A_1 : i32
    %add3A_3 = arith.constant 0 : i32
    %add3A_4 = arith.addi %add3A_3, %mul3A_2 : i32
    %dma_start3A = arith.constant 0 : i32
    %dma_start3A_5 = tpu.memref_slice %arg5[%dma_start3A] : memref<25600xi32, #tpu.memory_space<vmem>> -> memref<512xi32, #tpu.memory_space<vmem>>
    %dma_start3A_6 = tpu.memref_slice %arg2[%add3A_4] : memref<819200xi32, #tpu.memory_space<hbm>> -> memref<512xi32, #tpu.memory_space<hbm>>
    %dma_start3A_7 = arith.constant 0 : i32
    %dma_start3A_8 = tpu.memref_slice %arg5[%dma_start3A_7] : memref<25600xi32, #tpu.memory_space<vmem>> -> memref<512xi32, #tpu.memory_space<vmem>>
    %dma_start3A_9 = tpu.memref_slice %arg2[%add3A_4] : memref<819200xi32, #tpu.memory_space<hbm>> -> memref<512xi32, #tpu.memory_space<hbm>>
    tpu.enqueue_dma source(%dma_start3A_9 : memref<512xi32, #tpu.memory_space<hbm>>) target(%dma_start3A_8 : memref<512xi32, #tpu.memory_space<vmem>>) target_semaphore(%arg10 : memref<!tpu.dma_semaphore, #tpu.memory_space<semaphore_mem>>)
    %add3A_10 = arith.constant 0 : i32
    %add3A_11 = arith.addi %add3A_10, %mul3A_2 : i32
    %dma_start3A_12 = arith.constant 0 : i32
    %dma_start3A_13 = tpu.memref_slice %arg6[%dma_start3A_12] : memref<25600xf32, #tpu.memory_space<vmem>> -> memref<512xf32, #tpu.memory_space<vmem>>
    %dma_start3A_14 = tpu.memref_slice %arg3[%add3A_11] : memref<819200xf32, #tpu.memory_space<hbm>> -> memref<512xf32, #tpu.memory_space<hbm>>
    %dma_start3A_15 = arith.constant 0 : i32
    %dma_start3A_16 = tpu.memref_slice %arg6[%dma_start3A_15] : memref<25600xf32, #tpu.memory_space<vmem>> -> memref<512xf32, #tpu.memory_space<vmem>>
    %dma_start3A_17 = tpu.memref_slice %arg3[%add3A_11] : memref<819200xf32, #tpu.memory_space<hbm>> -> memref<512xf32, #tpu.memory_space<hbm>>
    tpu.enqueue_dma source(%dma_start3A_17 : memref<512xf32, #tpu.memory_space<hbm>>) target(%dma_start3A_16 : memref<512xf32, #tpu.memory_space<vmem>>) target_semaphore(%arg10 : memref<!tpu.dma_semaphore, #tpu.memory_space<semaphore_mem>>)
    %add3A_18 = arith.constant 16384 : i32
    %add3A_19 = arith.addi %add3A_18, %mul3A_2 : i32
    %dma_start3A_20 = arith.constant 512 : i32
    %dma_start3A_21 = tpu.memref_slice %arg5[%dma_start3A_20] : memref<25600xi32, #tpu.memory_space<vmem>> -> memref<512xi32, #tpu.memory_space<vmem>>
    %dma_start3A_22 = tpu.memref_slice %arg2[%add3A_19] : memref<819200xi32, #tpu.memory_space<hbm>> -> memref<512xi32, #tpu.memory_space<hbm>>
    %dma_start3A_23 = arith.constant 512 : i32
    %dma_start3A_24 = tpu.memref_slice %arg5[%dma_start3A_23] : memref<25600xi32, #tpu.memory_space<vmem>> -> memref<512xi32, #tpu.memory_space<vmem>>
    %dma_start3A_25 = tpu.memref_slice %arg2[%add3A_19] : memref<819200xi32, #tpu.memory_space<hbm>> -> memref<512xi32, #tpu.memory_space<hbm>>
    tpu.enqueue_dma source(%dma_start3A_25 : memref<512xi32, #tpu.memory_space<hbm>>) target(%dma_start3A_24 : memref<512xi32, #tpu.memory_space<vmem>>) target_semaphore(%arg10 : memref<!tpu.dma_semaphore, #tpu.memory_space<semaphore_mem>>)
    %add3A_26 = arith.constant 16384 : i32
    %add3A_27 = arith.addi %add3A_26, %mul3A_2 : i32
    %dma_start3A_28 = arith.constant 512 : i32
    %dma_start3A_29 = tpu.memref_slice %arg6[%dma_start3A_28] : memref<25600xf32, #tpu.memory_space<vmem>> -> memref<512xf32, #tpu.memory_space<vmem>>
    %dma_start3A_30 = tpu.memref_slice %arg3[%add3A_27] : memref<819200xf32, #tpu.memory_space<hbm>> -> memref<512xf32, #tpu.memory_space<hbm>>
    %dma_start3A_31 = arith.constant 512 : i32
    %dma_start3A_32 = tpu.memref_slice %arg6[%dma_start3A_31] : memref<25600xf32, #tpu.memory_space<vmem>> -> memref<512xf32, #tpu.memory_space<vmem>>
    %dma_start3A_33 = tpu.memref_slice %arg3[%add3A_27] : memref<819200xf32, #tpu.memory_space<hbm>> -> memref<512xf32, #tpu.memory_space<hbm>>
    tpu.enqueue_dma source(%dma_start3A_33 : memref<512xf32, #tpu.memory_space<hbm>>) target(%dma_start3A_32 : memref<512xf32, #tpu.memory_space<vmem>>) target_semaphore(%arg10 : memref<!tpu.dma_semaphore, #tpu.memory_space<semaphore_mem>>)
    %add3A_34 = arith.constant 32768 : i32
    %add3A_35 = arith.addi %add3A_34, %mul3A_2 : i32
    %dma_start3A_36 = arith.constant 1024 : i32
    %dma_start3A_37 = tpu.memref_slice %arg5[%dma_start3A_36] : memref<25600xi32, #tpu.memory_space<vmem>> -> memref<512xi32, #tpu.memory_space<vmem>>
    %dma_start3A_38 = tpu.memref_slice %arg2[%add3A_35] : memref<819200xi32, #tpu.memory_space<hbm>> -> memref<512xi32, #tpu.memory_space<hbm>>
    %dma_start3A_39 = arith.constant 1024 : i32
    %dma_start3A_40 = tpu.memref_slice %arg5[%dma_start3A_39] : memref<25600xi32, #tpu.memory_space<vmem>> -> memref<512xi32, #tpu.memory_space<vmem>>
    %dma_start3A_41 = tpu.memref_slice %arg2[%add3A_35] : memref<819200xi32, #tpu.memory_space<hbm>> -> memref<512xi32, #tpu.memory_space<hbm>>
    tpu.enqueue_dma source(%dma_start3A_41 : memref<512xi32, #tpu.memory_space<hbm>>) target(%dma_start3A_40 : memref<512xi32, #tpu.memory_space<vmem>>) target_semaphore(%arg10 : memref<!tpu.dma_semaphore, #tpu.memory_space<semaphore_mem>>)
    %add3A_42 = arith.constant 32768 : i32
    %add3A_43 = arith.addi %add3A_42, %mul3A_2 : i32
    %dma_start3A_44 = arith.constant 1024 : i32
    %dma_start3A_45 = tpu.memref_slice %arg6[%dma_start3A_44] : memref<25600xf32, #tpu.memory_space<vmem>> -> memref<512xf32, #tpu.memory_space<vmem>>
    %dma_start3A_46 = tpu.memref_slice %arg3[%add3A_43] : memref<819200xf32, #tpu.memory_space<hbm>> -> memref<512xf32, #tpu.memory_space<hbm>>
    %dma_start3A_47 = arith.constant 1024 : i32
    %dma_start3A_48 = tpu.memref_slice %arg6[%dma_start3A_47] : memref<25600xf32, #tpu.memory_space<vmem>> -> memref<512xf32, #tpu.memory_space<vmem>>
    %dma_start3A_49 = tpu.memref_slice %arg3[%add3A_43] : memref<819200xf32, #tpu.memory_space<hbm>> -> memref<512xf32, #tpu.memory_space<hbm>>
    tpu.enqueue_dma source(%dma_start3A_49 : memref<512xf32, #tpu.memory_space<hbm>>) target(%dma_start3A_48 : memref<512xf32, #tpu.memory_space<vmem>>) target_semaphore(%arg10 : memref<!tpu.dma_semaphore, #tpu.memory_space<semaphore_mem>>)
    %add3A_50 = arith.constant 49152 : i32
    %add3A_51 = arith.addi %add3A_50, %mul3A_2 : i32
    %dma_start3A_52 = arith.constant 1536 : i32
    %dma_start3A_53 = tpu.memref_slice %arg5[%dma_start3A_52] : memref<25600xi32, #tpu.memory_space<vmem>> -> memref<512xi32, #tpu.memory_space<vmem>>
    %dma_start3A_54 = tpu.memref_slice %arg2[%add3A_51] : memref<819200xi32, #tpu.memory_space<hbm>> -> memref<512xi32, #tpu.memory_space<hbm>>
    %dma_start3A_55 = arith.constant 1536 : i32
    %dma_start3A_56 = tpu.memref_slice %arg5[%dma_start3A_55] : memref<25600xi32, #tpu.memory_space<vmem>> -> memref<512xi32, #tpu.memory_space<vmem>>
    %dma_start3A_57 = tpu.memref_slice %arg2[%add3A_51] : memref<819200xi32, #tpu.memory_space<hbm>> -> memref<512xi32, #tpu.memory_space<hbm>>
    tpu.enqueue_dma source(%dma_start3A_57 : memref<512xi32, #tpu.memory_space<hbm>>) target(%dma_start3A_56 : memref<512xi32, #tpu.memory_space<vmem>>) target_semaphore(%arg10 : memref<!tpu.dma_semaphore, #tpu.memory_space<semaphore_mem>>)
    %add3A_58 = arith.constant 49152 : i32
    %add3A_59 = arith.addi %add3A_58, %mul3A_2 : i32
    %dma_start3A_60 = arith.constant 1536 : i32
    %dma_start3A_61 = tpu.memref_slice %arg6[%dma_start3A_60] : memref<25600xf32, #tpu.memory_space<vmem>> -> memref<512xf32, #tpu.memory_space<vmem>>
    %dma_start3A_62 = tpu.memref_slice %arg3[%add3A_59] : memref<819200xf32, #tpu.memory_space<hbm>> -> memref<512xf32, #tpu.memory_space<hbm>>
    %dma_start3A_63 = arith.constant 1536 : i32
    %dma_start3A_64 = tpu.memref_slice %arg6[%dma_start3A_63] : memref<25600xf32, #tpu.memory_space<vmem>> -> memref<512xf32, #tpu.memory_space<vmem>>
    %dma_start3A_65 = tpu.memref_slice %arg3[%add3A_59] : memref<819200xf32, #tpu.memory_space<hbm>> -> memref<512xf32, #tpu.memory_space<hbm>>
    tpu.enqueue_dma source(%dma_start3A_65 : memref<512xf32, #tpu.memory_space<hbm>>) target(%dma_start3A_64 : memref<512xf32, #tpu.memory_space<vmem>>) target_semaphore(%arg10 : memref<!tpu.dma_semaphore, #tpu.memory_space<semaphore_mem>>)
    %add3A_66 = arith.constant 65536 : i32
    %add3A_67 = arith.addi %add3A_66, %mul3A_2 : i32
    %dma_start3A_68 = arith.constant 2048 : i32
    %dma_start3A_69 = tpu.memref_slice %arg5[%dma_start3A_68] : memref<25600xi32, #tpu.memory_space<vmem>> -> memref<512xi32, #tpu.memory_space<vmem>>
    %dma_start3A_70 = tpu.memref_slice %arg2[%add3A_67] : memref<819200xi32, #tpu.memory_space<hbm>> -> memref<512xi32, #tpu.memory_space<hbm>>
    %dma_start3A_71 = arith.constant 2048 : i32
    %dma_start3A_72 = tpu.memref_slice %arg5[%dma_start3A_71] : memref<25600xi32, #tpu.memory_space<vmem>> -> memref<512xi32, #tpu.memory_space<vmem>>
    %dma_start3A_73 = tpu.memref_slice %arg2[%add3A_67] : memref<819200xi32, #tpu.memory_space<hbm>> -> memref<512xi32, #tpu.memory_space<hbm>>
    tpu.enqueue_dma source(%dma_start3A_73 : memref<512xi32, #tpu.memory_space<hbm>>) target(%dma_start3A_72 : memref<512xi32, #tpu.memory_space<vmem>>) target_semaphore(%arg10 : memref<!tpu.dma_semaphore, #tpu.memory_space<semaphore_mem>>)
    %add3A_74 = arith.constant 65536 : i32
    %add3A_75 = arith.addi %add3A_74, %mul3A_2 : i32
    %dma_start3A_76 = arith.constant 2048 : i32
    %dma_start3A_77 = tpu.memref_slice %arg6[%dma_start3A_76] : memref<25600xf32, #tpu.memory_space<vmem>> -> memref<512xf32, #tpu.memory_space<vmem>>
    %dma_start3A_78 = tpu.memref_slice %arg3[%add3A_75] : memref<819200xf32, #tpu.memory_space<hbm>> -> memref<512xf32, #tpu.memory_space<hbm>>
    %dma_start3A_79 = arith.constant 2048 : i32
    %dma_start3A_80 = tpu.memref_slice %arg6[%dma_start3A_79] : memref<25600xf32, #tpu.memory_space<vmem>> -> memref<512xf32, #tpu.memory_space<vmem>>
    %dma_start3A_81 = tpu.memref_slice %arg3[%add3A_75] : memref<819200xf32, #tpu.memory_space<hbm>> -> memref<512xf32, #tpu.memory_space<hbm>>
    tpu.enqueue_dma source(%dma_start3A_81 : memref<512xf32, #tpu.memory_space<hbm>>) target(%dma_start3A_80 : memref<512xf32, #tpu.memory_space<vmem>>) target_semaphore(%arg10 : memref<!tpu.dma_semaphore, #tpu.memory_space<semaphore_mem>>)
    %add3A_82 = arith.constant 81920 : i32
    %add3A_83 = arith.addi %add3A_82, %mul3A_2 : i32
    %dma_start3A_84 = arith.constant 2560 : i32
    %dma_start3A_85 = tpu.memref_slice %arg5[%dma_start3A_84] : memref<25600xi32, #tpu.memory_space<vmem>> -> memref<512xi32, #tpu.memory_space<vmem>>
    %dma_start3A_86 = tpu.memref_slice %arg2[%add3A_83] : memref<819200xi32, #tpu.memory_space<hbm>> -> memref<512xi32, #tpu.memory_space<hbm>>
    %dma_start3A_87 = arith.constant 2560 : i32
    %dma_start3A_88 = tpu.memref_slice %arg5[%dma_start3A_87] : memref<25600xi32, #tpu.memory_space<vmem>> -> memref<512xi32, #tpu.memory_space<vmem>>
    %dma_start3A_89 = tpu.memref_slice %arg2[%add3A_83] : memref<819200xi32, #tpu.memory_space<hbm>> -> memref<512xi32, #tpu.memory_space<hbm>>
    tpu.enqueue_dma source(%dma_start3A_89 : memref<512xi32, #tpu.memory_space<hbm>>) target(%dma_start3A_88 : memref<512xi32, #tpu.memory_space<vmem>>) target_semaphore(%arg10 : memref<!tpu.dma_semaphore, #tpu.memory_space<semaphore_mem>>)
    %add3A_90 = arith.constant 81920 : i32
    %add3A_91 = arith.addi %add3A_90, %mul3A_2 : i32
    %dma_start3A_92 = arith.constant 2560 : i32
    %dma_start3A_93 = tpu.memref_slice %arg6[%dma_start3A_92] : memref<25600xf32, #tpu.memory_space<vmem>> -> memref<512xf32, #tpu.memory_space<vmem>>
    %dma_start3A_94 = tpu.memref_slice %arg3[%add3A_91] : memref<819200xf32, #tpu.memory_space<hbm>> -> memref<512xf32, #tpu.memory_space<hbm>>
    %dma_start3A_95 = arith.constant 2560 : i32
    %dma_start3A_96 = tpu.memref_slice %arg6[%dma_start3A_95] : memref<25600xf32, #tpu.memory_space<vmem>> -> memref<512xf32, #tpu.memory_space<vmem>>
    %dma_start3A_97 = tpu.memref_slice %arg3[%add3A_91] : memref<819200xf32, #tpu.memory_space<hbm>> -> memref<512xf32, #tpu.memory_space<hbm>>
    tpu.enqueue_dma source(%dma_start3A_97 : memref<512xf32, #tpu.memory_space<hbm>>) target(%dma_start3A_96 : memref<512xf32, #tpu.memory_space<vmem>>) target_semaphore(%arg10 : memref<!tpu.dma_semaphore, #tpu.memory_space<semaphore_mem>>)
    %add3A_98 = arith.constant 98304 : i32
    %add3A_99 = arith.addi %add3A_98, %mul3A_2 : i32
    %dma_start3A_100 = arith.constant 3072 : i32
    %dma_start3A_101 = tpu.memref_slice %arg5[%dma_start3A_100] : memref<25600xi32, #tpu.memory_space<vmem>> -> memref<512xi32, #tpu.memory_space<vmem>>
    %dma_start3A_102 = tpu.memref_slice %arg2[%add3A_99] : memref<819200xi32, #tpu.memory_space<hbm>> -> memref<512xi32, #tpu.memory_space<hbm>>
    %dma_start3A_103 = arith.constant 3072 : i32
    %dma_start3A_104 = tpu.memref_slice %arg5[%dma_start3A_103] : memref<25600xi32, #tpu.memory_space<vmem>> -> memref<512xi32, #tpu.memory_space<vmem>>
    %dma_start3A_105 = tpu.memref_slice %arg2[%add3A_99] : memref<819200xi32, #tpu.memory_space<hbm>> -> memref<512xi32, #tpu.memory_space<hbm>>
    tpu.enqueue_dma source(%dma_start3A_105 : memref<512xi32, #tpu.memory_space<hbm>>) target(%dma_start3A_104 : memref<512xi32, #tpu.memory_space<vmem>>) target_semaphore(%arg10 : memref<!tpu.dma_semaphore, #tpu.memory_space<semaphore_mem>>)
    %add3A_106 = arith.constant 98304 : i32
    %add3A_107 = arith.addi %add3A_106, %mul3A_2 : i32
    %dma_start3A_108 = arith.constant 3072 : i32
    %dma_start3A_109 = tpu.memref_slice %arg6[%dma_start3A_108] : memref<25600xf32, #tpu.memory_space<vmem>> -> memref<512xf32, #tpu.memory_space<vmem>>
    %dma_start3A_110 = tpu.memref_slice %arg3[%add3A_107] : memref<819200xf32, #tpu.memory_space<hbm>> -> memref<512xf32, #tpu.memory_space<hbm>>
    %dma_start3A_111 = arith.constant 3072 : i32
    %dma_start3A_112 = tpu.memref_slice %arg6[%dma_start3A_111] : memref<25600xf32, #tpu.memory_space<vmem>> -> memref<512xf32, #tpu.memory_space<vmem>>
    %dma_start3A_113 = tpu.memref_slice %arg3[%add3A_107] : memref<819200xf32, #tpu.memory_space<hbm>> -> memref<512xf32, #tpu.memory_space<hbm>>
    tpu.enqueue_dma source(%dma_start3A_113 : memref<512xf32, #tpu.memory_space<hbm>>) target(%dma_start3A_112 : memref<512xf32, #tpu.memory_space<vmem>>) target_semaphore(%arg10 : memref<!tpu.dma_semaphore, #tpu.memory_space<semaphore_mem>>)
    %add3A_114 = arith.constant 114688 : i32
    %add3A_115 = arith.addi %add3A_114, %mul3A_2 : i32
    %dma_start3A_116 = arith.constant 3584 : i32
    %dma_start3A_117 = tpu.memref_slice %arg5[%dma_start3A_116] : memref<25600xi32, #tpu.memory_space<vmem>> -> memref<512xi32, #tpu.memory_space<vmem>>
    %dma_start3A_118 = tpu.memref_slice %arg2[%add3A_115] : memref<819200xi32, #tpu.memory_space<hbm>> -> memref<512xi32, #tpu.memory_space<hbm>>
    %dma_start3A_119 = arith.constant 3584 : i32
    %dma_start3A_120 = tpu.memref_slice %arg5[%dma_start3A_119] : memref<25600xi32, #tpu.memory_space<vmem>> -> memref<512xi32, #tpu.memory_space<vmem>>
    %dma_start3A_121 = tpu.memref_slice %arg2[%add3A_115] : memref<819200xi32, #tpu.memory_space<hbm>> -> memref<512xi32, #tpu.memory_space<hbm>>
    tpu.enqueue_dma source(%dma_start3A_121 : memref<512xi32, #tpu.memory_space<hbm>>) target(%dma_start3A_120 : memref<512xi32, #tpu.memory_space<vmem>>) target_semaphore(%arg10 : memref<!tpu.dma_semaphore, #tpu.memory_space<semaphore_mem>>)
    %add3A_122 = arith.constant 114688 : i32
    %add3A_123 = arith.addi %add3A_122, %mul3A_2 : i32
    %dma_start3A_124 = arith.constant 3584 : i32
    %dma_start3A_125 = tpu.memref_slice %arg6[%dma_start3A_124] : memref<25600xf32, #tpu.memory_space<vmem>> -> memref<512xf32, #tpu.memory_space<vmem>>
    %dma_start3A_126 = tpu.memref_slice %arg3[%add3A_123] : memref<819200xf32, #tpu.memory_space<hbm>> -> memref<512xf32, #tpu.memory_space<hbm>>
    %dma_start3A_127 = arith.constant 3584 : i32
    %dma_start3A_128 = tpu.memref_slice %arg6[%dma_start3A_127] : memref<25600xf32, #tpu.memory_space<vmem>> -> memref<512xf32, #tpu.memory_space<vmem>>
    %dma_start3A_129 = tpu.memref_slice %arg3[%add3A_123] : memref<819200xf32, #tpu.memory_space<hbm>> -> memref<512xf32, #tpu.memory_space<hbm>>
    tpu.enqueue_dma source(%dma_start3A_129 : memref<512xf32, #tpu.memory_space<hbm>>) target(%dma_start3A_128 : memref<512xf32, #tpu.memory_space<vmem>>) target_semaphore(%arg10 : memref<!tpu.dma_semaphore, #tpu.memory_space<semaphore_mem>>)
    %add3A_130 = arith.constant 131072 : i32
    %add3A_131 = arith.addi %add3A_130, %mul3A_2 : i32
    %dma_start3A_132 = arith.constant 4096 : i32
    %dma_start3A_133 = tpu.memref_slice %arg5[%dma_start3A_132] : memref<25600xi32, #tpu.memory_space<vmem>> -> memref<512xi32, #tpu.memory_space<vmem>>
    %dma_start3A_134 = tpu.memref_slice %arg2[%add3A_131] : memref<819200xi32, #tpu.memory_space<hbm>> -> memref<512xi32, #tpu.memory_space<hbm>>
    %dma_start3A_135 = arith.constant 4096 : i32
    %dma_start3A_136 = tpu.memref_slice %arg5[%dma_start3A_135] : memref<25600xi32, #tpu.memory_space<vmem>> -> memref<512xi32, #tpu.memory_space<vmem>>
    %dma_start3A_137 = tpu.memref_slice %arg2[%add3A_131] : memref<819200xi32, #tpu.memory_space<hbm>> -> memref<512xi32, #tpu.memory_space<hbm>>
    tpu.enqueue_dma source(%dma_start3A_137 : memref<512xi32, #tpu.memory_space<hbm>>) target(%dma_start3A_136 : memref<512xi32, #tpu.memory_space<vmem>>) target_semaphore(%arg10 : memref<!tpu.dma_semaphore, #tpu.memory_space<semaphore_mem>>)
    %add3A_138 = arith.constant 131072 : i32
    %add3A_139 = arith.addi %add3A_138, %mul3A_2 : i32
    %dma_start3A_140 = arith.constant 4096 : i32
    %dma_start3A_141 = tpu.memref_slice %arg6[%dma_start3A_140] : memref<25600xf32, #tpu.memory_space<vmem>> -> memref<512xf32, #tpu.memory_space<vmem>>
    %dma_start3A_142 = tpu.memref_slice %arg3[%add3A_139] : memref<819200xf32, #tpu.memory_space<hbm>> -> memref<512xf32, #tpu.memory_space<hbm>>
    %dma_start3A_143 = arith.constant 4096 : i32
    %dma_start3A_144 = tpu.memref_slice %arg6[%dma_start3A_143] : memref<25600xf32, #tpu.memory_space<vmem>> -> memref<512xf32, #tpu.memory_space<vmem>>
    %dma_start3A_145 = tpu.memref_slice %arg3[%add3A_139] : memref<819200xf32, #tpu.memory_space<hbm>> -> memref<512xf32, #tpu.memory_space<hbm>>
    tpu.enqueue_dma source(%dma_start3A_145 : memref<512xf32, #tpu.memory_space<hbm>>) target(%dma_start3A_144 : memref<512xf32, #tpu.memory_space<vmem>>) target_semaphore(%arg10 : memref<!tpu.dma_semaphore, #tpu.memory_space<semaphore_mem>>)
    %add3A_146 = arith.constant 147456 : i32
    %add3A_147 = arith.addi %add3A_146, %mul3A_2 : i32
    %dma_start3A_148 = arith.constant 4608 : i32
    %dma_start3A_149 = tpu.memref_slice %arg5[%dma_start3A_148] : memref<25600xi32, #tpu.memory_space<vmem>> -> memref<512xi32, #tpu.memory_space<vmem>>
    %dma_start3A_150 = tpu.memref_slice %arg2[%add3A_147] : memref<819200xi32, #tpu.memory_space<hbm>> -> memref<512xi32, #tpu.memory_space<hbm>>
    %dma_start3A_151 = arith.constant 4608 : i32
    %dma_start3A_152 = tpu.memref_slice %arg5[%dma_start3A_151] : memref<25600xi32, #tpu.memory_space<vmem>> -> memref<512xi32, #tpu.memory_space<vmem>>
    %dma_start3A_153 = tpu.memref_slice %arg2[%add3A_147] : memref<819200xi32, #tpu.memory_space<hbm>> -> memref<512xi32, #tpu.memory_space<hbm>>
    tpu.enqueue_dma source(%dma_start3A_153 : memref<512xi32, #tpu.memory_space<hbm>>) target(%dma_start3A_152 : memref<512xi32, #tpu.memory_space<vmem>>) target_semaphore(%arg10 : memref<!tpu.dma_semaphore, #tpu.memory_space<semaphore_mem>>)
    %add3A_154 = arith.constant 147456 : i32
    %add3A_155 = arith.addi %add3A_154, %mul3A_2 : i32
    %dma_start3A_156 = arith.constant 4608 : i32
    %dma_start3A_157 = tpu.memref_slice %arg6[%dma_start3A_156] : memref<25600xf32, #tpu.memory_space<vmem>> -> memref<512xf32, #tpu.memory_space<vmem>>
    %dma_start3A_158 = tpu.memref_slice %arg3[%add3A_155] : memref<819200xf32, #tpu.memory_space<hbm>> -> memref<512xf32, #tpu.memory_space<hbm>>
    %dma_start3A_159 = arith.constant 4608 : i32
    %dma_start3A_160 = tpu.memref_slice %arg6[%dma_start3A_159] : memref<25600xf32, #tpu.memory_space<vmem>> -> memref<512xf32, #tpu.memory_space<vmem>>
    %dma_start3A_161 = tpu.memref_slice %arg3[%add3A_155] : memref<819200xf32, #tpu.memory_space<hbm>> -> memref<512xf32, #tpu.memory_space<hbm>>
    tpu.enqueue_dma source(%dma_start3A_161 : memref<512xf32, #tpu.memory_space<hbm>>) target(%dma_start3A_160 : memref<512xf32, #tpu.memory_space<vmem>>) target_semaphore(%arg10 : memref<!tpu.dma_semaphore, #tpu.memory_space<semaphore_mem>>)
    %add3A_162 = arith.constant 163840 : i32
    %add3A_163 = arith.addi %add3A_162, %mul3A_2 : i32
    %dma_start3A_164 = arith.constant 5120 : i32
    %dma_start3A_165 = tpu.memref_slice %arg5[%dma_start3A_164] : memref<25600xi32, #tpu.memory_space<vmem>> -> memref<512xi32, #tpu.memory_space<vmem>>
    %dma_start3A_166 = tpu.memref_slice %arg2[%add3A_163] : memref<819200xi32, #tpu.memory_space<hbm>> -> memref<512xi32, #tpu.memory_space<hbm>>
    %dma_start3A_167 = arith.constant 5120 : i32
    %dma_start3A_168 = tpu.memref_slice %arg5[%dma_start3A_167] : memref<25600xi32, #tpu.memory_space<vmem>> -> memref<512xi32, #tpu.memory_space<vmem>>
    %dma_start3A_169 = tpu.memref_slice %arg2[%add3A_163] : memref<819200xi32, #tpu.memory_space<hbm>> -> memref<512xi32, #tpu.memory_space<hbm>>
    tpu.enqueue_dma source(%dma_start3A_169 : memref<512xi32, #tpu.memory_space<hbm>>) target(%dma_start3A_168 : memref<512xi32, #tpu.memory_space<vmem>>) target_semaphore(%arg10 : memref<!tpu.dma_semaphore, #tpu.memory_space<semaphore_mem>>)
    %add3A_170 = arith.constant 163840 : i32
    %add3A_171 = arith.addi %add3A_170, %mul3A_2 : i32
    %dma_start3A_172 = arith.constant 5120 : i32
    %dma_start3A_173 = tpu.memref_slice %arg6[%dma_start3A_172] : memref<25600xf32, #tpu.memory_space<vmem>> -> memref<512xf32, #tpu.memory_space<vmem>>
    %dma_start3A_174 = tpu.memref_slice %arg3[%add3A_171] : memref<819200xf32, #tpu.memory_space<hbm>> -> memref<512xf32, #tpu.memory_space<hbm>>
    %dma_start3A_175 = arith.constant 5120 : i32
    %dma_start3A_176 = tpu.memref_slice %arg6[%dma_start3A_175] : memref<25600xf32, #tpu.memory_space<vmem>> -> memref<512xf32, #tpu.memory_space<vmem>>
    %dma_start3A_177 = tpu.memref_slice %arg3[%add3A_171] : memref<819200xf32, #tpu.memory_space<hbm>> -> memref<512xf32, #tpu.memory_space<hbm>>
    tpu.enqueue_dma source(%dma_start3A_177 : memref<512xf32, #tpu.memory_space<hbm>>) target(%dma_start3A_176 : memref<512xf32, #tpu.memory_space<vmem>>) target_semaphore(%arg10 : memref<!tpu.dma_semaphore, #tpu.memory_space<semaphore_mem>>)
    %add3A_178 = arith.constant 180224 : i32
    %add3A_179 = arith.addi %add3A_178, %mul3A_2 : i32
    %dma_start3A_180 = arith.constant 5632 : i32
    %dma_start3A_181 = tpu.memref_slice %arg5[%dma_start3A_180] : memref<25600xi32, #tpu.memory_space<vmem>> -> memref<512xi32, #tpu.memory_space<vmem>>
    %dma_start3A_182 = tpu.memref_slice %arg2[%add3A_179] : memref<819200xi32, #tpu.memory_space<hbm>> -> memref<512xi32, #tpu.memory_space<hbm>>
    %dma_start3A_183 = arith.constant 5632 : i32
    %dma_start3A_184 = tpu.memref_slice %arg5[%dma_start3A_183] : memref<25600xi32, #tpu.memory_space<vmem>> -> memref<512xi32, #tpu.memory_space<vmem>>
    %dma_start3A_185 = tpu.memref_slice %arg2[%add3A_179] : memref<819200xi32, #tpu.memory_space<hbm>> -> memref<512xi32, #tpu.memory_space<hbm>>
    tpu.enqueue_dma source(%dma_start3A_185 : memref<512xi32, #tpu.memory_space<hbm>>) target(%dma_start3A_184 : memref<512xi32, #tpu.memory_space<vmem>>) target_semaphore(%arg10 : memref<!tpu.dma_semaphore, #tpu.memory_space<semaphore_mem>>)
    %add3A_186 = arith.constant 180224 : i32
    %add3A_187 = arith.addi %add3A_186, %mul3A_2 : i32
    %dma_start3A_188 = arith.constant 5632 : i32
    %dma_start3A_189 = tpu.memref_slice %arg6[%dma_start3A_188] : memref<25600xf32, #tpu.memory_space<vmem>> -> memref<512xf32, #tpu.memory_space<vmem>>
    %dma_start3A_190 = tpu.memref_slice %arg3[%add3A_187] : memref<819200xf32, #tpu.memory_space<hbm>> -> memref<512xf32, #tpu.memory_space<hbm>>
    %dma_start3A_191 = arith.constant 5632 : i32
    %dma_start3A_192 = tpu.memref_slice %arg6[%dma_start3A_191] : memref<25600xf32, #tpu.memory_space<vmem>> -> memref<512xf32, #tpu.memory_space<vmem>>
    %dma_start3A_193 = tpu.memref_slice %arg3[%add3A_187] : memref<819200xf32, #tpu.memory_space<hbm>> -> memref<512xf32, #tpu.memory_space<hbm>>
    tpu.enqueue_dma source(%dma_start3A_193 : memref<512xf32, #tpu.memory_space<hbm>>) target(%dma_start3A_192 : memref<512xf32, #tpu.memory_space<vmem>>) target_semaphore(%arg10 : memref<!tpu.dma_semaphore, #tpu.memory_space<semaphore_mem>>)
    %add3A_194 = arith.constant 196608 : i32
    %add3A_195 = arith.addi %add3A_194, %mul3A_2 : i32
    %dma_start3A_196 = arith.constant 6144 : i32
    %dma_start3A_197 = tpu.memref_slice %arg5[%dma_start3A_196] : memref<25600xi32, #tpu.memory_space<vmem>> -> memref<512xi32, #tpu.memory_space<vmem>>
    %dma_start3A_198 = tpu.memref_slice %arg2[%add3A_195] : memref<819200xi32, #tpu.memory_space<hbm>> -> memref<512xi32, #tpu.memory_space<hbm>>
    %dma_start3A_199 = arith.constant 6144 : i32
    %dma_start3A_200 = tpu.memref_slice %arg5[%dma_start3A_199] : memref<25600xi32, #tpu.memory_space<vmem>> -> memref<512xi32, #tpu.memory_space<vmem>>
    %dma_start3A_201 = tpu.memref_slice %arg2[%add3A_195] : memref<819200xi32, #tpu.memory_space<hbm>> -> memref<512xi32, #tpu.memory_space<hbm>>
    tpu.enqueue_dma source(%dma_start3A_201 : memref<512xi32, #tpu.memory_space<hbm>>) target(%dma_start3A_200 : memref<512xi32, #tpu.memory_space<vmem>>) target_semaphore(%arg10 : memref<!tpu.dma_semaphore, #tpu.memory_space<semaphore_mem>>)
    %add3A_202 = arith.constant 196608 : i32
    %add3A_203 = arith.addi %add3A_202, %mul3A_2 : i32
    %dma_start3A_204 = arith.constant 6144 : i32
    %dma_start3A_205 = tpu.memref_slice %arg6[%dma_start3A_204] : memref<25600xf32, #tpu.memory_space<vmem>> -> memref<512xf32, #tpu.memory_space<vmem>>
    %dma_start3A_206 = tpu.memref_slice %arg3[%add3A_203] : memref<819200xf32, #tpu.memory_space<hbm>> -> memref<512xf32, #tpu.memory_space<hbm>>
    %dma_start3A_207 = arith.constant 6144 : i32
    %dma_start3A_208 = tpu.memref_slice %arg6[%dma_start3A_207] : memref<25600xf32, #tpu.memory_space<vmem>> -> memref<512xf32, #tpu.memory_space<vmem>>
    %dma_start3A_209 = tpu.memref_slice %arg3[%add3A_203] : memref<819200xf32, #tpu.memory_space<hbm>> -> memref<512xf32, #tpu.memory_space<hbm>>
    tpu.enqueue_dma source(%dma_start3A_209 : memref<512xf32, #tpu.memory_space<hbm>>) target(%dma_start3A_208 : memref<512xf32, #tpu.memory_space<vmem>>) target_semaphore(%arg10 : memref<!tpu.dma_semaphore, #tpu.memory_space<semaphore_mem>>)
    %add3A_210 = arith.constant 212992 : i32
    %add3A_211 = arith.addi %add3A_210, %mul3A_2 : i32
    %dma_start3A_212 = arith.constant 6656 : i32
    %dma_start3A_213 = tpu.memref_slice %arg5[%dma_start3A_212] : memref<25600xi32, #tpu.memory_space<vmem>> -> memref<512xi32, #tpu.memory_space<vmem>>
    %dma_start3A_214 = tpu.memref_slice %arg2[%add3A_211] : memref<819200xi32, #tpu.memory_space<hbm>> -> memref<512xi32, #tpu.memory_space<hbm>>
    %dma_start3A_215 = arith.constant 6656 : i32
    %dma_start3A_216 = tpu.memref_slice %arg5[%dma_start3A_215] : memref<25600xi32, #tpu.memory_space<vmem>> -> memref<512xi32, #tpu.memory_space<vmem>>
    %dma_start3A_217 = tpu.memref_slice %arg2[%add3A_211] : memref<819200xi32, #tpu.memory_space<hbm>> -> memref<512xi32, #tpu.memory_space<hbm>>
    tpu.enqueue_dma source(%dma_start3A_217 : memref<512xi32, #tpu.memory_space<hbm>>) target(%dma_start3A_216 : memref<512xi32, #tpu.memory_space<vmem>>) target_semaphore(%arg10 : memref<!tpu.dma_semaphore, #tpu.memory_space<semaphore_mem>>)
    %add3A_218 = arith.constant 212992 : i32
    %add3A_219 = arith.addi %add3A_218, %mul3A_2 : i32
    %dma_start3A_220 = arith.constant 6656 : i32
    %dma_start3A_221 = tpu.memref_slice %arg6[%dma_start3A_220] : memref<25600xf32, #tpu.memory_space<vmem>> -> memref<512xf32, #tpu.memory_space<vmem>>
    %dma_start3A_222 = tpu.memref_slice %arg3[%add3A_219] : memref<819200xf32, #tpu.memory_space<hbm>> -> memref<512xf32, #tpu.memory_space<hbm>>
    %dma_start3A_223 = arith.constant 6656 : i32
    %dma_start3A_224 = tpu.memref_slice %arg6[%dma_start3A_223] : memref<25600xf32, #tpu.memory_space<vmem>> -> memref<512xf32, #tpu.memory_space<vmem>>
    %dma_start3A_225 = tpu.memref_slice %arg3[%add3A_219] : memref<819200xf32, #tpu.memory_space<hbm>> -> memref<512xf32, #tpu.memory_space<hbm>>
    tpu.enqueue_dma source(%dma_start3A_225 : memref<512xf32, #tpu.memory_space<hbm>>) target(%dma_start3A_224 : memref<512xf32, #tpu.memory_space<vmem>>) target_semaphore(%arg10 : memref<!tpu.dma_semaphore, #tpu.memory_space<semaphore_mem>>)
    %add3A_226 = arith.constant 229376 : i32
    %add3A_227 = arith.addi %add3A_226, %mul3A_2 : i32
    %dma_start3A_228 = arith.constant 7168 : i32
    %dma_start3A_229 = tpu.memref_slice %arg5[%dma_start3A_228] : memref<25600xi32, #tpu.memory_space<vmem>> -> memref<512xi32, #tpu.memory_space<vmem>>
    %dma_start3A_230 = tpu.memref_slice %arg2[%add3A_227] : memref<819200xi32, #tpu.memory_space<hbm>> -> memref<512xi32, #tpu.memory_space<hbm>>
    %dma_start3A_231 = arith.constant 7168 : i32
    %dma_start3A_232 = tpu.memref_slice %arg5[%dma_start3A_231] : memref<25600xi32, #tpu.memory_space<vmem>> -> memref<512xi32, #tpu.memory_space<vmem>>
    %dma_start3A_233 = tpu.memref_slice %arg2[%add3A_227] : memref<819200xi32, #tpu.memory_space<hbm>> -> memref<512xi32, #tpu.memory_space<hbm>>
    tpu.enqueue_dma source(%dma_start3A_233 : memref<512xi32, #tpu.memory_space<hbm>>) target(%dma_start3A_232 : memref<512xi32, #tpu.memory_space<vmem>>) target_semaphore(%arg10 : memref<!tpu.dma_semaphore, #tpu.memory_space<semaphore_mem>>)
    %add3A_234 = arith.constant 229376 : i32
    %add3A_235 = arith.addi %add3A_234, %mul3A_2 : i32
    %dma_start3A_236 = arith.constant 7168 : i32
    %dma_start3A_237 = tpu.memref_slice %arg6[%dma_start3A_236] : memref<25600xf32, #tpu.memory_space<vmem>> -> memref<512xf32, #tpu.memory_space<vmem>>
    %dma_start3A_238 = tpu.memref_slice %arg3[%add3A_235] : memref<819200xf32, #tpu.memory_space<hbm>> -> memref<512xf32, #tpu.memory_space<hbm>>
    %dma_start3A_239 = arith.constant 7168 : i32
    %dma_start3A_240 = tpu.memref_slice %arg6[%dma_start3A_239] : memref<25600xf32, #tpu.memory_space<vmem>> -> memref<512xf32, #tpu.memory_space<vmem>>
    %dma_start3A_241 = tpu.memref_slice %arg3[%add3A_235] : memref<819200xf32, #tpu.memory_space<hbm>> -> memref<512xf32, #tpu.memory_space<hbm>>
    tpu.enqueue_dma source(%dma_start3A_241 : memref<512xf32, #tpu.memory_space<hbm>>) target(%dma_start3A_240 : memref<512xf32, #tpu.memory_space<vmem>>) target_semaphore(%arg10 : memref<!tpu.dma_semaphore, #tpu.memory_space<semaphore_mem>>)
    %add3A_242 = arith.constant 245760 : i32
    %add3A_243 = arith.addi %add3A_242, %mul3A_2 : i32
    %dma_start3A_244 = arith.constant 7680 : i32
    %dma_start3A_245 = tpu.memref_slice %arg5[%dma_start3A_244] : memref<25600xi32, #tpu.memory_space<vmem>> -> memref<512xi32, #tpu.memory_space<vmem>>
    %dma_start3A_246 = tpu.memref_slice %arg2[%add3A_243] : memref<819200xi32, #tpu.memory_space<hbm>> -> memref<512xi32, #tpu.memory_space<hbm>>
    %dma_start3A_247 = arith.constant 7680 : i32
    %dma_start3A_248 = tpu.memref_slice %arg5[%dma_start3A_247] : memref<25600xi32, #tpu.memory_space<vmem>> -> memref<512xi32, #tpu.memory_space<vmem>>
    %dma_start3A_249 = tpu.memref_slice %arg2[%add3A_243] : memref<819200xi32, #tpu.memory_space<hbm>> -> memref<512xi32, #tpu.memory_space<hbm>>
    tpu.enqueue_dma source(%dma_start3A_249 : memref<512xi32, #tpu.memory_space<hbm>>) target(%dma_start3A_248 : memref<512xi32, #tpu.memory_space<vmem>>) target_semaphore(%arg10 : memref<!tpu.dma_semaphore, #tpu.memory_space<semaphore_mem>>)
    %add3A_250 = arith.constant 245760 : i32
    %add3A_251 = arith.addi %add3A_250, %mul3A_2 : i32
    %dma_start3A_252 = arith.constant 7680 : i32
    %dma_start3A_253 = tpu.memref_slice %arg6[%dma_start3A_252] : memref<25600xf32, #tpu.memory_space<vmem>> -> memref<512xf32, #tpu.memory_space<vmem>>
    %dma_start3A_254 = tpu.memref_slice %arg3[%add3A_251] : memref<819200xf32, #tpu.memory_space<hbm>> -> memref<512xf32, #tpu.memory_space<hbm>>
    %dma_start3A_255 = arith.constant 7680 : i32
    %dma_start3A_256 = tpu.memref_slice %arg6[%dma_start3A_255] : memref<25600xf32, #tpu.memory_space<vmem>> -> memref<512xf32, #tpu.memory_space<vmem>>
    %dma_start3A_257 = tpu.memref_slice %arg3[%add3A_251] : memref<819200xf32, #tpu.memory_space<hbm>> -> memref<512xf32, #tpu.memory_space<hbm>>
    tpu.enqueue_dma source(%dma_start3A_257 : memref<512xf32, #tpu.memory_space<hbm>>) target(%dma_start3A_256 : memref<512xf32, #tpu.memory_space<vmem>>) target_semaphore(%arg10 : memref<!tpu.dma_semaphore, #tpu.memory_space<semaphore_mem>>)
    %add3A_258 = arith.constant 262144 : i32
    %add3A_259 = arith.addi %add3A_258, %mul3A_2 : i32
    %dma_start3A_260 = arith.constant 8192 : i32
    %dma_start3A_261 = tpu.memref_slice %arg5[%dma_start3A_260] : memref<25600xi32, #tpu.memory_space<vmem>> -> memref<512xi32, #tpu.memory_space<vmem>>
    %dma_start3A_262 = tpu.memref_slice %arg2[%add3A_259] : memref<819200xi32, #tpu.memory_space<hbm>> -> memref<512xi32, #tpu.memory_space<hbm>>
    %dma_start3A_263 = arith.constant 8192 : i32
    %dma_start3A_264 = tpu.memref_slice %arg5[%dma_start3A_263] : memref<25600xi32, #tpu.memory_space<vmem>> -> memref<512xi32, #tpu.memory_space<vmem>>
    %dma_start3A_265 = tpu.memref_slice %arg2[%add3A_259] : memref<819200xi32, #tpu.memory_space<hbm>> -> memref<512xi32, #tpu.memory_space<hbm>>
    tpu.enqueue_dma source(%dma_start3A_265 : memref<512xi32, #tpu.memory_space<hbm>>) target(%dma_start3A_264 : memref<512xi32, #tpu.memory_space<vmem>>) target_semaphore(%arg10 : memref<!tpu.dma_semaphore, #tpu.memory_space<semaphore_mem>>)
    %add3A_266 = arith.constant 262144 : i32
    %add3A_267 = arith.addi %add3A_266, %mul3A_2 : i32
    %dma_start3A_268 = arith.constant 8192 : i32
    %dma_start3A_269 = tpu.memref_slice %arg6[%dma_start3A_268] : memref<25600xf32, #tpu.memory_space<vmem>> -> memref<512xf32, #tpu.memory_space<vmem>>
    %dma_start3A_270 = tpu.memref_slice %arg3[%add3A_267] : memref<819200xf32, #tpu.memory_space<hbm>> -> memref<512xf32, #tpu.memory_space<hbm>>
    %dma_start3A_271 = arith.constant 8192 : i32
    %dma_start3A_272 = tpu.memref_slice %arg6[%dma_start3A_271] : memref<25600xf32, #tpu.memory_space<vmem>> -> memref<512xf32, #tpu.memory_space<vmem>>
    %dma_start3A_273 = tpu.memref_slice %arg3[%add3A_267] : memref<819200xf32, #tpu.memory_space<hbm>> -> memref<512xf32, #tpu.memory_space<hbm>>
    tpu.enqueue_dma source(%dma_start3A_273 : memref<512xf32, #tpu.memory_space<hbm>>) target(%dma_start3A_272 : memref<512xf32, #tpu.memory_space<vmem>>) target_semaphore(%arg10 : memref<!tpu.dma_semaphore, #tpu.memory_space<semaphore_mem>>)
    %add3A_274 = arith.constant 278528 : i32
    %add3A_275 = arith.addi %add3A_274, %mul3A_2 : i32
    %dma_start3A_276 = arith.constant 8704 : i32
    %dma_start3A_277 = tpu.memref_slice %arg5[%dma_start3A_276] : memref<25600xi32, #tpu.memory_space<vmem>> -> memref<512xi32, #tpu.memory_space<vmem>>
    %dma_start3A_278 = tpu.memref_slice %arg2[%add3A_275] : memref<819200xi32, #tpu.memory_space<hbm>> -> memref<512xi32, #tpu.memory_space<hbm>>
    %dma_start3A_279 = arith.constant 8704 : i32
    %dma_start3A_280 = tpu.memref_slice %arg5[%dma_start3A_279] : memref<25600xi32, #tpu.memory_space<vmem>> -> memref<512xi32, #tpu.memory_space<vmem>>
    %dma_start3A_281 = tpu.memref_slice %arg2[%add3A_275] : memref<819200xi32, #tpu.memory_space<hbm>> -> memref<512xi32, #tpu.memory_space<hbm>>
    tpu.enqueue_dma source(%dma_start3A_281 : memref<512xi32, #tpu.memory_space<hbm>>) target(%dma_start3A_280 : memref<512xi32, #tpu.memory_space<vmem>>) target_semaphore(%arg10 : memref<!tpu.dma_semaphore, #tpu.memory_space<semaphore_mem>>)
    %add3A_282 = arith.constant 278528 : i32
    %add3A_283 = arith.addi %add3A_282, %mul3A_2 : i32
    %dma_start3A_284 = arith.constant 8704 : i32
    %dma_start3A_285 = tpu.memref_slice %arg6[%dma_start3A_284] : memref<25600xf32, #tpu.memory_space<vmem>> -> memref<512xf32, #tpu.memory_space<vmem>>
    %dma_start3A_286 = tpu.memref_slice %arg3[%add3A_283] : memref<819200xf32, #tpu.memory_space<hbm>> -> memref<512xf32, #tpu.memory_space<hbm>>
    %dma_start3A_287 = arith.constant 8704 : i32
    %dma_start3A_288 = tpu.memref_slice %arg6[%dma_start3A_287] : memref<25600xf32, #tpu.memory_space<vmem>> -> memref<512xf32, #tpu.memory_space<vmem>>
    %dma_start3A_289 = tpu.memref_slice %arg3[%add3A_283] : memref<819200xf32, #tpu.memory_space<hbm>> -> memref<512xf32, #tpu.memory_space<hbm>>
    tpu.enqueue_dma source(%dma_start3A_289 : memref<512xf32, #tpu.memory_space<hbm>>) target(%dma_start3A_288 : memref<512xf32, #tpu.memory_space<vmem>>) target_semaphore(%arg10 : memref<!tpu.dma_semaphore, #tpu.memory_space<semaphore_mem>>)
    %add3A_290 = arith.constant 294912 : i32
    %add3A_291 = arith.addi %add3A_290, %mul3A_2 : i32
    %dma_start3A_292 = arith.constant 9216 : i32
    %dma_start3A_293 = tpu.memref_slice %arg5[%dma_start3A_292] : memref<25600xi32, #tpu.memory_space<vmem>> -> memref<512xi32, #tpu.memory_space<vmem>>
    %dma_start3A_294 = tpu.memref_slice %arg2[%add3A_291] : memref<819200xi32, #tpu.memory_space<hbm>> -> memref<512xi32, #tpu.memory_space<hbm>>
    %dma_start3A_295 = arith.constant 9216 : i32
    %dma_start3A_296 = tpu.memref_slice %arg5[%dma_start3A_295] : memref<25600xi32, #tpu.memory_space<vmem>> -> memref<512xi32, #tpu.memory_space<vmem>>
    %dma_start3A_297 = tpu.memref_slice %arg2[%add3A_291] : memref<819200xi32, #tpu.memory_space<hbm>> -> memref<512xi32, #tpu.memory_space<hbm>>
    tpu.enqueue_dma source(%dma_start3A_297 : memref<512xi32, #tpu.memory_space<hbm>>) target(%dma_start3A_296 : memref<512xi32, #tpu.memory_space<vmem>>) target_semaphore(%arg10 : memref<!tpu.dma_semaphore, #tpu.memory_space<semaphore_mem>>)
    %add3A_298 = arith.constant 294912 : i32
    %add3A_299 = arith.addi %add3A_298, %mul3A_2 : i32
    %dma_start3A_300 = arith.constant 9216 : i32
    %dma_start3A_301 = tpu.memref_slice %arg6[%dma_start3A_300] : memref<25600xf32, #tpu.memory_space<vmem>> -> memref<512xf32, #tpu.memory_space<vmem>>
    %dma_start3A_302 = tpu.memref_slice %arg3[%add3A_299] : memref<819200xf32, #tpu.memory_space<hbm>> -> memref<512xf32, #tpu.memory_space<hbm>>
    %dma_start3A_303 = arith.constant 9216 : i32
    %dma_start3A_304 = tpu.memref_slice %arg6[%dma_start3A_303] : memref<25600xf32, #tpu.memory_space<vmem>> -> memref<512xf32, #tpu.memory_space<vmem>>
    %dma_start3A_305 = tpu.memref_slice %arg3[%add3A_299] : memref<819200xf32, #tpu.memory_space<hbm>> -> memref<512xf32, #tpu.memory_space<hbm>>
    tpu.enqueue_dma source(%dma_start3A_305 : memref<512xf32, #tpu.memory_space<hbm>>) target(%dma_start3A_304 : memref<512xf32, #tpu.memory_space<vmem>>) target_semaphore(%arg10 : memref<!tpu.dma_semaphore, #tpu.memory_space<semaphore_mem>>)
    %add3A_306 = arith.constant 311296 : i32
    %add3A_307 = arith.addi %add3A_306, %mul3A_2 : i32
    %dma_start3A_308 = arith.constant 9728 : i32
    %dma_start3A_309 = tpu.memref_slice %arg5[%dma_start3A_308] : memref<25600xi32, #tpu.memory_space<vmem>> -> memref<512xi32, #tpu.memory_space<vmem>>
    %dma_start3A_310 = tpu.memref_slice %arg2[%add3A_307] : memref<819200xi32, #tpu.memory_space<hbm>> -> memref<512xi32, #tpu.memory_space<hbm>>
    %dma_start3A_311 = arith.constant 9728 : i32
    %dma_start3A_312 = tpu.memref_slice %arg5[%dma_start3A_311] : memref<25600xi32, #tpu.memory_space<vmem>> -> memref<512xi32, #tpu.memory_space<vmem>>
    %dma_start3A_313 = tpu.memref_slice %arg2[%add3A_307] : memref<819200xi32, #tpu.memory_space<hbm>> -> memref<512xi32, #tpu.memory_space<hbm>>
    tpu.enqueue_dma source(%dma_start3A_313 : memref<512xi32, #tpu.memory_space<hbm>>) target(%dma_start3A_312 : memref<512xi32, #tpu.memory_space<vmem>>) target_semaphore(%arg10 : memref<!tpu.dma_semaphore, #tpu.memory_space<semaphore_mem>>)
    %add3A_314 = arith.constant 311296 : i32
    %add3A_315 = arith.addi %add3A_314, %mul3A_2 : i32
    %dma_start3A_316 = arith.constant 9728 : i32
    %dma_start3A_317 = tpu.memref_slice %arg6[%dma_start3A_316] : memref<25600xf32, #tpu.memory_space<vmem>> -> memref<512xf32, #tpu.memory_space<vmem>>
    %dma_start3A_318 = tpu.memref_slice %arg3[%add3A_315] : memref<819200xf32, #tpu.memory_space<hbm>> -> memref<512xf32, #tpu.memory_space<hbm>>
    %dma_start3A_319 = arith.constant 9728 : i32
    %dma_start3A_320 = tpu.memref_slice %arg6[%dma_start3A_319] : memref<25600xf32, #tpu.memory_space<vmem>> -> memref<512xf32, #tpu.memory_space<vmem>>
    %dma_start3A_321 = tpu.memref_slice %arg3[%add3A_315] : memref<819200xf32, #tpu.memory_space<hbm>> -> memref<512xf32, #tpu.memory_space<hbm>>
    tpu.enqueue_dma source(%dma_start3A_321 : memref<512xf32, #tpu.memory_space<hbm>>) target(%dma_start3A_320 : memref<512xf32, #tpu.memory_space<vmem>>) target_semaphore(%arg10 : memref<!tpu.dma_semaphore, #tpu.memory_space<semaphore_mem>>)
    %add3A_322 = arith.constant 327680 : i32
    %add3A_323 = arith.addi %add3A_322, %mul3A_2 : i32
    %dma_start3A_324 = arith.constant 10240 : i32
    %dma_start3A_325 = tpu.memref_slice %arg5[%dma_start3A_324] : memref<25600xi32, #tpu.memory_space<vmem>> -> memref<512xi32, #tpu.memory_space<vmem>>
    %dma_start3A_326 = tpu.memref_slice %arg2[%add3A_323] : memref<819200xi32, #tpu.memory_space<hbm>> -> memref<512xi32, #tpu.memory_space<hbm>>
    %dma_start3A_327 = arith.constant 10240 : i32
    %dma_start3A_328 = tpu.memref_slice %arg5[%dma_start3A_327] : memref<25600xi32, #tpu.memory_space<vmem>> -> memref<512xi32, #tpu.memory_space<vmem>>
    %dma_start3A_329 = tpu.memref_slice %arg2[%add3A_323] : memref<819200xi32, #tpu.memory_space<hbm>> -> memref<512xi32, #tpu.memory_space<hbm>>
    tpu.enqueue_dma source(%dma_start3A_329 : memref<512xi32, #tpu.memory_space<hbm>>) target(%dma_start3A_328 : memref<512xi32, #tpu.memory_space<vmem>>) target_semaphore(%arg10 : memref<!tpu.dma_semaphore, #tpu.memory_space<semaphore_mem>>)
    %add3A_330 = arith.constant 327680 : i32
    %add3A_331 = arith.addi %add3A_330, %mul3A_2 : i32
    %dma_start3A_332 = arith.constant 10240 : i32
    %dma_start3A_333 = tpu.memref_slice %arg6[%dma_start3A_332] : memref<25600xf32, #tpu.memory_space<vmem>> -> memref<512xf32, #tpu.memory_space<vmem>>
    %dma_start3A_334 = tpu.memref_slice %arg3[%add3A_331] : memref<819200xf32, #tpu.memory_space<hbm>> -> memref<512xf32, #tpu.memory_space<hbm>>
    %dma_start3A_335 = arith.constant 10240 : i32
    %dma_start3A_336 = tpu.memref_slice %arg6[%dma_start3A_335] : memref<25600xf32, #tpu.memory_space<vmem>> -> memref<512xf32, #tpu.memory_space<vmem>>
    %dma_start3A_337 = tpu.memref_slice %arg3[%add3A_331] : memref<819200xf32, #tpu.memory_space<hbm>> -> memref<512xf32, #tpu.memory_space<hbm>>
    tpu.enqueue_dma source(%dma_start3A_337 : memref<512xf32, #tpu.memory_space<hbm>>) target(%dma_start3A_336 : memref<512xf32, #tpu.memory_space<vmem>>) target_semaphore(%arg10 : memref<!tpu.dma_semaphore, #tpu.memory_space<semaphore_mem>>)
    %add3A_338 = arith.constant 344064 : i32
    %add3A_339 = arith.addi %add3A_338, %mul3A_2 : i32
    %dma_start3A_340 = arith.constant 10752 : i32
    %dma_start3A_341 = tpu.memref_slice %arg5[%dma_start3A_340] : memref<25600xi32, #tpu.memory_space<vmem>> -> memref<512xi32, #tpu.memory_space<vmem>>
    %dma_start3A_342 = tpu.memref_slice %arg2[%add3A_339] : memref<819200xi32, #tpu.memory_space<hbm>> -> memref<512xi32, #tpu.memory_space<hbm>>
    %dma_start3A_343 = arith.constant 10752 : i32
    %dma_start3A_344 = tpu.memref_slice %arg5[%dma_start3A_343] : memref<25600xi32, #tpu.memory_space<vmem>> -> memref<512xi32, #tpu.memory_space<vmem>>
    %dma_start3A_345 = tpu.memref_slice %arg2[%add3A_339] : memref<819200xi32, #tpu.memory_space<hbm>> -> memref<512xi32, #tpu.memory_space<hbm>>
    tpu.enqueue_dma source(%dma_start3A_345 : memref<512xi32, #tpu.memory_space<hbm>>) target(%dma_start3A_344 : memref<512xi32, #tpu.memory_space<vmem>>) target_semaphore(%arg10 : memref<!tpu.dma_semaphore, #tpu.memory_space<semaphore_mem>>)
    %add3A_346 = arith.constant 344064 : i32
    %add3A_347 = arith.addi %add3A_346, %mul3A_2 : i32
    %dma_start3A_348 = arith.constant 10752 : i32
    %dma_start3A_349 = tpu.memref_slice %arg6[%dma_start3A_348] : memref<25600xf32, #tpu.memory_space<vmem>> -> memref<512xf32, #tpu.memory_space<vmem>>
    %dma_start3A_350 = tpu.memref_slice %arg3[%add3A_347] : memref<819200xf32, #tpu.memory_space<hbm>> -> memref<512xf32, #tpu.memory_space<hbm>>
    %dma_start3A_351 = arith.constant 10752 : i32
    %dma_start3A_352 = tpu.memref_slice %arg6[%dma_start3A_351] : memref<25600xf32, #tpu.memory_space<vmem>> -> memref<512xf32, #tpu.memory_space<vmem>>
    %dma_start3A_353 = tpu.memref_slice %arg3[%add3A_347] : memref<819200xf32, #tpu.memory_space<hbm>> -> memref<512xf32, #tpu.memory_space<hbm>>
    tpu.enqueue_dma source(%dma_start3A_353 : memref<512xf32, #tpu.memory_space<hbm>>) target(%dma_start3A_352 : memref<512xf32, #tpu.memory_space<vmem>>) target_semaphore(%arg10 : memref<!tpu.dma_semaphore, #tpu.memory_space<semaphore_mem>>)
    %add3A_354 = arith.constant 360448 : i32
    %add3A_355 = arith.addi %add3A_354, %mul3A_2 : i32
    %dma_start3A_356 = arith.constant 11264 : i32
    %dma_start3A_357 = tpu.memref_slice %arg5[%dma_start3A_356] : memref<25600xi32, #tpu.memory_space<vmem>> -> memref<512xi32, #tpu.memory_space<vmem>>
    %dma_start3A_358 = tpu.memref_slice %arg2[%add3A_355] : memref<819200xi32, #tpu.memory_space<hbm>> -> memref<512xi32, #tpu.memory_space<hbm>>
    %dma_start3A_359 = arith.constant 11264 : i32
    %dma_start3A_360 = tpu.memref_slice %arg5[%dma_start3A_359] : memref<25600xi32, #tpu.memory_space<vmem>> -> memref<512xi32, #tpu.memory_space<vmem>>
    %dma_start3A_361 = tpu.memref_slice %arg2[%add3A_355] : memref<819200xi32, #tpu.memory_space<hbm>> -> memref<512xi32, #tpu.memory_space<hbm>>
    tpu.enqueue_dma source(%dma_start3A_361 : memref<512xi32, #tpu.memory_space<hbm>>) target(%dma_start3A_360 : memref<512xi32, #tpu.memory_space<vmem>>) target_semaphore(%arg10 : memref<!tpu.dma_semaphore, #tpu.memory_space<semaphore_mem>>)
    %add3A_362 = arith.constant 360448 : i32
    %add3A_363 = arith.addi %add3A_362, %mul3A_2 : i32
    %dma_start3A_364 = arith.constant 11264 : i32
    %dma_start3A_365 = tpu.memref_slice %arg6[%dma_start3A_364] : memref<25600xf32, #tpu.memory_space<vmem>> -> memref<512xf32, #tpu.memory_space<vmem>>
    %dma_start3A_366 = tpu.memref_slice %arg3[%add3A_363] : memref<819200xf32, #tpu.memory_space<hbm>> -> memref<512xf32, #tpu.memory_space<hbm>>
    %dma_start3A_367 = arith.constant 11264 : i32
    %dma_start3A_368 = tpu.memref_slice %arg6[%dma_start3A_367] : memref<25600xf32, #tpu.memory_space<vmem>> -> memref<512xf32, #tpu.memory_space<vmem>>
    %dma_start3A_369 = tpu.memref_slice %arg3[%add3A_363] : memref<819200xf32, #tpu.memory_space<hbm>> -> memref<512xf32, #tpu.memory_space<hbm>>
    tpu.enqueue_dma source(%dma_start3A_369 : memref<512xf32, #tpu.memory_space<hbm>>) target(%dma_start3A_368 : memref<512xf32, #tpu.memory_space<vmem>>) target_semaphore(%arg10 : memref<!tpu.dma_semaphore, #tpu.memory_space<semaphore_mem>>)
    %add3A_370 = arith.constant 376832 : i32
    %add3A_371 = arith.addi %add3A_370, %mul3A_2 : i32
    %dma_start3A_372 = arith.constant 11776 : i32
    %dma_start3A_373 = tpu.memref_slice %arg5[%dma_start3A_372] : memref<25600xi32, #tpu.memory_space<vmem>> -> memref<512xi32, #tpu.memory_space<vmem>>
    %dma_start3A_374 = tpu.memref_slice %arg2[%add3A_371] : memref<819200xi32, #tpu.memory_space<hbm>> -> memref<512xi32, #tpu.memory_space<hbm>>
    %dma_start3A_375 = arith.constant 11776 : i32
    %dma_start3A_376 = tpu.memref_slice %arg5[%dma_start3A_375] : memref<25600xi32, #tpu.memory_space<vmem>> -> memref<512xi32, #tpu.memory_space<vmem>>
    %dma_start3A_377 = tpu.memref_slice %arg2[%add3A_371] : memref<819200xi32, #tpu.memory_space<hbm>> -> memref<512xi32, #tpu.memory_space<hbm>>
    tpu.enqueue_dma source(%dma_start3A_377 : memref<512xi32, #tpu.memory_space<hbm>>) target(%dma_start3A_376 : memref<512xi32, #tpu.memory_space<vmem>>) target_semaphore(%arg10 : memref<!tpu.dma_semaphore, #tpu.memory_space<semaphore_mem>>)
    %add3A_378 = arith.constant 376832 : i32
    %add3A_379 = arith.addi %add3A_378, %mul3A_2 : i32
    %dma_start3A_380 = arith.constant 11776 : i32
    %dma_start3A_381 = tpu.memref_slice %arg6[%dma_start3A_380] : memref<25600xf32, #tpu.memory_space<vmem>> -> memref<512xf32, #tpu.memory_space<vmem>>
    %dma_start3A_382 = tpu.memref_slice %arg3[%add3A_379] : memref<819200xf32, #tpu.memory_space<hbm>> -> memref<512xf32, #tpu.memory_space<hbm>>
    %dma_start3A_383 = arith.constant 11776 : i32
    %dma_start3A_384 = tpu.memref_slice %arg6[%dma_start3A_383] : memref<25600xf32, #tpu.memory_space<vmem>> -> memref<512xf32, #tpu.memory_space<vmem>>
    %dma_start3A_385 = tpu.memref_slice %arg3[%add3A_379] : memref<819200xf32, #tpu.memory_space<hbm>> -> memref<512xf32, #tpu.memory_space<hbm>>
    tpu.enqueue_dma source(%dma_start3A_385 : memref<512xf32, #tpu.memory_space<hbm>>) target(%dma_start3A_384 : memref<512xf32, #tpu.memory_space<vmem>>) target_semaphore(%arg10 : memref<!tpu.dma_semaphore, #tpu.memory_space<semaphore_mem>>)
    %add3A_386 = arith.constant 393216 : i32
    %add3A_387 = arith.addi %add3A_386, %mul3A_2 : i32
    %dma_start3A_388 = arith.constant 12288 : i32
    %dma_start3A_389 = tpu.memref_slice %arg5[%dma_start3A_388] : memref<25600xi32, #tpu.memory_space<vmem>> -> memref<512xi32, #tpu.memory_space<vmem>>
    %dma_start3A_390 = tpu.memref_slice %arg2[%add3A_387] : memref<819200xi32, #tpu.memory_space<hbm>> -> memref<512xi32, #tpu.memory_space<hbm>>
    %dma_start3A_391 = arith.constant 12288 : i32
    %dma_start3A_392 = tpu.memref_slice %arg5[%dma_start3A_391] : memref<25600xi32, #tpu.memory_space<vmem>> -> memref<512xi32, #tpu.memory_space<vmem>>
    %dma_start3A_393 = tpu.memref_slice %arg2[%add3A_387] : memref<819200xi32, #tpu.memory_space<hbm>> -> memref<512xi32, #tpu.memory_space<hbm>>
    tpu.enqueue_dma source(%dma_start3A_393 : memref<512xi32, #tpu.memory_space<hbm>>) target(%dma_start3A_392 : memref<512xi32, #tpu.memory_space<vmem>>) target_semaphore(%arg10 : memref<!tpu.dma_semaphore, #tpu.memory_space<semaphore_mem>>)
    %add3A_394 = arith.constant 393216 : i32
    %add3A_395 = arith.addi %add3A_394, %mul3A_2 : i32
    %dma_start3A_396 = arith.constant 12288 : i32
    %dma_start3A_397 = tpu.memref_slice %arg6[%dma_start3A_396] : memref<25600xf32, #tpu.memory_space<vmem>> -> memref<512xf32, #tpu.memory_space<vmem>>
    %dma_start3A_398 = tpu.memref_slice %arg3[%add3A_395] : memref<819200xf32, #tpu.memory_space<hbm>> -> memref<512xf32, #tpu.memory_space<hbm>>
    %dma_start3A_399 = arith.constant 12288 : i32
    %dma_start3A_400 = tpu.memref_slice %arg6[%dma_start3A_399] : memref<25600xf32, #tpu.memory_space<vmem>> -> memref<512xf32, #tpu.memory_space<vmem>>
    %dma_start3A_401 = tpu.memref_slice %arg3[%add3A_395] : memref<819200xf32, #tpu.memory_space<hbm>> -> memref<512xf32, #tpu.memory_space<hbm>>
    tpu.enqueue_dma source(%dma_start3A_401 : memref<512xf32, #tpu.memory_space<hbm>>) target(%dma_start3A_400 : memref<512xf32, #tpu.memory_space<vmem>>) target_semaphore(%arg10 : memref<!tpu.dma_semaphore, #tpu.memory_space<semaphore_mem>>)
    %add3A_402 = arith.constant 409600 : i32
    %add3A_403 = arith.addi %add3A_402, %mul3A_2 : i32
    %dma_start3A_404 = arith.constant 12800 : i32
    %dma_start3A_405 = tpu.memref_slice %arg5[%dma_start3A_404] : memref<25600xi32, #tpu.memory_space<vmem>> -> memref<512xi32, #tpu.memory_space<vmem>>
    %dma_start3A_406 = tpu.memref_slice %arg2[%add3A_403] : memref<819200xi32, #tpu.memory_space<hbm>> -> memref<512xi32, #tpu.memory_space<hbm>>
    %dma_start3A_407 = arith.constant 12800 : i32
    %dma_start3A_408 = tpu.memref_slice %arg5[%dma_start3A_407] : memref<25600xi32, #tpu.memory_space<vmem>> -> memref<512xi32, #tpu.memory_space<vmem>>
    %dma_start3A_409 = tpu.memref_slice %arg2[%add3A_403] : memref<819200xi32, #tpu.memory_space<hbm>> -> memref<512xi32, #tpu.memory_space<hbm>>
    tpu.enqueue_dma source(%dma_start3A_409 : memref<512xi32, #tpu.memory_space<hbm>>) target(%dma_start3A_408 : memref<512xi32, #tpu.memory_space<vmem>>) target_semaphore(%arg10 : memref<!tpu.dma_semaphore, #tpu.memory_space<semaphore_mem>>)
    %add3A_410 = arith.constant 409600 : i32
    %add3A_411 = arith.addi %add3A_410, %mul3A_2 : i32
    %dma_start3A_412 = arith.constant 12800 : i32
    %dma_start3A_413 = tpu.memref_slice %arg6[%dma_start3A_412] : memref<25600xf32, #tpu.memory_space<vmem>> -> memref<512xf32, #tpu.memory_space<vmem>>
    %dma_start3A_414 = tpu.memref_slice %arg3[%add3A_411] : memref<819200xf32, #tpu.memory_space<hbm>> -> memref<512xf32, #tpu.memory_space<hbm>>
    %dma_start3A_415 = arith.constant 12800 : i32
    %dma_start3A_416 = tpu.memref_slice %arg6[%dma_start3A_415] : memref<25600xf32, #tpu.memory_space<vmem>> -> memref<512xf32, #tpu.memory_space<vmem>>
    %dma_start3A_417 = tpu.memref_slice %arg3[%add3A_411] : memref<819200xf32, #tpu.memory_space<hbm>> -> memref<512xf32, #tpu.memory_space<hbm>>
    tpu.enqueue_dma source(%dma_start3A_417 : memref<512xf32, #tpu.memory_space<hbm>>) target(%dma_start3A_416 : memref<512xf32, #tpu.memory_space<vmem>>) target_semaphore(%arg10 : memref<!tpu.dma_semaphore, #tpu.memory_space<semaphore_mem>>)
    %add3A_418 = arith.constant 425984 : i32
    %add3A_419 = arith.addi %add3A_418, %mul3A_2 : i32
    %dma_start3A_420 = arith.constant 13312 : i32
    %dma_start3A_421 = tpu.memref_slice %arg5[%dma_start3A_420] : memref<25600xi32, #tpu.memory_space<vmem>> -> memref<512xi32, #tpu.memory_space<vmem>>
    %dma_start3A_422 = tpu.memref_slice %arg2[%add3A_419] : memref<819200xi32, #tpu.memory_space<hbm>> -> memref<512xi32, #tpu.memory_space<hbm>>
    %dma_start3A_423 = arith.constant 13312 : i32
    %dma_start3A_424 = tpu.memref_slice %arg5[%dma_start3A_423] : memref<25600xi32, #tpu.memory_space<vmem>> -> memref<512xi32, #tpu.memory_space<vmem>>
    %dma_start3A_425 = tpu.memref_slice %arg2[%add3A_419] : memref<819200xi32, #tpu.memory_space<hbm>> -> memref<512xi32, #tpu.memory_space<hbm>>
    tpu.enqueue_dma source(%dma_start3A_425 : memref<512xi32, #tpu.memory_space<hbm>>) target(%dma_start3A_424 : memref<512xi32, #tpu.memory_space<vmem>>) target_semaphore(%arg10 : memref<!tpu.dma_semaphore, #tpu.memory_space<semaphore_mem>>)
    %add3A_426 = arith.constant 425984 : i32
    %add3A_427 = arith.addi %add3A_426, %mul3A_2 : i32
    %dma_start3A_428 = arith.constant 13312 : i32
    %dma_start3A_429 = tpu.memref_slice %arg6[%dma_start3A_428] : memref<25600xf32, #tpu.memory_space<vmem>> -> memref<512xf32, #tpu.memory_space<vmem>>
    %dma_start3A_430 = tpu.memref_slice %arg3[%add3A_427] : memref<819200xf32, #tpu.memory_space<hbm>> -> memref<512xf32, #tpu.memory_space<hbm>>
    %dma_start3A_431 = arith.constant 13312 : i32
    %dma_start3A_432 = tpu.memref_slice %arg6[%dma_start3A_431] : memref<25600xf32, #tpu.memory_space<vmem>> -> memref<512xf32, #tpu.memory_space<vmem>>
    %dma_start3A_433 = tpu.memref_slice %arg3[%add3A_427] : memref<819200xf32, #tpu.memory_space<hbm>> -> memref<512xf32, #tpu.memory_space<hbm>>
    tpu.enqueue_dma source(%dma_start3A_433 : memref<512xf32, #tpu.memory_space<hbm>>) target(%dma_start3A_432 : memref<512xf32, #tpu.memory_space<vmem>>) target_semaphore(%arg10 : memref<!tpu.dma_semaphore, #tpu.memory_space<semaphore_mem>>)
    %add3A_434 = arith.constant 442368 : i32
    %add3A_435 = arith.addi %add3A_434, %mul3A_2 : i32
    %dma_start3A_436 = arith.constant 13824 : i32
    %dma_start3A_437 = tpu.memref_slice %arg5[%dma_start3A_436] : memref<25600xi32, #tpu.memory_space<vmem>> -> memref<512xi32, #tpu.memory_space<vmem>>
    %dma_start3A_438 = tpu.memref_slice %arg2[%add3A_435] : memref<819200xi32, #tpu.memory_space<hbm>> -> memref<512xi32, #tpu.memory_space<hbm>>
    %dma_start3A_439 = arith.constant 13824 : i32
    %dma_start3A_440 = tpu.memref_slice %arg5[%dma_start3A_439] : memref<25600xi32, #tpu.memory_space<vmem>> -> memref<512xi32, #tpu.memory_space<vmem>>
    %dma_start3A_441 = tpu.memref_slice %arg2[%add3A_435] : memref<819200xi32, #tpu.memory_space<hbm>> -> memref<512xi32, #tpu.memory_space<hbm>>
    tpu.enqueue_dma source(%dma_start3A_441 : memref<512xi32, #tpu.memory_space<hbm>>) target(%dma_start3A_440 : memref<512xi32, #tpu.memory_space<vmem>>) target_semaphore(%arg10 : memref<!tpu.dma_semaphore, #tpu.memory_space<semaphore_mem>>)
    %add3A_442 = arith.constant 442368 : i32
    %add3A_443 = arith.addi %add3A_442, %mul3A_2 : i32
    %dma_start3A_444 = arith.constant 13824 : i32
    %dma_start3A_445 = tpu.memref_slice %arg6[%dma_start3A_444] : memref<25600xf32, #tpu.memory_space<vmem>> -> memref<512xf32, #tpu.memory_space<vmem>>
    %dma_start3A_446 = tpu.memref_slice %arg3[%add3A_443] : memref<819200xf32, #tpu.memory_space<hbm>> -> memref<512xf32, #tpu.memory_space<hbm>>
    %dma_start3A_447 = arith.constant 13824 : i32
    %dma_start3A_448 = tpu.memref_slice %arg6[%dma_start3A_447] : memref<25600xf32, #tpu.memory_space<vmem>> -> memref<512xf32, #tpu.memory_space<vmem>>
    %dma_start3A_449 = tpu.memref_slice %arg3[%add3A_443] : memref<819200xf32, #tpu.memory_space<hbm>> -> memref<512xf32, #tpu.memory_space<hbm>>
    tpu.enqueue_dma source(%dma_start3A_449 : memref<512xf32, #tpu.memory_space<hbm>>) target(%dma_start3A_448 : memref<512xf32, #tpu.memory_space<vmem>>) target_semaphore(%arg10 : memref<!tpu.dma_semaphore, #tpu.memory_space<semaphore_mem>>)
    %add3A_450 = arith.constant 458752 : i32
    %add3A_451 = arith.addi %add3A_450, %mul3A_2 : i32
    %dma_start3A_452 = arith.constant 14336 : i32
    %dma_start3A_453 = tpu.memref_slice %arg5[%dma_start3A_452] : memref<25600xi32, #tpu.memory_space<vmem>> -> memref<512xi32, #tpu.memory_space<vmem>>
    %dma_start3A_454 = tpu.memref_slice %arg2[%add3A_451] : memref<819200xi32, #tpu.memory_space<hbm>> -> memref<512xi32, #tpu.memory_space<hbm>>
    %dma_start3A_455 = arith.constant 14336 : i32
    %dma_start3A_456 = tpu.memref_slice %arg5[%dma_start3A_455] : memref<25600xi32, #tpu.memory_space<vmem>> -> memref<512xi32, #tpu.memory_space<vmem>>
    %dma_start3A_457 = tpu.memref_slice %arg2[%add3A_451] : memref<819200xi32, #tpu.memory_space<hbm>> -> memref<512xi32, #tpu.memory_space<hbm>>
    tpu.enqueue_dma source(%dma_start3A_457 : memref<512xi32, #tpu.memory_space<hbm>>) target(%dma_start3A_456 : memref<512xi32, #tpu.memory_space<vmem>>) target_semaphore(%arg10 : memref<!tpu.dma_semaphore, #tpu.memory_space<semaphore_mem>>)
    %add3A_458 = arith.constant 458752 : i32
    %add3A_459 = arith.addi %add3A_458, %mul3A_2 : i32
    %dma_start3A_460 = arith.constant 14336 : i32
    %dma_start3A_461 = tpu.memref_slice %arg6[%dma_start3A_460] : memref<25600xf32, #tpu.memory_space<vmem>> -> memref<512xf32, #tpu.memory_space<vmem>>
    %dma_start3A_462 = tpu.memref_slice %arg3[%add3A_459] : memref<819200xf32, #tpu.memory_space<hbm>> -> memref<512xf32, #tpu.memory_space<hbm>>
    %dma_start3A_463 = arith.constant 14336 : i32
    %dma_start3A_464 = tpu.memref_slice %arg6[%dma_start3A_463] : memref<25600xf32, #tpu.memory_space<vmem>> -> memref<512xf32, #tpu.memory_space<vmem>>
    %dma_start3A_465 = tpu.memref_slice %arg3[%add3A_459] : memref<819200xf32, #tpu.memory_space<hbm>> -> memref<512xf32, #tpu.memory_space<hbm>>
    tpu.enqueue_dma source(%dma_start3A_465 : memref<512xf32, #tpu.memory_space<hbm>>) target(%dma_start3A_464 : memref<512xf32, #tpu.memory_space<vmem>>) target_semaphore(%arg10 : memref<!tpu.dma_semaphore, #tpu.memory_space<semaphore_mem>>)
    %add3A_466 = arith.constant 475136 : i32
    %add3A_467 = arith.addi %add3A_466, %mul3A_2 : i32
    %dma_start3A_468 = arith.constant 14848 : i32
    %dma_start3A_469 = tpu.memref_slice %arg5[%dma_start3A_468] : memref<25600xi32, #tpu.memory_space<vmem>> -> memref<512xi32, #tpu.memory_space<vmem>>
    %dma_start3A_470 = tpu.memref_slice %arg2[%add3A_467] : memref<819200xi32, #tpu.memory_space<hbm>> -> memref<512xi32, #tpu.memory_space<hbm>>
    %dma_start3A_471 = arith.constant 14848 : i32
    %dma_start3A_472 = tpu.memref_slice %arg5[%dma_start3A_471] : memref<25600xi32, #tpu.memory_space<vmem>> -> memref<512xi32, #tpu.memory_space<vmem>>
    %dma_start3A_473 = tpu.memref_slice %arg2[%add3A_467] : memref<819200xi32, #tpu.memory_space<hbm>> -> memref<512xi32, #tpu.memory_space<hbm>>
    tpu.enqueue_dma source(%dma_start3A_473 : memref<512xi32, #tpu.memory_space<hbm>>) target(%dma_start3A_472 : memref<512xi32, #tpu.memory_space<vmem>>) target_semaphore(%arg10 : memref<!tpu.dma_semaphore, #tpu.memory_space<semaphore_mem>>)
    %add3A_474 = arith.constant 475136 : i32
    %add3A_475 = arith.addi %add3A_474, %mul3A_2 : i32
    %dma_start3A_476 = arith.constant 14848 : i32
    %dma_start3A_477 = tpu.memref_slice %arg6[%dma_start3A_476] : memref<25600xf32, #tpu.memory_space<vmem>> -> memref<512xf32, #tpu.memory_space<vmem>>
    %dma_start3A_478 = tpu.memref_slice %arg3[%add3A_475] : memref<819200xf32, #tpu.memory_space<hbm>> -> memref<512xf32, #tpu.memory_space<hbm>>
    %dma_start3A_479 = arith.constant 14848 : i32
    %dma_start3A_480 = tpu.memref_slice %arg6[%dma_start3A_479] : memref<25600xf32, #tpu.memory_space<vmem>> -> memref<512xf32, #tpu.memory_space<vmem>>
    %dma_start3A_481 = tpu.memref_slice %arg3[%add3A_475] : memref<819200xf32, #tpu.memory_space<hbm>> -> memref<512xf32, #tpu.memory_space<hbm>>
    tpu.enqueue_dma source(%dma_start3A_481 : memref<512xf32, #tpu.memory_space<hbm>>) target(%dma_start3A_480 : memref<512xf32, #tpu.memory_space<vmem>>) target_semaphore(%arg10 : memref<!tpu.dma_semaphore, #tpu.memory_space<semaphore_mem>>)
    %add3A_482 = arith.constant 491520 : i32
    %add3A_483 = arith.addi %add3A_482, %mul3A_2 : i32
    %dma_start3A_484 = arith.constant 15360 : i32
    %dma_start3A_485 = tpu.memref_slice %arg5[%dma_start3A_484] : memref<25600xi32, #tpu.memory_space<vmem>> -> memref<512xi32, #tpu.memory_space<vmem>>
    %dma_start3A_486 = tpu.memref_slice %arg2[%add3A_483] : memref<819200xi32, #tpu.memory_space<hbm>> -> memref<512xi32, #tpu.memory_space<hbm>>
    %dma_start3A_487 = arith.constant 15360 : i32
    %dma_start3A_488 = tpu.memref_slice %arg5[%dma_start3A_487] : memref<25600xi32, #tpu.memory_space<vmem>> -> memref<512xi32, #tpu.memory_space<vmem>>
    %dma_start3A_489 = tpu.memref_slice %arg2[%add3A_483] : memref<819200xi32, #tpu.memory_space<hbm>> -> memref<512xi32, #tpu.memory_space<hbm>>
    tpu.enqueue_dma source(%dma_start3A_489 : memref<512xi32, #tpu.memory_space<hbm>>) target(%dma_start3A_488 : memref<512xi32, #tpu.memory_space<vmem>>) target_semaphore(%arg10 : memref<!tpu.dma_semaphore, #tpu.memory_space<semaphore_mem>>)
    %add3A_490 = arith.constant 491520 : i32
    %add3A_491 = arith.addi %add3A_490, %mul3A_2 : i32
    %dma_start3A_492 = arith.constant 15360 : i32
    %dma_start3A_493 = tpu.memref_slice %arg6[%dma_start3A_492] : memref<25600xf32, #tpu.memory_space<vmem>> -> memref<512xf32, #tpu.memory_space<vmem>>
    %dma_start3A_494 = tpu.memref_slice %arg3[%add3A_491] : memref<819200xf32, #tpu.memory_space<hbm>> -> memref<512xf32, #tpu.memory_space<hbm>>
    %dma_start3A_495 = arith.constant 15360 : i32
    %dma_start3A_496 = tpu.memref_slice %arg6[%dma_start3A_495] : memref<25600xf32, #tpu.memory_space<vmem>> -> memref<512xf32, #tpu.memory_space<vmem>>
    %dma_start3A_497 = tpu.memref_slice %arg3[%add3A_491] : memref<819200xf32, #tpu.memory_space<hbm>> -> memref<512xf32, #tpu.memory_space<hbm>>
    tpu.enqueue_dma source(%dma_start3A_497 : memref<512xf32, #tpu.memory_space<hbm>>) target(%dma_start3A_496 : memref<512xf32, #tpu.memory_space<vmem>>) target_semaphore(%arg10 : memref<!tpu.dma_semaphore, #tpu.memory_space<semaphore_mem>>)
    %add3A_498 = arith.constant 507904 : i32
    %add3A_499 = arith.addi %add3A_498, %mul3A_2 : i32
    %dma_start3A_500 = arith.constant 15872 : i32
    %dma_start3A_501 = tpu.memref_slice %arg5[%dma_start3A_500] : memref<25600xi32, #tpu.memory_space<vmem>> -> memref<512xi32, #tpu.memory_space<vmem>>
    %dma_start3A_502 = tpu.memref_slice %arg2[%add3A_499] : memref<819200xi32, #tpu.memory_space<hbm>> -> memref<512xi32, #tpu.memory_space<hbm>>
    %dma_start3A_503 = arith.constant 15872 : i32
    %dma_start3A_504 = tpu.memref_slice %arg5[%dma_start3A_503] : memref<25600xi32, #tpu.memory_space<vmem>> -> memref<512xi32, #tpu.memory_space<vmem>>
    %dma_start3A_505 = tpu.memref_slice %arg2[%add3A_499] : memref<819200xi32, #tpu.memory_space<hbm>> -> memref<512xi32, #tpu.memory_space<hbm>>
    tpu.enqueue_dma source(%dma_start3A_505 : memref<512xi32, #tpu.memory_space<hbm>>) target(%dma_start3A_504 : memref<512xi32, #tpu.memory_space<vmem>>) target_semaphore(%arg10 : memref<!tpu.dma_semaphore, #tpu.memory_space<semaphore_mem>>)
    %add3A_506 = arith.constant 507904 : i32
    %add3A_507 = arith.addi %add3A_506, %mul3A_2 : i32
    %dma_start3A_508 = arith.constant 15872 : i32
    %dma_start3A_509 = tpu.memref_slice %arg6[%dma_start3A_508] : memref<25600xf32, #tpu.memory_space<vmem>> -> memref<512xf32, #tpu.memory_space<vmem>>
    %dma_start3A_510 = tpu.memref_slice %arg3[%add3A_507] : memref<819200xf32, #tpu.memory_space<hbm>> -> memref<512xf32, #tpu.memory_space<hbm>>
    %dma_start3A_511 = arith.constant 15872 : i32
    %dma_start3A_512 = tpu.memref_slice %arg6[%dma_start3A_511] : memref<25600xf32, #tpu.memory_space<vmem>> -> memref<512xf32, #tpu.memory_space<vmem>>
    %dma_start3A_513 = tpu.memref_slice %arg3[%add3A_507] : memref<819200xf32, #tpu.memory_space<hbm>> -> memref<512xf32, #tpu.memory_space<hbm>>
    tpu.enqueue_dma source(%dma_start3A_513 : memref<512xf32, #tpu.memory_space<hbm>>) target(%dma_start3A_512 : memref<512xf32, #tpu.memory_space<vmem>>) target_semaphore(%arg10 : memref<!tpu.dma_semaphore, #tpu.memory_space<semaphore_mem>>)
    %add3A_514 = arith.constant 524288 : i32
    %add3A_515 = arith.addi %add3A_514, %mul3A_2 : i32
    %dma_start3A_516 = arith.constant 16384 : i32
    %dma_start3A_517 = tpu.memref_slice %arg5[%dma_start3A_516] : memref<25600xi32, #tpu.memory_space<vmem>> -> memref<512xi32, #tpu.memory_space<vmem>>
    %dma_start3A_518 = tpu.memref_slice %arg2[%add3A_515] : memref<819200xi32, #tpu.memory_space<hbm>> -> memref<512xi32, #tpu.memory_space<hbm>>
    %dma_start3A_519 = arith.constant 16384 : i32
    %dma_start3A_520 = tpu.memref_slice %arg5[%dma_start3A_519] : memref<25600xi32, #tpu.memory_space<vmem>> -> memref<512xi32, #tpu.memory_space<vmem>>
    %dma_start3A_521 = tpu.memref_slice %arg2[%add3A_515] : memref<819200xi32, #tpu.memory_space<hbm>> -> memref<512xi32, #tpu.memory_space<hbm>>
    tpu.enqueue_dma source(%dma_start3A_521 : memref<512xi32, #tpu.memory_space<hbm>>) target(%dma_start3A_520 : memref<512xi32, #tpu.memory_space<vmem>>) target_semaphore(%arg10 : memref<!tpu.dma_semaphore, #tpu.memory_space<semaphore_mem>>)
    %add3A_522 = arith.constant 524288 : i32
    %add3A_523 = arith.addi %add3A_522, %mul3A_2 : i32
    %dma_start3A_524 = arith.constant 16384 : i32
    %dma_start3A_525 = tpu.memref_slice %arg6[%dma_start3A_524] : memref<25600xf32, #tpu.memory_space<vmem>> -> memref<512xf32, #tpu.memory_space<vmem>>
    %dma_start3A_526 = tpu.memref_slice %arg3[%add3A_523] : memref<819200xf32, #tpu.memory_space<hbm>> -> memref<512xf32, #tpu.memory_space<hbm>>
    %dma_start3A_527 = arith.constant 16384 : i32
    %dma_start3A_528 = tpu.memref_slice %arg6[%dma_start3A_527] : memref<25600xf32, #tpu.memory_space<vmem>> -> memref<512xf32, #tpu.memory_space<vmem>>
    %dma_start3A_529 = tpu.memref_slice %arg3[%add3A_523] : memref<819200xf32, #tpu.memory_space<hbm>> -> memref<512xf32, #tpu.memory_space<hbm>>
    tpu.enqueue_dma source(%dma_start3A_529 : memref<512xf32, #tpu.memory_space<hbm>>) target(%dma_start3A_528 : memref<512xf32, #tpu.memory_space<vmem>>) target_semaphore(%arg10 : memref<!tpu.dma_semaphore, #tpu.memory_space<semaphore_mem>>)
    %add3A_530 = arith.constant 540672 : i32
    %add3A_531 = arith.addi %add3A_530, %mul3A_2 : i32
    %dma_start3A_532 = arith.constant 16896 : i32
    %dma_start3A_533 = tpu.memref_slice %arg5[%dma_start3A_532] : memref<25600xi32, #tpu.memory_space<vmem>> -> memref<512xi32, #tpu.memory_space<vmem>>
    %dma_start3A_534 = tpu.memref_slice %arg2[%add3A_531] : memref<819200xi32, #tpu.memory_space<hbm>> -> memref<512xi32, #tpu.memory_space<hbm>>
    %dma_start3A_535 = arith.constant 16896 : i32
    %dma_start3A_536 = tpu.memref_slice %arg5[%dma_start3A_535] : memref<25600xi32, #tpu.memory_space<vmem>> -> memref<512xi32, #tpu.memory_space<vmem>>
    %dma_start3A_537 = tpu.memref_slice %arg2[%add3A_531] : memref<819200xi32, #tpu.memory_space<hbm>> -> memref<512xi32, #tpu.memory_space<hbm>>
    tpu.enqueue_dma source(%dma_start3A_537 : memref<512xi32, #tpu.memory_space<hbm>>) target(%dma_start3A_536 : memref<512xi32, #tpu.memory_space<vmem>>) target_semaphore(%arg10 : memref<!tpu.dma_semaphore, #tpu.memory_space<semaphore_mem>>)
    %add3A_538 = arith.constant 540672 : i32
    %add3A_539 = arith.addi %add3A_538, %mul3A_2 : i32
    %dma_start3A_540 = arith.constant 16896 : i32
    %dma_start3A_541 = tpu.memref_slice %arg6[%dma_start3A_540] : memref<25600xf32, #tpu.memory_space<vmem>> -> memref<512xf32, #tpu.memory_space<vmem>>
    %dma_start3A_542 = tpu.memref_slice %arg3[%add3A_539] : memref<819200xf32, #tpu.memory_space<hbm>> -> memref<512xf32, #tpu.memory_space<hbm>>
    %dma_start3A_543 = arith.constant 16896 : i32
    %dma_start3A_544 = tpu.memref_slice %arg6[%dma_start3A_543] : memref<25600xf32, #tpu.memory_space<vmem>> -> memref<512xf32, #tpu.memory_space<vmem>>
    %dma_start3A_545 = tpu.memref_slice %arg3[%add3A_539] : memref<819200xf32, #tpu.memory_space<hbm>> -> memref<512xf32, #tpu.memory_space<hbm>>
    tpu.enqueue_dma source(%dma_start3A_545 : memref<512xf32, #tpu.memory_space<hbm>>) target(%dma_start3A_544 : memref<512xf32, #tpu.memory_space<vmem>>) target_semaphore(%arg10 : memref<!tpu.dma_semaphore, #tpu.memory_space<semaphore_mem>>)
    %add3A_546 = arith.constant 557056 : i32
    %add3A_547 = arith.addi %add3A_546, %mul3A_2 : i32
    %dma_start3A_548 = arith.constant 17408 : i32
    %dma_start3A_549 = tpu.memref_slice %arg5[%dma_start3A_548] : memref<25600xi32, #tpu.memory_space<vmem>> -> memref<512xi32, #tpu.memory_space<vmem>>
    %dma_start3A_550 = tpu.memref_slice %arg2[%add3A_547] : memref<819200xi32, #tpu.memory_space<hbm>> -> memref<512xi32, #tpu.memory_space<hbm>>
    %dma_start3A_551 = arith.constant 17408 : i32
    %dma_start3A_552 = tpu.memref_slice %arg5[%dma_start3A_551] : memref<25600xi32, #tpu.memory_space<vmem>> -> memref<512xi32, #tpu.memory_space<vmem>>
    %dma_start3A_553 = tpu.memref_slice %arg2[%add3A_547] : memref<819200xi32, #tpu.memory_space<hbm>> -> memref<512xi32, #tpu.memory_space<hbm>>
    tpu.enqueue_dma source(%dma_start3A_553 : memref<512xi32, #tpu.memory_space<hbm>>) target(%dma_start3A_552 : memref<512xi32, #tpu.memory_space<vmem>>) target_semaphore(%arg10 : memref<!tpu.dma_semaphore, #tpu.memory_space<semaphore_mem>>)
    %add3A_554 = arith.constant 557056 : i32
    %add3A_555 = arith.addi %add3A_554, %mul3A_2 : i32
    %dma_start3A_556 = arith.constant 17408 : i32
    %dma_start3A_557 = tpu.memref_slice %arg6[%dma_start3A_556] : memref<25600xf32, #tpu.memory_space<vmem>> -> memref<512xf32, #tpu.memory_space<vmem>>
    %dma_start3A_558 = tpu.memref_slice %arg3[%add3A_555] : memref<819200xf32, #tpu.memory_space<hbm>> -> memref<512xf32, #tpu.memory_space<hbm>>
    %dma_start3A_559 = arith.constant 17408 : i32
    %dma_start3A_560 = tpu.memref_slice %arg6[%dma_start3A_559] : memref<25600xf32, #tpu.memory_space<vmem>> -> memref<512xf32, #tpu.memory_space<vmem>>
    %dma_start3A_561 = tpu.memref_slice %arg3[%add3A_555] : memref<819200xf32, #tpu.memory_space<hbm>> -> memref<512xf32, #tpu.memory_space<hbm>>
    tpu.enqueue_dma source(%dma_start3A_561 : memref<512xf32, #tpu.memory_space<hbm>>) target(%dma_start3A_560 : memref<512xf32, #tpu.memory_space<vmem>>) target_semaphore(%arg10 : memref<!tpu.dma_semaphore, #tpu.memory_space<semaphore_mem>>)
    %add3A_562 = arith.constant 573440 : i32
    %add3A_563 = arith.addi %add3A_562, %mul3A_2 : i32
    %dma_start3A_564 = arith.constant 17920 : i32
    %dma_start3A_565 = tpu.memref_slice %arg5[%dma_start3A_564] : memref<25600xi32, #tpu.memory_space<vmem>> -> memref<512xi32, #tpu.memory_space<vmem>>
    %dma_start3A_566 = tpu.memref_slice %arg2[%add3A_563] : memref<819200xi32, #tpu.memory_space<hbm>> -> memref<512xi32, #tpu.memory_space<hbm>>
    %dma_start3A_567 = arith.constant 17920 : i32
    %dma_start3A_568 = tpu.memref_slice %arg5[%dma_start3A_567] : memref<25600xi32, #tpu.memory_space<vmem>> -> memref<512xi32, #tpu.memory_space<vmem>>
    %dma_start3A_569 = tpu.memref_slice %arg2[%add3A_563] : memref<819200xi32, #tpu.memory_space<hbm>> -> memref<512xi32, #tpu.memory_space<hbm>>
    tpu.enqueue_dma source(%dma_start3A_569 : memref<512xi32, #tpu.memory_space<hbm>>) target(%dma_start3A_568 : memref<512xi32, #tpu.memory_space<vmem>>) target_semaphore(%arg10 : memref<!tpu.dma_semaphore, #tpu.memory_space<semaphore_mem>>)
    %add3A_570 = arith.constant 573440 : i32
    %add3A_571 = arith.addi %add3A_570, %mul3A_2 : i32
    %dma_start3A_572 = arith.constant 17920 : i32
    %dma_start3A_573 = tpu.memref_slice %arg6[%dma_start3A_572] : memref<25600xf32, #tpu.memory_space<vmem>> -> memref<512xf32, #tpu.memory_space<vmem>>
    %dma_start3A_574 = tpu.memref_slice %arg3[%add3A_571] : memref<819200xf32, #tpu.memory_space<hbm>> -> memref<512xf32, #tpu.memory_space<hbm>>
    %dma_start3A_575 = arith.constant 17920 : i32
    %dma_start3A_576 = tpu.memref_slice %arg6[%dma_start3A_575] : memref<25600xf32, #tpu.memory_space<vmem>> -> memref<512xf32, #tpu.memory_space<vmem>>
    %dma_start3A_577 = tpu.memref_slice %arg3[%add3A_571] : memref<819200xf32, #tpu.memory_space<hbm>> -> memref<512xf32, #tpu.memory_space<hbm>>
    tpu.enqueue_dma source(%dma_start3A_577 : memref<512xf32, #tpu.memory_space<hbm>>) target(%dma_start3A_576 : memref<512xf32, #tpu.memory_space<vmem>>) target_semaphore(%arg10 : memref<!tpu.dma_semaphore, #tpu.memory_space<semaphore_mem>>)
    %add3A_578 = arith.constant 589824 : i32
    %add3A_579 = arith.addi %add3A_578, %mul3A_2 : i32
    %dma_start3A_580 = arith.constant 18432 : i32
    %dma_start3A_581 = tpu.memref_slice %arg5[%dma_start3A_580] : memref<25600xi32, #tpu.memory_space<vmem>> -> memref<512xi32, #tpu.memory_space<vmem>>
    %dma_start3A_582 = tpu.memref_slice %arg2[%add3A_579] : memref<819200xi32, #tpu.memory_space<hbm>> -> memref<512xi32, #tpu.memory_space<hbm>>
    %dma_start3A_583 = arith.constant 18432 : i32
    %dma_start3A_584 = tpu.memref_slice %arg5[%dma_start3A_583] : memref<25600xi32, #tpu.memory_space<vmem>> -> memref<512xi32, #tpu.memory_space<vmem>>
    %dma_start3A_585 = tpu.memref_slice %arg2[%add3A_579] : memref<819200xi32, #tpu.memory_space<hbm>> -> memref<512xi32, #tpu.memory_space<hbm>>
    tpu.enqueue_dma source(%dma_start3A_585 : memref<512xi32, #tpu.memory_space<hbm>>) target(%dma_start3A_584 : memref<512xi32, #tpu.memory_space<vmem>>) target_semaphore(%arg10 : memref<!tpu.dma_semaphore, #tpu.memory_space<semaphore_mem>>)
    %add3A_586 = arith.constant 589824 : i32
    %add3A_587 = arith.addi %add3A_586, %mul3A_2 : i32
    %dma_start3A_588 = arith.constant 18432 : i32
    %dma_start3A_589 = tpu.memref_slice %arg6[%dma_start3A_588] : memref<25600xf32, #tpu.memory_space<vmem>> -> memref<512xf32, #tpu.memory_space<vmem>>
    %dma_start3A_590 = tpu.memref_slice %arg3[%add3A_587] : memref<819200xf32, #tpu.memory_space<hbm>> -> memref<512xf32, #tpu.memory_space<hbm>>
    %dma_start3A_591 = arith.constant 18432 : i32
    %dma_start3A_592 = tpu.memref_slice %arg6[%dma_start3A_591] : memref<25600xf32, #tpu.memory_space<vmem>> -> memref<512xf32, #tpu.memory_space<vmem>>
    %dma_start3A_593 = tpu.memref_slice %arg3[%add3A_587] : memref<819200xf32, #tpu.memory_space<hbm>> -> memref<512xf32, #tpu.memory_space<hbm>>
    tpu.enqueue_dma source(%dma_start3A_593 : memref<512xf32, #tpu.memory_space<hbm>>) target(%dma_start3A_592 : memref<512xf32, #tpu.memory_space<vmem>>) target_semaphore(%arg10 : memref<!tpu.dma_semaphore, #tpu.memory_space<semaphore_mem>>)
    %add3A_594 = arith.constant 606208 : i32
    %add3A_595 = arith.addi %add3A_594, %mul3A_2 : i32
    %dma_start3A_596 = arith.constant 18944 : i32
    %dma_start3A_597 = tpu.memref_slice %arg5[%dma_start3A_596] : memref<25600xi32, #tpu.memory_space<vmem>> -> memref<512xi32, #tpu.memory_space<vmem>>
    %dma_start3A_598 = tpu.memref_slice %arg2[%add3A_595] : memref<819200xi32, #tpu.memory_space<hbm>> -> memref<512xi32, #tpu.memory_space<hbm>>
    %dma_start3A_599 = arith.constant 18944 : i32
    %dma_start3A_600 = tpu.memref_slice %arg5[%dma_start3A_599] : memref<25600xi32, #tpu.memory_space<vmem>> -> memref<512xi32, #tpu.memory_space<vmem>>
    %dma_start3A_601 = tpu.memref_slice %arg2[%add3A_595] : memref<819200xi32, #tpu.memory_space<hbm>> -> memref<512xi32, #tpu.memory_space<hbm>>
    tpu.enqueue_dma source(%dma_start3A_601 : memref<512xi32, #tpu.memory_space<hbm>>) target(%dma_start3A_600 : memref<512xi32, #tpu.memory_space<vmem>>) target_semaphore(%arg10 : memref<!tpu.dma_semaphore, #tpu.memory_space<semaphore_mem>>)
    %add3A_602 = arith.constant 606208 : i32
    %add3A_603 = arith.addi %add3A_602, %mul3A_2 : i32
    %dma_start3A_604 = arith.constant 18944 : i32
    %dma_start3A_605 = tpu.memref_slice %arg6[%dma_start3A_604] : memref<25600xf32, #tpu.memory_space<vmem>> -> memref<512xf32, #tpu.memory_space<vmem>>
    %dma_start3A_606 = tpu.memref_slice %arg3[%add3A_603] : memref<819200xf32, #tpu.memory_space<hbm>> -> memref<512xf32, #tpu.memory_space<hbm>>
    %dma_start3A_607 = arith.constant 18944 : i32
    %dma_start3A_608 = tpu.memref_slice %arg6[%dma_start3A_607] : memref<25600xf32, #tpu.memory_space<vmem>> -> memref<512xf32, #tpu.memory_space<vmem>>
    %dma_start3A_609 = tpu.memref_slice %arg3[%add3A_603] : memref<819200xf32, #tpu.memory_space<hbm>> -> memref<512xf32, #tpu.memory_space<hbm>>
    tpu.enqueue_dma source(%dma_start3A_609 : memref<512xf32, #tpu.memory_space<hbm>>) target(%dma_start3A_608 : memref<512xf32, #tpu.memory_space<vmem>>) target_semaphore(%arg10 : memref<!tpu.dma_semaphore, #tpu.memory_space<semaphore_mem>>)
    %add3A_610 = arith.constant 622592 : i32
    %add3A_611 = arith.addi %add3A_610, %mul3A_2 : i32
    %dma_start3A_612 = arith.constant 19456 : i32
    %dma_start3A_613 = tpu.memref_slice %arg5[%dma_start3A_612] : memref<25600xi32, #tpu.memory_space<vmem>> -> memref<512xi32, #tpu.memory_space<vmem>>
    %dma_start3A_614 = tpu.memref_slice %arg2[%add3A_611] : memref<819200xi32, #tpu.memory_space<hbm>> -> memref<512xi32, #tpu.memory_space<hbm>>
    %dma_start3A_615 = arith.constant 19456 : i32
    %dma_start3A_616 = tpu.memref_slice %arg5[%dma_start3A_615] : memref<25600xi32, #tpu.memory_space<vmem>> -> memref<512xi32, #tpu.memory_space<vmem>>
    %dma_start3A_617 = tpu.memref_slice %arg2[%add3A_611] : memref<819200xi32, #tpu.memory_space<hbm>> -> memref<512xi32, #tpu.memory_space<hbm>>
    tpu.enqueue_dma source(%dma_start3A_617 : memref<512xi32, #tpu.memory_space<hbm>>) target(%dma_start3A_616 : memref<512xi32, #tpu.memory_space<vmem>>) target_semaphore(%arg10 : memref<!tpu.dma_semaphore, #tpu.memory_space<semaphore_mem>>)
    %add3A_618 = arith.constant 622592 : i32
    %add3A_619 = arith.addi %add3A_618, %mul3A_2 : i32
    %dma_start3A_620 = arith.constant 19456 : i32
    %dma_start3A_621 = tpu.memref_slice %arg6[%dma_start3A_620] : memref<25600xf32, #tpu.memory_space<vmem>> -> memref<512xf32, #tpu.memory_space<vmem>>
    %dma_start3A_622 = tpu.memref_slice %arg3[%add3A_619] : memref<819200xf32, #tpu.memory_space<hbm>> -> memref<512xf32, #tpu.memory_space<hbm>>
    %dma_start3A_623 = arith.constant 19456 : i32
    %dma_start3A_624 = tpu.memref_slice %arg6[%dma_start3A_623] : memref<25600xf32, #tpu.memory_space<vmem>> -> memref<512xf32, #tpu.memory_space<vmem>>
    %dma_start3A_625 = tpu.memref_slice %arg3[%add3A_619] : memref<819200xf32, #tpu.memory_space<hbm>> -> memref<512xf32, #tpu.memory_space<hbm>>
    tpu.enqueue_dma source(%dma_start3A_625 : memref<512xf32, #tpu.memory_space<hbm>>) target(%dma_start3A_624 : memref<512xf32, #tpu.memory_space<vmem>>) target_semaphore(%arg10 : memref<!tpu.dma_semaphore, #tpu.memory_space<semaphore_mem>>)
    %add3A_626 = arith.constant 638976 : i32
    %add3A_627 = arith.addi %add3A_626, %mul3A_2 : i32
    %dma_start3A_628 = arith.constant 19968 : i32
    %dma_start3A_629 = tpu.memref_slice %arg5[%dma_start3A_628] : memref<25600xi32, #tpu.memory_space<vmem>> -> memref<512xi32, #tpu.memory_space<vmem>>
    %dma_start3A_630 = tpu.memref_slice %arg2[%add3A_627] : memref<819200xi32, #tpu.memory_space<hbm>> -> memref<512xi32, #tpu.memory_space<hbm>>
    %dma_start3A_631 = arith.constant 19968 : i32
    %dma_start3A_632 = tpu.memref_slice %arg5[%dma_start3A_631] : memref<25600xi32, #tpu.memory_space<vmem>> -> memref<512xi32, #tpu.memory_space<vmem>>
    %dma_start3A_633 = tpu.memref_slice %arg2[%add3A_627] : memref<819200xi32, #tpu.memory_space<hbm>> -> memref<512xi32, #tpu.memory_space<hbm>>
    tpu.enqueue_dma source(%dma_start3A_633 : memref<512xi32, #tpu.memory_space<hbm>>) target(%dma_start3A_632 : memref<512xi32, #tpu.memory_space<vmem>>) target_semaphore(%arg10 : memref<!tpu.dma_semaphore, #tpu.memory_space<semaphore_mem>>)
    %add3A_634 = arith.constant 638976 : i32
    %add3A_635 = arith.addi %add3A_634, %mul3A_2 : i32
    %dma_start3A_636 = arith.constant 19968 : i32
    %dma_start3A_637 = tpu.memref_slice %arg6[%dma_start3A_636] : memref<25600xf32, #tpu.memory_space<vmem>> -> memref<512xf32, #tpu.memory_space<vmem>>
    %dma_start3A_638 = tpu.memref_slice %arg3[%add3A_635] : memref<819200xf32, #tpu.memory_space<hbm>> -> memref<512xf32, #tpu.memory_space<hbm>>
    %dma_start3A_639 = arith.constant 19968 : i32
    %dma_start3A_640 = tpu.memref_slice %arg6[%dma_start3A_639] : memref<25600xf32, #tpu.memory_space<vmem>> -> memref<512xf32, #tpu.memory_space<vmem>>
    %dma_start3A_641 = tpu.memref_slice %arg3[%add3A_635] : memref<819200xf32, #tpu.memory_space<hbm>> -> memref<512xf32, #tpu.memory_space<hbm>>
    tpu.enqueue_dma source(%dma_start3A_641 : memref<512xf32, #tpu.memory_space<hbm>>) target(%dma_start3A_640 : memref<512xf32, #tpu.memory_space<vmem>>) target_semaphore(%arg10 : memref<!tpu.dma_semaphore, #tpu.memory_space<semaphore_mem>>)
    %add3A_642 = arith.constant 655360 : i32
    %add3A_643 = arith.addi %add3A_642, %mul3A_2 : i32
    %dma_start3A_644 = arith.constant 20480 : i32
    %dma_start3A_645 = tpu.memref_slice %arg5[%dma_start3A_644] : memref<25600xi32, #tpu.memory_space<vmem>> -> memref<512xi32, #tpu.memory_space<vmem>>
    %dma_start3A_646 = tpu.memref_slice %arg2[%add3A_643] : memref<819200xi32, #tpu.memory_space<hbm>> -> memref<512xi32, #tpu.memory_space<hbm>>
    %dma_start3A_647 = arith.constant 20480 : i32
    %dma_start3A_648 = tpu.memref_slice %arg5[%dma_start3A_647] : memref<25600xi32, #tpu.memory_space<vmem>> -> memref<512xi32, #tpu.memory_space<vmem>>
    %dma_start3A_649 = tpu.memref_slice %arg2[%add3A_643] : memref<819200xi32, #tpu.memory_space<hbm>> -> memref<512xi32, #tpu.memory_space<hbm>>
    tpu.enqueue_dma source(%dma_start3A_649 : memref<512xi32, #tpu.memory_space<hbm>>) target(%dma_start3A_648 : memref<512xi32, #tpu.memory_space<vmem>>) target_semaphore(%arg10 : memref<!tpu.dma_semaphore, #tpu.memory_space<semaphore_mem>>)
    %add3A_650 = arith.constant 655360 : i32
    %add3A_651 = arith.addi %add3A_650, %mul3A_2 : i32
    %dma_start3A_652 = arith.constant 20480 : i32
    %dma_start3A_653 = tpu.memref_slice %arg6[%dma_start3A_652] : memref<25600xf32, #tpu.memory_space<vmem>> -> memref<512xf32, #tpu.memory_space<vmem>>
    %dma_start3A_654 = tpu.memref_slice %arg3[%add3A_651] : memref<819200xf32, #tpu.memory_space<hbm>> -> memref<512xf32, #tpu.memory_space<hbm>>
    %dma_start3A_655 = arith.constant 20480 : i32
    %dma_start3A_656 = tpu.memref_slice %arg6[%dma_start3A_655] : memref<25600xf32, #tpu.memory_space<vmem>> -> memref<512xf32, #tpu.memory_space<vmem>>
    %dma_start3A_657 = tpu.memref_slice %arg3[%add3A_651] : memref<819200xf32, #tpu.memory_space<hbm>> -> memref<512xf32, #tpu.memory_space<hbm>>
    tpu.enqueue_dma source(%dma_start3A_657 : memref<512xf32, #tpu.memory_space<hbm>>) target(%dma_start3A_656 : memref<512xf32, #tpu.memory_space<vmem>>) target_semaphore(%arg10 : memref<!tpu.dma_semaphore, #tpu.memory_space<semaphore_mem>>)
    %add3A_658 = arith.constant 671744 : i32
    %add3A_659 = arith.addi %add3A_658, %mul3A_2 : i32
    %dma_start3A_660 = arith.constant 20992 : i32
    %dma_start3A_661 = tpu.memref_slice %arg5[%dma_start3A_660] : memref<25600xi32, #tpu.memory_space<vmem>> -> memref<512xi32, #tpu.memory_space<vmem>>
    %dma_start3A_662 = tpu.memref_slice %arg2[%add3A_659] : memref<819200xi32, #tpu.memory_space<hbm>> -> memref<512xi32, #tpu.memory_space<hbm>>
    %dma_start3A_663 = arith.constant 20992 : i32
    %dma_start3A_664 = tpu.memref_slice %arg5[%dma_start3A_663] : memref<25600xi32, #tpu.memory_space<vmem>> -> memref<512xi32, #tpu.memory_space<vmem>>
    %dma_start3A_665 = tpu.memref_slice %arg2[%add3A_659] : memref<819200xi32, #tpu.memory_space<hbm>> -> memref<512xi32, #tpu.memory_space<hbm>>
    tpu.enqueue_dma source(%dma_start3A_665 : memref<512xi32, #tpu.memory_space<hbm>>) target(%dma_start3A_664 : memref<512xi32, #tpu.memory_space<vmem>>) target_semaphore(%arg10 : memref<!tpu.dma_semaphore, #tpu.memory_space<semaphore_mem>>)
    %add3A_666 = arith.constant 671744 : i32
    %add3A_667 = arith.addi %add3A_666, %mul3A_2 : i32
    %dma_start3A_668 = arith.constant 20992 : i32
    %dma_start3A_669 = tpu.memref_slice %arg6[%dma_start3A_668] : memref<25600xf32, #tpu.memory_space<vmem>> -> memref<512xf32, #tpu.memory_space<vmem>>
    %dma_start3A_670 = tpu.memref_slice %arg3[%add3A_667] : memref<819200xf32, #tpu.memory_space<hbm>> -> memref<512xf32, #tpu.memory_space<hbm>>
    %dma_start3A_671 = arith.constant 20992 : i32
    %dma_start3A_672 = tpu.memref_slice %arg6[%dma_start3A_671] : memref<25600xf32, #tpu.memory_space<vmem>> -> memref<512xf32, #tpu.memory_space<vmem>>
    %dma_start3A_673 = tpu.memref_slice %arg3[%add3A_667] : memref<819200xf32, #tpu.memory_space<hbm>> -> memref<512xf32, #tpu.memory_space<hbm>>
    tpu.enqueue_dma source(%dma_start3A_673 : memref<512xf32, #tpu.memory_space<hbm>>) target(%dma_start3A_672 : memref<512xf32, #tpu.memory_space<vmem>>) target_semaphore(%arg10 : memref<!tpu.dma_semaphore, #tpu.memory_space<semaphore_mem>>)
    %add3A_674 = arith.constant 688128 : i32
    %add3A_675 = arith.addi %add3A_674, %mul3A_2 : i32
    %dma_start3A_676 = arith.constant 21504 : i32
    %dma_start3A_677 = tpu.memref_slice %arg5[%dma_start3A_676] : memref<25600xi32, #tpu.memory_space<vmem>> -> memref<512xi32, #tpu.memory_space<vmem>>
    %dma_start3A_678 = tpu.memref_slice %arg2[%add3A_675] : memref<819200xi32, #tpu.memory_space<hbm>> -> memref<512xi32, #tpu.memory_space<hbm>>
    %dma_start3A_679 = arith.constant 21504 : i32
    %dma_start3A_680 = tpu.memref_slice %arg5[%dma_start3A_679] : memref<25600xi32, #tpu.memory_space<vmem>> -> memref<512xi32, #tpu.memory_space<vmem>>
    %dma_start3A_681 = tpu.memref_slice %arg2[%add3A_675] : memref<819200xi32, #tpu.memory_space<hbm>> -> memref<512xi32, #tpu.memory_space<hbm>>
    tpu.enqueue_dma source(%dma_start3A_681 : memref<512xi32, #tpu.memory_space<hbm>>) target(%dma_start3A_680 : memref<512xi32, #tpu.memory_space<vmem>>) target_semaphore(%arg10 : memref<!tpu.dma_semaphore, #tpu.memory_space<semaphore_mem>>)
    %add3A_682 = arith.constant 688128 : i32
    %add3A_683 = arith.addi %add3A_682, %mul3A_2 : i32
    %dma_start3A_684 = arith.constant 21504 : i32
    %dma_start3A_685 = tpu.memref_slice %arg6[%dma_start3A_684] : memref<25600xf32, #tpu.memory_space<vmem>> -> memref<512xf32, #tpu.memory_space<vmem>>
    %dma_start3A_686 = tpu.memref_slice %arg3[%add3A_683] : memref<819200xf32, #tpu.memory_space<hbm>> -> memref<512xf32, #tpu.memory_space<hbm>>
    %dma_start3A_687 = arith.constant 21504 : i32
    %dma_start3A_688 = tpu.memref_slice %arg6[%dma_start3A_687] : memref<25600xf32, #tpu.memory_space<vmem>> -> memref<512xf32, #tpu.memory_space<vmem>>
    %dma_start3A_689 = tpu.memref_slice %arg3[%add3A_683] : memref<819200xf32, #tpu.memory_space<hbm>> -> memref<512xf32, #tpu.memory_space<hbm>>
    tpu.enqueue_dma source(%dma_start3A_689 : memref<512xf32, #tpu.memory_space<hbm>>) target(%dma_start3A_688 : memref<512xf32, #tpu.memory_space<vmem>>) target_semaphore(%arg10 : memref<!tpu.dma_semaphore, #tpu.memory_space<semaphore_mem>>)
    %add3A_690 = arith.constant 704512 : i32
    %add3A_691 = arith.addi %add3A_690, %mul3A_2 : i32
    %dma_start3A_692 = arith.constant 22016 : i32
    %dma_start3A_693 = tpu.memref_slice %arg5[%dma_start3A_692] : memref<25600xi32, #tpu.memory_space<vmem>> -> memref<512xi32, #tpu.memory_space<vmem>>
    %dma_start3A_694 = tpu.memref_slice %arg2[%add3A_691] : memref<819200xi32, #tpu.memory_space<hbm>> -> memref<512xi32, #tpu.memory_space<hbm>>
    %dma_start3A_695 = arith.constant 22016 : i32
    %dma_start3A_696 = tpu.memref_slice %arg5[%dma_start3A_695] : memref<25600xi32, #tpu.memory_space<vmem>> -> memref<512xi32, #tpu.memory_space<vmem>>
    %dma_start3A_697 = tpu.memref_slice %arg2[%add3A_691] : memref<819200xi32, #tpu.memory_space<hbm>> -> memref<512xi32, #tpu.memory_space<hbm>>
    tpu.enqueue_dma source(%dma_start3A_697 : memref<512xi32, #tpu.memory_space<hbm>>) target(%dma_start3A_696 : memref<512xi32, #tpu.memory_space<vmem>>) target_semaphore(%arg10 : memref<!tpu.dma_semaphore, #tpu.memory_space<semaphore_mem>>)
    %add3A_698 = arith.constant 704512 : i32
    %add3A_699 = arith.addi %add3A_698, %mul3A_2 : i32
    %dma_start3A_700 = arith.constant 22016 : i32
    %dma_start3A_701 = tpu.memref_slice %arg6[%dma_start3A_700] : memref<25600xf32, #tpu.memory_space<vmem>> -> memref<512xf32, #tpu.memory_space<vmem>>
    %dma_start3A_702 = tpu.memref_slice %arg3[%add3A_699] : memref<819200xf32, #tpu.memory_space<hbm>> -> memref<512xf32, #tpu.memory_space<hbm>>
    %dma_start3A_703 = arith.constant 22016 : i32
    %dma_start3A_704 = tpu.memref_slice %arg6[%dma_start3A_703] : memref<25600xf32, #tpu.memory_space<vmem>> -> memref<512xf32, #tpu.memory_space<vmem>>
    %dma_start3A_705 = tpu.memref_slice %arg3[%add3A_699] : memref<819200xf32, #tpu.memory_space<hbm>> -> memref<512xf32, #tpu.memory_space<hbm>>
    tpu.enqueue_dma source(%dma_start3A_705 : memref<512xf32, #tpu.memory_space<hbm>>) target(%dma_start3A_704 : memref<512xf32, #tpu.memory_space<vmem>>) target_semaphore(%arg10 : memref<!tpu.dma_semaphore, #tpu.memory_space<semaphore_mem>>)
    %add3A_706 = arith.constant 720896 : i32
    %add3A_707 = arith.addi %add3A_706, %mul3A_2 : i32
    %dma_start3A_708 = arith.constant 22528 : i32
    %dma_start3A_709 = tpu.memref_slice %arg5[%dma_start3A_708] : memref<25600xi32, #tpu.memory_space<vmem>> -> memref<512xi32, #tpu.memory_space<vmem>>
    %dma_start3A_710 = tpu.memref_slice %arg2[%add3A_707] : memref<819200xi32, #tpu.memory_space<hbm>> -> memref<512xi32, #tpu.memory_space<hbm>>
    %dma_start3A_711 = arith.constant 22528 : i32
    %dma_start3A_712 = tpu.memref_slice %arg5[%dma_start3A_711] : memref<25600xi32, #tpu.memory_space<vmem>> -> memref<512xi32, #tpu.memory_space<vmem>>
    %dma_start3A_713 = tpu.memref_slice %arg2[%add3A_707] : memref<819200xi32, #tpu.memory_space<hbm>> -> memref<512xi32, #tpu.memory_space<hbm>>
    tpu.enqueue_dma source(%dma_start3A_713 : memref<512xi32, #tpu.memory_space<hbm>>) target(%dma_start3A_712 : memref<512xi32, #tpu.memory_space<vmem>>) target_semaphore(%arg10 : memref<!tpu.dma_semaphore, #tpu.memory_space<semaphore_mem>>)
    %add3A_714 = arith.constant 720896 : i32
    %add3A_715 = arith.addi %add3A_714, %mul3A_2 : i32
    %dma_start3A_716 = arith.constant 22528 : i32
    %dma_start3A_717 = tpu.memref_slice %arg6[%dma_start3A_716] : memref<25600xf32, #tpu.memory_space<vmem>> -> memref<512xf32, #tpu.memory_space<vmem>>
    %dma_start3A_718 = tpu.memref_slice %arg3[%add3A_715] : memref<819200xf32, #tpu.memory_space<hbm>> -> memref<512xf32, #tpu.memory_space<hbm>>
    %dma_start3A_719 = arith.constant 22528 : i32
    %dma_start3A_720 = tpu.memref_slice %arg6[%dma_start3A_719] : memref<25600xf32, #tpu.memory_space<vmem>> -> memref<512xf32, #tpu.memory_space<vmem>>
    %dma_start3A_721 = tpu.memref_slice %arg3[%add3A_715] : memref<819200xf32, #tpu.memory_space<hbm>> -> memref<512xf32, #tpu.memory_space<hbm>>
    tpu.enqueue_dma source(%dma_start3A_721 : memref<512xf32, #tpu.memory_space<hbm>>) target(%dma_start3A_720 : memref<512xf32, #tpu.memory_space<vmem>>) target_semaphore(%arg10 : memref<!tpu.dma_semaphore, #tpu.memory_space<semaphore_mem>>)
    %add3A_722 = arith.constant 737280 : i32
    %add3A_723 = arith.addi %add3A_722, %mul3A_2 : i32
    %dma_start3A_724 = arith.constant 23040 : i32
    %dma_start3A_725 = tpu.memref_slice %arg5[%dma_start3A_724] : memref<25600xi32, #tpu.memory_space<vmem>> -> memref<512xi32, #tpu.memory_space<vmem>>
    %dma_start3A_726 = tpu.memref_slice %arg2[%add3A_723] : memref<819200xi32, #tpu.memory_space<hbm>> -> memref<512xi32, #tpu.memory_space<hbm>>
    %dma_start3A_727 = arith.constant 23040 : i32
    %dma_start3A_728 = tpu.memref_slice %arg5[%dma_start3A_727] : memref<25600xi32, #tpu.memory_space<vmem>> -> memref<512xi32, #tpu.memory_space<vmem>>
    %dma_start3A_729 = tpu.memref_slice %arg2[%add3A_723] : memref<819200xi32, #tpu.memory_space<hbm>> -> memref<512xi32, #tpu.memory_space<hbm>>
    tpu.enqueue_dma source(%dma_start3A_729 : memref<512xi32, #tpu.memory_space<hbm>>) target(%dma_start3A_728 : memref<512xi32, #tpu.memory_space<vmem>>) target_semaphore(%arg10 : memref<!tpu.dma_semaphore, #tpu.memory_space<semaphore_mem>>)
    %add3A_730 = arith.constant 737280 : i32
    %add3A_731 = arith.addi %add3A_730, %mul3A_2 : i32
    %dma_start3A_732 = arith.constant 23040 : i32
    %dma_start3A_733 = tpu.memref_slice %arg6[%dma_start3A_732] : memref<25600xf32, #tpu.memory_space<vmem>> -> memref<512xf32, #tpu.memory_space<vmem>>
    %dma_start3A_734 = tpu.memref_slice %arg3[%add3A_731] : memref<819200xf32, #tpu.memory_space<hbm>> -> memref<512xf32, #tpu.memory_space<hbm>>
    %dma_start3A_735 = arith.constant 23040 : i32
    %dma_start3A_736 = tpu.memref_slice %arg6[%dma_start3A_735] : memref<25600xf32, #tpu.memory_space<vmem>> -> memref<512xf32, #tpu.memory_space<vmem>>
    %dma_start3A_737 = tpu.memref_slice %arg3[%add3A_731] : memref<819200xf32, #tpu.memory_space<hbm>> -> memref<512xf32, #tpu.memory_space<hbm>>
    tpu.enqueue_dma source(%dma_start3A_737 : memref<512xf32, #tpu.memory_space<hbm>>) target(%dma_start3A_736 : memref<512xf32, #tpu.memory_space<vmem>>) target_semaphore(%arg10 : memref<!tpu.dma_semaphore, #tpu.memory_space<semaphore_mem>>)
    %add3A_738 = arith.constant 753664 : i32
    %add3A_739 = arith.addi %add3A_738, %mul3A_2 : i32
    %dma_start3A_740 = arith.constant 23552 : i32
    %dma_start3A_741 = tpu.memref_slice %arg5[%dma_start3A_740] : memref<25600xi32, #tpu.memory_space<vmem>> -> memref<512xi32, #tpu.memory_space<vmem>>
    %dma_start3A_742 = tpu.memref_slice %arg2[%add3A_739] : memref<819200xi32, #tpu.memory_space<hbm>> -> memref<512xi32, #tpu.memory_space<hbm>>
    %dma_start3A_743 = arith.constant 23552 : i32
    %dma_start3A_744 = tpu.memref_slice %arg5[%dma_start3A_743] : memref<25600xi32, #tpu.memory_space<vmem>> -> memref<512xi32, #tpu.memory_space<vmem>>
    %dma_start3A_745 = tpu.memref_slice %arg2[%add3A_739] : memref<819200xi32, #tpu.memory_space<hbm>> -> memref<512xi32, #tpu.memory_space<hbm>>
    tpu.enqueue_dma source(%dma_start3A_745 : memref<512xi32, #tpu.memory_space<hbm>>) target(%dma_start3A_744 : memref<512xi32, #tpu.memory_space<vmem>>) target_semaphore(%arg10 : memref<!tpu.dma_semaphore, #tpu.memory_space<semaphore_mem>>)
    %add3A_746 = arith.constant 753664 : i32
    %add3A_747 = arith.addi %add3A_746, %mul3A_2 : i32
    %dma_start3A_748 = arith.constant 23552 : i32
    %dma_start3A_749 = tpu.memref_slice %arg6[%dma_start3A_748] : memref<25600xf32, #tpu.memory_space<vmem>> -> memref<512xf32, #tpu.memory_space<vmem>>
    %dma_start3A_750 = tpu.memref_slice %arg3[%add3A_747] : memref<819200xf32, #tpu.memory_space<hbm>> -> memref<512xf32, #tpu.memory_space<hbm>>
    %dma_start3A_751 = arith.constant 23552 : i32
    %dma_start3A_752 = tpu.memref_slice %arg6[%dma_start3A_751] : memref<25600xf32, #tpu.memory_space<vmem>> -> memref<512xf32, #tpu.memory_space<vmem>>
    %dma_start3A_753 = tpu.memref_slice %arg3[%add3A_747] : memref<819200xf32, #tpu.memory_space<hbm>> -> memref<512xf32, #tpu.memory_space<hbm>>
    tpu.enqueue_dma source(%dma_start3A_753 : memref<512xf32, #tpu.memory_space<hbm>>) target(%dma_start3A_752 : memref<512xf32, #tpu.memory_space<vmem>>) target_semaphore(%arg10 : memref<!tpu.dma_semaphore, #tpu.memory_space<semaphore_mem>>)
    %add3A_754 = arith.constant 770048 : i32
    %add3A_755 = arith.addi %add3A_754, %mul3A_2 : i32
    %dma_start3A_756 = arith.constant 24064 : i32
    %dma_start3A_757 = tpu.memref_slice %arg5[%dma_start3A_756] : memref<25600xi32, #tpu.memory_space<vmem>> -> memref<512xi32, #tpu.memory_space<vmem>>
    %dma_start3A_758 = tpu.memref_slice %arg2[%add3A_755] : memref<819200xi32, #tpu.memory_space<hbm>> -> memref<512xi32, #tpu.memory_space<hbm>>
    %dma_start3A_759 = arith.constant 24064 : i32
    %dma_start3A_760 = tpu.memref_slice %arg5[%dma_start3A_759] : memref<25600xi32, #tpu.memory_space<vmem>> -> memref<512xi32, #tpu.memory_space<vmem>>
    %dma_start3A_761 = tpu.memref_slice %arg2[%add3A_755] : memref<819200xi32, #tpu.memory_space<hbm>> -> memref<512xi32, #tpu.memory_space<hbm>>
    tpu.enqueue_dma source(%dma_start3A_761 : memref<512xi32, #tpu.memory_space<hbm>>) target(%dma_start3A_760 : memref<512xi32, #tpu.memory_space<vmem>>) target_semaphore(%arg10 : memref<!tpu.dma_semaphore, #tpu.memory_space<semaphore_mem>>)
    %add3A_762 = arith.constant 770048 : i32
    %add3A_763 = arith.addi %add3A_762, %mul3A_2 : i32
    %dma_start3A_764 = arith.constant 24064 : i32
    %dma_start3A_765 = tpu.memref_slice %arg6[%dma_start3A_764] : memref<25600xf32, #tpu.memory_space<vmem>> -> memref<512xf32, #tpu.memory_space<vmem>>
    %dma_start3A_766 = tpu.memref_slice %arg3[%add3A_763] : memref<819200xf32, #tpu.memory_space<hbm>> -> memref<512xf32, #tpu.memory_space<hbm>>
    %dma_start3A_767 = arith.constant 24064 : i32
    %dma_start3A_768 = tpu.memref_slice %arg6[%dma_start3A_767] : memref<25600xf32, #tpu.memory_space<vmem>> -> memref<512xf32, #tpu.memory_space<vmem>>
    %dma_start3A_769 = tpu.memref_slice %arg3[%add3A_763] : memref<819200xf32, #tpu.memory_space<hbm>> -> memref<512xf32, #tpu.memory_space<hbm>>
    tpu.enqueue_dma source(%dma_start3A_769 : memref<512xf32, #tpu.memory_space<hbm>>) target(%dma_start3A_768 : memref<512xf32, #tpu.memory_space<vmem>>) target_semaphore(%arg10 : memref<!tpu.dma_semaphore, #tpu.memory_space<semaphore_mem>>)
    %add3A_770 = arith.constant 786432 : i32
    %add3A_771 = arith.addi %add3A_770, %mul3A_2 : i32
    %dma_start3A_772 = arith.constant 24576 : i32
    %dma_start3A_773 = tpu.memref_slice %arg5[%dma_start3A_772] : memref<25600xi32, #tpu.memory_space<vmem>> -> memref<512xi32, #tpu.memory_space<vmem>>
    %dma_start3A_774 = tpu.memref_slice %arg2[%add3A_771] : memref<819200xi32, #tpu.memory_space<hbm>> -> memref<512xi32, #tpu.memory_space<hbm>>
    %dma_start3A_775 = arith.constant 24576 : i32
    %dma_start3A_776 = tpu.memref_slice %arg5[%dma_start3A_775] : memref<25600xi32, #tpu.memory_space<vmem>> -> memref<512xi32, #tpu.memory_space<vmem>>
    %dma_start3A_777 = tpu.memref_slice %arg2[%add3A_771] : memref<819200xi32, #tpu.memory_space<hbm>> -> memref<512xi32, #tpu.memory_space<hbm>>
    tpu.enqueue_dma source(%dma_start3A_777 : memref<512xi32, #tpu.memory_space<hbm>>) target(%dma_start3A_776 : memref<512xi32, #tpu.memory_space<vmem>>) target_semaphore(%arg10 : memref<!tpu.dma_semaphore, #tpu.memory_space<semaphore_mem>>)
    %add3A_778 = arith.constant 786432 : i32
    %add3A_779 = arith.addi %add3A_778, %mul3A_2 : i32
    %dma_start3A_780 = arith.constant 24576 : i32
    %dma_start3A_781 = tpu.memref_slice %arg6[%dma_start3A_780] : memref<25600xf32, #tpu.memory_space<vmem>> -> memref<512xf32, #tpu.memory_space<vmem>>
    %dma_start3A_782 = tpu.memref_slice %arg3[%add3A_779] : memref<819200xf32, #tpu.memory_space<hbm>> -> memref<512xf32, #tpu.memory_space<hbm>>
    %dma_start3A_783 = arith.constant 24576 : i32
    %dma_start3A_784 = tpu.memref_slice %arg6[%dma_start3A_783] : memref<25600xf32, #tpu.memory_space<vmem>> -> memref<512xf32, #tpu.memory_space<vmem>>
    %dma_start3A_785 = tpu.memref_slice %arg3[%add3A_779] : memref<819200xf32, #tpu.memory_space<hbm>> -> memref<512xf32, #tpu.memory_space<hbm>>
    tpu.enqueue_dma source(%dma_start3A_785 : memref<512xf32, #tpu.memory_space<hbm>>) target(%dma_start3A_784 : memref<512xf32, #tpu.memory_space<vmem>>) target_semaphore(%arg10 : memref<!tpu.dma_semaphore, #tpu.memory_space<semaphore_mem>>)
    %add3A_786 = arith.constant 802816 : i32
    %add3A_787 = arith.addi %add3A_786, %mul3A_2 : i32
    %dma_start3A_788 = arith.constant 25088 : i32
    %dma_start3A_789 = tpu.memref_slice %arg5[%dma_start3A_788] : memref<25600xi32, #tpu.memory_space<vmem>> -> memref<512xi32, #tpu.memory_space<vmem>>
    %dma_start3A_790 = tpu.memref_slice %arg2[%add3A_787] : memref<819200xi32, #tpu.memory_space<hbm>> -> memref<512xi32, #tpu.memory_space<hbm>>
    %dma_start3A_791 = arith.constant 25088 : i32
    %dma_start3A_792 = tpu.memref_slice %arg5[%dma_start3A_791] : memref<25600xi32, #tpu.memory_space<vmem>> -> memref<512xi32, #tpu.memory_space<vmem>>
    %dma_start3A_793 = tpu.memref_slice %arg2[%add3A_787] : memref<819200xi32, #tpu.memory_space<hbm>> -> memref<512xi32, #tpu.memory_space<hbm>>
    tpu.enqueue_dma source(%dma_start3A_793 : memref<512xi32, #tpu.memory_space<hbm>>) target(%dma_start3A_792 : memref<512xi32, #tpu.memory_space<vmem>>) target_semaphore(%arg10 : memref<!tpu.dma_semaphore, #tpu.memory_space<semaphore_mem>>)
    %add3A_794 = arith.constant 802816 : i32
    %add3A_795 = arith.addi %add3A_794, %mul3A_2 : i32
    %dma_start3A_796 = arith.constant 25088 : i32
    %dma_start3A_797 = tpu.memref_slice %arg6[%dma_start3A_796] : memref<25600xf32, #tpu.memory_space<vmem>> -> memref<512xf32, #tpu.memory_space<vmem>>
    %dma_start3A_798 = tpu.memref_slice %arg3[%add3A_795] : memref<819200xf32, #tpu.memory_space<hbm>> -> memref<512xf32, #tpu.memory_space<hbm>>
    %dma_start3A_799 = arith.constant 25088 : i32
    %dma_start3A_800 = tpu.memref_slice %arg6[%dma_start3A_799] : memref<25600xf32, #tpu.memory_space<vmem>> -> memref<512xf32, #tpu.memory_space<vmem>>
    %dma_start3A_801 = tpu.memref_slice %arg3[%add3A_795] : memref<819200xf32, #tpu.memory_space<hbm>> -> memref<512xf32, #tpu.memory_space<hbm>>
    tpu.enqueue_dma source(%dma_start3A_801 : memref<512xf32, #tpu.memory_space<hbm>>) target(%dma_start3A_800 : memref<512xf32, #tpu.memory_space<vmem>>) target_semaphore(%arg10 : memref<!tpu.dma_semaphore, #tpu.memory_space<semaphore_mem>>)
    %broadcast_in_dim3A = arith.constant 0.000000e+00 : f32
    %broadcast_in_dim3A_802 = vector.broadcast %broadcast_in_dim3A : f32 to vector<16xf32>
    %scan3A = arith.constant 0 : i32
    %scan3A_803 = arith.constant 0 : i32
    %scan3A_804 = arith.constant 768 : i32
    %scan3A_805 = arith.addi %scan3A_803, %scan3A_804 : i32
    %scan3A_806 = arith.constant 1 : i32
    %scan3A_807 = scf.for %scan3A_1611 = %scan3A_803 to %scan3A_805 step %scan3A_806 iter_args(%scan3A_1612 = %scan3A) -> (i32)  : i32 {
      %mul3A_1613 = arith.constant 16 : i32
      %mul3A_1614 = arith.muli %scan3A_1611, %mul3A_1613 : i32
      %swap3A = arith.index_cast %mul3A_1614 : i32 to index
      %swap3A_1615 = tpu.vector_load %arg7[%swap3A] {strides = array<i32>} : memref<12288xf32, #tpu.memory_space<vmem>>, vector<16xf32>,
      %swap3A_1616 = vector.shape_cast %swap3A_1615 : vector<16xf32> to vector<16xf32>
      %swap3A_1617 = vector.shape_cast %broadcast_in_dim3A_802 : vector<16xf32> to vector<16xf32>
      tpu.vector_store %arg7[%swap3A], %swap3A_1617 {strides = array<i32>} : memref<12288xf32, #tpu.memory_space<vmem>>, vector<16xf32>,
      %scan3A_1618 = arith.constant 0 : i32
      scf.yield %scan3A_1618 : i32
    }
    %scan3A_808 = arith.constant 768 : i32
    %mul3A_809 = arith.constant 512 : i32
    %mul3A_810 = arith.muli %arg1, %mul3A_809 : i32
    %mul3A_811 = arith.constant 24 : i32
    %mul3A_812 = arith.muli %mul3A_810, %mul3A_811 : i32
    "tpu.region"() ({
      %run_scoped3A = tpu.sem_alloc : memref<!tpu.dma_semaphore, #tpu.memory_space<semaphore_mem>>
      %dma_start3A_1611 = tpu.memref_slice %arg9[%mul3A_812] : memref<196608xf32, #tpu.memory_space<vmem_shared>> -> memref<12288xf32, #tpu.memory_space<vmem_shared>>
      %dma_start3A_1612 = tpu.memref_slice %arg9[%mul3A_812] : memref<196608xf32, #tpu.memory_space<vmem_shared>> -> memref<12288xf32, #tpu.memory_space<vmem_shared>>
      tpu.enqueue_dma source(%arg7 : memref<12288xf32, #tpu.memory_space<vmem>>) target(%dma_start3A_1612 : memref<12288xf32, #tpu.memory_space<vmem_shared>>) target_semaphore(%run_scoped3A : memref<!tpu.dma_semaphore, #tpu.memory_space<semaphore_mem>>)
      %dma_wait3A_1613 = tpu.memref_slice %arg9[%mul3A_812] : memref<196608xf32, #tpu.memory_space<vmem_shared>> -> memref<12288xf32, #tpu.memory_space<vmem_shared>>
      %dma_wait3A_1614 = tpu.memref_slice %arg9[%mul3A_812] : memref<196608xf32, #tpu.memory_space<vmem_shared>> -> memref<12288xf32, #tpu.memory_space<vmem_shared>>
      tpu.wait_dma2 semaphore(%run_scoped3A : memref<!tpu.dma_semaphore, #tpu.memory_space<semaphore_mem>>) src(%arg7 : memref<12288xf32, #tpu.memory_space<vmem>>) dst(%dma_wait3A_1614 : memref<12288xf32, #tpu.memory_space<vmem_shared>>)
      tpu.yield
    }) : () -> ()
    %dma_wait3A = arith.constant 0 : i32
    %dma_wait3A_813 = tpu.memref_slice %arg5[%dma_wait3A] : memref<25600xi32, #tpu.memory_space<vmem>> -> memref<512xi32, #tpu.memory_space<vmem>>
    %dma_wait3A_814 = tpu.memref_slice %arg2[%add3A_4] : memref<819200xi32, #tpu.memory_space<hbm>> -> memref<512xi32, #tpu.memory_space<hbm>>
    %dma_wait3A_815 = arith.constant 0 : i32
    %dma_wait3A_816 = tpu.memref_slice %arg5[%dma_wait3A_815] : memref<25600xi32, #tpu.memory_space<vmem>> -> memref<512xi32, #tpu.memory_space<vmem>>
    %dma_wait3A_817 = tpu.memref_slice %arg2[%add3A_4] : memref<819200xi32, #tpu.memory_space<hbm>> -> memref<512xi32, #tpu.memory_space<hbm>>
    tpu.wait_dma2 semaphore(%arg10 : memref<!tpu.dma_semaphore, #tpu.memory_space<semaphore_mem>>) src(%dma_wait3A_817 : memref<512xi32, #tpu.memory_space<hbm>>) dst(%dma_wait3A_816 : memref<512xi32, #tpu.memory_space<vmem>>)
    %dma_wait3A_818 = arith.constant 0 : i32
    %dma_wait3A_819 = tpu.memref_slice %arg6[%dma_wait3A_818] : memref<25600xf32, #tpu.memory_space<vmem>> -> memref<512xf32, #tpu.memory_space<vmem>>
    %dma_wait3A_820 = tpu.memref_slice %arg3[%add3A_11] : memref<819200xf32, #tpu.memory_space<hbm>> -> memref<512xf32, #tpu.memory_space<hbm>>
    %dma_wait3A_821 = arith.constant 0 : i32
    %dma_wait3A_822 = tpu.memref_slice %arg6[%dma_wait3A_821] : memref<25600xf32, #tpu.memory_space<vmem>> -> memref<512xf32, #tpu.memory_space<vmem>>
    %dma_wait3A_823 = tpu.memref_slice %arg3[%add3A_11] : memref<819200xf32, #tpu.memory_space<hbm>> -> memref<512xf32, #tpu.memory_space<hbm>>
    tpu.wait_dma2 semaphore(%arg10 : memref<!tpu.dma_semaphore, #tpu.memory_space<semaphore_mem>>) src(%dma_wait3A_823 : memref<512xf32, #tpu.memory_space<hbm>>) dst(%dma_wait3A_822 : memref<512xf32, #tpu.memory_space<vmem>>)
    %dma_wait3A_824 = arith.constant 512 : i32
    %dma_wait3A_825 = tpu.memref_slice %arg5[%dma_wait3A_824] : memref<25600xi32, #tpu.memory_space<vmem>> -> memref<512xi32, #tpu.memory_space<vmem>>
    %dma_wait3A_826 = tpu.memref_slice %arg2[%add3A_19] : memref<819200xi32, #tpu.memory_space<hbm>> -> memref<512xi32, #tpu.memory_space<hbm>>
    %dma_wait3A_827 = arith.constant 512 : i32
    %dma_wait3A_828 = tpu.memref_slice %arg5[%dma_wait3A_827] : memref<25600xi32, #tpu.memory_space<vmem>> -> memref<512xi32, #tpu.memory_space<vmem>>
    %dma_wait3A_829 = tpu.memref_slice %arg2[%add3A_19] : memref<819200xi32, #tpu.memory_space<hbm>> -> memref<512xi32, #tpu.memory_space<hbm>>
    tpu.wait_dma2 semaphore(%arg10 : memref<!tpu.dma_semaphore, #tpu.memory_space<semaphore_mem>>) src(%dma_wait3A_829 : memref<512xi32, #tpu.memory_space<hbm>>) dst(%dma_wait3A_828 : memref<512xi32, #tpu.memory_space<vmem>>)
    %dma_wait3A_830 = arith.constant 512 : i32
    %dma_wait3A_831 = tpu.memref_slice %arg6[%dma_wait3A_830] : memref<25600xf32, #tpu.memory_space<vmem>> -> memref<512xf32, #tpu.memory_space<vmem>>
    %dma_wait3A_832 = tpu.memref_slice %arg3[%add3A_27] : memref<819200xf32, #tpu.memory_space<hbm>> -> memref<512xf32, #tpu.memory_space<hbm>>
    %dma_wait3A_833 = arith.constant 512 : i32
    %dma_wait3A_834 = tpu.memref_slice %arg6[%dma_wait3A_833] : memref<25600xf32, #tpu.memory_space<vmem>> -> memref<512xf32, #tpu.memory_space<vmem>>
    %dma_wait3A_835 = tpu.memref_slice %arg3[%add3A_27] : memref<819200xf32, #tpu.memory_space<hbm>> -> memref<512xf32, #tpu.memory_space<hbm>>
    tpu.wait_dma2 semaphore(%arg10 : memref<!tpu.dma_semaphore, #tpu.memory_space<semaphore_mem>>) src(%dma_wait3A_835 : memref<512xf32, #tpu.memory_space<hbm>>) dst(%dma_wait3A_834 : memref<512xf32, #tpu.memory_space<vmem>>)
    %dma_wait3A_836 = arith.constant 1024 : i32
    %dma_wait3A_837 = tpu.memref_slice %arg5[%dma_wait3A_836] : memref<25600xi32, #tpu.memory_space<vmem>> -> memref<512xi32, #tpu.memory_space<vmem>>
    %dma_wait3A_838 = tpu.memref_slice %arg2[%add3A_35] : memref<819200xi32, #tpu.memory_space<hbm>> -> memref<512xi32, #tpu.memory_space<hbm>>
    %dma_wait3A_839 = arith.constant 1024 : i32
    %dma_wait3A_840 = tpu.memref_slice %arg5[%dma_wait3A_839] : memref<25600xi32, #tpu.memory_space<vmem>> -> memref<512xi32, #tpu.memory_space<vmem>>
    %dma_wait3A_841 = tpu.memref_slice %arg2[%add3A_35] : memref<819200xi32, #tpu.memory_space<hbm>> -> memref<512xi32, #tpu.memory_space<hbm>>
    tpu.wait_dma2 semaphore(%arg10 : memref<!tpu.dma_semaphore, #tpu.memory_space<semaphore_mem>>) src(%dma_wait3A_841 : memref<512xi32, #tpu.memory_space<hbm>>) dst(%dma_wait3A_840 : memref<512xi32, #tpu.memory_space<vmem>>)
    %dma_wait3A_842 = arith.constant 1024 : i32
    %dma_wait3A_843 = tpu.memref_slice %arg6[%dma_wait3A_842] : memref<25600xf32, #tpu.memory_space<vmem>> -> memref<512xf32, #tpu.memory_space<vmem>>
    %dma_wait3A_844 = tpu.memref_slice %arg3[%add3A_43] : memref<819200xf32, #tpu.memory_space<hbm>> -> memref<512xf32, #tpu.memory_space<hbm>>
    %dma_wait3A_845 = arith.constant 1024 : i32
    %dma_wait3A_846 = tpu.memref_slice %arg6[%dma_wait3A_845] : memref<25600xf32, #tpu.memory_space<vmem>> -> memref<512xf32, #tpu.memory_space<vmem>>
    %dma_wait3A_847 = tpu.memref_slice %arg3[%add3A_43] : memref<819200xf32, #tpu.memory_space<hbm>> -> memref<512xf32, #tpu.memory_space<hbm>>
    tpu.wait_dma2 semaphore(%arg10 : memref<!tpu.dma_semaphore, #tpu.memory_space<semaphore_mem>>) src(%dma_wait3A_847 : memref<512xf32, #tpu.memory_space<hbm>>) dst(%dma_wait3A_846 : memref<512xf32, #tpu.memory_space<vmem>>)
    %dma_wait3A_848 = arith.constant 1536 : i32
    %dma_wait3A_849 = tpu.memref_slice %arg5[%dma_wait3A_848] : memref<25600xi32, #tpu.memory_space<vmem>> -> memref<512xi32, #tpu.memory_space<vmem>>
    %dma_wait3A_850 = tpu.memref_slice %arg2[%add3A_51] : memref<819200xi32, #tpu.memory_space<hbm>> -> memref<512xi32, #tpu.memory_space<hbm>>
    %dma_wait3A_851 = arith.constant 1536 : i32
    %dma_wait3A_852 = tpu.memref_slice %arg5[%dma_wait3A_851] : memref<25600xi32, #tpu.memory_space<vmem>> -> memref<512xi32, #tpu.memory_space<vmem>>
    %dma_wait3A_853 = tpu.memref_slice %arg2[%add3A_51] : memref<819200xi32, #tpu.memory_space<hbm>> -> memref<512xi32, #tpu.memory_space<hbm>>
    tpu.wait_dma2 semaphore(%arg10 : memref<!tpu.dma_semaphore, #tpu.memory_space<semaphore_mem>>) src(%dma_wait3A_853 : memref<512xi32, #tpu.memory_space<hbm>>) dst(%dma_wait3A_852 : memref<512xi32, #tpu.memory_space<vmem>>)
    %dma_wait3A_854 = arith.constant 1536 : i32
    %dma_wait3A_855 = tpu.memref_slice %arg6[%dma_wait3A_854] : memref<25600xf32, #tpu.memory_space<vmem>> -> memref<512xf32, #tpu.memory_space<vmem>>
    %dma_wait3A_856 = tpu.memref_slice %arg3[%add3A_59] : memref<819200xf32, #tpu.memory_space<hbm>> -> memref<512xf32, #tpu.memory_space<hbm>>
    %dma_wait3A_857 = arith.constant 1536 : i32
    %dma_wait3A_858 = tpu.memref_slice %arg6[%dma_wait3A_857] : memref<25600xf32, #tpu.memory_space<vmem>> -> memref<512xf32, #tpu.memory_space<vmem>>
    %dma_wait3A_859 = tpu.memref_slice %arg3[%add3A_59] : memref<819200xf32, #tpu.memory_space<hbm>> -> memref<512xf32, #tpu.memory_space<hbm>>
    tpu.wait_dma2 semaphore(%arg10 : memref<!tpu.dma_semaphore, #tpu.memory_space<semaphore_mem>>) src(%dma_wait3A_859 : memref<512xf32, #tpu.memory_space<hbm>>) dst(%dma_wait3A_858 : memref<512xf32, #tpu.memory_space<vmem>>)
    %dma_wait3A_860 = arith.constant 2048 : i32
    %dma_wait3A_861 = tpu.memref_slice %arg5[%dma_wait3A_860] : memref<25600xi32, #tpu.memory_space<vmem>> -> memref<512xi32, #tpu.memory_space<vmem>>
    %dma_wait3A_862 = tpu.memref_slice %arg2[%add3A_67] : memref<819200xi32, #tpu.memory_space<hbm>> -> memref<512xi32, #tpu.memory_space<hbm>>
    %dma_wait3A_863 = arith.constant 2048 : i32
    %dma_wait3A_864 = tpu.memref_slice %arg5[%dma_wait3A_863] : memref<25600xi32, #tpu.memory_space<vmem>> -> memref<512xi32, #tpu.memory_space<vmem>>
    %dma_wait3A_865 = tpu.memref_slice %arg2[%add3A_67] : memref<819200xi32, #tpu.memory_space<hbm>> -> memref<512xi32, #tpu.memory_space<hbm>>
    tpu.wait_dma2 semaphore(%arg10 : memref<!tpu.dma_semaphore, #tpu.memory_space<semaphore_mem>>) src(%dma_wait3A_865 : memref<512xi32, #tpu.memory_space<hbm>>) dst(%dma_wait3A_864 : memref<512xi32, #tpu.memory_space<vmem>>)
    %dma_wait3A_866 = arith.constant 2048 : i32
    %dma_wait3A_867 = tpu.memref_slice %arg6[%dma_wait3A_866] : memref<25600xf32, #tpu.memory_space<vmem>> -> memref<512xf32, #tpu.memory_space<vmem>>
    %dma_wait3A_868 = tpu.memref_slice %arg3[%add3A_75] : memref<819200xf32, #tpu.memory_space<hbm>> -> memref<512xf32, #tpu.memory_space<hbm>>
    %dma_wait3A_869 = arith.constant 2048 : i32
    %dma_wait3A_870 = tpu.memref_slice %arg6[%dma_wait3A_869] : memref<25600xf32, #tpu.memory_space<vmem>> -> memref<512xf32, #tpu.memory_space<vmem>>
    %dma_wait3A_871 = tpu.memref_slice %arg3[%add3A_75] : memref<819200xf32, #tpu.memory_space<hbm>> -> memref<512xf32, #tpu.memory_space<hbm>>
    tpu.wait_dma2 semaphore(%arg10 : memref<!tpu.dma_semaphore, #tpu.memory_space<semaphore_mem>>) src(%dma_wait3A_871 : memref<512xf32, #tpu.memory_space<hbm>>) dst(%dma_wait3A_870 : memref<512xf32, #tpu.memory_space<vmem>>)
    %dma_wait3A_872 = arith.constant 2560 : i32
    %dma_wait3A_873 = tpu.memref_slice %arg5[%dma_wait3A_872] : memref<25600xi32, #tpu.memory_space<vmem>> -> memref<512xi32, #tpu.memory_space<vmem>>
    %dma_wait3A_874 = tpu.memref_slice %arg2[%add3A_83] : memref<819200xi32, #tpu.memory_space<hbm>> -> memref<512xi32, #tpu.memory_space<hbm>>
    %dma_wait3A_875 = arith.constant 2560 : i32
    %dma_wait3A_876 = tpu.memref_slice %arg5[%dma_wait3A_875] : memref<25600xi32, #tpu.memory_space<vmem>> -> memref<512xi32, #tpu.memory_space<vmem>>
    %dma_wait3A_877 = tpu.memref_slice %arg2[%add3A_83] : memref<819200xi32, #tpu.memory_space<hbm>> -> memref<512xi32, #tpu.memory_space<hbm>>
    tpu.wait_dma2 semaphore(%arg10 : memref<!tpu.dma_semaphore, #tpu.memory_space<semaphore_mem>>) src(%dma_wait3A_877 : memref<512xi32, #tpu.memory_space<hbm>>) dst(%dma_wait3A_876 : memref<512xi32, #tpu.memory_space<vmem>>)
    %dma_wait3A_878 = arith.constant 2560 : i32
    %dma_wait3A_879 = tpu.memref_slice %arg6[%dma_wait3A_878] : memref<25600xf32, #tpu.memory_space<vmem>> -> memref<512xf32, #tpu.memory_space<vmem>>
    %dma_wait3A_880 = tpu.memref_slice %arg3[%add3A_91] : memref<819200xf32, #tpu.memory_space<hbm>> -> memref<512xf32, #tpu.memory_space<hbm>>
    %dma_wait3A_881 = arith.constant 2560 : i32
    %dma_wait3A_882 = tpu.memref_slice %arg6[%dma_wait3A_881] : memref<25600xf32, #tpu.memory_space<vmem>> -> memref<512xf32, #tpu.memory_space<vmem>>
    %dma_wait3A_883 = tpu.memref_slice %arg3[%add3A_91] : memref<819200xf32, #tpu.memory_space<hbm>> -> memref<512xf32, #tpu.memory_space<hbm>>
    tpu.wait_dma2 semaphore(%arg10 : memref<!tpu.dma_semaphore, #tpu.memory_space<semaphore_mem>>) src(%dma_wait3A_883 : memref<512xf32, #tpu.memory_space<hbm>>) dst(%dma_wait3A_882 : memref<512xf32, #tpu.memory_space<vmem>>)
    %dma_wait3A_884 = arith.constant 3072 : i32
    %dma_wait3A_885 = tpu.memref_slice %arg5[%dma_wait3A_884] : memref<25600xi32, #tpu.memory_space<vmem>> -> memref<512xi32, #tpu.memory_space<vmem>>
    %dma_wait3A_886 = tpu.memref_slice %arg2[%add3A_99] : memref<819200xi32, #tpu.memory_space<hbm>> -> memref<512xi32, #tpu.memory_space<hbm>>
    %dma_wait3A_887 = arith.constant 3072 : i32
    %dma_wait3A_888 = tpu.memref_slice %arg5[%dma_wait3A_887] : memref<25600xi32, #tpu.memory_space<vmem>> -> memref<512xi32, #tpu.memory_space<vmem>>
    %dma_wait3A_889 = tpu.memref_slice %arg2[%add3A_99] : memref<819200xi32, #tpu.memory_space<hbm>> -> memref<512xi32, #tpu.memory_space<hbm>>
    tpu.wait_dma2 semaphore(%arg10 : memref<!tpu.dma_semaphore, #tpu.memory_space<semaphore_mem>>) src(%dma_wait3A_889 : memref<512xi32, #tpu.memory_space<hbm>>) dst(%dma_wait3A_888 : memref<512xi32, #tpu.memory_space<vmem>>)
    %dma_wait3A_890 = arith.constant 3072 : i32
    %dma_wait3A_891 = tpu.memref_slice %arg6[%dma_wait3A_890] : memref<25600xf32, #tpu.memory_space<vmem>> -> memref<512xf32, #tpu.memory_space<vmem>>
    %dma_wait3A_892 = tpu.memref_slice %arg3[%add3A_107] : memref<819200xf32, #tpu.memory_space<hbm>> -> memref<512xf32, #tpu.memory_space<hbm>>
    %dma_wait3A_893 = arith.constant 3072 : i32
    %dma_wait3A_894 = tpu.memref_slice %arg6[%dma_wait3A_893] : memref<25600xf32, #tpu.memory_space<vmem>> -> memref<512xf32, #tpu.memory_space<vmem>>
    %dma_wait3A_895 = tpu.memref_slice %arg3[%add3A_107] : memref<819200xf32, #tpu.memory_space<hbm>> -> memref<512xf32, #tpu.memory_space<hbm>>
    tpu.wait_dma2 semaphore(%arg10 : memref<!tpu.dma_semaphore, #tpu.memory_space<semaphore_mem>>) src(%dma_wait3A_895 : memref<512xf32, #tpu.memory_space<hbm>>) dst(%dma_wait3A_894 : memref<512xf32, #tpu.memory_space<vmem>>)
    %dma_wait3A_896 = arith.constant 3584 : i32
    %dma_wait3A_897 = tpu.memref_slice %arg5[%dma_wait3A_896] : memref<25600xi32, #tpu.memory_space<vmem>> -> memref<512xi32, #tpu.memory_space<vmem>>
    %dma_wait3A_898 = tpu.memref_slice %arg2[%add3A_115] : memref<819200xi32, #tpu.memory_space<hbm>> -> memref<512xi32, #tpu.memory_space<hbm>>
    %dma_wait3A_899 = arith.constant 3584 : i32
    %dma_wait3A_900 = tpu.memref_slice %arg5[%dma_wait3A_899] : memref<25600xi32, #tpu.memory_space<vmem>> -> memref<512xi32, #tpu.memory_space<vmem>>
    %dma_wait3A_901 = tpu.memref_slice %arg2[%add3A_115] : memref<819200xi32, #tpu.memory_space<hbm>> -> memref<512xi32, #tpu.memory_space<hbm>>
    tpu.wait_dma2 semaphore(%arg10 : memref<!tpu.dma_semaphore, #tpu.memory_space<semaphore_mem>>) src(%dma_wait3A_901 : memref<512xi32, #tpu.memory_space<hbm>>) dst(%dma_wait3A_900 : memref<512xi32, #tpu.memory_space<vmem>>)
    %dma_wait3A_902 = arith.constant 3584 : i32
    %dma_wait3A_903 = tpu.memref_slice %arg6[%dma_wait3A_902] : memref<25600xf32, #tpu.memory_space<vmem>> -> memref<512xf32, #tpu.memory_space<vmem>>
    %dma_wait3A_904 = tpu.memref_slice %arg3[%add3A_123] : memref<819200xf32, #tpu.memory_space<hbm>> -> memref<512xf32, #tpu.memory_space<hbm>>
    %dma_wait3A_905 = arith.constant 3584 : i32
    %dma_wait3A_906 = tpu.memref_slice %arg6[%dma_wait3A_905] : memref<25600xf32, #tpu.memory_space<vmem>> -> memref<512xf32, #tpu.memory_space<vmem>>
    %dma_wait3A_907 = tpu.memref_slice %arg3[%add3A_123] : memref<819200xf32, #tpu.memory_space<hbm>> -> memref<512xf32, #tpu.memory_space<hbm>>
    tpu.wait_dma2 semaphore(%arg10 : memref<!tpu.dma_semaphore, #tpu.memory_space<semaphore_mem>>) src(%dma_wait3A_907 : memref<512xf32, #tpu.memory_space<hbm>>) dst(%dma_wait3A_906 : memref<512xf32, #tpu.memory_space<vmem>>)
    %dma_wait3A_908 = arith.constant 4096 : i32
    %dma_wait3A_909 = tpu.memref_slice %arg5[%dma_wait3A_908] : memref<25600xi32, #tpu.memory_space<vmem>> -> memref<512xi32, #tpu.memory_space<vmem>>
    %dma_wait3A_910 = tpu.memref_slice %arg2[%add3A_131] : memref<819200xi32, #tpu.memory_space<hbm>> -> memref<512xi32, #tpu.memory_space<hbm>>
    %dma_wait3A_911 = arith.constant 4096 : i32
    %dma_wait3A_912 = tpu.memref_slice %arg5[%dma_wait3A_911] : memref<25600xi32, #tpu.memory_space<vmem>> -> memref<512xi32, #tpu.memory_space<vmem>>
    %dma_wait3A_913 = tpu.memref_slice %arg2[%add3A_131] : memref<819200xi32, #tpu.memory_space<hbm>> -> memref<512xi32, #tpu.memory_space<hbm>>
    tpu.wait_dma2 semaphore(%arg10 : memref<!tpu.dma_semaphore, #tpu.memory_space<semaphore_mem>>) src(%dma_wait3A_913 : memref<512xi32, #tpu.memory_space<hbm>>) dst(%dma_wait3A_912 : memref<512xi32, #tpu.memory_space<vmem>>)
    %dma_wait3A_914 = arith.constant 4096 : i32
    %dma_wait3A_915 = tpu.memref_slice %arg6[%dma_wait3A_914] : memref<25600xf32, #tpu.memory_space<vmem>> -> memref<512xf32, #tpu.memory_space<vmem>>
    %dma_wait3A_916 = tpu.memref_slice %arg3[%add3A_139] : memref<819200xf32, #tpu.memory_space<hbm>> -> memref<512xf32, #tpu.memory_space<hbm>>
    %dma_wait3A_917 = arith.constant 4096 : i32
    %dma_wait3A_918 = tpu.memref_slice %arg6[%dma_wait3A_917] : memref<25600xf32, #tpu.memory_space<vmem>> -> memref<512xf32, #tpu.memory_space<vmem>>
    %dma_wait3A_919 = tpu.memref_slice %arg3[%add3A_139] : memref<819200xf32, #tpu.memory_space<hbm>> -> memref<512xf32, #tpu.memory_space<hbm>>
    tpu.wait_dma2 semaphore(%arg10 : memref<!tpu.dma_semaphore, #tpu.memory_space<semaphore_mem>>) src(%dma_wait3A_919 : memref<512xf32, #tpu.memory_space<hbm>>) dst(%dma_wait3A_918 : memref<512xf32, #tpu.memory_space<vmem>>)
    %dma_wait3A_920 = arith.constant 4608 : i32
    %dma_wait3A_921 = tpu.memref_slice %arg5[%dma_wait3A_920] : memref<25600xi32, #tpu.memory_space<vmem>> -> memref<512xi32, #tpu.memory_space<vmem>>
    %dma_wait3A_922 = tpu.memref_slice %arg2[%add3A_147] : memref<819200xi32, #tpu.memory_space<hbm>> -> memref<512xi32, #tpu.memory_space<hbm>>
    %dma_wait3A_923 = arith.constant 4608 : i32
    %dma_wait3A_924 = tpu.memref_slice %arg5[%dma_wait3A_923] : memref<25600xi32, #tpu.memory_space<vmem>> -> memref<512xi32, #tpu.memory_space<vmem>>
    %dma_wait3A_925 = tpu.memref_slice %arg2[%add3A_147] : memref<819200xi32, #tpu.memory_space<hbm>> -> memref<512xi32, #tpu.memory_space<hbm>>
    tpu.wait_dma2 semaphore(%arg10 : memref<!tpu.dma_semaphore, #tpu.memory_space<semaphore_mem>>) src(%dma_wait3A_925 : memref<512xi32, #tpu.memory_space<hbm>>) dst(%dma_wait3A_924 : memref<512xi32, #tpu.memory_space<vmem>>)
    %dma_wait3A_926 = arith.constant 4608 : i32
    %dma_wait3A_927 = tpu.memref_slice %arg6[%dma_wait3A_926] : memref<25600xf32, #tpu.memory_space<vmem>> -> memref<512xf32, #tpu.memory_space<vmem>>
    %dma_wait3A_928 = tpu.memref_slice %arg3[%add3A_155] : memref<819200xf32, #tpu.memory_space<hbm>> -> memref<512xf32, #tpu.memory_space<hbm>>
    %dma_wait3A_929 = arith.constant 4608 : i32
    %dma_wait3A_930 = tpu.memref_slice %arg6[%dma_wait3A_929] : memref<25600xf32, #tpu.memory_space<vmem>> -> memref<512xf32, #tpu.memory_space<vmem>>
    %dma_wait3A_931 = tpu.memref_slice %arg3[%add3A_155] : memref<819200xf32, #tpu.memory_space<hbm>> -> memref<512xf32, #tpu.memory_space<hbm>>
    tpu.wait_dma2 semaphore(%arg10 : memref<!tpu.dma_semaphore, #tpu.memory_space<semaphore_mem>>) src(%dma_wait3A_931 : memref<512xf32, #tpu.memory_space<hbm>>) dst(%dma_wait3A_930 : memref<512xf32, #tpu.memory_space<vmem>>)
    %dma_wait3A_932 = arith.constant 5120 : i32
    %dma_wait3A_933 = tpu.memref_slice %arg5[%dma_wait3A_932] : memref<25600xi32, #tpu.memory_space<vmem>> -> memref<512xi32, #tpu.memory_space<vmem>>
    %dma_wait3A_934 = tpu.memref_slice %arg2[%add3A_163] : memref<819200xi32, #tpu.memory_space<hbm>> -> memref<512xi32, #tpu.memory_space<hbm>>
    %dma_wait3A_935 = arith.constant 5120 : i32
    %dma_wait3A_936 = tpu.memref_slice %arg5[%dma_wait3A_935] : memref<25600xi32, #tpu.memory_space<vmem>> -> memref<512xi32, #tpu.memory_space<vmem>>
    %dma_wait3A_937 = tpu.memref_slice %arg2[%add3A_163] : memref<819200xi32, #tpu.memory_space<hbm>> -> memref<512xi32, #tpu.memory_space<hbm>>
    tpu.wait_dma2 semaphore(%arg10 : memref<!tpu.dma_semaphore, #tpu.memory_space<semaphore_mem>>) src(%dma_wait3A_937 : memref<512xi32, #tpu.memory_space<hbm>>) dst(%dma_wait3A_936 : memref<512xi32, #tpu.memory_space<vmem>>)
    %dma_wait3A_938 = arith.constant 5120 : i32
    %dma_wait3A_939 = tpu.memref_slice %arg6[%dma_wait3A_938] : memref<25600xf32, #tpu.memory_space<vmem>> -> memref<512xf32, #tpu.memory_space<vmem>>
    %dma_wait3A_940 = tpu.memref_slice %arg3[%add3A_171] : memref<819200xf32, #tpu.memory_space<hbm>> -> memref<512xf32, #tpu.memory_space<hbm>>
    %dma_wait3A_941 = arith.constant 5120 : i32
    %dma_wait3A_942 = tpu.memref_slice %arg6[%dma_wait3A_941] : memref<25600xf32, #tpu.memory_space<vmem>> -> memref<512xf32, #tpu.memory_space<vmem>>
    %dma_wait3A_943 = tpu.memref_slice %arg3[%add3A_171] : memref<819200xf32, #tpu.memory_space<hbm>> -> memref<512xf32, #tpu.memory_space<hbm>>
    tpu.wait_dma2 semaphore(%arg10 : memref<!tpu.dma_semaphore, #tpu.memory_space<semaphore_mem>>) src(%dma_wait3A_943 : memref<512xf32, #tpu.memory_space<hbm>>) dst(%dma_wait3A_942 : memref<512xf32, #tpu.memory_space<vmem>>)
    %dma_wait3A_944 = arith.constant 5632 : i32
    %dma_wait3A_945 = tpu.memref_slice %arg5[%dma_wait3A_944] : memref<25600xi32, #tpu.memory_space<vmem>> -> memref<512xi32, #tpu.memory_space<vmem>>
    %dma_wait3A_946 = tpu.memref_slice %arg2[%add3A_179] : memref<819200xi32, #tpu.memory_space<hbm>> -> memref<512xi32, #tpu.memory_space<hbm>>
    %dma_wait3A_947 = arith.constant 5632 : i32
    %dma_wait3A_948 = tpu.memref_slice %arg5[%dma_wait3A_947] : memref<25600xi32, #tpu.memory_space<vmem>> -> memref<512xi32, #tpu.memory_space<vmem>>
    %dma_wait3A_949 = tpu.memref_slice %arg2[%add3A_179] : memref<819200xi32, #tpu.memory_space<hbm>> -> memref<512xi32, #tpu.memory_space<hbm>>
    tpu.wait_dma2 semaphore(%arg10 : memref<!tpu.dma_semaphore, #tpu.memory_space<semaphore_mem>>) src(%dma_wait3A_949 : memref<512xi32, #tpu.memory_space<hbm>>) dst(%dma_wait3A_948 : memref<512xi32, #tpu.memory_space<vmem>>)
    %dma_wait3A_950 = arith.constant 5632 : i32
    %dma_wait3A_951 = tpu.memref_slice %arg6[%dma_wait3A_950] : memref<25600xf32, #tpu.memory_space<vmem>> -> memref<512xf32, #tpu.memory_space<vmem>>
    %dma_wait3A_952 = tpu.memref_slice %arg3[%add3A_187] : memref<819200xf32, #tpu.memory_space<hbm>> -> memref<512xf32, #tpu.memory_space<hbm>>
    %dma_wait3A_953 = arith.constant 5632 : i32
    %dma_wait3A_954 = tpu.memref_slice %arg6[%dma_wait3A_953] : memref<25600xf32, #tpu.memory_space<vmem>> -> memref<512xf32, #tpu.memory_space<vmem>>
    %dma_wait3A_955 = tpu.memref_slice %arg3[%add3A_187] : memref<819200xf32, #tpu.memory_space<hbm>> -> memref<512xf32, #tpu.memory_space<hbm>>
    tpu.wait_dma2 semaphore(%arg10 : memref<!tpu.dma_semaphore, #tpu.memory_space<semaphore_mem>>) src(%dma_wait3A_955 : memref<512xf32, #tpu.memory_space<hbm>>) dst(%dma_wait3A_954 : memref<512xf32, #tpu.memory_space<vmem>>)
    %dma_wait3A_956 = arith.constant 6144 : i32
    %dma_wait3A_957 = tpu.memref_slice %arg5[%dma_wait3A_956] : memref<25600xi32, #tpu.memory_space<vmem>> -> memref<512xi32, #tpu.memory_space<vmem>>
    %dma_wait3A_958 = tpu.memref_slice %arg2[%add3A_195] : memref<819200xi32, #tpu.memory_space<hbm>> -> memref<512xi32, #tpu.memory_space<hbm>>
    %dma_wait3A_959 = arith.constant 6144 : i32
    %dma_wait3A_960 = tpu.memref_slice %arg5[%dma_wait3A_959] : memref<25600xi32, #tpu.memory_space<vmem>> -> memref<512xi32, #tpu.memory_space<vmem>>
    %dma_wait3A_961 = tpu.memref_slice %arg2[%add3A_195] : memref<819200xi32, #tpu.memory_space<hbm>> -> memref<512xi32, #tpu.memory_space<hbm>>
    tpu.wait_dma2 semaphore(%arg10 : memref<!tpu.dma_semaphore, #tpu.memory_space<semaphore_mem>>) src(%dma_wait3A_961 : memref<512xi32, #tpu.memory_space<hbm>>) dst(%dma_wait3A_960 : memref<512xi32, #tpu.memory_space<vmem>>)
    %dma_wait3A_962 = arith.constant 6144 : i32
    %dma_wait3A_963 = tpu.memref_slice %arg6[%dma_wait3A_962] : memref<25600xf32, #tpu.memory_space<vmem>> -> memref<512xf32, #tpu.memory_space<vmem>>
    %dma_wait3A_964 = tpu.memref_slice %arg3[%add3A_203] : memref<819200xf32, #tpu.memory_space<hbm>> -> memref<512xf32, #tpu.memory_space<hbm>>
    %dma_wait3A_965 = arith.constant 6144 : i32
    %dma_wait3A_966 = tpu.memref_slice %arg6[%dma_wait3A_965] : memref<25600xf32, #tpu.memory_space<vmem>> -> memref<512xf32, #tpu.memory_space<vmem>>
    %dma_wait3A_967 = tpu.memref_slice %arg3[%add3A_203] : memref<819200xf32, #tpu.memory_space<hbm>> -> memref<512xf32, #tpu.memory_space<hbm>>
    tpu.wait_dma2 semaphore(%arg10 : memref<!tpu.dma_semaphore, #tpu.memory_space<semaphore_mem>>) src(%dma_wait3A_967 : memref<512xf32, #tpu.memory_space<hbm>>) dst(%dma_wait3A_966 : memref<512xf32, #tpu.memory_space<vmem>>)
    %dma_wait3A_968 = arith.constant 6656 : i32
    %dma_wait3A_969 = tpu.memref_slice %arg5[%dma_wait3A_968] : memref<25600xi32, #tpu.memory_space<vmem>> -> memref<512xi32, #tpu.memory_space<vmem>>
    %dma_wait3A_970 = tpu.memref_slice %arg2[%add3A_211] : memref<819200xi32, #tpu.memory_space<hbm>> -> memref<512xi32, #tpu.memory_space<hbm>>
    %dma_wait3A_971 = arith.constant 6656 : i32
    %dma_wait3A_972 = tpu.memref_slice %arg5[%dma_wait3A_971] : memref<25600xi32, #tpu.memory_space<vmem>> -> memref<512xi32, #tpu.memory_space<vmem>>
    %dma_wait3A_973 = tpu.memref_slice %arg2[%add3A_211] : memref<819200xi32, #tpu.memory_space<hbm>> -> memref<512xi32, #tpu.memory_space<hbm>>
    tpu.wait_dma2 semaphore(%arg10 : memref<!tpu.dma_semaphore, #tpu.memory_space<semaphore_mem>>) src(%dma_wait3A_973 : memref<512xi32, #tpu.memory_space<hbm>>) dst(%dma_wait3A_972 : memref<512xi32, #tpu.memory_space<vmem>>)
    %dma_wait3A_974 = arith.constant 6656 : i32
    %dma_wait3A_975 = tpu.memref_slice %arg6[%dma_wait3A_974] : memref<25600xf32, #tpu.memory_space<vmem>> -> memref<512xf32, #tpu.memory_space<vmem>>
    %dma_wait3A_976 = tpu.memref_slice %arg3[%add3A_219] : memref<819200xf32, #tpu.memory_space<hbm>> -> memref<512xf32, #tpu.memory_space<hbm>>
    %dma_wait3A_977 = arith.constant 6656 : i32
    %dma_wait3A_978 = tpu.memref_slice %arg6[%dma_wait3A_977] : memref<25600xf32, #tpu.memory_space<vmem>> -> memref<512xf32, #tpu.memory_space<vmem>>
    %dma_wait3A_979 = tpu.memref_slice %arg3[%add3A_219] : memref<819200xf32, #tpu.memory_space<hbm>> -> memref<512xf32, #tpu.memory_space<hbm>>
    tpu.wait_dma2 semaphore(%arg10 : memref<!tpu.dma_semaphore, #tpu.memory_space<semaphore_mem>>) src(%dma_wait3A_979 : memref<512xf32, #tpu.memory_space<hbm>>) dst(%dma_wait3A_978 : memref<512xf32, #tpu.memory_space<vmem>>)
    %dma_wait3A_980 = arith.constant 7168 : i32
    %dma_wait3A_981 = tpu.memref_slice %arg5[%dma_wait3A_980] : memref<25600xi32, #tpu.memory_space<vmem>> -> memref<512xi32, #tpu.memory_space<vmem>>
    %dma_wait3A_982 = tpu.memref_slice %arg2[%add3A_227] : memref<819200xi32, #tpu.memory_space<hbm>> -> memref<512xi32, #tpu.memory_space<hbm>>
    %dma_wait3A_983 = arith.constant 7168 : i32
    %dma_wait3A_984 = tpu.memref_slice %arg5[%dma_wait3A_983] : memref<25600xi32, #tpu.memory_space<vmem>> -> memref<512xi32, #tpu.memory_space<vmem>>
    %dma_wait3A_985 = tpu.memref_slice %arg2[%add3A_227] : memref<819200xi32, #tpu.memory_space<hbm>> -> memref<512xi32, #tpu.memory_space<hbm>>
    tpu.wait_dma2 semaphore(%arg10 : memref<!tpu.dma_semaphore, #tpu.memory_space<semaphore_mem>>) src(%dma_wait3A_985 : memref<512xi32, #tpu.memory_space<hbm>>) dst(%dma_wait3A_984 : memref<512xi32, #tpu.memory_space<vmem>>)
    %dma_wait3A_986 = arith.constant 7168 : i32
    %dma_wait3A_987 = tpu.memref_slice %arg6[%dma_wait3A_986] : memref<25600xf32, #tpu.memory_space<vmem>> -> memref<512xf32, #tpu.memory_space<vmem>>
    %dma_wait3A_988 = tpu.memref_slice %arg3[%add3A_235] : memref<819200xf32, #tpu.memory_space<hbm>> -> memref<512xf32, #tpu.memory_space<hbm>>
    %dma_wait3A_989 = arith.constant 7168 : i32
    %dma_wait3A_990 = tpu.memref_slice %arg6[%dma_wait3A_989] : memref<25600xf32, #tpu.memory_space<vmem>> -> memref<512xf32, #tpu.memory_space<vmem>>
    %dma_wait3A_991 = tpu.memref_slice %arg3[%add3A_235] : memref<819200xf32, #tpu.memory_space<hbm>> -> memref<512xf32, #tpu.memory_space<hbm>>
    tpu.wait_dma2 semaphore(%arg10 : memref<!tpu.dma_semaphore, #tpu.memory_space<semaphore_mem>>) src(%dma_wait3A_991 : memref<512xf32, #tpu.memory_space<hbm>>) dst(%dma_wait3A_990 : memref<512xf32, #tpu.memory_space<vmem>>)
    %dma_wait3A_992 = arith.constant 7680 : i32
    %dma_wait3A_993 = tpu.memref_slice %arg5[%dma_wait3A_992] : memref<25600xi32, #tpu.memory_space<vmem>> -> memref<512xi32, #tpu.memory_space<vmem>>
    %dma_wait3A_994 = tpu.memref_slice %arg2[%add3A_243] : memref<819200xi32, #tpu.memory_space<hbm>> -> memref<512xi32, #tpu.memory_space<hbm>>
    %dma_wait3A_995 = arith.constant 7680 : i32
    %dma_wait3A_996 = tpu.memref_slice %arg5[%dma_wait3A_995] : memref<25600xi32, #tpu.memory_space<vmem>> -> memref<512xi32, #tpu.memory_space<vmem>>
    %dma_wait3A_997 = tpu.memref_slice %arg2[%add3A_243] : memref<819200xi32, #tpu.memory_space<hbm>> -> memref<512xi32, #tpu.memory_space<hbm>>
    tpu.wait_dma2 semaphore(%arg10 : memref<!tpu.dma_semaphore, #tpu.memory_space<semaphore_mem>>) src(%dma_wait3A_997 : memref<512xi32, #tpu.memory_space<hbm>>) dst(%dma_wait3A_996 : memref<512xi32, #tpu.memory_space<vmem>>)
    %dma_wait3A_998 = arith.constant 7680 : i32
    %dma_wait3A_999 = tpu.memref_slice %arg6[%dma_wait3A_998] : memref<25600xf32, #tpu.memory_space<vmem>> -> memref<512xf32, #tpu.memory_space<vmem>>
    %dma_wait3A_1000 = tpu.memref_slice %arg3[%add3A_251] : memref<819200xf32, #tpu.memory_space<hbm>> -> memref<512xf32, #tpu.memory_space<hbm>>
    %dma_wait3A_1001 = arith.constant 7680 : i32
    %dma_wait3A_1002 = tpu.memref_slice %arg6[%dma_wait3A_1001] : memref<25600xf32, #tpu.memory_space<vmem>> -> memref<512xf32, #tpu.memory_space<vmem>>
    %dma_wait3A_1003 = tpu.memref_slice %arg3[%add3A_251] : memref<819200xf32, #tpu.memory_space<hbm>> -> memref<512xf32, #tpu.memory_space<hbm>>
    tpu.wait_dma2 semaphore(%arg10 : memref<!tpu.dma_semaphore, #tpu.memory_space<semaphore_mem>>) src(%dma_wait3A_1003 : memref<512xf32, #tpu.memory_space<hbm>>) dst(%dma_wait3A_1002 : memref<512xf32, #tpu.memory_space<vmem>>)
    %dma_wait3A_1004 = arith.constant 8192 : i32
    %dma_wait3A_1005 = tpu.memref_slice %arg5[%dma_wait3A_1004] : memref<25600xi32, #tpu.memory_space<vmem>> -> memref<512xi32, #tpu.memory_space<vmem>>
    %dma_wait3A_1006 = tpu.memref_slice %arg2[%add3A_259] : memref<819200xi32, #tpu.memory_space<hbm>> -> memref<512xi32, #tpu.memory_space<hbm>>
    %dma_wait3A_1007 = arith.constant 8192 : i32
    %dma_wait3A_1008 = tpu.memref_slice %arg5[%dma_wait3A_1007] : memref<25600xi32, #tpu.memory_space<vmem>> -> memref<512xi32, #tpu.memory_space<vmem>>
    %dma_wait3A_1009 = tpu.memref_slice %arg2[%add3A_259] : memref<819200xi32, #tpu.memory_space<hbm>> -> memref<512xi32, #tpu.memory_space<hbm>>
    tpu.wait_dma2 semaphore(%arg10 : memref<!tpu.dma_semaphore, #tpu.memory_space<semaphore_mem>>) src(%dma_wait3A_1009 : memref<512xi32, #tpu.memory_space<hbm>>) dst(%dma_wait3A_1008 : memref<512xi32, #tpu.memory_space<vmem>>)
    %dma_wait3A_1010 = arith.constant 8192 : i32
    %dma_wait3A_1011 = tpu.memref_slice %arg6[%dma_wait3A_1010] : memref<25600xf32, #tpu.memory_space<vmem>> -> memref<512xf32, #tpu.memory_space<vmem>>
    %dma_wait3A_1012 = tpu.memref_slice %arg3[%add3A_267] : memref<819200xf32, #tpu.memory_space<hbm>> -> memref<512xf32, #tpu.memory_space<hbm>>
    %dma_wait3A_1013 = arith.constant 8192 : i32
    %dma_wait3A_1014 = tpu.memref_slice %arg6[%dma_wait3A_1013] : memref<25600xf32, #tpu.memory_space<vmem>> -> memref<512xf32, #tpu.memory_space<vmem>>
    %dma_wait3A_1015 = tpu.memref_slice %arg3[%add3A_267] : memref<819200xf32, #tpu.memory_space<hbm>> -> memref<512xf32, #tpu.memory_space<hbm>>
    tpu.wait_dma2 semaphore(%arg10 : memref<!tpu.dma_semaphore, #tpu.memory_space<semaphore_mem>>) src(%dma_wait3A_1015 : memref<512xf32, #tpu.memory_space<hbm>>) dst(%dma_wait3A_1014 : memref<512xf32, #tpu.memory_space<vmem>>)
    %dma_wait3A_1016 = arith.constant 8704 : i32
    %dma_wait3A_1017 = tpu.memref_slice %arg5[%dma_wait3A_1016] : memref<25600xi32, #tpu.memory_space<vmem>> -> memref<512xi32, #tpu.memory_space<vmem>>
    %dma_wait3A_1018 = tpu.memref_slice %arg2[%add3A_275] : memref<819200xi32, #tpu.memory_space<hbm>> -> memref<512xi32, #tpu.memory_space<hbm>>
    %dma_wait3A_1019 = arith.constant 8704 : i32
    %dma_wait3A_1020 = tpu.memref_slice %arg5[%dma_wait3A_1019] : memref<25600xi32, #tpu.memory_space<vmem>> -> memref<512xi32, #tpu.memory_space<vmem>>
    %dma_wait3A_1021 = tpu.memref_slice %arg2[%add3A_275] : memref<819200xi32, #tpu.memory_space<hbm>> -> memref<512xi32, #tpu.memory_space<hbm>>
    tpu.wait_dma2 semaphore(%arg10 : memref<!tpu.dma_semaphore, #tpu.memory_space<semaphore_mem>>) src(%dma_wait3A_1021 : memref<512xi32, #tpu.memory_space<hbm>>) dst(%dma_wait3A_1020 : memref<512xi32, #tpu.memory_space<vmem>>)
    %dma_wait3A_1022 = arith.constant 8704 : i32
    %dma_wait3A_1023 = tpu.memref_slice %arg6[%dma_wait3A_1022] : memref<25600xf32, #tpu.memory_space<vmem>> -> memref<512xf32, #tpu.memory_space<vmem>>
    %dma_wait3A_1024 = tpu.memref_slice %arg3[%add3A_283] : memref<819200xf32, #tpu.memory_space<hbm>> -> memref<512xf32, #tpu.memory_space<hbm>>
    %dma_wait3A_1025 = arith.constant 8704 : i32
    %dma_wait3A_1026 = tpu.memref_slice %arg6[%dma_wait3A_1025] : memref<25600xf32, #tpu.memory_space<vmem>> -> memref<512xf32, #tpu.memory_space<vmem>>
    %dma_wait3A_1027 = tpu.memref_slice %arg3[%add3A_283] : memref<819200xf32, #tpu.memory_space<hbm>> -> memref<512xf32, #tpu.memory_space<hbm>>
    tpu.wait_dma2 semaphore(%arg10 : memref<!tpu.dma_semaphore, #tpu.memory_space<semaphore_mem>>) src(%dma_wait3A_1027 : memref<512xf32, #tpu.memory_space<hbm>>) dst(%dma_wait3A_1026 : memref<512xf32, #tpu.memory_space<vmem>>)
    %dma_wait3A_1028 = arith.constant 9216 : i32
    %dma_wait3A_1029 = tpu.memref_slice %arg5[%dma_wait3A_1028] : memref<25600xi32, #tpu.memory_space<vmem>> -> memref<512xi32, #tpu.memory_space<vmem>>
    %dma_wait3A_1030 = tpu.memref_slice %arg2[%add3A_291] : memref<819200xi32, #tpu.memory_space<hbm>> -> memref<512xi32, #tpu.memory_space<hbm>>
    %dma_wait3A_1031 = arith.constant 9216 : i32
    %dma_wait3A_1032 = tpu.memref_slice %arg5[%dma_wait3A_1031] : memref<25600xi32, #tpu.memory_space<vmem>> -> memref<512xi32, #tpu.memory_space<vmem>>
    %dma_wait3A_1033 = tpu.memref_slice %arg2[%add3A_291] : memref<819200xi32, #tpu.memory_space<hbm>> -> memref<512xi32, #tpu.memory_space<hbm>>
    tpu.wait_dma2 semaphore(%arg10 : memref<!tpu.dma_semaphore, #tpu.memory_space<semaphore_mem>>) src(%dma_wait3A_1033 : memref<512xi32, #tpu.memory_space<hbm>>) dst(%dma_wait3A_1032 : memref<512xi32, #tpu.memory_space<vmem>>)
    %dma_wait3A_1034 = arith.constant 9216 : i32
    %dma_wait3A_1035 = tpu.memref_slice %arg6[%dma_wait3A_1034] : memref<25600xf32, #tpu.memory_space<vmem>> -> memref<512xf32, #tpu.memory_space<vmem>>
    %dma_wait3A_1036 = tpu.memref_slice %arg3[%add3A_299] : memref<819200xf32, #tpu.memory_space<hbm>> -> memref<512xf32, #tpu.memory_space<hbm>>
    %dma_wait3A_1037 = arith.constant 9216 : i32
    %dma_wait3A_1038 = tpu.memref_slice %arg6[%dma_wait3A_1037] : memref<25600xf32, #tpu.memory_space<vmem>> -> memref<512xf32, #tpu.memory_space<vmem>>
    %dma_wait3A_1039 = tpu.memref_slice %arg3[%add3A_299] : memref<819200xf32, #tpu.memory_space<hbm>> -> memref<512xf32, #tpu.memory_space<hbm>>
    tpu.wait_dma2 semaphore(%arg10 : memref<!tpu.dma_semaphore, #tpu.memory_space<semaphore_mem>>) src(%dma_wait3A_1039 : memref<512xf32, #tpu.memory_space<hbm>>) dst(%dma_wait3A_1038 : memref<512xf32, #tpu.memory_space<vmem>>)
    %dma_wait3A_1040 = arith.constant 9728 : i32
    %dma_wait3A_1041 = tpu.memref_slice %arg5[%dma_wait3A_1040] : memref<25600xi32, #tpu.memory_space<vmem>> -> memref<512xi32, #tpu.memory_space<vmem>>
    %dma_wait3A_1042 = tpu.memref_slice %arg2[%add3A_307] : memref<819200xi32, #tpu.memory_space<hbm>> -> memref<512xi32, #tpu.memory_space<hbm>>
    %dma_wait3A_1043 = arith.constant 9728 : i32
    %dma_wait3A_1044 = tpu.memref_slice %arg5[%dma_wait3A_1043] : memref<25600xi32, #tpu.memory_space<vmem>> -> memref<512xi32, #tpu.memory_space<vmem>>
    %dma_wait3A_1045 = tpu.memref_slice %arg2[%add3A_307] : memref<819200xi32, #tpu.memory_space<hbm>> -> memref<512xi32, #tpu.memory_space<hbm>>
    tpu.wait_dma2 semaphore(%arg10 : memref<!tpu.dma_semaphore, #tpu.memory_space<semaphore_mem>>) src(%dma_wait3A_1045 : memref<512xi32, #tpu.memory_space<hbm>>) dst(%dma_wait3A_1044 : memref<512xi32, #tpu.memory_space<vmem>>)
    %dma_wait3A_1046 = arith.constant 9728 : i32
    %dma_wait3A_1047 = tpu.memref_slice %arg6[%dma_wait3A_1046] : memref<25600xf32, #tpu.memory_space<vmem>> -> memref<512xf32, #tpu.memory_space<vmem>>
    %dma_wait3A_1048 = tpu.memref_slice %arg3[%add3A_315] : memref<819200xf32, #tpu.memory_space<hbm>> -> memref<512xf32, #tpu.memory_space<hbm>>
    %dma_wait3A_1049 = arith.constant 9728 : i32
    %dma_wait3A_1050 = tpu.memref_slice %arg6[%dma_wait3A_1049] : memref<25600xf32, #tpu.memory_space<vmem>> -> memref<512xf32, #tpu.memory_space<vmem>>
    %dma_wait3A_1051 = tpu.memref_slice %arg3[%add3A_315] : memref<819200xf32, #tpu.memory_space<hbm>> -> memref<512xf32, #tpu.memory_space<hbm>>
    tpu.wait_dma2 semaphore(%arg10 : memref<!tpu.dma_semaphore, #tpu.memory_space<semaphore_mem>>) src(%dma_wait3A_1051 : memref<512xf32, #tpu.memory_space<hbm>>) dst(%dma_wait3A_1050 : memref<512xf32, #tpu.memory_space<vmem>>)
    %dma_wait3A_1052 = arith.constant 10240 : i32
    %dma_wait3A_1053 = tpu.memref_slice %arg5[%dma_wait3A_1052] : memref<25600xi32, #tpu.memory_space<vmem>> -> memref<512xi32, #tpu.memory_space<vmem>>
    %dma_wait3A_1054 = tpu.memref_slice %arg2[%add3A_323] : memref<819200xi32, #tpu.memory_space<hbm>> -> memref<512xi32, #tpu.memory_space<hbm>>
    %dma_wait3A_1055 = arith.constant 10240 : i32
    %dma_wait3A_1056 = tpu.memref_slice %arg5[%dma_wait3A_1055] : memref<25600xi32, #tpu.memory_space<vmem>> -> memref<512xi32, #tpu.memory_space<vmem>>
    %dma_wait3A_1057 = tpu.memref_slice %arg2[%add3A_323] : memref<819200xi32, #tpu.memory_space<hbm>> -> memref<512xi32, #tpu.memory_space<hbm>>
    tpu.wait_dma2 semaphore(%arg10 : memref<!tpu.dma_semaphore, #tpu.memory_space<semaphore_mem>>) src(%dma_wait3A_1057 : memref<512xi32, #tpu.memory_space<hbm>>) dst(%dma_wait3A_1056 : memref<512xi32, #tpu.memory_space<vmem>>)
    %dma_wait3A_1058 = arith.constant 10240 : i32
    %dma_wait3A_1059 = tpu.memref_slice %arg6[%dma_wait3A_1058] : memref<25600xf32, #tpu.memory_space<vmem>> -> memref<512xf32, #tpu.memory_space<vmem>>
    %dma_wait3A_1060 = tpu.memref_slice %arg3[%add3A_331] : memref<819200xf32, #tpu.memory_space<hbm>> -> memref<512xf32, #tpu.memory_space<hbm>>
    %dma_wait3A_1061 = arith.constant 10240 : i32
    %dma_wait3A_1062 = tpu.memref_slice %arg6[%dma_wait3A_1061] : memref<25600xf32, #tpu.memory_space<vmem>> -> memref<512xf32, #tpu.memory_space<vmem>>
    %dma_wait3A_1063 = tpu.memref_slice %arg3[%add3A_331] : memref<819200xf32, #tpu.memory_space<hbm>> -> memref<512xf32, #tpu.memory_space<hbm>>
    tpu.wait_dma2 semaphore(%arg10 : memref<!tpu.dma_semaphore, #tpu.memory_space<semaphore_mem>>) src(%dma_wait3A_1063 : memref<512xf32, #tpu.memory_space<hbm>>) dst(%dma_wait3A_1062 : memref<512xf32, #tpu.memory_space<vmem>>)
    %dma_wait3A_1064 = arith.constant 10752 : i32
    %dma_wait3A_1065 = tpu.memref_slice %arg5[%dma_wait3A_1064] : memref<25600xi32, #tpu.memory_space<vmem>> -> memref<512xi32, #tpu.memory_space<vmem>>
    %dma_wait3A_1066 = tpu.memref_slice %arg2[%add3A_339] : memref<819200xi32, #tpu.memory_space<hbm>> -> memref<512xi32, #tpu.memory_space<hbm>>
    %dma_wait3A_1067 = arith.constant 10752 : i32
    %dma_wait3A_1068 = tpu.memref_slice %arg5[%dma_wait3A_1067] : memref<25600xi32, #tpu.memory_space<vmem>> -> memref<512xi32, #tpu.memory_space<vmem>>
    %dma_wait3A_1069 = tpu.memref_slice %arg2[%add3A_339] : memref<819200xi32, #tpu.memory_space<hbm>> -> memref<512xi32, #tpu.memory_space<hbm>>
    tpu.wait_dma2 semaphore(%arg10 : memref<!tpu.dma_semaphore, #tpu.memory_space<semaphore_mem>>) src(%dma_wait3A_1069 : memref<512xi32, #tpu.memory_space<hbm>>) dst(%dma_wait3A_1068 : memref<512xi32, #tpu.memory_space<vmem>>)
    %dma_wait3A_1070 = arith.constant 10752 : i32
    %dma_wait3A_1071 = tpu.memref_slice %arg6[%dma_wait3A_1070] : memref<25600xf32, #tpu.memory_space<vmem>> -> memref<512xf32, #tpu.memory_space<vmem>>
    %dma_wait3A_1072 = tpu.memref_slice %arg3[%add3A_347] : memref<819200xf32, #tpu.memory_space<hbm>> -> memref<512xf32, #tpu.memory_space<hbm>>
    %dma_wait3A_1073 = arith.constant 10752 : i32
    %dma_wait3A_1074 = tpu.memref_slice %arg6[%dma_wait3A_1073] : memref<25600xf32, #tpu.memory_space<vmem>> -> memref<512xf32, #tpu.memory_space<vmem>>
    %dma_wait3A_1075 = tpu.memref_slice %arg3[%add3A_347] : memref<819200xf32, #tpu.memory_space<hbm>> -> memref<512xf32, #tpu.memory_space<hbm>>
    tpu.wait_dma2 semaphore(%arg10 : memref<!tpu.dma_semaphore, #tpu.memory_space<semaphore_mem>>) src(%dma_wait3A_1075 : memref<512xf32, #tpu.memory_space<hbm>>) dst(%dma_wait3A_1074 : memref<512xf32, #tpu.memory_space<vmem>>)
    %dma_wait3A_1076 = arith.constant 11264 : i32
    %dma_wait3A_1077 = tpu.memref_slice %arg5[%dma_wait3A_1076] : memref<25600xi32, #tpu.memory_space<vmem>> -> memref<512xi32, #tpu.memory_space<vmem>>
    %dma_wait3A_1078 = tpu.memref_slice %arg2[%add3A_355] : memref<819200xi32, #tpu.memory_space<hbm>> -> memref<512xi32, #tpu.memory_space<hbm>>
    %dma_wait3A_1079 = arith.constant 11264 : i32
    %dma_wait3A_1080 = tpu.memref_slice %arg5[%dma_wait3A_1079] : memref<25600xi32, #tpu.memory_space<vmem>> -> memref<512xi32, #tpu.memory_space<vmem>>
    %dma_wait3A_1081 = tpu.memref_slice %arg2[%add3A_355] : memref<819200xi32, #tpu.memory_space<hbm>> -> memref<512xi32, #tpu.memory_space<hbm>>
    tpu.wait_dma2 semaphore(%arg10 : memref<!tpu.dma_semaphore, #tpu.memory_space<semaphore_mem>>) src(%dma_wait3A_1081 : memref<512xi32, #tpu.memory_space<hbm>>) dst(%dma_wait3A_1080 : memref<512xi32, #tpu.memory_space<vmem>>)
    %dma_wait3A_1082 = arith.constant 11264 : i32
    %dma_wait3A_1083 = tpu.memref_slice %arg6[%dma_wait3A_1082] : memref<25600xf32, #tpu.memory_space<vmem>> -> memref<512xf32, #tpu.memory_space<vmem>>
    %dma_wait3A_1084 = tpu.memref_slice %arg3[%add3A_363] : memref<819200xf32, #tpu.memory_space<hbm>> -> memref<512xf32, #tpu.memory_space<hbm>>
    %dma_wait3A_1085 = arith.constant 11264 : i32
    %dma_wait3A_1086 = tpu.memref_slice %arg6[%dma_wait3A_1085] : memref<25600xf32, #tpu.memory_space<vmem>> -> memref<512xf32, #tpu.memory_space<vmem>>
    %dma_wait3A_1087 = tpu.memref_slice %arg3[%add3A_363] : memref<819200xf32, #tpu.memory_space<hbm>> -> memref<512xf32, #tpu.memory_space<hbm>>
    tpu.wait_dma2 semaphore(%arg10 : memref<!tpu.dma_semaphore, #tpu.memory_space<semaphore_mem>>) src(%dma_wait3A_1087 : memref<512xf32, #tpu.memory_space<hbm>>) dst(%dma_wait3A_1086 : memref<512xf32, #tpu.memory_space<vmem>>)
    %dma_wait3A_1088 = arith.constant 11776 : i32
    %dma_wait3A_1089 = tpu.memref_slice %arg5[%dma_wait3A_1088] : memref<25600xi32, #tpu.memory_space<vmem>> -> memref<512xi32, #tpu.memory_space<vmem>>
    %dma_wait3A_1090 = tpu.memref_slice %arg2[%add3A_371] : memref<819200xi32, #tpu.memory_space<hbm>> -> memref<512xi32, #tpu.memory_space<hbm>>
    %dma_wait3A_1091 = arith.constant 11776 : i32
    %dma_wait3A_1092 = tpu.memref_slice %arg5[%dma_wait3A_1091] : memref<25600xi32, #tpu.memory_space<vmem>> -> memref<512xi32, #tpu.memory_space<vmem>>
    %dma_wait3A_1093 = tpu.memref_slice %arg2[%add3A_371] : memref<819200xi32, #tpu.memory_space<hbm>> -> memref<512xi32, #tpu.memory_space<hbm>>
    tpu.wait_dma2 semaphore(%arg10 : memref<!tpu.dma_semaphore, #tpu.memory_space<semaphore_mem>>) src(%dma_wait3A_1093 : memref<512xi32, #tpu.memory_space<hbm>>) dst(%dma_wait3A_1092 : memref<512xi32, #tpu.memory_space<vmem>>)
    %dma_wait3A_1094 = arith.constant 11776 : i32
    %dma_wait3A_1095 = tpu.memref_slice %arg6[%dma_wait3A_1094] : memref<25600xf32, #tpu.memory_space<vmem>> -> memref<512xf32, #tpu.memory_space<vmem>>
    %dma_wait3A_1096 = tpu.memref_slice %arg3[%add3A_379] : memref<819200xf32, #tpu.memory_space<hbm>> -> memref<512xf32, #tpu.memory_space<hbm>>
    %dma_wait3A_1097 = arith.constant 11776 : i32
    %dma_wait3A_1098 = tpu.memref_slice %arg6[%dma_wait3A_1097] : memref<25600xf32, #tpu.memory_space<vmem>> -> memref<512xf32, #tpu.memory_space<vmem>>
    %dma_wait3A_1099 = tpu.memref_slice %arg3[%add3A_379] : memref<819200xf32, #tpu.memory_space<hbm>> -> memref<512xf32, #tpu.memory_space<hbm>>
    tpu.wait_dma2 semaphore(%arg10 : memref<!tpu.dma_semaphore, #tpu.memory_space<semaphore_mem>>) src(%dma_wait3A_1099 : memref<512xf32, #tpu.memory_space<hbm>>) dst(%dma_wait3A_1098 : memref<512xf32, #tpu.memory_space<vmem>>)
    %dma_wait3A_1100 = arith.constant 12288 : i32
    %dma_wait3A_1101 = tpu.memref_slice %arg5[%dma_wait3A_1100] : memref<25600xi32, #tpu.memory_space<vmem>> -> memref<512xi32, #tpu.memory_space<vmem>>
    %dma_wait3A_1102 = tpu.memref_slice %arg2[%add3A_387] : memref<819200xi32, #tpu.memory_space<hbm>> -> memref<512xi32, #tpu.memory_space<hbm>>
    %dma_wait3A_1103 = arith.constant 12288 : i32
    %dma_wait3A_1104 = tpu.memref_slice %arg5[%dma_wait3A_1103] : memref<25600xi32, #tpu.memory_space<vmem>> -> memref<512xi32, #tpu.memory_space<vmem>>
    %dma_wait3A_1105 = tpu.memref_slice %arg2[%add3A_387] : memref<819200xi32, #tpu.memory_space<hbm>> -> memref<512xi32, #tpu.memory_space<hbm>>
    tpu.wait_dma2 semaphore(%arg10 : memref<!tpu.dma_semaphore, #tpu.memory_space<semaphore_mem>>) src(%dma_wait3A_1105 : memref<512xi32, #tpu.memory_space<hbm>>) dst(%dma_wait3A_1104 : memref<512xi32, #tpu.memory_space<vmem>>)
    %dma_wait3A_1106 = arith.constant 12288 : i32
    %dma_wait3A_1107 = tpu.memref_slice %arg6[%dma_wait3A_1106] : memref<25600xf32, #tpu.memory_space<vmem>> -> memref<512xf32, #tpu.memory_space<vmem>>
    %dma_wait3A_1108 = tpu.memref_slice %arg3[%add3A_395] : memref<819200xf32, #tpu.memory_space<hbm>> -> memref<512xf32, #tpu.memory_space<hbm>>
    %dma_wait3A_1109 = arith.constant 12288 : i32
    %dma_wait3A_1110 = tpu.memref_slice %arg6[%dma_wait3A_1109] : memref<25600xf32, #tpu.memory_space<vmem>> -> memref<512xf32, #tpu.memory_space<vmem>>
    %dma_wait3A_1111 = tpu.memref_slice %arg3[%add3A_395] : memref<819200xf32, #tpu.memory_space<hbm>> -> memref<512xf32, #tpu.memory_space<hbm>>
    tpu.wait_dma2 semaphore(%arg10 : memref<!tpu.dma_semaphore, #tpu.memory_space<semaphore_mem>>) src(%dma_wait3A_1111 : memref<512xf32, #tpu.memory_space<hbm>>) dst(%dma_wait3A_1110 : memref<512xf32, #tpu.memory_space<vmem>>)
    %dma_wait3A_1112 = arith.constant 12800 : i32
    %dma_wait3A_1113 = tpu.memref_slice %arg5[%dma_wait3A_1112] : memref<25600xi32, #tpu.memory_space<vmem>> -> memref<512xi32, #tpu.memory_space<vmem>>
    %dma_wait3A_1114 = tpu.memref_slice %arg2[%add3A_403] : memref<819200xi32, #tpu.memory_space<hbm>> -> memref<512xi32, #tpu.memory_space<hbm>>
    %dma_wait3A_1115 = arith.constant 12800 : i32
    %dma_wait3A_1116 = tpu.memref_slice %arg5[%dma_wait3A_1115] : memref<25600xi32, #tpu.memory_space<vmem>> -> memref<512xi32, #tpu.memory_space<vmem>>
    %dma_wait3A_1117 = tpu.memref_slice %arg2[%add3A_403] : memref<819200xi32, #tpu.memory_space<hbm>> -> memref<512xi32, #tpu.memory_space<hbm>>
    tpu.wait_dma2 semaphore(%arg10 : memref<!tpu.dma_semaphore, #tpu.memory_space<semaphore_mem>>) src(%dma_wait3A_1117 : memref<512xi32, #tpu.memory_space<hbm>>) dst(%dma_wait3A_1116 : memref<512xi32, #tpu.memory_space<vmem>>)
    %dma_wait3A_1118 = arith.constant 12800 : i32
    %dma_wait3A_1119 = tpu.memref_slice %arg6[%dma_wait3A_1118] : memref<25600xf32, #tpu.memory_space<vmem>> -> memref<512xf32, #tpu.memory_space<vmem>>
    %dma_wait3A_1120 = tpu.memref_slice %arg3[%add3A_411] : memref<819200xf32, #tpu.memory_space<hbm>> -> memref<512xf32, #tpu.memory_space<hbm>>
    %dma_wait3A_1121 = arith.constant 12800 : i32
    %dma_wait3A_1122 = tpu.memref_slice %arg6[%dma_wait3A_1121] : memref<25600xf32, #tpu.memory_space<vmem>> -> memref<512xf32, #tpu.memory_space<vmem>>
    %dma_wait3A_1123 = tpu.memref_slice %arg3[%add3A_411] : memref<819200xf32, #tpu.memory_space<hbm>> -> memref<512xf32, #tpu.memory_space<hbm>>
    tpu.wait_dma2 semaphore(%arg10 : memref<!tpu.dma_semaphore, #tpu.memory_space<semaphore_mem>>) src(%dma_wait3A_1123 : memref<512xf32, #tpu.memory_space<hbm>>) dst(%dma_wait3A_1122 : memref<512xf32, #tpu.memory_space<vmem>>)
    %dma_wait3A_1124 = arith.constant 13312 : i32
    %dma_wait3A_1125 = tpu.memref_slice %arg5[%dma_wait3A_1124] : memref<25600xi32, #tpu.memory_space<vmem>> -> memref<512xi32, #tpu.memory_space<vmem>>
    %dma_wait3A_1126 = tpu.memref_slice %arg2[%add3A_419] : memref<819200xi32, #tpu.memory_space<hbm>> -> memref<512xi32, #tpu.memory_space<hbm>>
    %dma_wait3A_1127 = arith.constant 13312 : i32
    %dma_wait3A_1128 = tpu.memref_slice %arg5[%dma_wait3A_1127] : memref<25600xi32, #tpu.memory_space<vmem>> -> memref<512xi32, #tpu.memory_space<vmem>>
    %dma_wait3A_1129 = tpu.memref_slice %arg2[%add3A_419] : memref<819200xi32, #tpu.memory_space<hbm>> -> memref<512xi32, #tpu.memory_space<hbm>>
    tpu.wait_dma2 semaphore(%arg10 : memref<!tpu.dma_semaphore, #tpu.memory_space<semaphore_mem>>) src(%dma_wait3A_1129 : memref<512xi32, #tpu.memory_space<hbm>>) dst(%dma_wait3A_1128 : memref<512xi32, #tpu.memory_space<vmem>>)
    %dma_wait3A_1130 = arith.constant 13312 : i32
    %dma_wait3A_1131 = tpu.memref_slice %arg6[%dma_wait3A_1130] : memref<25600xf32, #tpu.memory_space<vmem>> -> memref<512xf32, #tpu.memory_space<vmem>>
    %dma_wait3A_1132 = tpu.memref_slice %arg3[%add3A_427] : memref<819200xf32, #tpu.memory_space<hbm>> -> memref<512xf32, #tpu.memory_space<hbm>>
    %dma_wait3A_1133 = arith.constant 13312 : i32
    %dma_wait3A_1134 = tpu.memref_slice %arg6[%dma_wait3A_1133] : memref<25600xf32, #tpu.memory_space<vmem>> -> memref<512xf32, #tpu.memory_space<vmem>>
    %dma_wait3A_1135 = tpu.memref_slice %arg3[%add3A_427] : memref<819200xf32, #tpu.memory_space<hbm>> -> memref<512xf32, #tpu.memory_space<hbm>>
    tpu.wait_dma2 semaphore(%arg10 : memref<!tpu.dma_semaphore, #tpu.memory_space<semaphore_mem>>) src(%dma_wait3A_1135 : memref<512xf32, #tpu.memory_space<hbm>>) dst(%dma_wait3A_1134 : memref<512xf32, #tpu.memory_space<vmem>>)
    %dma_wait3A_1136 = arith.constant 13824 : i32
    %dma_wait3A_1137 = tpu.memref_slice %arg5[%dma_wait3A_1136] : memref<25600xi32, #tpu.memory_space<vmem>> -> memref<512xi32, #tpu.memory_space<vmem>>
    %dma_wait3A_1138 = tpu.memref_slice %arg2[%add3A_435] : memref<819200xi32, #tpu.memory_space<hbm>> -> memref<512xi32, #tpu.memory_space<hbm>>
    %dma_wait3A_1139 = arith.constant 13824 : i32
    %dma_wait3A_1140 = tpu.memref_slice %arg5[%dma_wait3A_1139] : memref<25600xi32, #tpu.memory_space<vmem>> -> memref<512xi32, #tpu.memory_space<vmem>>
    %dma_wait3A_1141 = tpu.memref_slice %arg2[%add3A_435] : memref<819200xi32, #tpu.memory_space<hbm>> -> memref<512xi32, #tpu.memory_space<hbm>>
    tpu.wait_dma2 semaphore(%arg10 : memref<!tpu.dma_semaphore, #tpu.memory_space<semaphore_mem>>) src(%dma_wait3A_1141 : memref<512xi32, #tpu.memory_space<hbm>>) dst(%dma_wait3A_1140 : memref<512xi32, #tpu.memory_space<vmem>>)
    %dma_wait3A_1142 = arith.constant 13824 : i32
    %dma_wait3A_1143 = tpu.memref_slice %arg6[%dma_wait3A_1142] : memref<25600xf32, #tpu.memory_space<vmem>> -> memref<512xf32, #tpu.memory_space<vmem>>
    %dma_wait3A_1144 = tpu.memref_slice %arg3[%add3A_443] : memref<819200xf32, #tpu.memory_space<hbm>> -> memref<512xf32, #tpu.memory_space<hbm>>
    %dma_wait3A_1145 = arith.constant 13824 : i32
    %dma_wait3A_1146 = tpu.memref_slice %arg6[%dma_wait3A_1145] : memref<25600xf32, #tpu.memory_space<vmem>> -> memref<512xf32, #tpu.memory_space<vmem>>
    %dma_wait3A_1147 = tpu.memref_slice %arg3[%add3A_443] : memref<819200xf32, #tpu.memory_space<hbm>> -> memref<512xf32, #tpu.memory_space<hbm>>
    tpu.wait_dma2 semaphore(%arg10 : memref<!tpu.dma_semaphore, #tpu.memory_space<semaphore_mem>>) src(%dma_wait3A_1147 : memref<512xf32, #tpu.memory_space<hbm>>) dst(%dma_wait3A_1146 : memref<512xf32, #tpu.memory_space<vmem>>)
    %dma_wait3A_1148 = arith.constant 14336 : i32
    %dma_wait3A_1149 = tpu.memref_slice %arg5[%dma_wait3A_1148] : memref<25600xi32, #tpu.memory_space<vmem>> -> memref<512xi32, #tpu.memory_space<vmem>>
    %dma_wait3A_1150 = tpu.memref_slice %arg2[%add3A_451] : memref<819200xi32, #tpu.memory_space<hbm>> -> memref<512xi32, #tpu.memory_space<hbm>>
    %dma_wait3A_1151 = arith.constant 14336 : i32
    %dma_wait3A_1152 = tpu.memref_slice %arg5[%dma_wait3A_1151] : memref<25600xi32, #tpu.memory_space<vmem>> -> memref<512xi32, #tpu.memory_space<vmem>>
    %dma_wait3A_1153 = tpu.memref_slice %arg2[%add3A_451] : memref<819200xi32, #tpu.memory_space<hbm>> -> memref<512xi32, #tpu.memory_space<hbm>>
    tpu.wait_dma2 semaphore(%arg10 : memref<!tpu.dma_semaphore, #tpu.memory_space<semaphore_mem>>) src(%dma_wait3A_1153 : memref<512xi32, #tpu.memory_space<hbm>>) dst(%dma_wait3A_1152 : memref<512xi32, #tpu.memory_space<vmem>>)
    %dma_wait3A_1154 = arith.constant 14336 : i32
    %dma_wait3A_1155 = tpu.memref_slice %arg6[%dma_wait3A_1154] : memref<25600xf32, #tpu.memory_space<vmem>> -> memref<512xf32, #tpu.memory_space<vmem>>
    %dma_wait3A_1156 = tpu.memref_slice %arg3[%add3A_459] : memref<819200xf32, #tpu.memory_space<hbm>> -> memref<512xf32, #tpu.memory_space<hbm>>
    %dma_wait3A_1157 = arith.constant 14336 : i32
    %dma_wait3A_1158 = tpu.memref_slice %arg6[%dma_wait3A_1157] : memref<25600xf32, #tpu.memory_space<vmem>> -> memref<512xf32, #tpu.memory_space<vmem>>
    %dma_wait3A_1159 = tpu.memref_slice %arg3[%add3A_459] : memref<819200xf32, #tpu.memory_space<hbm>> -> memref<512xf32, #tpu.memory_space<hbm>>
    tpu.wait_dma2 semaphore(%arg10 : memref<!tpu.dma_semaphore, #tpu.memory_space<semaphore_mem>>) src(%dma_wait3A_1159 : memref<512xf32, #tpu.memory_space<hbm>>) dst(%dma_wait3A_1158 : memref<512xf32, #tpu.memory_space<vmem>>)
    %dma_wait3A_1160 = arith.constant 14848 : i32
    %dma_wait3A_1161 = tpu.memref_slice %arg5[%dma_wait3A_1160] : memref<25600xi32, #tpu.memory_space<vmem>> -> memref<512xi32, #tpu.memory_space<vmem>>
    %dma_wait3A_1162 = tpu.memref_slice %arg2[%add3A_467] : memref<819200xi32, #tpu.memory_space<hbm>> -> memref<512xi32, #tpu.memory_space<hbm>>
    %dma_wait3A_1163 = arith.constant 14848 : i32
    %dma_wait3A_1164 = tpu.memref_slice %arg5[%dma_wait3A_1163] : memref<25600xi32, #tpu.memory_space<vmem>> -> memref<512xi32, #tpu.memory_space<vmem>>
    %dma_wait3A_1165 = tpu.memref_slice %arg2[%add3A_467] : memref<819200xi32, #tpu.memory_space<hbm>> -> memref<512xi32, #tpu.memory_space<hbm>>
    tpu.wait_dma2 semaphore(%arg10 : memref<!tpu.dma_semaphore, #tpu.memory_space<semaphore_mem>>) src(%dma_wait3A_1165 : memref<512xi32, #tpu.memory_space<hbm>>) dst(%dma_wait3A_1164 : memref<512xi32, #tpu.memory_space<vmem>>)
    %dma_wait3A_1166 = arith.constant 14848 : i32
    %dma_wait3A_1167 = tpu.memref_slice %arg6[%dma_wait3A_1166] : memref<25600xf32, #tpu.memory_space<vmem>> -> memref<512xf32, #tpu.memory_space<vmem>>
    %dma_wait3A_1168 = tpu.memref_slice %arg3[%add3A_475] : memref<819200xf32, #tpu.memory_space<hbm>> -> memref<512xf32, #tpu.memory_space<hbm>>
    %dma_wait3A_1169 = arith.constant 14848 : i32
    %dma_wait3A_1170 = tpu.memref_slice %arg6[%dma_wait3A_1169] : memref<25600xf32, #tpu.memory_space<vmem>> -> memref<512xf32, #tpu.memory_space<vmem>>
    %dma_wait3A_1171 = tpu.memref_slice %arg3[%add3A_475] : memref<819200xf32, #tpu.memory_space<hbm>> -> memref<512xf32, #tpu.memory_space<hbm>>
    tpu.wait_dma2 semaphore(%arg10 : memref<!tpu.dma_semaphore, #tpu.memory_space<semaphore_mem>>) src(%dma_wait3A_1171 : memref<512xf32, #tpu.memory_space<hbm>>) dst(%dma_wait3A_1170 : memref<512xf32, #tpu.memory_space<vmem>>)
    %dma_wait3A_1172 = arith.constant 15360 : i32
    %dma_wait3A_1173 = tpu.memref_slice %arg5[%dma_wait3A_1172] : memref<25600xi32, #tpu.memory_space<vmem>> -> memref<512xi32, #tpu.memory_space<vmem>>
    %dma_wait3A_1174 = tpu.memref_slice %arg2[%add3A_483] : memref<819200xi32, #tpu.memory_space<hbm>> -> memref<512xi32, #tpu.memory_space<hbm>>
    %dma_wait3A_1175 = arith.constant 15360 : i32
    %dma_wait3A_1176 = tpu.memref_slice %arg5[%dma_wait3A_1175] : memref<25600xi32, #tpu.memory_space<vmem>> -> memref<512xi32, #tpu.memory_space<vmem>>
    %dma_wait3A_1177 = tpu.memref_slice %arg2[%add3A_483] : memref<819200xi32, #tpu.memory_space<hbm>> -> memref<512xi32, #tpu.memory_space<hbm>>
    tpu.wait_dma2 semaphore(%arg10 : memref<!tpu.dma_semaphore, #tpu.memory_space<semaphore_mem>>) src(%dma_wait3A_1177 : memref<512xi32, #tpu.memory_space<hbm>>) dst(%dma_wait3A_1176 : memref<512xi32, #tpu.memory_space<vmem>>)
    %dma_wait3A_1178 = arith.constant 15360 : i32
    %dma_wait3A_1179 = tpu.memref_slice %arg6[%dma_wait3A_1178] : memref<25600xf32, #tpu.memory_space<vmem>> -> memref<512xf32, #tpu.memory_space<vmem>>
    %dma_wait3A_1180 = tpu.memref_slice %arg3[%add3A_491] : memref<819200xf32, #tpu.memory_space<hbm>> -> memref<512xf32, #tpu.memory_space<hbm>>
    %dma_wait3A_1181 = arith.constant 15360 : i32
    %dma_wait3A_1182 = tpu.memref_slice %arg6[%dma_wait3A_1181] : memref<25600xf32, #tpu.memory_space<vmem>> -> memref<512xf32, #tpu.memory_space<vmem>>
    %dma_wait3A_1183 = tpu.memref_slice %arg3[%add3A_491] : memref<819200xf32, #tpu.memory_space<hbm>> -> memref<512xf32, #tpu.memory_space<hbm>>
    tpu.wait_dma2 semaphore(%arg10 : memref<!tpu.dma_semaphore, #tpu.memory_space<semaphore_mem>>) src(%dma_wait3A_1183 : memref<512xf32, #tpu.memory_space<hbm>>) dst(%dma_wait3A_1182 : memref<512xf32, #tpu.memory_space<vmem>>)
    %dma_wait3A_1184 = arith.constant 15872 : i32
    %dma_wait3A_1185 = tpu.memref_slice %arg5[%dma_wait3A_1184] : memref<25600xi32, #tpu.memory_space<vmem>> -> memref<512xi32, #tpu.memory_space<vmem>>
    %dma_wait3A_1186 = tpu.memref_slice %arg2[%add3A_499] : memref<819200xi32, #tpu.memory_space<hbm>> -> memref<512xi32, #tpu.memory_space<hbm>>
    %dma_wait3A_1187 = arith.constant 15872 : i32
    %dma_wait3A_1188 = tpu.memref_slice %arg5[%dma_wait3A_1187] : memref<25600xi32, #tpu.memory_space<vmem>> -> memref<512xi32, #tpu.memory_space<vmem>>
    %dma_wait3A_1189 = tpu.memref_slice %arg2[%add3A_499] : memref<819200xi32, #tpu.memory_space<hbm>> -> memref<512xi32, #tpu.memory_space<hbm>>
    tpu.wait_dma2 semaphore(%arg10 : memref<!tpu.dma_semaphore, #tpu.memory_space<semaphore_mem>>) src(%dma_wait3A_1189 : memref<512xi32, #tpu.memory_space<hbm>>) dst(%dma_wait3A_1188 : memref<512xi32, #tpu.memory_space<vmem>>)
    %dma_wait3A_1190 = arith.constant 15872 : i32
    %dma_wait3A_1191 = tpu.memref_slice %arg6[%dma_wait3A_1190] : memref<25600xf32, #tpu.memory_space<vmem>> -> memref<512xf32, #tpu.memory_space<vmem>>
    %dma_wait3A_1192 = tpu.memref_slice %arg3[%add3A_507] : memref<819200xf32, #tpu.memory_space<hbm>> -> memref<512xf32, #tpu.memory_space<hbm>>
    %dma_wait3A_1193 = arith.constant 15872 : i32
    %dma_wait3A_1194 = tpu.memref_slice %arg6[%dma_wait3A_1193] : memref<25600xf32, #tpu.memory_space<vmem>> -> memref<512xf32, #tpu.memory_space<vmem>>
    %dma_wait3A_1195 = tpu.memref_slice %arg3[%add3A_507] : memref<819200xf32, #tpu.memory_space<hbm>> -> memref<512xf32, #tpu.memory_space<hbm>>
    tpu.wait_dma2 semaphore(%arg10 : memref<!tpu.dma_semaphore, #tpu.memory_space<semaphore_mem>>) src(%dma_wait3A_1195 : memref<512xf32, #tpu.memory_space<hbm>>) dst(%dma_wait3A_1194 : memref<512xf32, #tpu.memory_space<vmem>>)
    %dma_wait3A_1196 = arith.constant 16384 : i32
    %dma_wait3A_1197 = tpu.memref_slice %arg5[%dma_wait3A_1196] : memref<25600xi32, #tpu.memory_space<vmem>> -> memref<512xi32, #tpu.memory_space<vmem>>
    %dma_wait3A_1198 = tpu.memref_slice %arg2[%add3A_515] : memref<819200xi32, #tpu.memory_space<hbm>> -> memref<512xi32, #tpu.memory_space<hbm>>
    %dma_wait3A_1199 = arith.constant 16384 : i32
    %dma_wait3A_1200 = tpu.memref_slice %arg5[%dma_wait3A_1199] : memref<25600xi32, #tpu.memory_space<vmem>> -> memref<512xi32, #tpu.memory_space<vmem>>
    %dma_wait3A_1201 = tpu.memref_slice %arg2[%add3A_515] : memref<819200xi32, #tpu.memory_space<hbm>> -> memref<512xi32, #tpu.memory_space<hbm>>
    tpu.wait_dma2 semaphore(%arg10 : memref<!tpu.dma_semaphore, #tpu.memory_space<semaphore_mem>>) src(%dma_wait3A_1201 : memref<512xi32, #tpu.memory_space<hbm>>) dst(%dma_wait3A_1200 : memref<512xi32, #tpu.memory_space<vmem>>)
    %dma_wait3A_1202 = arith.constant 16384 : i32
    %dma_wait3A_1203 = tpu.memref_slice %arg6[%dma_wait3A_1202] : memref<25600xf32, #tpu.memory_space<vmem>> -> memref<512xf32, #tpu.memory_space<vmem>>
    %dma_wait3A_1204 = tpu.memref_slice %arg3[%add3A_523] : memref<819200xf32, #tpu.memory_space<hbm>> -> memref<512xf32, #tpu.memory_space<hbm>>
    %dma_wait3A_1205 = arith.constant 16384 : i32
    %dma_wait3A_1206 = tpu.memref_slice %arg6[%dma_wait3A_1205] : memref<25600xf32, #tpu.memory_space<vmem>> -> memref<512xf32, #tpu.memory_space<vmem>>
    %dma_wait3A_1207 = tpu.memref_slice %arg3[%add3A_523] : memref<819200xf32, #tpu.memory_space<hbm>> -> memref<512xf32, #tpu.memory_space<hbm>>
    tpu.wait_dma2 semaphore(%arg10 : memref<!tpu.dma_semaphore, #tpu.memory_space<semaphore_mem>>) src(%dma_wait3A_1207 : memref<512xf32, #tpu.memory_space<hbm>>) dst(%dma_wait3A_1206 : memref<512xf32, #tpu.memory_space<vmem>>)
    %dma_wait3A_1208 = arith.constant 16896 : i32
    %dma_wait3A_1209 = tpu.memref_slice %arg5[%dma_wait3A_1208] : memref<25600xi32, #tpu.memory_space<vmem>> -> memref<512xi32, #tpu.memory_space<vmem>>
    %dma_wait3A_1210 = tpu.memref_slice %arg2[%add3A_531] : memref<819200xi32, #tpu.memory_space<hbm>> -> memref<512xi32, #tpu.memory_space<hbm>>
    %dma_wait3A_1211 = arith.constant 16896 : i32
    %dma_wait3A_1212 = tpu.memref_slice %arg5[%dma_wait3A_1211] : memref<25600xi32, #tpu.memory_space<vmem>> -> memref<512xi32, #tpu.memory_space<vmem>>
    %dma_wait3A_1213 = tpu.memref_slice %arg2[%add3A_531] : memref<819200xi32, #tpu.memory_space<hbm>> -> memref<512xi32, #tpu.memory_space<hbm>>
    tpu.wait_dma2 semaphore(%arg10 : memref<!tpu.dma_semaphore, #tpu.memory_space<semaphore_mem>>) src(%dma_wait3A_1213 : memref<512xi32, #tpu.memory_space<hbm>>) dst(%dma_wait3A_1212 : memref<512xi32, #tpu.memory_space<vmem>>)
    %dma_wait3A_1214 = arith.constant 16896 : i32
    %dma_wait3A_1215 = tpu.memref_slice %arg6[%dma_wait3A_1214] : memref<25600xf32, #tpu.memory_space<vmem>> -> memref<512xf32, #tpu.memory_space<vmem>>
    %dma_wait3A_1216 = tpu.memref_slice %arg3[%add3A_539] : memref<819200xf32, #tpu.memory_space<hbm>> -> memref<512xf32, #tpu.memory_space<hbm>>
    %dma_wait3A_1217 = arith.constant 16896 : i32
    %dma_wait3A_1218 = tpu.memref_slice %arg6[%dma_wait3A_1217] : memref<25600xf32, #tpu.memory_space<vmem>> -> memref<512xf32, #tpu.memory_space<vmem>>
    %dma_wait3A_1219 = tpu.memref_slice %arg3[%add3A_539] : memref<819200xf32, #tpu.memory_space<hbm>> -> memref<512xf32, #tpu.memory_space<hbm>>
    tpu.wait_dma2 semaphore(%arg10 : memref<!tpu.dma_semaphore, #tpu.memory_space<semaphore_mem>>) src(%dma_wait3A_1219 : memref<512xf32, #tpu.memory_space<hbm>>) dst(%dma_wait3A_1218 : memref<512xf32, #tpu.memory_space<vmem>>)
    %dma_wait3A_1220 = arith.constant 17408 : i32
    %dma_wait3A_1221 = tpu.memref_slice %arg5[%dma_wait3A_1220] : memref<25600xi32, #tpu.memory_space<vmem>> -> memref<512xi32, #tpu.memory_space<vmem>>
    %dma_wait3A_1222 = tpu.memref_slice %arg2[%add3A_547] : memref<819200xi32, #tpu.memory_space<hbm>> -> memref<512xi32, #tpu.memory_space<hbm>>
    %dma_wait3A_1223 = arith.constant 17408 : i32
    %dma_wait3A_1224 = tpu.memref_slice %arg5[%dma_wait3A_1223] : memref<25600xi32, #tpu.memory_space<vmem>> -> memref<512xi32, #tpu.memory_space<vmem>>
    %dma_wait3A_1225 = tpu.memref_slice %arg2[%add3A_547] : memref<819200xi32, #tpu.memory_space<hbm>> -> memref<512xi32, #tpu.memory_space<hbm>>
    tpu.wait_dma2 semaphore(%arg10 : memref<!tpu.dma_semaphore, #tpu.memory_space<semaphore_mem>>) src(%dma_wait3A_1225 : memref<512xi32, #tpu.memory_space<hbm>>) dst(%dma_wait3A_1224 : memref<512xi32, #tpu.memory_space<vmem>>)
    %dma_wait3A_1226 = arith.constant 17408 : i32
    %dma_wait3A_1227 = tpu.memref_slice %arg6[%dma_wait3A_1226] : memref<25600xf32, #tpu.memory_space<vmem>> -> memref<512xf32, #tpu.memory_space<vmem>>
    %dma_wait3A_1228 = tpu.memref_slice %arg3[%add3A_555] : memref<819200xf32, #tpu.memory_space<hbm>> -> memref<512xf32, #tpu.memory_space<hbm>>
    %dma_wait3A_1229 = arith.constant 17408 : i32
    %dma_wait3A_1230 = tpu.memref_slice %arg6[%dma_wait3A_1229] : memref<25600xf32, #tpu.memory_space<vmem>> -> memref<512xf32, #tpu.memory_space<vmem>>
    %dma_wait3A_1231 = tpu.memref_slice %arg3[%add3A_555] : memref<819200xf32, #tpu.memory_space<hbm>> -> memref<512xf32, #tpu.memory_space<hbm>>
    tpu.wait_dma2 semaphore(%arg10 : memref<!tpu.dma_semaphore, #tpu.memory_space<semaphore_mem>>) src(%dma_wait3A_1231 : memref<512xf32, #tpu.memory_space<hbm>>) dst(%dma_wait3A_1230 : memref<512xf32, #tpu.memory_space<vmem>>)
    %dma_wait3A_1232 = arith.constant 17920 : i32
    %dma_wait3A_1233 = tpu.memref_slice %arg5[%dma_wait3A_1232] : memref<25600xi32, #tpu.memory_space<vmem>> -> memref<512xi32, #tpu.memory_space<vmem>>
    %dma_wait3A_1234 = tpu.memref_slice %arg2[%add3A_563] : memref<819200xi32, #tpu.memory_space<hbm>> -> memref<512xi32, #tpu.memory_space<hbm>>
    %dma_wait3A_1235 = arith.constant 17920 : i32
    %dma_wait3A_1236 = tpu.memref_slice %arg5[%dma_wait3A_1235] : memref<25600xi32, #tpu.memory_space<vmem>> -> memref<512xi32, #tpu.memory_space<vmem>>
    %dma_wait3A_1237 = tpu.memref_slice %arg2[%add3A_563] : memref<819200xi32, #tpu.memory_space<hbm>> -> memref<512xi32, #tpu.memory_space<hbm>>
    tpu.wait_dma2 semaphore(%arg10 : memref<!tpu.dma_semaphore, #tpu.memory_space<semaphore_mem>>) src(%dma_wait3A_1237 : memref<512xi32, #tpu.memory_space<hbm>>) dst(%dma_wait3A_1236 : memref<512xi32, #tpu.memory_space<vmem>>)
    %dma_wait3A_1238 = arith.constant 17920 : i32
    %dma_wait3A_1239 = tpu.memref_slice %arg6[%dma_wait3A_1238] : memref<25600xf32, #tpu.memory_space<vmem>> -> memref<512xf32, #tpu.memory_space<vmem>>
    %dma_wait3A_1240 = tpu.memref_slice %arg3[%add3A_571] : memref<819200xf32, #tpu.memory_space<hbm>> -> memref<512xf32, #tpu.memory_space<hbm>>
    %dma_wait3A_1241 = arith.constant 17920 : i32
    %dma_wait3A_1242 = tpu.memref_slice %arg6[%dma_wait3A_1241] : memref<25600xf32, #tpu.memory_space<vmem>> -> memref<512xf32, #tpu.memory_space<vmem>>
    %dma_wait3A_1243 = tpu.memref_slice %arg3[%add3A_571] : memref<819200xf32, #tpu.memory_space<hbm>> -> memref<512xf32, #tpu.memory_space<hbm>>
    tpu.wait_dma2 semaphore(%arg10 : memref<!tpu.dma_semaphore, #tpu.memory_space<semaphore_mem>>) src(%dma_wait3A_1243 : memref<512xf32, #tpu.memory_space<hbm>>) dst(%dma_wait3A_1242 : memref<512xf32, #tpu.memory_space<vmem>>)
    %dma_wait3A_1244 = arith.constant 18432 : i32
    %dma_wait3A_1245 = tpu.memref_slice %arg5[%dma_wait3A_1244] : memref<25600xi32, #tpu.memory_space<vmem>> -> memref<512xi32, #tpu.memory_space<vmem>>
    %dma_wait3A_1246 = tpu.memref_slice %arg2[%add3A_579] : memref<819200xi32, #tpu.memory_space<hbm>> -> memref<512xi32, #tpu.memory_space<hbm>>
    %dma_wait3A_1247 = arith.constant 18432 : i32
    %dma_wait3A_1248 = tpu.memref_slice %arg5[%dma_wait3A_1247] : memref<25600xi32, #tpu.memory_space<vmem>> -> memref<512xi32, #tpu.memory_space<vmem>>
    %dma_wait3A_1249 = tpu.memref_slice %arg2[%add3A_579] : memref<819200xi32, #tpu.memory_space<hbm>> -> memref<512xi32, #tpu.memory_space<hbm>>
    tpu.wait_dma2 semaphore(%arg10 : memref<!tpu.dma_semaphore, #tpu.memory_space<semaphore_mem>>) src(%dma_wait3A_1249 : memref<512xi32, #tpu.memory_space<hbm>>) dst(%dma_wait3A_1248 : memref<512xi32, #tpu.memory_space<vmem>>)
    %dma_wait3A_1250 = arith.constant 18432 : i32
    %dma_wait3A_1251 = tpu.memref_slice %arg6[%dma_wait3A_1250] : memref<25600xf32, #tpu.memory_space<vmem>> -> memref<512xf32, #tpu.memory_space<vmem>>
    %dma_wait3A_1252 = tpu.memref_slice %arg3[%add3A_587] : memref<819200xf32, #tpu.memory_space<hbm>> -> memref<512xf32, #tpu.memory_space<hbm>>
    %dma_wait3A_1253 = arith.constant 18432 : i32
    %dma_wait3A_1254 = tpu.memref_slice %arg6[%dma_wait3A_1253] : memref<25600xf32, #tpu.memory_space<vmem>> -> memref<512xf32, #tpu.memory_space<vmem>>
    %dma_wait3A_1255 = tpu.memref_slice %arg3[%add3A_587] : memref<819200xf32, #tpu.memory_space<hbm>> -> memref<512xf32, #tpu.memory_space<hbm>>
    tpu.wait_dma2 semaphore(%arg10 : memref<!tpu.dma_semaphore, #tpu.memory_space<semaphore_mem>>) src(%dma_wait3A_1255 : memref<512xf32, #tpu.memory_space<hbm>>) dst(%dma_wait3A_1254 : memref<512xf32, #tpu.memory_space<vmem>>)
    %dma_wait3A_1256 = arith.constant 18944 : i32
    %dma_wait3A_1257 = tpu.memref_slice %arg5[%dma_wait3A_1256] : memref<25600xi32, #tpu.memory_space<vmem>> -> memref<512xi32, #tpu.memory_space<vmem>>
    %dma_wait3A_1258 = tpu.memref_slice %arg2[%add3A_595] : memref<819200xi32, #tpu.memory_space<hbm>> -> memref<512xi32, #tpu.memory_space<hbm>>
    %dma_wait3A_1259 = arith.constant 18944 : i32
    %dma_wait3A_1260 = tpu.memref_slice %arg5[%dma_wait3A_1259] : memref<25600xi32, #tpu.memory_space<vmem>> -> memref<512xi32, #tpu.memory_space<vmem>>
    %dma_wait3A_1261 = tpu.memref_slice %arg2[%add3A_595] : memref<819200xi32, #tpu.memory_space<hbm>> -> memref<512xi32, #tpu.memory_space<hbm>>
    tpu.wait_dma2 semaphore(%arg10 : memref<!tpu.dma_semaphore, #tpu.memory_space<semaphore_mem>>) src(%dma_wait3A_1261 : memref<512xi32, #tpu.memory_space<hbm>>) dst(%dma_wait3A_1260 : memref<512xi32, #tpu.memory_space<vmem>>)
    %dma_wait3A_1262 = arith.constant 18944 : i32
    %dma_wait3A_1263 = tpu.memref_slice %arg6[%dma_wait3A_1262] : memref<25600xf32, #tpu.memory_space<vmem>> -> memref<512xf32, #tpu.memory_space<vmem>>
    %dma_wait3A_1264 = tpu.memref_slice %arg3[%add3A_603] : memref<819200xf32, #tpu.memory_space<hbm>> -> memref<512xf32, #tpu.memory_space<hbm>>
    %dma_wait3A_1265 = arith.constant 18944 : i32
    %dma_wait3A_1266 = tpu.memref_slice %arg6[%dma_wait3A_1265] : memref<25600xf32, #tpu.memory_space<vmem>> -> memref<512xf32, #tpu.memory_space<vmem>>
    %dma_wait3A_1267 = tpu.memref_slice %arg3[%add3A_603] : memref<819200xf32, #tpu.memory_space<hbm>> -> memref<512xf32, #tpu.memory_space<hbm>>
    tpu.wait_dma2 semaphore(%arg10 : memref<!tpu.dma_semaphore, #tpu.memory_space<semaphore_mem>>) src(%dma_wait3A_1267 : memref<512xf32, #tpu.memory_space<hbm>>) dst(%dma_wait3A_1266 : memref<512xf32, #tpu.memory_space<vmem>>)
    %dma_wait3A_1268 = arith.constant 19456 : i32
    %dma_wait3A_1269 = tpu.memref_slice %arg5[%dma_wait3A_1268] : memref<25600xi32, #tpu.memory_space<vmem>> -> memref<512xi32, #tpu.memory_space<vmem>>
    %dma_wait3A_1270 = tpu.memref_slice %arg2[%add3A_611] : memref<819200xi32, #tpu.memory_space<hbm>> -> memref<512xi32, #tpu.memory_space<hbm>>
    %dma_wait3A_1271 = arith.constant 19456 : i32
    %dma_wait3A_1272 = tpu.memref_slice %arg5[%dma_wait3A_1271] : memref<25600xi32, #tpu.memory_space<vmem>> -> memref<512xi32, #tpu.memory_space<vmem>>
    %dma_wait3A_1273 = tpu.memref_slice %arg2[%add3A_611] : memref<819200xi32, #tpu.memory_space<hbm>> -> memref<512xi32, #tpu.memory_space<hbm>>
    tpu.wait_dma2 semaphore(%arg10 : memref<!tpu.dma_semaphore, #tpu.memory_space<semaphore_mem>>) src(%dma_wait3A_1273 : memref<512xi32, #tpu.memory_space<hbm>>) dst(%dma_wait3A_1272 : memref<512xi32, #tpu.memory_space<vmem>>)
    %dma_wait3A_1274 = arith.constant 19456 : i32
    %dma_wait3A_1275 = tpu.memref_slice %arg6[%dma_wait3A_1274] : memref<25600xf32, #tpu.memory_space<vmem>> -> memref<512xf32, #tpu.memory_space<vmem>>
    %dma_wait3A_1276 = tpu.memref_slice %arg3[%add3A_619] : memref<819200xf32, #tpu.memory_space<hbm>> -> memref<512xf32, #tpu.memory_space<hbm>>
    %dma_wait3A_1277 = arith.constant 19456 : i32
    %dma_wait3A_1278 = tpu.memref_slice %arg6[%dma_wait3A_1277] : memref<25600xf32, #tpu.memory_space<vmem>> -> memref<512xf32, #tpu.memory_space<vmem>>
    %dma_wait3A_1279 = tpu.memref_slice %arg3[%add3A_619] : memref<819200xf32, #tpu.memory_space<hbm>> -> memref<512xf32, #tpu.memory_space<hbm>>
    tpu.wait_dma2 semaphore(%arg10 : memref<!tpu.dma_semaphore, #tpu.memory_space<semaphore_mem>>) src(%dma_wait3A_1279 : memref<512xf32, #tpu.memory_space<hbm>>) dst(%dma_wait3A_1278 : memref<512xf32, #tpu.memory_space<vmem>>)
    %dma_wait3A_1280 = arith.constant 19968 : i32
    %dma_wait3A_1281 = tpu.memref_slice %arg5[%dma_wait3A_1280] : memref<25600xi32, #tpu.memory_space<vmem>> -> memref<512xi32, #tpu.memory_space<vmem>>
    %dma_wait3A_1282 = tpu.memref_slice %arg2[%add3A_627] : memref<819200xi32, #tpu.memory_space<hbm>> -> memref<512xi32, #tpu.memory_space<hbm>>
    %dma_wait3A_1283 = arith.constant 19968 : i32
    %dma_wait3A_1284 = tpu.memref_slice %arg5[%dma_wait3A_1283] : memref<25600xi32, #tpu.memory_space<vmem>> -> memref<512xi32, #tpu.memory_space<vmem>>
    %dma_wait3A_1285 = tpu.memref_slice %arg2[%add3A_627] : memref<819200xi32, #tpu.memory_space<hbm>> -> memref<512xi32, #tpu.memory_space<hbm>>
    tpu.wait_dma2 semaphore(%arg10 : memref<!tpu.dma_semaphore, #tpu.memory_space<semaphore_mem>>) src(%dma_wait3A_1285 : memref<512xi32, #tpu.memory_space<hbm>>) dst(%dma_wait3A_1284 : memref<512xi32, #tpu.memory_space<vmem>>)
    %dma_wait3A_1286 = arith.constant 19968 : i32
    %dma_wait3A_1287 = tpu.memref_slice %arg6[%dma_wait3A_1286] : memref<25600xf32, #tpu.memory_space<vmem>> -> memref<512xf32, #tpu.memory_space<vmem>>
    %dma_wait3A_1288 = tpu.memref_slice %arg3[%add3A_635] : memref<819200xf32, #tpu.memory_space<hbm>> -> memref<512xf32, #tpu.memory_space<hbm>>
    %dma_wait3A_1289 = arith.constant 19968 : i32
    %dma_wait3A_1290 = tpu.memref_slice %arg6[%dma_wait3A_1289] : memref<25600xf32, #tpu.memory_space<vmem>> -> memref<512xf32, #tpu.memory_space<vmem>>
    %dma_wait3A_1291 = tpu.memref_slice %arg3[%add3A_635] : memref<819200xf32, #tpu.memory_space<hbm>> -> memref<512xf32, #tpu.memory_space<hbm>>
    tpu.wait_dma2 semaphore(%arg10 : memref<!tpu.dma_semaphore, #tpu.memory_space<semaphore_mem>>) src(%dma_wait3A_1291 : memref<512xf32, #tpu.memory_space<hbm>>) dst(%dma_wait3A_1290 : memref<512xf32, #tpu.memory_space<vmem>>)
    %dma_wait3A_1292 = arith.constant 20480 : i32
    %dma_wait3A_1293 = tpu.memref_slice %arg5[%dma_wait3A_1292] : memref<25600xi32, #tpu.memory_space<vmem>> -> memref<512xi32, #tpu.memory_space<vmem>>
    %dma_wait3A_1294 = tpu.memref_slice %arg2[%add3A_643] : memref<819200xi32, #tpu.memory_space<hbm>> -> memref<512xi32, #tpu.memory_space<hbm>>
    %dma_wait3A_1295 = arith.constant 20480 : i32
    %dma_wait3A_1296 = tpu.memref_slice %arg5[%dma_wait3A_1295] : memref<25600xi32, #tpu.memory_space<vmem>> -> memref<512xi32, #tpu.memory_space<vmem>>
    %dma_wait3A_1297 = tpu.memref_slice %arg2[%add3A_643] : memref<819200xi32, #tpu.memory_space<hbm>> -> memref<512xi32, #tpu.memory_space<hbm>>
    tpu.wait_dma2 semaphore(%arg10 : memref<!tpu.dma_semaphore, #tpu.memory_space<semaphore_mem>>) src(%dma_wait3A_1297 : memref<512xi32, #tpu.memory_space<hbm>>) dst(%dma_wait3A_1296 : memref<512xi32, #tpu.memory_space<vmem>>)
    %dma_wait3A_1298 = arith.constant 20480 : i32
    %dma_wait3A_1299 = tpu.memref_slice %arg6[%dma_wait3A_1298] : memref<25600xf32, #tpu.memory_space<vmem>> -> memref<512xf32, #tpu.memory_space<vmem>>
    %dma_wait3A_1300 = tpu.memref_slice %arg3[%add3A_651] : memref<819200xf32, #tpu.memory_space<hbm>> -> memref<512xf32, #tpu.memory_space<hbm>>
    %dma_wait3A_1301 = arith.constant 20480 : i32
    %dma_wait3A_1302 = tpu.memref_slice %arg6[%dma_wait3A_1301] : memref<25600xf32, #tpu.memory_space<vmem>> -> memref<512xf32, #tpu.memory_space<vmem>>
    %dma_wait3A_1303 = tpu.memref_slice %arg3[%add3A_651] : memref<819200xf32, #tpu.memory_space<hbm>> -> memref<512xf32, #tpu.memory_space<hbm>>
    tpu.wait_dma2 semaphore(%arg10 : memref<!tpu.dma_semaphore, #tpu.memory_space<semaphore_mem>>) src(%dma_wait3A_1303 : memref<512xf32, #tpu.memory_space<hbm>>) dst(%dma_wait3A_1302 : memref<512xf32, #tpu.memory_space<vmem>>)
    %dma_wait3A_1304 = arith.constant 20992 : i32
    %dma_wait3A_1305 = tpu.memref_slice %arg5[%dma_wait3A_1304] : memref<25600xi32, #tpu.memory_space<vmem>> -> memref<512xi32, #tpu.memory_space<vmem>>
    %dma_wait3A_1306 = tpu.memref_slice %arg2[%add3A_659] : memref<819200xi32, #tpu.memory_space<hbm>> -> memref<512xi32, #tpu.memory_space<hbm>>
    %dma_wait3A_1307 = arith.constant 20992 : i32
    %dma_wait3A_1308 = tpu.memref_slice %arg5[%dma_wait3A_1307] : memref<25600xi32, #tpu.memory_space<vmem>> -> memref<512xi32, #tpu.memory_space<vmem>>
    %dma_wait3A_1309 = tpu.memref_slice %arg2[%add3A_659] : memref<819200xi32, #tpu.memory_space<hbm>> -> memref<512xi32, #tpu.memory_space<hbm>>
    tpu.wait_dma2 semaphore(%arg10 : memref<!tpu.dma_semaphore, #tpu.memory_space<semaphore_mem>>) src(%dma_wait3A_1309 : memref<512xi32, #tpu.memory_space<hbm>>) dst(%dma_wait3A_1308 : memref<512xi32, #tpu.memory_space<vmem>>)
    %dma_wait3A_1310 = arith.constant 20992 : i32
    %dma_wait3A_1311 = tpu.memref_slice %arg6[%dma_wait3A_1310] : memref<25600xf32, #tpu.memory_space<vmem>> -> memref<512xf32, #tpu.memory_space<vmem>>
    %dma_wait3A_1312 = tpu.memref_slice %arg3[%add3A_667] : memref<819200xf32, #tpu.memory_space<hbm>> -> memref<512xf32, #tpu.memory_space<hbm>>
    %dma_wait3A_1313 = arith.constant 20992 : i32
    %dma_wait3A_1314 = tpu.memref_slice %arg6[%dma_wait3A_1313] : memref<25600xf32, #tpu.memory_space<vmem>> -> memref<512xf32, #tpu.memory_space<vmem>>
    %dma_wait3A_1315 = tpu.memref_slice %arg3[%add3A_667] : memref<819200xf32, #tpu.memory_space<hbm>> -> memref<512xf32, #tpu.memory_space<hbm>>
    tpu.wait_dma2 semaphore(%arg10 : memref<!tpu.dma_semaphore, #tpu.memory_space<semaphore_mem>>) src(%dma_wait3A_1315 : memref<512xf32, #tpu.memory_space<hbm>>) dst(%dma_wait3A_1314 : memref<512xf32, #tpu.memory_space<vmem>>)
    %dma_wait3A_1316 = arith.constant 21504 : i32
    %dma_wait3A_1317 = tpu.memref_slice %arg5[%dma_wait3A_1316] : memref<25600xi32, #tpu.memory_space<vmem>> -> memref<512xi32, #tpu.memory_space<vmem>>
    %dma_wait3A_1318 = tpu.memref_slice %arg2[%add3A_675] : memref<819200xi32, #tpu.memory_space<hbm>> -> memref<512xi32, #tpu.memory_space<hbm>>
    %dma_wait3A_1319 = arith.constant 21504 : i32
    %dma_wait3A_1320 = tpu.memref_slice %arg5[%dma_wait3A_1319] : memref<25600xi32, #tpu.memory_space<vmem>> -> memref<512xi32, #tpu.memory_space<vmem>>
    %dma_wait3A_1321 = tpu.memref_slice %arg2[%add3A_675] : memref<819200xi32, #tpu.memory_space<hbm>> -> memref<512xi32, #tpu.memory_space<hbm>>
    tpu.wait_dma2 semaphore(%arg10 : memref<!tpu.dma_semaphore, #tpu.memory_space<semaphore_mem>>) src(%dma_wait3A_1321 : memref<512xi32, #tpu.memory_space<hbm>>) dst(%dma_wait3A_1320 : memref<512xi32, #tpu.memory_space<vmem>>)
    %dma_wait3A_1322 = arith.constant 21504 : i32
    %dma_wait3A_1323 = tpu.memref_slice %arg6[%dma_wait3A_1322] : memref<25600xf32, #tpu.memory_space<vmem>> -> memref<512xf32, #tpu.memory_space<vmem>>
    %dma_wait3A_1324 = tpu.memref_slice %arg3[%add3A_683] : memref<819200xf32, #tpu.memory_space<hbm>> -> memref<512xf32, #tpu.memory_space<hbm>>
    %dma_wait3A_1325 = arith.constant 21504 : i32
    %dma_wait3A_1326 = tpu.memref_slice %arg6[%dma_wait3A_1325] : memref<25600xf32, #tpu.memory_space<vmem>> -> memref<512xf32, #tpu.memory_space<vmem>>
    %dma_wait3A_1327 = tpu.memref_slice %arg3[%add3A_683] : memref<819200xf32, #tpu.memory_space<hbm>> -> memref<512xf32, #tpu.memory_space<hbm>>
    tpu.wait_dma2 semaphore(%arg10 : memref<!tpu.dma_semaphore, #tpu.memory_space<semaphore_mem>>) src(%dma_wait3A_1327 : memref<512xf32, #tpu.memory_space<hbm>>) dst(%dma_wait3A_1326 : memref<512xf32, #tpu.memory_space<vmem>>)
    %dma_wait3A_1328 = arith.constant 22016 : i32
    %dma_wait3A_1329 = tpu.memref_slice %arg5[%dma_wait3A_1328] : memref<25600xi32, #tpu.memory_space<vmem>> -> memref<512xi32, #tpu.memory_space<vmem>>
    %dma_wait3A_1330 = tpu.memref_slice %arg2[%add3A_691] : memref<819200xi32, #tpu.memory_space<hbm>> -> memref<512xi32, #tpu.memory_space<hbm>>
    %dma_wait3A_1331 = arith.constant 22016 : i32
    %dma_wait3A_1332 = tpu.memref_slice %arg5[%dma_wait3A_1331] : memref<25600xi32, #tpu.memory_space<vmem>> -> memref<512xi32, #tpu.memory_space<vmem>>
    %dma_wait3A_1333 = tpu.memref_slice %arg2[%add3A_691] : memref<819200xi32, #tpu.memory_space<hbm>> -> memref<512xi32, #tpu.memory_space<hbm>>
    tpu.wait_dma2 semaphore(%arg10 : memref<!tpu.dma_semaphore, #tpu.memory_space<semaphore_mem>>) src(%dma_wait3A_1333 : memref<512xi32, #tpu.memory_space<hbm>>) dst(%dma_wait3A_1332 : memref<512xi32, #tpu.memory_space<vmem>>)
    %dma_wait3A_1334 = arith.constant 22016 : i32
    %dma_wait3A_1335 = tpu.memref_slice %arg6[%dma_wait3A_1334] : memref<25600xf32, #tpu.memory_space<vmem>> -> memref<512xf32, #tpu.memory_space<vmem>>
    %dma_wait3A_1336 = tpu.memref_slice %arg3[%add3A_699] : memref<819200xf32, #tpu.memory_space<hbm>> -> memref<512xf32, #tpu.memory_space<hbm>>
    %dma_wait3A_1337 = arith.constant 22016 : i32
    %dma_wait3A_1338 = tpu.memref_slice %arg6[%dma_wait3A_1337] : memref<25600xf32, #tpu.memory_space<vmem>> -> memref<512xf32, #tpu.memory_space<vmem>>
    %dma_wait3A_1339 = tpu.memref_slice %arg3[%add3A_699] : memref<819200xf32, #tpu.memory_space<hbm>> -> memref<512xf32, #tpu.memory_space<hbm>>
    tpu.wait_dma2 semaphore(%arg10 : memref<!tpu.dma_semaphore, #tpu.memory_space<semaphore_mem>>) src(%dma_wait3A_1339 : memref<512xf32, #tpu.memory_space<hbm>>) dst(%dma_wait3A_1338 : memref<512xf32, #tpu.memory_space<vmem>>)
    %dma_wait3A_1340 = arith.constant 22528 : i32
    %dma_wait3A_1341 = tpu.memref_slice %arg5[%dma_wait3A_1340] : memref<25600xi32, #tpu.memory_space<vmem>> -> memref<512xi32, #tpu.memory_space<vmem>>
    %dma_wait3A_1342 = tpu.memref_slice %arg2[%add3A_707] : memref<819200xi32, #tpu.memory_space<hbm>> -> memref<512xi32, #tpu.memory_space<hbm>>
    %dma_wait3A_1343 = arith.constant 22528 : i32
    %dma_wait3A_1344 = tpu.memref_slice %arg5[%dma_wait3A_1343] : memref<25600xi32, #tpu.memory_space<vmem>> -> memref<512xi32, #tpu.memory_space<vmem>>
    %dma_wait3A_1345 = tpu.memref_slice %arg2[%add3A_707] : memref<819200xi32, #tpu.memory_space<hbm>> -> memref<512xi32, #tpu.memory_space<hbm>>
    tpu.wait_dma2 semaphore(%arg10 : memref<!tpu.dma_semaphore, #tpu.memory_space<semaphore_mem>>) src(%dma_wait3A_1345 : memref<512xi32, #tpu.memory_space<hbm>>) dst(%dma_wait3A_1344 : memref<512xi32, #tpu.memory_space<vmem>>)
    %dma_wait3A_1346 = arith.constant 22528 : i32
    %dma_wait3A_1347 = tpu.memref_slice %arg6[%dma_wait3A_1346] : memref<25600xf32, #tpu.memory_space<vmem>> -> memref<512xf32, #tpu.memory_space<vmem>>
    %dma_wait3A_1348 = tpu.memref_slice %arg3[%add3A_715] : memref<819200xf32, #tpu.memory_space<hbm>> -> memref<512xf32, #tpu.memory_space<hbm>>
    %dma_wait3A_1349 = arith.constant 22528 : i32
    %dma_wait3A_1350 = tpu.memref_slice %arg6[%dma_wait3A_1349] : memref<25600xf32, #tpu.memory_space<vmem>> -> memref<512xf32, #tpu.memory_space<vmem>>
    %dma_wait3A_1351 = tpu.memref_slice %arg3[%add3A_715] : memref<819200xf32, #tpu.memory_space<hbm>> -> memref<512xf32, #tpu.memory_space<hbm>>
    tpu.wait_dma2 semaphore(%arg10 : memref<!tpu.dma_semaphore, #tpu.memory_space<semaphore_mem>>) src(%dma_wait3A_1351 : memref<512xf32, #tpu.memory_space<hbm>>) dst(%dma_wait3A_1350 : memref<512xf32, #tpu.memory_space<vmem>>)
    %dma_wait3A_1352 = arith.constant 23040 : i32
    %dma_wait3A_1353 = tpu.memref_slice %arg5[%dma_wait3A_1352] : memref<25600xi32, #tpu.memory_space<vmem>> -> memref<512xi32, #tpu.memory_space<vmem>>
    %dma_wait3A_1354 = tpu.memref_slice %arg2[%add3A_723] : memref<819200xi32, #tpu.memory_space<hbm>> -> memref<512xi32, #tpu.memory_space<hbm>>
    %dma_wait3A_1355 = arith.constant 23040 : i32
    %dma_wait3A_1356 = tpu.memref_slice %arg5[%dma_wait3A_1355] : memref<25600xi32, #tpu.memory_space<vmem>> -> memref<512xi32, #tpu.memory_space<vmem>>
    %dma_wait3A_1357 = tpu.memref_slice %arg2[%add3A_723] : memref<819200xi32, #tpu.memory_space<hbm>> -> memref<512xi32, #tpu.memory_space<hbm>>
    tpu.wait_dma2 semaphore(%arg10 : memref<!tpu.dma_semaphore, #tpu.memory_space<semaphore_mem>>) src(%dma_wait3A_1357 : memref<512xi32, #tpu.memory_space<hbm>>) dst(%dma_wait3A_1356 : memref<512xi32, #tpu.memory_space<vmem>>)
    %dma_wait3A_1358 = arith.constant 23040 : i32
    %dma_wait3A_1359 = tpu.memref_slice %arg6[%dma_wait3A_1358] : memref<25600xf32, #tpu.memory_space<vmem>> -> memref<512xf32, #tpu.memory_space<vmem>>
    %dma_wait3A_1360 = tpu.memref_slice %arg3[%add3A_731] : memref<819200xf32, #tpu.memory_space<hbm>> -> memref<512xf32, #tpu.memory_space<hbm>>
    %dma_wait3A_1361 = arith.constant 23040 : i32
    %dma_wait3A_1362 = tpu.memref_slice %arg6[%dma_wait3A_1361] : memref<25600xf32, #tpu.memory_space<vmem>> -> memref<512xf32, #tpu.memory_space<vmem>>
    %dma_wait3A_1363 = tpu.memref_slice %arg3[%add3A_731] : memref<819200xf32, #tpu.memory_space<hbm>> -> memref<512xf32, #tpu.memory_space<hbm>>
    tpu.wait_dma2 semaphore(%arg10 : memref<!tpu.dma_semaphore, #tpu.memory_space<semaphore_mem>>) src(%dma_wait3A_1363 : memref<512xf32, #tpu.memory_space<hbm>>) dst(%dma_wait3A_1362 : memref<512xf32, #tpu.memory_space<vmem>>)
    %dma_wait3A_1364 = arith.constant 23552 : i32
    %dma_wait3A_1365 = tpu.memref_slice %arg5[%dma_wait3A_1364] : memref<25600xi32, #tpu.memory_space<vmem>> -> memref<512xi32, #tpu.memory_space<vmem>>
    %dma_wait3A_1366 = tpu.memref_slice %arg2[%add3A_739] : memref<819200xi32, #tpu.memory_space<hbm>> -> memref<512xi32, #tpu.memory_space<hbm>>
    %dma_wait3A_1367 = arith.constant 23552 : i32
    %dma_wait3A_1368 = tpu.memref_slice %arg5[%dma_wait3A_1367] : memref<25600xi32, #tpu.memory_space<vmem>> -> memref<512xi32, #tpu.memory_space<vmem>>
    %dma_wait3A_1369 = tpu.memref_slice %arg2[%add3A_739] : memref<819200xi32, #tpu.memory_space<hbm>> -> memref<512xi32, #tpu.memory_space<hbm>>
    tpu.wait_dma2 semaphore(%arg10 : memref<!tpu.dma_semaphore, #tpu.memory_space<semaphore_mem>>) src(%dma_wait3A_1369 : memref<512xi32, #tpu.memory_space<hbm>>) dst(%dma_wait3A_1368 : memref<512xi32, #tpu.memory_space<vmem>>)
    %dma_wait3A_1370 = arith.constant 23552 : i32
    %dma_wait3A_1371 = tpu.memref_slice %arg6[%dma_wait3A_1370] : memref<25600xf32, #tpu.memory_space<vmem>> -> memref<512xf32, #tpu.memory_space<vmem>>
    %dma_wait3A_1372 = tpu.memref_slice %arg3[%add3A_747] : memref<819200xf32, #tpu.memory_space<hbm>> -> memref<512xf32, #tpu.memory_space<hbm>>
    %dma_wait3A_1373 = arith.constant 23552 : i32
    %dma_wait3A_1374 = tpu.memref_slice %arg6[%dma_wait3A_1373] : memref<25600xf32, #tpu.memory_space<vmem>> -> memref<512xf32, #tpu.memory_space<vmem>>
    %dma_wait3A_1375 = tpu.memref_slice %arg3[%add3A_747] : memref<819200xf32, #tpu.memory_space<hbm>> -> memref<512xf32, #tpu.memory_space<hbm>>
    tpu.wait_dma2 semaphore(%arg10 : memref<!tpu.dma_semaphore, #tpu.memory_space<semaphore_mem>>) src(%dma_wait3A_1375 : memref<512xf32, #tpu.memory_space<hbm>>) dst(%dma_wait3A_1374 : memref<512xf32, #tpu.memory_space<vmem>>)
    %dma_wait3A_1376 = arith.constant 24064 : i32
    %dma_wait3A_1377 = tpu.memref_slice %arg5[%dma_wait3A_1376] : memref<25600xi32, #tpu.memory_space<vmem>> -> memref<512xi32, #tpu.memory_space<vmem>>
    %dma_wait3A_1378 = tpu.memref_slice %arg2[%add3A_755] : memref<819200xi32, #tpu.memory_space<hbm>> -> memref<512xi32, #tpu.memory_space<hbm>>
    %dma_wait3A_1379 = arith.constant 24064 : i32
    %dma_wait3A_1380 = tpu.memref_slice %arg5[%dma_wait3A_1379] : memref<25600xi32, #tpu.memory_space<vmem>> -> memref<512xi32, #tpu.memory_space<vmem>>
    %dma_wait3A_1381 = tpu.memref_slice %arg2[%add3A_755] : memref<819200xi32, #tpu.memory_space<hbm>> -> memref<512xi32, #tpu.memory_space<hbm>>
    tpu.wait_dma2 semaphore(%arg10 : memref<!tpu.dma_semaphore, #tpu.memory_space<semaphore_mem>>) src(%dma_wait3A_1381 : memref<512xi32, #tpu.memory_space<hbm>>) dst(%dma_wait3A_1380 : memref<512xi32, #tpu.memory_space<vmem>>)
    %dma_wait3A_1382 = arith.constant 24064 : i32
    %dma_wait3A_1383 = tpu.memref_slice %arg6[%dma_wait3A_1382] : memref<25600xf32, #tpu.memory_space<vmem>> -> memref<512xf32, #tpu.memory_space<vmem>>
    %dma_wait3A_1384 = tpu.memref_slice %arg3[%add3A_763] : memref<819200xf32, #tpu.memory_space<hbm>> -> memref<512xf32, #tpu.memory_space<hbm>>
    %dma_wait3A_1385 = arith.constant 24064 : i32
    %dma_wait3A_1386 = tpu.memref_slice %arg6[%dma_wait3A_1385] : memref<25600xf32, #tpu.memory_space<vmem>> -> memref<512xf32, #tpu.memory_space<vmem>>
    %dma_wait3A_1387 = tpu.memref_slice %arg3[%add3A_763] : memref<819200xf32, #tpu.memory_space<hbm>> -> memref<512xf32, #tpu.memory_space<hbm>>
    tpu.wait_dma2 semaphore(%arg10 : memref<!tpu.dma_semaphore, #tpu.memory_space<semaphore_mem>>) src(%dma_wait3A_1387 : memref<512xf32, #tpu.memory_space<hbm>>) dst(%dma_wait3A_1386 : memref<512xf32, #tpu.memory_space<vmem>>)
    %dma_wait3A_1388 = arith.constant 24576 : i32
    %dma_wait3A_1389 = tpu.memref_slice %arg5[%dma_wait3A_1388] : memref<25600xi32, #tpu.memory_space<vmem>> -> memref<512xi32, #tpu.memory_space<vmem>>
    %dma_wait3A_1390 = tpu.memref_slice %arg2[%add3A_771] : memref<819200xi32, #tpu.memory_space<hbm>> -> memref<512xi32, #tpu.memory_space<hbm>>
    %dma_wait3A_1391 = arith.constant 24576 : i32
    %dma_wait3A_1392 = tpu.memref_slice %arg5[%dma_wait3A_1391] : memref<25600xi32, #tpu.memory_space<vmem>> -> memref<512xi32, #tpu.memory_space<vmem>>
    %dma_wait3A_1393 = tpu.memref_slice %arg2[%add3A_771] : memref<819200xi32, #tpu.memory_space<hbm>> -> memref<512xi32, #tpu.memory_space<hbm>>
    tpu.wait_dma2 semaphore(%arg10 : memref<!tpu.dma_semaphore, #tpu.memory_space<semaphore_mem>>) src(%dma_wait3A_1393 : memref<512xi32, #tpu.memory_space<hbm>>) dst(%dma_wait3A_1392 : memref<512xi32, #tpu.memory_space<vmem>>)
    %dma_wait3A_1394 = arith.constant 24576 : i32
    %dma_wait3A_1395 = tpu.memref_slice %arg6[%dma_wait3A_1394] : memref<25600xf32, #tpu.memory_space<vmem>> -> memref<512xf32, #tpu.memory_space<vmem>>
    %dma_wait3A_1396 = tpu.memref_slice %arg3[%add3A_779] : memref<819200xf32, #tpu.memory_space<hbm>> -> memref<512xf32, #tpu.memory_space<hbm>>
    %dma_wait3A_1397 = arith.constant 24576 : i32
    %dma_wait3A_1398 = tpu.memref_slice %arg6[%dma_wait3A_1397] : memref<25600xf32, #tpu.memory_space<vmem>> -> memref<512xf32, #tpu.memory_space<vmem>>
    %dma_wait3A_1399 = tpu.memref_slice %arg3[%add3A_779] : memref<819200xf32, #tpu.memory_space<hbm>> -> memref<512xf32, #tpu.memory_space<hbm>>
    tpu.wait_dma2 semaphore(%arg10 : memref<!tpu.dma_semaphore, #tpu.memory_space<semaphore_mem>>) src(%dma_wait3A_1399 : memref<512xf32, #tpu.memory_space<hbm>>) dst(%dma_wait3A_1398 : memref<512xf32, #tpu.memory_space<vmem>>)
    %dma_wait3A_1400 = arith.constant 25088 : i32
    %dma_wait3A_1401 = tpu.memref_slice %arg5[%dma_wait3A_1400] : memref<25600xi32, #tpu.memory_space<vmem>> -> memref<512xi32, #tpu.memory_space<vmem>>
    %dma_wait3A_1402 = tpu.memref_slice %arg2[%add3A_787] : memref<819200xi32, #tpu.memory_space<hbm>> -> memref<512xi32, #tpu.memory_space<hbm>>
    %dma_wait3A_1403 = arith.constant 25088 : i32
    %dma_wait3A_1404 = tpu.memref_slice %arg5[%dma_wait3A_1403] : memref<25600xi32, #tpu.memory_space<vmem>> -> memref<512xi32, #tpu.memory_space<vmem>>
    %dma_wait3A_1405 = tpu.memref_slice %arg2[%add3A_787] : memref<819200xi32, #tpu.memory_space<hbm>> -> memref<512xi32, #tpu.memory_space<hbm>>
    tpu.wait_dma2 semaphore(%arg10 : memref<!tpu.dma_semaphore, #tpu.memory_space<semaphore_mem>>) src(%dma_wait3A_1405 : memref<512xi32, #tpu.memory_space<hbm>>) dst(%dma_wait3A_1404 : memref<512xi32, #tpu.memory_space<vmem>>)
    %dma_wait3A_1406 = arith.constant 25088 : i32
    %dma_wait3A_1407 = tpu.memref_slice %arg6[%dma_wait3A_1406] : memref<25600xf32, #tpu.memory_space<vmem>> -> memref<512xf32, #tpu.memory_space<vmem>>
    %dma_wait3A_1408 = tpu.memref_slice %arg3[%add3A_795] : memref<819200xf32, #tpu.memory_space<hbm>> -> memref<512xf32, #tpu.memory_space<hbm>>
    %dma_wait3A_1409 = arith.constant 25088 : i32
    %dma_wait3A_1410 = tpu.memref_slice %arg6[%dma_wait3A_1409] : memref<25600xf32, #tpu.memory_space<vmem>> -> memref<512xf32, #tpu.memory_space<vmem>>
    %dma_wait3A_1411 = tpu.memref_slice %arg3[%add3A_795] : memref<819200xf32, #tpu.memory_space<hbm>> -> memref<512xf32, #tpu.memory_space<hbm>>
    tpu.wait_dma2 semaphore(%arg10 : memref<!tpu.dma_semaphore, #tpu.memory_space<semaphore_mem>>) src(%dma_wait3A_1411 : memref<512xf32, #tpu.memory_space<hbm>>) dst(%dma_wait3A_1410 : memref<512xf32, #tpu.memory_space<vmem>>)
    %iota3A = tpu.iota {dimensions = array<i32: 0>} : vector<16xi32>
    %scan3A_1412 = arith.constant 0 : i32
    %scan3A_1413 = arith.constant 0 : i32
    %scan3A_1414 = arith.constant 32 : i32
    %scan3A_1415 = arith.addi %scan3A_1413, %scan3A_1414 : i32
    %scan3A_1416 = arith.constant 1 : i32
    %scan3A_1417 = scf.for %scan3A_1611 = %scan3A_1413 to %scan3A_1415 step %scan3A_1416 iter_args(%scan3A_1612 = %scan3A_1412) -> (i32)  : i32 {
      %mul3A_1613 = arith.constant 16 : i32
      %mul3A_1614 = arith.muli %scan3A_1611, %mul3A_1613 : i32
      %add3A_1615 = arith.addi %mul3A_812, %mul3A_1614 : i32
      %add3A_1616 = vector.broadcast %add3A_1615 : i32 to vector<16xi32>
      %add3A_1617 = arith.addi %add3A_1616, %iota3A : vector<16xi32>
      %scan3A_1618 = arith.constant 0 : i32
      %scan3A_1619 = arith.constant 0 : i32
      %scan3A_1620 = arith.constant 50 : i32
      %scan3A_1621 = arith.addi %scan3A_1619, %scan3A_1620 : i32
      %scan3A_1622 = arith.constant 1 : i32
      %scan3A_1623 = scf.for %scan3A_1626 = %scan3A_1619 to %scan3A_1621 step %scan3A_1622 iter_args(%scan3A_1627 = %scan3A_1618) -> (i32)  : i32 {
        %mul3A_1628 = arith.constant 512 : i32
        %mul3A_1629 = arith.muli %scan3A_1626, %mul3A_1628 : i32
        %mul3A_1630 = arith.constant 16 : i32
        %mul3A_1631 = arith.muli %scan3A_1611, %mul3A_1630 : i32
        %add3A_1632 = arith.addi %mul3A_1629, %mul3A_1631 : i32
        %get3A = arith.index_cast %add3A_1632 : i32 to index
        %get3A_1633 = tpu.vector_load %arg5[%get3A] {strides = array<i32>} : memref<25600xi32, #tpu.memory_space<vmem>>, vector<16xi32>,
        %get3A_1634 = vector.shape_cast %get3A_1633 : vector<16xi32> to vector<16xi32>
        %mul3A_1635 = arith.constant 512 : i32
        %mul3A_1636 = vector.broadcast %mul3A_1635 : i32 to vector<16xi32>
        %mul3A_1637 = arith.muli %get3A_1634, %mul3A_1636 : vector<16xi32>
        %add3A_1638 = arith.addi %add3A_1617, %mul3A_1637 : vector<16xi32>
        %swap3A = arith.index_cast %add3A_1632 : i32 to index
        %swap3A_1639 = tpu.vector_load %arg8[%swap3A] {strides = array<i32>} : memref<25600xi32, #tpu.memory_space<vmem>>, vector<16xi32>,
        %swap3A_1640 = vector.shape_cast %swap3A_1639 : vector<16xi32> to vector<16xi32>
        %swap3A_1641 = vector.shape_cast %add3A_1638 : vector<16xi32> to vector<16xi32>
        tpu.vector_store %arg8[%swap3A], %swap3A_1641 {strides = array<i32>} : memref<25600xi32, #tpu.memory_space<vmem>>, vector<16xi32>,
        %scan3A_1642 = arith.constant 0 : i32
        scf.yield %scan3A_1642 : i32
      }
      %scan3A_1624 = arith.constant 50 : i32
      %scan3A_1625 = arith.constant 0 : i32
      scf.yield %scan3A_1625 : i32
    }
    %scan3A_1418 = arith.constant 32 : i32
    "tpu.region"() ({
      %run_scoped3A = tpu.sem_alloc : memref<!tpu.dma_semaphore, #tpu.memory_space<semaphore_mem>>
      %dma_start3A_1611 = arith.constant 0 : i32
      %dma_start3A_1612 = tpu.memref_slice %arg9[%dma_start3A_1611] : memref<196608xf32, #tpu.memory_space<vmem_shared>> -> memref<196608xf32, #tpu.memory_space<vmem_shared>>
      tpu.enqueue_indirect_dma source(%arg6 : memref<25600xf32, #tpu.memory_space<vmem>>) target(%dma_start3A_1612 : memref<196608xf32, #tpu.memory_space<vmem_shared>>) offsets(%arg8 : memref<25600xi32, #tpu.memory_space<vmem>>) semaphore(%run_scoped3A : memref<!tpu.dma_semaphore, #tpu.memory_space<semaphore_mem>>) {add = true}
      %dma_wait3A_1613 = arith.constant 0 : i32
      %dma_wait3A_1614 = tpu.memref_slice %arg9[%dma_wait3A_1613] : memref<196608xf32, #tpu.memory_space<vmem_shared>> -> memref<196608xf32, #tpu.memory_space<vmem_shared>>
      tpu.wait_indirect_dma semaphore(%run_scoped3A : memref<!tpu.dma_semaphore, #tpu.memory_space<semaphore_mem>>) src(%arg6 : memref<25600xf32, #tpu.memory_space<vmem>>) dst(%dma_wait3A_1614 : memref<196608xf32, #tpu.memory_space<vmem_shared>>)
      tpu.yield
    }) : () -> ()
    %add3A_1419 = arith.constant 0 : i32
    %add3A_1420 = arith.addi %mul3A_812, %add3A_1419 : i32
    %add3A_1421 = arith.constant 0 : i32
    %add3A_1422 = arith.addi %add3A_1421, %mul3A_2 : i32
    %dma_start3A_1423 = tpu.memref_slice %arg4[%add3A_1422] : memref<393216xf32, #tpu.memory_space<hbm>> -> memref<512xf32, #tpu.memory_space<hbm>>
    %dma_start3A_1424 = tpu.memref_slice %arg9[%add3A_1420] : memref<196608xf32, #tpu.memory_space<vmem_shared>> -> memref<512xf32, #tpu.memory_space<vmem_shared>>
    tpu.enqueue_dma source(%dma_start3A_1424 : memref<512xf32, #tpu.memory_space<vmem_shared>>) target(%dma_start3A_1423 : memref<512xf32, #tpu.memory_space<hbm>>) target_semaphore(%arg10 : memref<!tpu.dma_semaphore, #tpu.memory_space<semaphore_mem>>)
    %add3A_1425 = arith.constant 512 : i32
    %add3A_1426 = arith.addi %mul3A_812, %add3A_1425 : i32
    %add3A_1427 = arith.constant 16384 : i32
    %add3A_1428 = arith.addi %add3A_1427, %mul3A_2 : i32
    %dma_start3A_1429 = tpu.memref_slice %arg4[%add3A_1428] : memref<393216xf32, #tpu.memory_space<hbm>> -> memref<512xf32, #tpu.memory_space<hbm>>
    %dma_start3A_1430 = tpu.memref_slice %arg9[%add3A_1426] : memref<196608xf32, #tpu.memory_space<vmem_shared>> -> memref<512xf32, #tpu.memory_space<vmem_shared>>
    tpu.enqueue_dma source(%dma_start3A_1430 : memref<512xf32, #tpu.memory_space<vmem_shared>>) target(%dma_start3A_1429 : memref<512xf32, #tpu.memory_space<hbm>>) target_semaphore(%arg10 : memref<!tpu.dma_semaphore, #tpu.memory_space<semaphore_mem>>)
    %add3A_1431 = arith.constant 1024 : i32
    %add3A_1432 = arith.addi %mul3A_812, %add3A_1431 : i32
    %add3A_1433 = arith.constant 32768 : i32
    %add3A_1434 = arith.addi %add3A_1433, %mul3A_2 : i32
    %dma_start3A_1435 = tpu.memref_slice %arg4[%add3A_1434] : memref<393216xf32, #tpu.memory_space<hbm>> -> memref<512xf32, #tpu.memory_space<hbm>>
    %dma_start3A_1436 = tpu.memref_slice %arg9[%add3A_1432] : memref<196608xf32, #tpu.memory_space<vmem_shared>> -> memref<512xf32, #tpu.memory_space<vmem_shared>>
    tpu.enqueue_dma source(%dma_start3A_1436 : memref<512xf32, #tpu.memory_space<vmem_shared>>) target(%dma_start3A_1435 : memref<512xf32, #tpu.memory_space<hbm>>) target_semaphore(%arg10 : memref<!tpu.dma_semaphore, #tpu.memory_space<semaphore_mem>>)
    %add3A_1437 = arith.constant 1536 : i32
    %add3A_1438 = arith.addi %mul3A_812, %add3A_1437 : i32
    %add3A_1439 = arith.constant 49152 : i32
    %add3A_1440 = arith.addi %add3A_1439, %mul3A_2 : i32
    %dma_start3A_1441 = tpu.memref_slice %arg4[%add3A_1440] : memref<393216xf32, #tpu.memory_space<hbm>> -> memref<512xf32, #tpu.memory_space<hbm>>
    %dma_start3A_1442 = tpu.memref_slice %arg9[%add3A_1438] : memref<196608xf32, #tpu.memory_space<vmem_shared>> -> memref<512xf32, #tpu.memory_space<vmem_shared>>
    tpu.enqueue_dma source(%dma_start3A_1442 : memref<512xf32, #tpu.memory_space<vmem_shared>>) target(%dma_start3A_1441 : memref<512xf32, #tpu.memory_space<hbm>>) target_semaphore(%arg10 : memref<!tpu.dma_semaphore, #tpu.memory_space<semaphore_mem>>)
    %add3A_1443 = arith.constant 2048 : i32
    %add3A_1444 = arith.addi %mul3A_812, %add3A_1443 : i32
    %add3A_1445 = arith.constant 65536 : i32
    %add3A_1446 = arith.addi %add3A_1445, %mul3A_2 : i32
    %dma_start3A_1447 = tpu.memref_slice %arg4[%add3A_1446] : memref<393216xf32, #tpu.memory_space<hbm>> -> memref<512xf32, #tpu.memory_space<hbm>>
    %dma_start3A_1448 = tpu.memref_slice %arg9[%add3A_1444] : memref<196608xf32, #tpu.memory_space<vmem_shared>> -> memref<512xf32, #tpu.memory_space<vmem_shared>>
    tpu.enqueue_dma source(%dma_start3A_1448 : memref<512xf32, #tpu.memory_space<vmem_shared>>) target(%dma_start3A_1447 : memref<512xf32, #tpu.memory_space<hbm>>) target_semaphore(%arg10 : memref<!tpu.dma_semaphore, #tpu.memory_space<semaphore_mem>>)
    %add3A_1449 = arith.constant 2560 : i32
    %add3A_1450 = arith.addi %mul3A_812, %add3A_1449 : i32
    %add3A_1451 = arith.constant 81920 : i32
    %add3A_1452 = arith.addi %add3A_1451, %mul3A_2 : i32
    %dma_start3A_1453 = tpu.memref_slice %arg4[%add3A_1452] : memref<393216xf32, #tpu.memory_space<hbm>> -> memref<512xf32, #tpu.memory_space<hbm>>
    %dma_start3A_1454 = tpu.memref_slice %arg9[%add3A_1450] : memref<196608xf32, #tpu.memory_space<vmem_shared>> -> memref<512xf32, #tpu.memory_space<vmem_shared>>
    tpu.enqueue_dma source(%dma_start3A_1454 : memref<512xf32, #tpu.memory_space<vmem_shared>>) target(%dma_start3A_1453 : memref<512xf32, #tpu.memory_space<hbm>>) target_semaphore(%arg10 : memref<!tpu.dma_semaphore, #tpu.memory_space<semaphore_mem>>)
    %add3A_1455 = arith.constant 3072 : i32
    %add3A_1456 = arith.addi %mul3A_812, %add3A_1455 : i32
    %add3A_1457 = arith.constant 98304 : i32
    %add3A_1458 = arith.addi %add3A_1457, %mul3A_2 : i32
    %dma_start3A_1459 = tpu.memref_slice %arg4[%add3A_1458] : memref<393216xf32, #tpu.memory_space<hbm>> -> memref<512xf32, #tpu.memory_space<hbm>>
    %dma_start3A_1460 = tpu.memref_slice %arg9[%add3A_1456] : memref<196608xf32, #tpu.memory_space<vmem_shared>> -> memref<512xf32, #tpu.memory_space<vmem_shared>>
    tpu.enqueue_dma source(%dma_start3A_1460 : memref<512xf32, #tpu.memory_space<vmem_shared>>) target(%dma_start3A_1459 : memref<512xf32, #tpu.memory_space<hbm>>) target_semaphore(%arg10 : memref<!tpu.dma_semaphore, #tpu.memory_space<semaphore_mem>>)
    %add3A_1461 = arith.constant 3584 : i32
    %add3A_1462 = arith.addi %mul3A_812, %add3A_1461 : i32
    %add3A_1463 = arith.constant 114688 : i32
    %add3A_1464 = arith.addi %add3A_1463, %mul3A_2 : i32
    %dma_start3A_1465 = tpu.memref_slice %arg4[%add3A_1464] : memref<393216xf32, #tpu.memory_space<hbm>> -> memref<512xf32, #tpu.memory_space<hbm>>
    %dma_start3A_1466 = tpu.memref_slice %arg9[%add3A_1462] : memref<196608xf32, #tpu.memory_space<vmem_shared>> -> memref<512xf32, #tpu.memory_space<vmem_shared>>
    tpu.enqueue_dma source(%dma_start3A_1466 : memref<512xf32, #tpu.memory_space<vmem_shared>>) target(%dma_start3A_1465 : memref<512xf32, #tpu.memory_space<hbm>>) target_semaphore(%arg10 : memref<!tpu.dma_semaphore, #tpu.memory_space<semaphore_mem>>)
    %add3A_1467 = arith.constant 4096 : i32
    %add3A_1468 = arith.addi %mul3A_812, %add3A_1467 : i32
    %add3A_1469 = arith.constant 131072 : i32
    %add3A_1470 = arith.addi %add3A_1469, %mul3A_2 : i32
    %dma_start3A_1471 = tpu.memref_slice %arg4[%add3A_1470] : memref<393216xf32, #tpu.memory_space<hbm>> -> memref<512xf32, #tpu.memory_space<hbm>>
    %dma_start3A_1472 = tpu.memref_slice %arg9[%add3A_1468] : memref<196608xf32, #tpu.memory_space<vmem_shared>> -> memref<512xf32, #tpu.memory_space<vmem_shared>>
    tpu.enqueue_dma source(%dma_start3A_1472 : memref<512xf32, #tpu.memory_space<vmem_shared>>) target(%dma_start3A_1471 : memref<512xf32, #tpu.memory_space<hbm>>) target_semaphore(%arg10 : memref<!tpu.dma_semaphore, #tpu.memory_space<semaphore_mem>>)
    %add3A_1473 = arith.constant 4608 : i32
    %add3A_1474 = arith.addi %mul3A_812, %add3A_1473 : i32
    %add3A_1475 = arith.constant 147456 : i32
    %add3A_1476 = arith.addi %add3A_1475, %mul3A_2 : i32
    %dma_start3A_1477 = tpu.memref_slice %arg4[%add3A_1476] : memref<393216xf32, #tpu.memory_space<hbm>> -> memref<512xf32, #tpu.memory_space<hbm>>
    %dma_start3A_1478 = tpu.memref_slice %arg9[%add3A_1474] : memref<196608xf32, #tpu.memory_space<vmem_shared>> -> memref<512xf32, #tpu.memory_space<vmem_shared>>
    tpu.enqueue_dma source(%dma_start3A_1478 : memref<512xf32, #tpu.memory_space<vmem_shared>>) target(%dma_start3A_1477 : memref<512xf32, #tpu.memory_space<hbm>>) target_semaphore(%arg10 : memref<!tpu.dma_semaphore, #tpu.memory_space<semaphore_mem>>)
    %add3A_1479 = arith.constant 5120 : i32
    %add3A_1480 = arith.addi %mul3A_812, %add3A_1479 : i32
    %add3A_1481 = arith.constant 163840 : i32
    %add3A_1482 = arith.addi %add3A_1481, %mul3A_2 : i32
    %dma_start3A_1483 = tpu.memref_slice %arg4[%add3A_1482] : memref<393216xf32, #tpu.memory_space<hbm>> -> memref<512xf32, #tpu.memory_space<hbm>>
    %dma_start3A_1484 = tpu.memref_slice %arg9[%add3A_1480] : memref<196608xf32, #tpu.memory_space<vmem_shared>> -> memref<512xf32, #tpu.memory_space<vmem_shared>>
    tpu.enqueue_dma source(%dma_start3A_1484 : memref<512xf32, #tpu.memory_space<vmem_shared>>) target(%dma_start3A_1483 : memref<512xf32, #tpu.memory_space<hbm>>) target_semaphore(%arg10 : memref<!tpu.dma_semaphore, #tpu.memory_space<semaphore_mem>>)
    %add3A_1485 = arith.constant 5632 : i32
    %add3A_1486 = arith.addi %mul3A_812, %add3A_1485 : i32
    %add3A_1487 = arith.constant 180224 : i32
    %add3A_1488 = arith.addi %add3A_1487, %mul3A_2 : i32
    %dma_start3A_1489 = tpu.memref_slice %arg4[%add3A_1488] : memref<393216xf32, #tpu.memory_space<hbm>> -> memref<512xf32, #tpu.memory_space<hbm>>
    %dma_start3A_1490 = tpu.memref_slice %arg9[%add3A_1486] : memref<196608xf32, #tpu.memory_space<vmem_shared>> -> memref<512xf32, #tpu.memory_space<vmem_shared>>
    tpu.enqueue_dma source(%dma_start3A_1490 : memref<512xf32, #tpu.memory_space<vmem_shared>>) target(%dma_start3A_1489 : memref<512xf32, #tpu.memory_space<hbm>>) target_semaphore(%arg10 : memref<!tpu.dma_semaphore, #tpu.memory_space<semaphore_mem>>)
    %add3A_1491 = arith.constant 6144 : i32
    %add3A_1492 = arith.addi %mul3A_812, %add3A_1491 : i32
    %add3A_1493 = arith.constant 196608 : i32
    %add3A_1494 = arith.addi %add3A_1493, %mul3A_2 : i32
    %dma_start3A_1495 = tpu.memref_slice %arg4[%add3A_1494] : memref<393216xf32, #tpu.memory_space<hbm>> -> memref<512xf32, #tpu.memory_space<hbm>>
    %dma_start3A_1496 = tpu.memref_slice %arg9[%add3A_1492] : memref<196608xf32, #tpu.memory_space<vmem_shared>> -> memref<512xf32, #tpu.memory_space<vmem_shared>>
    tpu.enqueue_dma source(%dma_start3A_1496 : memref<512xf32, #tpu.memory_space<vmem_shared>>) target(%dma_start3A_1495 : memref<512xf32, #tpu.memory_space<hbm>>) target_semaphore(%arg10 : memref<!tpu.dma_semaphore, #tpu.memory_space<semaphore_mem>>)
    %add3A_1497 = arith.constant 6656 : i32
    %add3A_1498 = arith.addi %mul3A_812, %add3A_1497 : i32
    %add3A_1499 = arith.constant 212992 : i32
    %add3A_1500 = arith.addi %add3A_1499, %mul3A_2 : i32
    %dma_start3A_1501 = tpu.memref_slice %arg4[%add3A_1500] : memref<393216xf32, #tpu.memory_space<hbm>> -> memref<512xf32, #tpu.memory_space<hbm>>
    %dma_start3A_1502 = tpu.memref_slice %arg9[%add3A_1498] : memref<196608xf32, #tpu.memory_space<vmem_shared>> -> memref<512xf32, #tpu.memory_space<vmem_shared>>
    tpu.enqueue_dma source(%dma_start3A_1502 : memref<512xf32, #tpu.memory_space<vmem_shared>>) target(%dma_start3A_1501 : memref<512xf32, #tpu.memory_space<hbm>>) target_semaphore(%arg10 : memref<!tpu.dma_semaphore, #tpu.memory_space<semaphore_mem>>)
    %add3A_1503 = arith.constant 7168 : i32
    %add3A_1504 = arith.addi %mul3A_812, %add3A_1503 : i32
    %add3A_1505 = arith.constant 229376 : i32
    %add3A_1506 = arith.addi %add3A_1505, %mul3A_2 : i32
    %dma_start3A_1507 = tpu.memref_slice %arg4[%add3A_1506] : memref<393216xf32, #tpu.memory_space<hbm>> -> memref<512xf32, #tpu.memory_space<hbm>>
    %dma_start3A_1508 = tpu.memref_slice %arg9[%add3A_1504] : memref<196608xf32, #tpu.memory_space<vmem_shared>> -> memref<512xf32, #tpu.memory_space<vmem_shared>>
    tpu.enqueue_dma source(%dma_start3A_1508 : memref<512xf32, #tpu.memory_space<vmem_shared>>) target(%dma_start3A_1507 : memref<512xf32, #tpu.memory_space<hbm>>) target_semaphore(%arg10 : memref<!tpu.dma_semaphore, #tpu.memory_space<semaphore_mem>>)
    %add3A_1509 = arith.constant 7680 : i32
    %add3A_1510 = arith.addi %mul3A_812, %add3A_1509 : i32
    %add3A_1511 = arith.constant 245760 : i32
    %add3A_1512 = arith.addi %add3A_1511, %mul3A_2 : i32
    %dma_start3A_1513 = tpu.memref_slice %arg4[%add3A_1512] : memref<393216xf32, #tpu.memory_space<hbm>> -> memref<512xf32, #tpu.memory_space<hbm>>
    %dma_start3A_1514 = tpu.memref_slice %arg9[%add3A_1510] : memref<196608xf32, #tpu.memory_space<vmem_shared>> -> memref<512xf32, #tpu.memory_space<vmem_shared>>
    tpu.enqueue_dma source(%dma_start3A_1514 : memref<512xf32, #tpu.memory_space<vmem_shared>>) target(%dma_start3A_1513 : memref<512xf32, #tpu.memory_space<hbm>>) target_semaphore(%arg10 : memref<!tpu.dma_semaphore, #tpu.memory_space<semaphore_mem>>)
    %add3A_1515 = arith.constant 8192 : i32
    %add3A_1516 = arith.addi %mul3A_812, %add3A_1515 : i32
    %add3A_1517 = arith.constant 262144 : i32
    %add3A_1518 = arith.addi %add3A_1517, %mul3A_2 : i32
    %dma_start3A_1519 = tpu.memref_slice %arg4[%add3A_1518] : memref<393216xf32, #tpu.memory_space<hbm>> -> memref<512xf32, #tpu.memory_space<hbm>>
    %dma_start3A_1520 = tpu.memref_slice %arg9[%add3A_1516] : memref<196608xf32, #tpu.memory_space<vmem_shared>> -> memref<512xf32, #tpu.memory_space<vmem_shared>>
    tpu.enqueue_dma source(%dma_start3A_1520 : memref<512xf32, #tpu.memory_space<vmem_shared>>) target(%dma_start3A_1519 : memref<512xf32, #tpu.memory_space<hbm>>) target_semaphore(%arg10 : memref<!tpu.dma_semaphore, #tpu.memory_space<semaphore_mem>>)
    %add3A_1521 = arith.constant 8704 : i32
    %add3A_1522 = arith.addi %mul3A_812, %add3A_1521 : i32
    %add3A_1523 = arith.constant 278528 : i32
    %add3A_1524 = arith.addi %add3A_1523, %mul3A_2 : i32
    %dma_start3A_1525 = tpu.memref_slice %arg4[%add3A_1524] : memref<393216xf32, #tpu.memory_space<hbm>> -> memref<512xf32, #tpu.memory_space<hbm>>
    %dma_start3A_1526 = tpu.memref_slice %arg9[%add3A_1522] : memref<196608xf32, #tpu.memory_space<vmem_shared>> -> memref<512xf32, #tpu.memory_space<vmem_shared>>
    tpu.enqueue_dma source(%dma_start3A_1526 : memref<512xf32, #tpu.memory_space<vmem_shared>>) target(%dma_start3A_1525 : memref<512xf32, #tpu.memory_space<hbm>>) target_semaphore(%arg10 : memref<!tpu.dma_semaphore, #tpu.memory_space<semaphore_mem>>)
    %add3A_1527 = arith.constant 9216 : i32
    %add3A_1528 = arith.addi %mul3A_812, %add3A_1527 : i32
    %add3A_1529 = arith.constant 294912 : i32
    %add3A_1530 = arith.addi %add3A_1529, %mul3A_2 : i32
    %dma_start3A_1531 = tpu.memref_slice %arg4[%add3A_1530] : memref<393216xf32, #tpu.memory_space<hbm>> -> memref<512xf32, #tpu.memory_space<hbm>>
    %dma_start3A_1532 = tpu.memref_slice %arg9[%add3A_1528] : memref<196608xf32, #tpu.memory_space<vmem_shared>> -> memref<512xf32, #tpu.memory_space<vmem_shared>>
    tpu.enqueue_dma source(%dma_start3A_1532 : memref<512xf32, #tpu.memory_space<vmem_shared>>) target(%dma_start3A_1531 : memref<512xf32, #tpu.memory_space<hbm>>) target_semaphore(%arg10 : memref<!tpu.dma_semaphore, #tpu.memory_space<semaphore_mem>>)
    %add3A_1533 = arith.constant 9728 : i32
    %add3A_1534 = arith.addi %mul3A_812, %add3A_1533 : i32
    %add3A_1535 = arith.constant 311296 : i32
    %add3A_1536 = arith.addi %add3A_1535, %mul3A_2 : i32
    %dma_start3A_1537 = tpu.memref_slice %arg4[%add3A_1536] : memref<393216xf32, #tpu.memory_space<hbm>> -> memref<512xf32, #tpu.memory_space<hbm>>
    %dma_start3A_1538 = tpu.memref_slice %arg9[%add3A_1534] : memref<196608xf32, #tpu.memory_space<vmem_shared>> -> memref<512xf32, #tpu.memory_space<vmem_shared>>
    tpu.enqueue_dma source(%dma_start3A_1538 : memref<512xf32, #tpu.memory_space<vmem_shared>>) target(%dma_start3A_1537 : memref<512xf32, #tpu.memory_space<hbm>>) target_semaphore(%arg10 : memref<!tpu.dma_semaphore, #tpu.memory_space<semaphore_mem>>)
    %add3A_1539 = arith.constant 10240 : i32
    %add3A_1540 = arith.addi %mul3A_812, %add3A_1539 : i32
    %add3A_1541 = arith.constant 327680 : i32
    %add3A_1542 = arith.addi %add3A_1541, %mul3A_2 : i32
    %dma_start3A_1543 = tpu.memref_slice %arg4[%add3A_1542] : memref<393216xf32, #tpu.memory_space<hbm>> -> memref<512xf32, #tpu.memory_space<hbm>>
    %dma_start3A_1544 = tpu.memref_slice %arg9[%add3A_1540] : memref<196608xf32, #tpu.memory_space<vmem_shared>> -> memref<512xf32, #tpu.memory_space<vmem_shared>>
    tpu.enqueue_dma source(%dma_start3A_1544 : memref<512xf32, #tpu.memory_space<vmem_shared>>) target(%dma_start3A_1543 : memref<512xf32, #tpu.memory_space<hbm>>) target_semaphore(%arg10 : memref<!tpu.dma_semaphore, #tpu.memory_space<semaphore_mem>>)
    %add3A_1545 = arith.constant 10752 : i32
    %add3A_1546 = arith.addi %mul3A_812, %add3A_1545 : i32
    %add3A_1547 = arith.constant 344064 : i32
    %add3A_1548 = arith.addi %add3A_1547, %mul3A_2 : i32
    %dma_start3A_1549 = tpu.memref_slice %arg4[%add3A_1548] : memref<393216xf32, #tpu.memory_space<hbm>> -> memref<512xf32, #tpu.memory_space<hbm>>
    %dma_start3A_1550 = tpu.memref_slice %arg9[%add3A_1546] : memref<196608xf32, #tpu.memory_space<vmem_shared>> -> memref<512xf32, #tpu.memory_space<vmem_shared>>
    tpu.enqueue_dma source(%dma_start3A_1550 : memref<512xf32, #tpu.memory_space<vmem_shared>>) target(%dma_start3A_1549 : memref<512xf32, #tpu.memory_space<hbm>>) target_semaphore(%arg10 : memref<!tpu.dma_semaphore, #tpu.memory_space<semaphore_mem>>)
    %add3A_1551 = arith.constant 11264 : i32
    %add3A_1552 = arith.addi %mul3A_812, %add3A_1551 : i32
    %add3A_1553 = arith.constant 360448 : i32
    %add3A_1554 = arith.addi %add3A_1553, %mul3A_2 : i32
    %dma_start3A_1555 = tpu.memref_slice %arg4[%add3A_1554] : memref<393216xf32, #tpu.memory_space<hbm>> -> memref<512xf32, #tpu.memory_space<hbm>>
    %dma_start3A_1556 = tpu.memref_slice %arg9[%add3A_1552] : memref<196608xf32, #tpu.memory_space<vmem_shared>> -> memref<512xf32, #tpu.memory_space<vmem_shared>>
    tpu.enqueue_dma source(%dma_start3A_1556 : memref<512xf32, #tpu.memory_space<vmem_shared>>) target(%dma_start3A_1555 : memref<512xf32, #tpu.memory_space<hbm>>) target_semaphore(%arg10 : memref<!tpu.dma_semaphore, #tpu.memory_space<semaphore_mem>>)
    %add3A_1557 = arith.constant 11776 : i32
    %add3A_1558 = arith.addi %mul3A_812, %add3A_1557 : i32
    %add3A_1559 = arith.constant 376832 : i32
    %add3A_1560 = arith.addi %add3A_1559, %mul3A_2 : i32
    %dma_start3A_1561 = tpu.memref_slice %arg4[%add3A_1560] : memref<393216xf32, #tpu.memory_space<hbm>> -> memref<512xf32, #tpu.memory_space<hbm>>
    %dma_start3A_1562 = tpu.memref_slice %arg9[%add3A_1558] : memref<196608xf32, #tpu.memory_space<vmem_shared>> -> memref<512xf32, #tpu.memory_space<vmem_shared>>
    tpu.enqueue_dma source(%dma_start3A_1562 : memref<512xf32, #tpu.memory_space<vmem_shared>>) target(%dma_start3A_1561 : memref<512xf32, #tpu.memory_space<hbm>>) target_semaphore(%arg10 : memref<!tpu.dma_semaphore, #tpu.memory_space<semaphore_mem>>)
    %dma_wait3A_1563 = tpu.memref_slice %arg4[%add3A_1422] : memref<393216xf32, #tpu.memory_space<hbm>> -> memref<512xf32, #tpu.memory_space<hbm>>
    %dma_wait3A_1564 = tpu.memref_slice %arg9[%add3A_1420] : memref<196608xf32, #tpu.memory_space<vmem_shared>> -> memref<512xf32, #tpu.memory_space<vmem_shared>>
    tpu.wait_dma2 semaphore(%arg10 : memref<!tpu.dma_semaphore, #tpu.memory_space<semaphore_mem>>) src(%dma_wait3A_1564 : memref<512xf32, #tpu.memory_space<vmem_shared>>) dst(%dma_wait3A_1563 : memref<512xf32, #tpu.memory_space<hbm>>)
    %dma_wait3A_1565 = tpu.memref_slice %arg4[%add3A_1428] : memref<393216xf32, #tpu.memory_space<hbm>> -> memref<512xf32, #tpu.memory_space<hbm>>
    %dma_wait3A_1566 = tpu.memref_slice %arg9[%add3A_1426] : memref<196608xf32, #tpu.memory_space<vmem_shared>> -> memref<512xf32, #tpu.memory_space<vmem_shared>>
    tpu.wait_dma2 semaphore(%arg10 : memref<!tpu.dma_semaphore, #tpu.memory_space<semaphore_mem>>) src(%dma_wait3A_1566 : memref<512xf32, #tpu.memory_space<vmem_shared>>) dst(%dma_wait3A_1565 : memref<512xf32, #tpu.memory_space<hbm>>)
    %dma_wait3A_1567 = tpu.memref_slice %arg4[%add3A_1434] : memref<393216xf32, #tpu.memory_space<hbm>> -> memref<512xf32, #tpu.memory_space<hbm>>
    %dma_wait3A_1568 = tpu.memref_slice %arg9[%add3A_1432] : memref<196608xf32, #tpu.memory_space<vmem_shared>> -> memref<512xf32, #tpu.memory_space<vmem_shared>>
    tpu.wait_dma2 semaphore(%arg10 : memref<!tpu.dma_semaphore, #tpu.memory_space<semaphore_mem>>) src(%dma_wait3A_1568 : memref<512xf32, #tpu.memory_space<vmem_shared>>) dst(%dma_wait3A_1567 : memref<512xf32, #tpu.memory_space<hbm>>)
    %dma_wait3A_1569 = tpu.memref_slice %arg4[%add3A_1440] : memref<393216xf32, #tpu.memory_space<hbm>> -> memref<512xf32, #tpu.memory_space<hbm>>
    %dma_wait3A_1570 = tpu.memref_slice %arg9[%add3A_1438] : memref<196608xf32, #tpu.memory_space<vmem_shared>> -> memref<512xf32, #tpu.memory_space<vmem_shared>>
    tpu.wait_dma2 semaphore(%arg10 : memref<!tpu.dma_semaphore, #tpu.memory_space<semaphore_mem>>) src(%dma_wait3A_1570 : memref<512xf32, #tpu.memory_space<vmem_shared>>) dst(%dma_wait3A_1569 : memref<512xf32, #tpu.memory_space<hbm>>)
    %dma_wait3A_1571 = tpu.memref_slice %arg4[%add3A_1446] : memref<393216xf32, #tpu.memory_space<hbm>> -> memref<512xf32, #tpu.memory_space<hbm>>
    %dma_wait3A_1572 = tpu.memref_slice %arg9[%add3A_1444] : memref<196608xf32, #tpu.memory_space<vmem_shared>> -> memref<512xf32, #tpu.memory_space<vmem_shared>>
    tpu.wait_dma2 semaphore(%arg10 : memref<!tpu.dma_semaphore, #tpu.memory_space<semaphore_mem>>) src(%dma_wait3A_1572 : memref<512xf32, #tpu.memory_space<vmem_shared>>) dst(%dma_wait3A_1571 : memref<512xf32, #tpu.memory_space<hbm>>)
    %dma_wait3A_1573 = tpu.memref_slice %arg4[%add3A_1452] : memref<393216xf32, #tpu.memory_space<hbm>> -> memref<512xf32, #tpu.memory_space<hbm>>
    %dma_wait3A_1574 = tpu.memref_slice %arg9[%add3A_1450] : memref<196608xf32, #tpu.memory_space<vmem_shared>> -> memref<512xf32, #tpu.memory_space<vmem_shared>>
    tpu.wait_dma2 semaphore(%arg10 : memref<!tpu.dma_semaphore, #tpu.memory_space<semaphore_mem>>) src(%dma_wait3A_1574 : memref<512xf32, #tpu.memory_space<vmem_shared>>) dst(%dma_wait3A_1573 : memref<512xf32, #tpu.memory_space<hbm>>)
    %dma_wait3A_1575 = tpu.memref_slice %arg4[%add3A_1458] : memref<393216xf32, #tpu.memory_space<hbm>> -> memref<512xf32, #tpu.memory_space<hbm>>
    %dma_wait3A_1576 = tpu.memref_slice %arg9[%add3A_1456] : memref<196608xf32, #tpu.memory_space<vmem_shared>> -> memref<512xf32, #tpu.memory_space<vmem_shared>>
    tpu.wait_dma2 semaphore(%arg10 : memref<!tpu.dma_semaphore, #tpu.memory_space<semaphore_mem>>) src(%dma_wait3A_1576 : memref<512xf32, #tpu.memory_space<vmem_shared>>) dst(%dma_wait3A_1575 : memref<512xf32, #tpu.memory_space<hbm>>)
    %dma_wait3A_1577 = tpu.memref_slice %arg4[%add3A_1464] : memref<393216xf32, #tpu.memory_space<hbm>> -> memref<512xf32, #tpu.memory_space<hbm>>
    %dma_wait3A_1578 = tpu.memref_slice %arg9[%add3A_1462] : memref<196608xf32, #tpu.memory_space<vmem_shared>> -> memref<512xf32, #tpu.memory_space<vmem_shared>>
    tpu.wait_dma2 semaphore(%arg10 : memref<!tpu.dma_semaphore, #tpu.memory_space<semaphore_mem>>) src(%dma_wait3A_1578 : memref<512xf32, #tpu.memory_space<vmem_shared>>) dst(%dma_wait3A_1577 : memref<512xf32, #tpu.memory_space<hbm>>)
    %dma_wait3A_1579 = tpu.memref_slice %arg4[%add3A_1470] : memref<393216xf32, #tpu.memory_space<hbm>> -> memref<512xf32, #tpu.memory_space<hbm>>
    %dma_wait3A_1580 = tpu.memref_slice %arg9[%add3A_1468] : memref<196608xf32, #tpu.memory_space<vmem_shared>> -> memref<512xf32, #tpu.memory_space<vmem_shared>>
    tpu.wait_dma2 semaphore(%arg10 : memref<!tpu.dma_semaphore, #tpu.memory_space<semaphore_mem>>) src(%dma_wait3A_1580 : memref<512xf32, #tpu.memory_space<vmem_shared>>) dst(%dma_wait3A_1579 : memref<512xf32, #tpu.memory_space<hbm>>)
    %dma_wait3A_1581 = tpu.memref_slice %arg4[%add3A_1476] : memref<393216xf32, #tpu.memory_space<hbm>> -> memref<512xf32, #tpu.memory_space<hbm>>
    %dma_wait3A_1582 = tpu.memref_slice %arg9[%add3A_1474] : memref<196608xf32, #tpu.memory_space<vmem_shared>> -> memref<512xf32, #tpu.memory_space<vmem_shared>>
    tpu.wait_dma2 semaphore(%arg10 : memref<!tpu.dma_semaphore, #tpu.memory_space<semaphore_mem>>) src(%dma_wait3A_1582 : memref<512xf32, #tpu.memory_space<vmem_shared>>) dst(%dma_wait3A_1581 : memref<512xf32, #tpu.memory_space<hbm>>)
    %dma_wait3A_1583 = tpu.memref_slice %arg4[%add3A_1482] : memref<393216xf32, #tpu.memory_space<hbm>> -> memref<512xf32, #tpu.memory_space<hbm>>
    %dma_wait3A_1584 = tpu.memref_slice %arg9[%add3A_1480] : memref<196608xf32, #tpu.memory_space<vmem_shared>> -> memref<512xf32, #tpu.memory_space<vmem_shared>>
    tpu.wait_dma2 semaphore(%arg10 : memref<!tpu.dma_semaphore, #tpu.memory_space<semaphore_mem>>) src(%dma_wait3A_1584 : memref<512xf32, #tpu.memory_space<vmem_shared>>) dst(%dma_wait3A_1583 : memref<512xf32, #tpu.memory_space<hbm>>)
    %dma_wait3A_1585 = tpu.memref_slice %arg4[%add3A_1488] : memref<393216xf32, #tpu.memory_space<hbm>> -> memref<512xf32, #tpu.memory_space<hbm>>
    %dma_wait3A_1586 = tpu.memref_slice %arg9[%add3A_1486] : memref<196608xf32, #tpu.memory_space<vmem_shared>> -> memref<512xf32, #tpu.memory_space<vmem_shared>>
    tpu.wait_dma2 semaphore(%arg10 : memref<!tpu.dma_semaphore, #tpu.memory_space<semaphore_mem>>) src(%dma_wait3A_1586 : memref<512xf32, #tpu.memory_space<vmem_shared>>) dst(%dma_wait3A_1585 : memref<512xf32, #tpu.memory_space<hbm>>)
    %dma_wait3A_1587 = tpu.memref_slice %arg4[%add3A_1494] : memref<393216xf32, #tpu.memory_space<hbm>> -> memref<512xf32, #tpu.memory_space<hbm>>
    %dma_wait3A_1588 = tpu.memref_slice %arg9[%add3A_1492] : memref<196608xf32, #tpu.memory_space<vmem_shared>> -> memref<512xf32, #tpu.memory_space<vmem_shared>>
    tpu.wait_dma2 semaphore(%arg10 : memref<!tpu.dma_semaphore, #tpu.memory_space<semaphore_mem>>) src(%dma_wait3A_1588 : memref<512xf32, #tpu.memory_space<vmem_shared>>) dst(%dma_wait3A_1587 : memref<512xf32, #tpu.memory_space<hbm>>)
    %dma_wait3A_1589 = tpu.memref_slice %arg4[%add3A_1500] : memref<393216xf32, #tpu.memory_space<hbm>> -> memref<512xf32, #tpu.memory_space<hbm>>
    %dma_wait3A_1590 = tpu.memref_slice %arg9[%add3A_1498] : memref<196608xf32, #tpu.memory_space<vmem_shared>> -> memref<512xf32, #tpu.memory_space<vmem_shared>>
    tpu.wait_dma2 semaphore(%arg10 : memref<!tpu.dma_semaphore, #tpu.memory_space<semaphore_mem>>) src(%dma_wait3A_1590 : memref<512xf32, #tpu.memory_space<vmem_shared>>) dst(%dma_wait3A_1589 : memref<512xf32, #tpu.memory_space<hbm>>)
    %dma_wait3A_1591 = tpu.memref_slice %arg4[%add3A_1506] : memref<393216xf32, #tpu.memory_space<hbm>> -> memref<512xf32, #tpu.memory_space<hbm>>
    %dma_wait3A_1592 = tpu.memref_slice %arg9[%add3A_1504] : memref<196608xf32, #tpu.memory_space<vmem_shared>> -> memref<512xf32, #tpu.memory_space<vmem_shared>>
    tpu.wait_dma2 semaphore(%arg10 : memref<!tpu.dma_semaphore, #tpu.memory_space<semaphore_mem>>) src(%dma_wait3A_1592 : memref<512xf32, #tpu.memory_space<vmem_shared>>) dst(%dma_wait3A_1591 : memref<512xf32, #tpu.memory_space<hbm>>)
    %dma_wait3A_1593 = tpu.memref_slice %arg4[%add3A_1512] : memref<393216xf32, #tpu.memory_space<hbm>> -> memref<512xf32, #tpu.memory_space<hbm>>
    %dma_wait3A_1594 = tpu.memref_slice %arg9[%add3A_1510] : memref<196608xf32, #tpu.memory_space<vmem_shared>> -> memref<512xf32, #tpu.memory_space<vmem_shared>>
    tpu.wait_dma2 semaphore(%arg10 : memref<!tpu.dma_semaphore, #tpu.memory_space<semaphore_mem>>) src(%dma_wait3A_1594 : memref<512xf32, #tpu.memory_space<vmem_shared>>) dst(%dma_wait3A_1593 : memref<512xf32, #tpu.memory_space<hbm>>)
    %dma_wait3A_1595 = tpu.memref_slice %arg4[%add3A_1518] : memref<393216xf32, #tpu.memory_space<hbm>> -> memref<512xf32, #tpu.memory_space<hbm>>
    %dma_wait3A_1596 = tpu.memref_slice %arg9[%add3A_1516] : memref<196608xf32, #tpu.memory_space<vmem_shared>> -> memref<512xf32, #tpu.memory_space<vmem_shared>>
    tpu.wait_dma2 semaphore(%arg10 : memref<!tpu.dma_semaphore, #tpu.memory_space<semaphore_mem>>) src(%dma_wait3A_1596 : memref<512xf32, #tpu.memory_space<vmem_shared>>) dst(%dma_wait3A_1595 : memref<512xf32, #tpu.memory_space<hbm>>)
    %dma_wait3A_1597 = tpu.memref_slice %arg4[%add3A_1524] : memref<393216xf32, #tpu.memory_space<hbm>> -> memref<512xf32, #tpu.memory_space<hbm>>
    %dma_wait3A_1598 = tpu.memref_slice %arg9[%add3A_1522] : memref<196608xf32, #tpu.memory_space<vmem_shared>> -> memref<512xf32, #tpu.memory_space<vmem_shared>>
    tpu.wait_dma2 semaphore(%arg10 : memref<!tpu.dma_semaphore, #tpu.memory_space<semaphore_mem>>) src(%dma_wait3A_1598 : memref<512xf32, #tpu.memory_space<vmem_shared>>) dst(%dma_wait3A_1597 : memref<512xf32, #tpu.memory_space<hbm>>)
    %dma_wait3A_1599 = tpu.memref_slice %arg4[%add3A_1530] : memref<393216xf32, #tpu.memory_space<hbm>> -> memref<512xf32, #tpu.memory_space<hbm>>
    %dma_wait3A_1600 = tpu.memref_slice %arg9[%add3A_1528] : memref<196608xf32, #tpu.memory_space<vmem_shared>> -> memref<512xf32, #tpu.memory_space<vmem_shared>>
    tpu.wait_dma2 semaphore(%arg10 : memref<!tpu.dma_semaphore, #tpu.memory_space<semaphore_mem>>) src(%dma_wait3A_1600 : memref<512xf32, #tpu.memory_space<vmem_shared>>) dst(%dma_wait3A_1599 : memref<512xf32, #tpu.memory_space<hbm>>)
    %dma_wait3A_1601 = tpu.memref_slice %arg4[%add3A_1536] : memref<393216xf32, #tpu.memory_space<hbm>> -> memref<512xf32, #tpu.memory_space<hbm>>
    %dma_wait3A_1602 = tpu.memref_slice %arg9[%add3A_1534] : memref<196608xf32, #tpu.memory_space<vmem_shared>> -> memref<512xf32, #tpu.memory_space<vmem_shared>>
    tpu.wait_dma2 semaphore(%arg10 : memref<!tpu.dma_semaphore, #tpu.memory_space<semaphore_mem>>) src(%dma_wait3A_1602 : memref<512xf32, #tpu.memory_space<vmem_shared>>) dst(%dma_wait3A_1601 : memref<512xf32, #tpu.memory_space<hbm>>)
    %dma_wait3A_1603 = tpu.memref_slice %arg4[%add3A_1542] : memref<393216xf32, #tpu.memory_space<hbm>> -> memref<512xf32, #tpu.memory_space<hbm>>
    %dma_wait3A_1604 = tpu.memref_slice %arg9[%add3A_1540] : memref<196608xf32, #tpu.memory_space<vmem_shared>> -> memref<512xf32, #tpu.memory_space<vmem_shared>>
    tpu.wait_dma2 semaphore(%arg10 : memref<!tpu.dma_semaphore, #tpu.memory_space<semaphore_mem>>) src(%dma_wait3A_1604 : memref<512xf32, #tpu.memory_space<vmem_shared>>) dst(%dma_wait3A_1603 : memref<512xf32, #tpu.memory_space<hbm>>)
    %dma_wait3A_1605 = tpu.memref_slice %arg4[%add3A_1548] : memref<393216xf32, #tpu.memory_space<hbm>> -> memref<512xf32, #tpu.memory_space<hbm>>
    %dma_wait3A_1606 = tpu.memref_slice %arg9[%add3A_1546] : memref<196608xf32, #tpu.memory_space<vmem_shared>> -> memref<512xf32, #tpu.memory_space<vmem_shared>>
    tpu.wait_dma2 semaphore(%arg10 : memref<!tpu.dma_semaphore, #tpu.memory_space<semaphore_mem>>) src(%dma_wait3A_1606 : memref<512xf32, #tpu.memory_space<vmem_shared>>) dst(%dma_wait3A_1605 : memref<512xf32, #tpu.memory_space<hbm>>)
    %dma_wait3A_1607 = tpu.memref_slice %arg4[%add3A_1554] : memref<393216xf32, #tpu.memory_space<hbm>> -> memref<512xf32, #tpu.memory_space<hbm>>
    %dma_wait3A_1608 = tpu.memref_slice %arg9[%add3A_1552] : memref<196608xf32, #tpu.memory_space<vmem_shared>> -> memref<512xf32, #tpu.memory_space<vmem_shared>>
    tpu.wait_dma2 semaphore(%arg10 : memref<!tpu.dma_semaphore, #tpu.memory_space<semaphore_mem>>) src(%dma_wait3A_1608 : memref<512xf32, #tpu.memory_space<vmem_shared>>) dst(%dma_wait3A_1607 : memref<512xf32, #tpu.memory_space<hbm>>)
    %dma_wait3A_1609 = tpu.memref_slice %arg4[%add3A_1560] : memref<393216xf32, #tpu.memory_space<hbm>> -> memref<512xf32, #tpu.memory_space<hbm>>
    %dma_wait3A_1610 = tpu.memref_slice %arg9[%add3A_1558] : memref<196608xf32, #tpu.memory_space<vmem_shared>> -> memref<512xf32, #tpu.memory_space<vmem_shared>>
    tpu.wait_dma2 semaphore(%arg10 : memref<!tpu.dma_semaphore, #tpu.memory_space<semaphore_mem>>) src(%dma_wait3A_1610 : memref<512xf32, #tpu.memory_space<vmem_shared>>) dst(%dma_wait3A_1609 : memref<512xf32, #tpu.memory_space<hbm>>)
    return
  }
}

module attributes {stable_mosaic.version = 14 : i64} {
  func.func @_tc1_body(%arg0: i32, %arg1: memref<2048x768xf32, #tpu.memory_space<vmem>>, %arg2: memref<1072x64xf32, #tpu.memory_space<vmem>>, %arg3: memref<64x1xf32, #tpu.memory_space<vmem>>, %arg4: memref<64x2048xf32, #tpu.memory_space<vmem>>) attributes {dimension_semantics = [#tpu.dimension_semantics<arbitrary>], iteration_bounds = array<i64: 8>, scalar_prefetch = 0 : i64, scratch_operands = 0 : i64, tpu.core_type = #tpu.core_type<tc>, window_params = [{transform_indices = @transform_0, window_bounds = array<i64: 2048, 768>}, {pipeline_mode = #tpu.pipeline_mode<synchronous>, transform_indices = @transform_1, window_bounds = array<i64: 1072, 64>}, {pipeline_mode = #tpu.pipeline_mode<synchronous>, transform_indices = @transform_2, window_bounds = array<i64: 64, 1>}, {transform_indices = @transform_3, window_bounds = array<i64: 64, 2048>}]} {
    %get3A = arith.constant 0 : index
    %get3A_0 = arith.constant 0 : index
    %get3A_1 = vector.load %arg2[%get3A, %get3A_0] : memref<1072x64xf32, #tpu.memory_space<vmem>>, vector<768x64xf32>
    %get3A_2 = arith.constant 0 : index
    %get3A_3 = arith.constant 0 : index
    %get3A_4 = vector.load %arg1[%get3A_2, %get3A_3] : memref<2048x768xf32, #tpu.memory_space<vmem>>, vector<2048x768xf32>
    %dot_general3A = arith.constant dense<0.000000e+00> : vector<64x2048xf32>
    %dot_general3A_5 = tpu.matmul %get3A_1, %get3A_4, %dot_general3A {dimension_numbers = #tpu.dot_dimension_numbers<[0], [1], [1], [0], [0, 1, 1, 0], [], []>, transpose_lhs_hint = false} : vector<768x64xf32>, vector<2048x768xf32>, vector<64x2048xf32> -> vector<64x2048xf32>
    %get3A_6 = arith.constant 0 : index
    %get3A_7 = arith.constant 0 : index
    %get3A_8 = vector.load %arg3[%get3A_6, %get3A_7] : memref<64x1xf32, #tpu.memory_space<vmem>>, vector<64x1xf32>
    %add3A = vector.broadcast %get3A_8 : vector<64x1xf32> to vector<64x2048xf32>
    %add3A_9 = arith.addf %dot_general3A_5, %add3A : vector<64x2048xf32>
    %swap3A = arith.constant 0 : index
    %swap3A_10 = arith.constant 0 : index
    %swap3A_11 = vector.load %arg4[%swap3A, %swap3A_10] : memref<64x2048xf32, #tpu.memory_space<vmem>>, vector<64x2048xf32>
    tpu.vector_store %arg4[%swap3A, %swap3A_10], %add3A_9 {strides = array<i32>} : memref<64x2048xf32, #tpu.memory_space<vmem>>, vector<64x2048xf32>,
    return
  }
  func.func @transform_0(%arg0: i32) -> (i32, i32) {
    %c0_i32 = arith.constant 0 : i32
    %c0_i32_0 = arith.constant 0 : i32
    return %arg0, %c0_i32 : i32, i32
  }
  func.func @transform_1(%arg0: i32) -> (i32, i32) {
    %c0_i32 = arith.constant 0 : i32
    %c0_i32_0 = arith.constant 0 : i32
    %c0_i32_1 = arith.constant 0 : i32
    return %c0_i32, %c0_i32_0 : i32, i32
  }
  func.func @transform_2(%arg0: i32) -> (i32, i32) {
    %c0_i32 = arith.constant 0 : i32
    %c0_i32_0 = arith.constant 0 : i32
    %c0_i32_1 = arith.constant 0 : i32
    return %c0_i32, %c0_i32_0 : i32, i32
  }
  func.func @transform_3(%arg0: i32) -> (i32, i32) {
    %c0_i32 = arith.constant 0 : i32
    %c0_i32_0 = arith.constant 0 : i32
    return %c0_i32, %arg0 : i32, i32
  }
}

module attributes {stable_mosaic.version = 14 : i64} {
  func.func @_tc2_body(%arg0: i32, %arg1: memref<64x4096xf32, #tpu.memory_space<vmem>>, %arg2: memref<24x4096xf32, #tpu.memory_space<vmem>>, %arg3: memref<19x16xf32, #tpu.memory_space<vmem>>, %arg4: memref<1072x64xf32, #tpu.memory_space<vmem>>, %arg5: memref<64x1xf32, #tpu.memory_space<vmem>>, %arg6: memref<1x1xf32, #tpu.memory_space<vmem>>, %arg7: memref<4096xf32, #tpu.memory_space<vmem>>) attributes {dimension_semantics = [#tpu.dimension_semantics<arbitrary>], iteration_bounds = array<i64: 4>, scalar_prefetch = 0 : i64, scratch_operands = 0 : i64, tpu.core_type = #tpu.core_type<tc>, window_params = [{transform_indices = @transform_0, window_bounds = array<i64: 64, 4096>}, {transform_indices = @transform_1, window_bounds = array<i64: 24, 4096>}, {pipeline_mode = #tpu.pipeline_mode<synchronous>, transform_indices = @transform_2, window_bounds = array<i64: 19, 16>}, {pipeline_mode = #tpu.pipeline_mode<synchronous>, transform_indices = @transform_3, window_bounds = array<i64: 1072, 64>}, {pipeline_mode = #tpu.pipeline_mode<synchronous>, transform_indices = @transform_4, window_bounds = array<i64: 64, 1>}, {pipeline_mode = #tpu.pipeline_mode<synchronous>, transform_indices = @transform_5, window_bounds = array<i64: 1, 1>}, {transform_indices = @transform_6, window_bounds = array<i64: 4096>}]} {
    %get3A = arith.constant 0 : index
    %get3A_0 = arith.constant 0 : index
    %get3A_1 = vector.load %arg2[%get3A, %get3A_0] : memref<24x4096xf32, #tpu.memory_space<vmem>>, vector<24x4096xf32>
    %reduce_sum3A = arith.constant dense<0.000000e+00> : vector<4096xf32>
    %reduce_sum3A_2 = vector.multi_reduction <add>, %get3A_1, %reduce_sum3A [0] : vector<24x4096xf32> to vector<4096xf32>
    %broadcast_in_dim3A = vector.shape_cast %reduce_sum3A_2 : vector<4096xf32> to vector<1x4096xf32>
    %gt3A = arith.constant 0.000000e+00 : f32
    %gt3A_3 = vector.broadcast %gt3A : f32 to vector<1x4096xf32>
    %gt3A_4 = arith.cmpf ogt, %broadcast_in_dim3A, %gt3A_3 : vector<1x4096xf32>
    %jit3A = arith.constant 1.000000e+00 : f32
    %broadcast_in_dim3A_5 = vector.broadcast %jit3A : f32 to vector<1x4096xf32>
    %select_n3A = arith.select %gt3A_4, %broadcast_in_dim3A, %broadcast_in_dim3A_5 : vector<1x4096xi1>, vector<1x4096xf32>
    %div3A = vector.broadcast %select_n3A : vector<1x4096xf32> to vector<24x4096xf32>
    %div3A_6 = arith.divf %get3A_1, %div3A : vector<24x4096xf32>
    %get3A_7 = arith.constant 0 : index
    %get3A_8 = arith.constant 0 : index
    %get3A_9 = vector.load %arg3[%get3A_7, %get3A_8] : memref<19x16xf32, #tpu.memory_space<vmem>>, vector<1x16xf32>
    %get3A_10 = arith.constant 768 : index
    %get3A_11 = arith.constant 0 : index
    %get3A_12 = vector.load %arg4[%get3A_10, %get3A_11] : memref<1072x64xf32, #tpu.memory_space<vmem>>, vector<16x64xf32>
    %dot_general3A = arith.constant dense<0.000000e+00> : vector<1x64xf32>
    %dot_general3A_13 = tpu.matmul %get3A_9, %get3A_12, %dot_general3A {dimension_numbers = #tpu.dot_dimension_numbers<[1], [0], [0], [1], [0, 0, 1, 1], [], []>, transpose_lhs_hint = false} : vector<1x16xf32>, vector<16x64xf32>, vector<1x64xf32> -> vector<1x64xf32>
    %get3A_14 = arith.constant 1 : index
    %get3A_15 = arith.constant 0 : index
    %get3A_16 = vector.load %arg3[%get3A_14, %get3A_15] : memref<19x16xf32, #tpu.memory_space<vmem>>, vector<1x16xf32>
    %get3A_17 = arith.constant 784 : index
    %get3A_18 = arith.constant 0 : index
    %get3A_19 = vector.load %arg4[%get3A_17, %get3A_18] : memref<1072x64xf32, #tpu.memory_space<vmem>>, vector<16x64xf32>
    %dot_general3A_20 = arith.constant dense<0.000000e+00> : vector<1x64xf32>
    %dot_general3A_21 = tpu.matmul %get3A_16, %get3A_19, %dot_general3A_20 {dimension_numbers = #tpu.dot_dimension_numbers<[1], [0], [0], [1], [0, 0, 1, 1], [], []>, transpose_lhs_hint = false} : vector<1x16xf32>, vector<16x64xf32>, vector<1x64xf32> -> vector<1x64xf32>
    %get3A_22 = arith.constant 2 : index
    %get3A_23 = arith.constant 0 : index
    %get3A_24 = vector.load %arg3[%get3A_22, %get3A_23] : memref<19x16xf32, #tpu.memory_space<vmem>>, vector<1x16xf32>
    %get3A_25 = arith.constant 800 : index
    %get3A_26 = arith.constant 0 : index
    %get3A_27 = vector.load %arg4[%get3A_25, %get3A_26] : memref<1072x64xf32, #tpu.memory_space<vmem>>, vector<16x64xf32>
    %dot_general3A_28 = arith.constant dense<0.000000e+00> : vector<1x64xf32>
    %dot_general3A_29 = tpu.matmul %get3A_24, %get3A_27, %dot_general3A_28 {dimension_numbers = #tpu.dot_dimension_numbers<[1], [0], [0], [1], [0, 0, 1, 1], [], []>, transpose_lhs_hint = false} : vector<1x16xf32>, vector<16x64xf32>, vector<1x64xf32> -> vector<1x64xf32>
    %get3A_30 = arith.constant 3 : index
    %get3A_31 = arith.constant 0 : index
    %get3A_32 = vector.load %arg3[%get3A_30, %get3A_31] : memref<19x16xf32, #tpu.memory_space<vmem>>, vector<1x16xf32>
    %get3A_33 = arith.constant 816 : index
    %get3A_34 = arith.constant 0 : index
    %get3A_35 = vector.load %arg4[%get3A_33, %get3A_34] : memref<1072x64xf32, #tpu.memory_space<vmem>>, vector<16x64xf32>
    %dot_general3A_36 = arith.constant dense<0.000000e+00> : vector<1x64xf32>
    %dot_general3A_37 = tpu.matmul %get3A_32, %get3A_35, %dot_general3A_36 {dimension_numbers = #tpu.dot_dimension_numbers<[1], [0], [0], [1], [0, 0, 1, 1], [], []>, transpose_lhs_hint = false} : vector<1x16xf32>, vector<16x64xf32>, vector<1x64xf32> -> vector<1x64xf32>
    %get3A_38 = arith.constant 4 : index
    %get3A_39 = arith.constant 0 : index
    %get3A_40 = vector.load %arg3[%get3A_38, %get3A_39] : memref<19x16xf32, #tpu.memory_space<vmem>>, vector<1x16xf32>
    %get3A_41 = arith.constant 832 : index
    %get3A_42 = arith.constant 0 : index
    %get3A_43 = vector.load %arg4[%get3A_41, %get3A_42] : memref<1072x64xf32, #tpu.memory_space<vmem>>, vector<16x64xf32>
    %dot_general3A_44 = arith.constant dense<0.000000e+00> : vector<1x64xf32>
    %dot_general3A_45 = tpu.matmul %get3A_40, %get3A_43, %dot_general3A_44 {dimension_numbers = #tpu.dot_dimension_numbers<[1], [0], [0], [1], [0, 0, 1, 1], [], []>, transpose_lhs_hint = false} : vector<1x16xf32>, vector<16x64xf32>, vector<1x64xf32> -> vector<1x64xf32>
    %get3A_46 = arith.constant 5 : index
    %get3A_47 = arith.constant 0 : index
    %get3A_48 = vector.load %arg3[%get3A_46, %get3A_47] : memref<19x16xf32, #tpu.memory_space<vmem>>, vector<1x16xf32>
    %get3A_49 = arith.constant 848 : index
    %get3A_50 = arith.constant 0 : index
    %get3A_51 = vector.load %arg4[%get3A_49, %get3A_50] : memref<1072x64xf32, #tpu.memory_space<vmem>>, vector<16x64xf32>
    %dot_general3A_52 = arith.constant dense<0.000000e+00> : vector<1x64xf32>
    %dot_general3A_53 = tpu.matmul %get3A_48, %get3A_51, %dot_general3A_52 {dimension_numbers = #tpu.dot_dimension_numbers<[1], [0], [0], [1], [0, 0, 1, 1], [], []>, transpose_lhs_hint = false} : vector<1x16xf32>, vector<16x64xf32>, vector<1x64xf32> -> vector<1x64xf32>
    %get3A_54 = arith.constant 6 : index
    %get3A_55 = arith.constant 0 : index
    %get3A_56 = vector.load %arg3[%get3A_54, %get3A_55] : memref<19x16xf32, #tpu.memory_space<vmem>>, vector<1x16xf32>
    %get3A_57 = arith.constant 864 : index
    %get3A_58 = arith.constant 0 : index
    %get3A_59 = vector.load %arg4[%get3A_57, %get3A_58] : memref<1072x64xf32, #tpu.memory_space<vmem>>, vector<16x64xf32>
    %dot_general3A_60 = arith.constant dense<0.000000e+00> : vector<1x64xf32>
    %dot_general3A_61 = tpu.matmul %get3A_56, %get3A_59, %dot_general3A_60 {dimension_numbers = #tpu.dot_dimension_numbers<[1], [0], [0], [1], [0, 0, 1, 1], [], []>, transpose_lhs_hint = false} : vector<1x16xf32>, vector<16x64xf32>, vector<1x64xf32> -> vector<1x64xf32>
    %get3A_62 = arith.constant 7 : index
    %get3A_63 = arith.constant 0 : index
    %get3A_64 = vector.load %arg3[%get3A_62, %get3A_63] : memref<19x16xf32, #tpu.memory_space<vmem>>, vector<1x16xf32>
    %get3A_65 = arith.constant 880 : index
    %get3A_66 = arith.constant 0 : index
    %get3A_67 = vector.load %arg4[%get3A_65, %get3A_66] : memref<1072x64xf32, #tpu.memory_space<vmem>>, vector<16x64xf32>
    %dot_general3A_68 = arith.constant dense<0.000000e+00> : vector<1x64xf32>
    %dot_general3A_69 = tpu.matmul %get3A_64, %get3A_67, %dot_general3A_68 {dimension_numbers = #tpu.dot_dimension_numbers<[1], [0], [0], [1], [0, 0, 1, 1], [], []>, transpose_lhs_hint = false} : vector<1x16xf32>, vector<16x64xf32>, vector<1x64xf32> -> vector<1x64xf32>
    %get3A_70 = arith.constant 8 : index
    %get3A_71 = arith.constant 0 : index
    %get3A_72 = vector.load %arg3[%get3A_70, %get3A_71] : memref<19x16xf32, #tpu.memory_space<vmem>>, vector<1x16xf32>
    %get3A_73 = arith.constant 896 : index
    %get3A_74 = arith.constant 0 : index
    %get3A_75 = vector.load %arg4[%get3A_73, %get3A_74] : memref<1072x64xf32, #tpu.memory_space<vmem>>, vector<16x64xf32>
    %dot_general3A_76 = arith.constant dense<0.000000e+00> : vector<1x64xf32>
    %dot_general3A_77 = tpu.matmul %get3A_72, %get3A_75, %dot_general3A_76 {dimension_numbers = #tpu.dot_dimension_numbers<[1], [0], [0], [1], [0, 0, 1, 1], [], []>, transpose_lhs_hint = false} : vector<1x16xf32>, vector<16x64xf32>, vector<1x64xf32> -> vector<1x64xf32>
    %get3A_78 = arith.constant 9 : index
    %get3A_79 = arith.constant 0 : index
    %get3A_80 = vector.load %arg3[%get3A_78, %get3A_79] : memref<19x16xf32, #tpu.memory_space<vmem>>, vector<1x16xf32>
    %get3A_81 = arith.constant 912 : index
    %get3A_82 = arith.constant 0 : index
    %get3A_83 = vector.load %arg4[%get3A_81, %get3A_82] : memref<1072x64xf32, #tpu.memory_space<vmem>>, vector<16x64xf32>
    %dot_general3A_84 = arith.constant dense<0.000000e+00> : vector<1x64xf32>
    %dot_general3A_85 = tpu.matmul %get3A_80, %get3A_83, %dot_general3A_84 {dimension_numbers = #tpu.dot_dimension_numbers<[1], [0], [0], [1], [0, 0, 1, 1], [], []>, transpose_lhs_hint = false} : vector<1x16xf32>, vector<16x64xf32>, vector<1x64xf32> -> vector<1x64xf32>
    %get3A_86 = arith.constant 10 : index
    %get3A_87 = arith.constant 0 : index
    %get3A_88 = vector.load %arg3[%get3A_86, %get3A_87] : memref<19x16xf32, #tpu.memory_space<vmem>>, vector<1x16xf32>
    %get3A_89 = arith.constant 928 : index
    %get3A_90 = arith.constant 0 : index
    %get3A_91 = vector.load %arg4[%get3A_89, %get3A_90] : memref<1072x64xf32, #tpu.memory_space<vmem>>, vector<16x64xf32>
    %dot_general3A_92 = arith.constant dense<0.000000e+00> : vector<1x64xf32>
    %dot_general3A_93 = tpu.matmul %get3A_88, %get3A_91, %dot_general3A_92 {dimension_numbers = #tpu.dot_dimension_numbers<[1], [0], [0], [1], [0, 0, 1, 1], [], []>, transpose_lhs_hint = false} : vector<1x16xf32>, vector<16x64xf32>, vector<1x64xf32> -> vector<1x64xf32>
    %get3A_94 = arith.constant 11 : index
    %get3A_95 = arith.constant 0 : index
    %get3A_96 = vector.load %arg3[%get3A_94, %get3A_95] : memref<19x16xf32, #tpu.memory_space<vmem>>, vector<1x16xf32>
    %get3A_97 = arith.constant 944 : index
    %get3A_98 = arith.constant 0 : index
    %get3A_99 = vector.load %arg4[%get3A_97, %get3A_98] : memref<1072x64xf32, #tpu.memory_space<vmem>>, vector<16x64xf32>
    %dot_general3A_100 = arith.constant dense<0.000000e+00> : vector<1x64xf32>
    %dot_general3A_101 = tpu.matmul %get3A_96, %get3A_99, %dot_general3A_100 {dimension_numbers = #tpu.dot_dimension_numbers<[1], [0], [0], [1], [0, 0, 1, 1], [], []>, transpose_lhs_hint = false} : vector<1x16xf32>, vector<16x64xf32>, vector<1x64xf32> -> vector<1x64xf32>
    %get3A_102 = arith.constant 12 : index
    %get3A_103 = arith.constant 0 : index
    %get3A_104 = vector.load %arg3[%get3A_102, %get3A_103] : memref<19x16xf32, #tpu.memory_space<vmem>>, vector<1x16xf32>
    %get3A_105 = arith.constant 960 : index
    %get3A_106 = arith.constant 0 : index
    %get3A_107 = vector.load %arg4[%get3A_105, %get3A_106] : memref<1072x64xf32, #tpu.memory_space<vmem>>, vector<16x64xf32>
    %dot_general3A_108 = arith.constant dense<0.000000e+00> : vector<1x64xf32>
    %dot_general3A_109 = tpu.matmul %get3A_104, %get3A_107, %dot_general3A_108 {dimension_numbers = #tpu.dot_dimension_numbers<[1], [0], [0], [1], [0, 0, 1, 1], [], []>, transpose_lhs_hint = false} : vector<1x16xf32>, vector<16x64xf32>, vector<1x64xf32> -> vector<1x64xf32>
    %get3A_110 = arith.constant 13 : index
    %get3A_111 = arith.constant 0 : index
    %get3A_112 = vector.load %arg3[%get3A_110, %get3A_111] : memref<19x16xf32, #tpu.memory_space<vmem>>, vector<1x16xf32>
    %get3A_113 = arith.constant 976 : index
    %get3A_114 = arith.constant 0 : index
    %get3A_115 = vector.load %arg4[%get3A_113, %get3A_114] : memref<1072x64xf32, #tpu.memory_space<vmem>>, vector<16x64xf32>
    %dot_general3A_116 = arith.constant dense<0.000000e+00> : vector<1x64xf32>
    %dot_general3A_117 = tpu.matmul %get3A_112, %get3A_115, %dot_general3A_116 {dimension_numbers = #tpu.dot_dimension_numbers<[1], [0], [0], [1], [0, 0, 1, 1], [], []>, transpose_lhs_hint = false} : vector<1x16xf32>, vector<16x64xf32>, vector<1x64xf32> -> vector<1x64xf32>
    %get3A_118 = arith.constant 14 : index
    %get3A_119 = arith.constant 0 : index
    %get3A_120 = vector.load %arg3[%get3A_118, %get3A_119] : memref<19x16xf32, #tpu.memory_space<vmem>>, vector<1x16xf32>
    %get3A_121 = arith.constant 992 : index
    %get3A_122 = arith.constant 0 : index
    %get3A_123 = vector.load %arg4[%get3A_121, %get3A_122] : memref<1072x64xf32, #tpu.memory_space<vmem>>, vector<16x64xf32>
    %dot_general3A_124 = arith.constant dense<0.000000e+00> : vector<1x64xf32>
    %dot_general3A_125 = tpu.matmul %get3A_120, %get3A_123, %dot_general3A_124 {dimension_numbers = #tpu.dot_dimension_numbers<[1], [0], [0], [1], [0, 0, 1, 1], [], []>, transpose_lhs_hint = false} : vector<1x16xf32>, vector<16x64xf32>, vector<1x64xf32> -> vector<1x64xf32>
    %get3A_126 = arith.constant 15 : index
    %get3A_127 = arith.constant 0 : index
    %get3A_128 = vector.load %arg3[%get3A_126, %get3A_127] : memref<19x16xf32, #tpu.memory_space<vmem>>, vector<1x16xf32>
    %get3A_129 = arith.constant 1008 : index
    %get3A_130 = arith.constant 0 : index
    %get3A_131 = vector.load %arg4[%get3A_129, %get3A_130] : memref<1072x64xf32, #tpu.memory_space<vmem>>, vector<16x64xf32>
    %dot_general3A_132 = arith.constant dense<0.000000e+00> : vector<1x64xf32>
    %dot_general3A_133 = tpu.matmul %get3A_128, %get3A_131, %dot_general3A_132 {dimension_numbers = #tpu.dot_dimension_numbers<[1], [0], [0], [1], [0, 0, 1, 1], [], []>, transpose_lhs_hint = false} : vector<1x16xf32>, vector<16x64xf32>, vector<1x64xf32> -> vector<1x64xf32>
    %get3A_134 = arith.constant 16 : index
    %get3A_135 = arith.constant 0 : index
    %get3A_136 = vector.load %arg3[%get3A_134, %get3A_135] : memref<19x16xf32, #tpu.memory_space<vmem>>, vector<1x16xf32>
    %get3A_137 = arith.constant 1024 : index
    %get3A_138 = arith.constant 0 : index
    %get3A_139 = vector.load %arg4[%get3A_137, %get3A_138] : memref<1072x64xf32, #tpu.memory_space<vmem>>, vector<16x64xf32>
    %dot_general3A_140 = arith.constant dense<0.000000e+00> : vector<1x64xf32>
    %dot_general3A_141 = tpu.matmul %get3A_136, %get3A_139, %dot_general3A_140 {dimension_numbers = #tpu.dot_dimension_numbers<[1], [0], [0], [1], [0, 0, 1, 1], [], []>, transpose_lhs_hint = false} : vector<1x16xf32>, vector<16x64xf32>, vector<1x64xf32> -> vector<1x64xf32>
    %get3A_142 = arith.constant 17 : index
    %get3A_143 = arith.constant 0 : index
    %get3A_144 = vector.load %arg3[%get3A_142, %get3A_143] : memref<19x16xf32, #tpu.memory_space<vmem>>, vector<1x16xf32>
    %get3A_145 = arith.constant 1040 : index
    %get3A_146 = arith.constant 0 : index
    %get3A_147 = vector.load %arg4[%get3A_145, %get3A_146] : memref<1072x64xf32, #tpu.memory_space<vmem>>, vector<16x64xf32>
    %dot_general3A_148 = arith.constant dense<0.000000e+00> : vector<1x64xf32>
    %dot_general3A_149 = tpu.matmul %get3A_144, %get3A_147, %dot_general3A_148 {dimension_numbers = #tpu.dot_dimension_numbers<[1], [0], [0], [1], [0, 0, 1, 1], [], []>, transpose_lhs_hint = false} : vector<1x16xf32>, vector<16x64xf32>, vector<1x64xf32> -> vector<1x64xf32>
    %get3A_150 = arith.constant 18 : index
    %get3A_151 = arith.constant 0 : index
    %get3A_152 = vector.load %arg3[%get3A_150, %get3A_151] : memref<19x16xf32, #tpu.memory_space<vmem>>, vector<1x16xf32>
    %get3A_153 = arith.constant 1056 : index
    %get3A_154 = arith.constant 0 : index
    %get3A_155 = vector.load %arg4[%get3A_153, %get3A_154] : memref<1072x64xf32, #tpu.memory_space<vmem>>, vector<16x64xf32>
    %dot_general3A_156 = arith.constant dense<0.000000e+00> : vector<1x64xf32>
    %dot_general3A_157 = tpu.matmul %get3A_152, %get3A_155, %dot_general3A_156 {dimension_numbers = #tpu.dot_dimension_numbers<[1], [0], [0], [1], [0, 0, 1, 1], [], []>, transpose_lhs_hint = false} : vector<1x16xf32>, vector<16x64xf32>, vector<1x64xf32> -> vector<1x64xf32>
    %broadcast_in_dim3A_158 = arith.constant 0.000000e+00 : f32
    %broadcast_in_dim3A_159 = vector.broadcast %broadcast_in_dim3A_158 : f32 to vector<5x64xf32>
    %concatenate3A = tpu.concatenate %dot_general3A_13, %dot_general3A_21, %dot_general3A_29, %dot_general3A_37, %dot_general3A_45, %dot_general3A_53, %dot_general3A_61, %dot_general3A_69, %dot_general3A_77, %dot_general3A_85, %dot_general3A_93, %dot_general3A_101, %dot_general3A_109, %dot_general3A_117, %dot_general3A_125, %dot_general3A_133, %dot_general3A_141, %dot_general3A_149, %dot_general3A_157, %broadcast_in_dim3A_159 in 0 : vector<1x64xf32>, vector<1x64xf32>, vector<1x64xf32>, vector<1x64xf32>, vector<1x64xf32>, vector<1x64xf32>, vector<1x64xf32>, vector<1x64xf32>, vector<1x64xf32>, vector<1x64xf32>, vector<1x64xf32>, vector<1x64xf32>, vector<1x64xf32>, vector<1x64xf32>, vector<1x64xf32>, vector<1x64xf32>, vector<1x64xf32>, vector<1x64xf32>, vector<1x64xf32>, vector<5x64xf32> -> vector<24x64xf32>
    %dot_general3A_160 = arith.constant dense<0.000000e+00> : vector<64x4096xf32>
    %dot_general3A_161 = tpu.matmul %concatenate3A, %div3A_6, %dot_general3A_160 {dimension_numbers = #tpu.dot_dimension_numbers<[0], [0], [1], [1], [0, 1, 1, 1], [], []>, transpose_lhs_hint = false} : vector<24x64xf32>, vector<24x4096xf32>, vector<64x4096xf32> -> vector<64x4096xf32>
    %get3A_162 = arith.constant 0 : index
    %get3A_163 = arith.constant 0 : index
    %get3A_164 = vector.load %arg1[%get3A_162, %get3A_163] : memref<64x4096xf32, #tpu.memory_space<vmem>>, vector<64x4096xf32>
    %add3A = arith.addf %get3A_164, %dot_general3A_161 : vector<64x4096xf32>
    %max3A = arith.constant 0.000000e+00 : f32
    %max3A_165 = vector.broadcast %max3A : f32 to vector<64x4096xf32>
    %max3A_166 = arith.maximumf %add3A, %max3A_165 : vector<64x4096xf32>
    %get3A_167 = arith.constant 0 : index
    %get3A_168 = arith.constant 0 : index
    %get3A_169 = vector.load %arg5[%get3A_167, %get3A_168] : memref<64x1xf32, #tpu.memory_space<vmem>>, vector<64x1xf32>
    %dot_general3A_170 = arith.constant dense<0.000000e+00> : vector<1x4096xf32>
    %dot_general3A_171 = tpu.matmul %get3A_169, %max3A_166, %dot_general3A_170 {dimension_numbers = #tpu.dot_dimension_numbers<[0], [0], [1], [1], [0, 1, 1, 1], [], []>, transpose_lhs_hint = false} : vector<64x1xf32>, vector<64x4096xf32>, vector<1x4096xf32> -> vector<1x4096xf32>
    %get3A_172 = arith.constant 0 : index
    %get3A_173 = arith.constant 0 : index
    %get3A_174 = vector.load %arg6[%get3A_172, %get3A_173] : memref<1x1xf32, #tpu.memory_space<vmem>>, vector<1x1xf32>
    %add3A_175 = vector.broadcast %get3A_174 : vector<1x1xf32> to vector<1x4096xf32>
    %add3A_176 = arith.addf %dot_general3A_171, %add3A_175 : vector<1x4096xf32>
    %tanh3A = math.tanh %add3A_176 : vector<1x4096xf32>
    %reshape3A = vector.shape_cast %tanh3A : vector<1x4096xf32> to vector<4096xf32>
    %swap3A = arith.constant 0 : index
    %swap3A_177 = vector.load %arg7[%swap3A] : memref<4096xf32, #tpu.memory_space<vmem>>, vector<4096xf32>
    tpu.vector_store %arg7[%swap3A], %reshape3A {strides = array<i32>} : memref<4096xf32, #tpu.memory_space<vmem>>, vector<4096xf32>,
    return
  }
  func.func @transform_0(%arg0: i32) -> (i32, i32) {
    %c0_i32 = arith.constant 0 : i32
    %c0_i32_0 = arith.constant 0 : i32
    return %c0_i32, %arg0 : i32, i32
  }
  func.func @transform_1(%arg0: i32) -> (i32, i32) {
    %c0_i32 = arith.constant 0 : i32
    %c0_i32_0 = arith.constant 0 : i32
    return %c0_i32, %arg0 : i32, i32
  }
  func.func @transform_2(%arg0: i32) -> (i32, i32) {
    %c0_i32 = arith.constant 0 : i32
    %c0_i32_0 = arith.constant 0 : i32
    %c0_i32_1 = arith.constant 0 : i32
    return %c0_i32, %c0_i32_0 : i32, i32
  }
  func.func @transform_3(%arg0: i32) -> (i32, i32) {
    %c0_i32 = arith.constant 0 : i32
    %c0_i32_0 = arith.constant 0 : i32
    %c0_i32_1 = arith.constant 0 : i32
    return %c0_i32, %c0_i32_0 : i32, i32
  }
  func.func @transform_4(%arg0: i32) -> (i32, i32) {
    %c0_i32 = arith.constant 0 : i32
    %c0_i32_0 = arith.constant 0 : i32
    %c0_i32_1 = arith.constant 0 : i32
    return %c0_i32, %c0_i32_0 : i32, i32
  }
  func.func @transform_5(%arg0: i32) -> (i32, i32) {
    %c0_i32 = arith.constant 0 : i32
    %c0_i32_0 = arith.constant 0 : i32
    %c0_i32_1 = arith.constant 0 : i32
    return %c0_i32, %c0_i32_0 : i32, i32
  }
  func.func @transform_6(%arg0: i32) -> i32 {
    %c0_i32 = arith.constant 0 : i32
    return %arg0 : i32
  }
}

</mosaic_0001>

<sc_bundles>
// kernel: kernel.5.cloned.1.call-start
scs
__scs_entry_jumppad:
0x0: {  	(pc) =	sbr.rel $0x88, $3  }
0x1: {  	(tag) =	ssettag $0x0;
	lr =	simm.s32 $0x1  }
0x2: {  	[smem:$0x3F99] =	sst lr;
	_ =	strace $0xD0000000  }
0x3: {  	_ = 	snop  }
0x4: {  	_ = 	snop  }
0x5: {  	_ = 	snop  }
0x6: {  	_ = 	snop  }
0x7: {  	_ = 	snop  }
__scs_overlays_trampoline_lowered:
0x8: {  	[smem:$0x3FA8] =	sst s0  }
0x9: {  	[smem:$0x3FA9] =	sst s1  }
0xa: {  	[smem:$0x3FAA] =	sst s2  }
0xb: {  	[smem:$0x3FAB] =	sst s3  }
0xc: {  	[smem:$0x3FAC] =	sst s4  }
0xd: {  	[smem:$0x3FAD] =	sst s5  }
0xe: {  	[smem:$0x3FAE] =	sst s6  }
0xf: {  	[smem:$0x3FAF] =	sst s7  }
0x10: {  	[smem:$0x3FB0] =	sst s8  }
0x11: {  	[smem:$0x3FB1] =	sst s9;
	s0 =	simm.s32 @!p0 $0x0  }
0x12: {  	s1 =	sld [smem:$0x3F97];
	s0 =	simm.s32 @p0 $0x1  }
0x13: {  	[smem:$0x3FB2] =	sst s0;
	s0 =	simm.s32 @!p1 $0x0  }
0x14: {  	s2 =	sld [smem:$0x3F96];
	s0 =	simm.s32 @p1 $0x1  }
0x15: {  	[smem:$0x3FB3] =	sst s0;
	s0 =	simm.s32 @!p2 $0x0  }
0x16: {  	s3 =	sld [smem:$0x3FDB];
	s0 =	simm.s32 @p2 $0x1  }
0x17: {  	s4 =	simm.s32 $0x1BF5;
	[smem:$0x3FB5] =	sst s0  }
0x18: {  	s0 =	sld [smem:$0x3F98];
	_ =	swait.ge [sflag:s4], $0x0  }
0x19: {  	s7 =	sld [smem:$0x3F99]  }
0x1a: {  	s8 =	sadd.s32 $0xFFFFE003, lr  }
0x1b: {  	s9 =	sadd.s32 $0xFFFFFEF7, lr;
	s5 =	simm.s32 $0xFFFFFFFF;
	p2 =	slt.u32 s8, $0xFFFFF086  }
0x1c: {  	p1 =	slt.u32 s9, $0xF7A;
	s5 =	simm.s32 @!p2 $0x0  }
0x1d: {  	s5 =	simm.s32 @p1 $0x1;
	p0 =	seq.s32 s7, s2  }
0x1e: {  	s7 =	smul.u32 @!p0 $0xF7A, s2;
	p2 =	seq.s32 @!p0 s5, $0x0  }
0x1f: {  	s9 =	smul.u32 $0xF7A, s1;
	s8 =	simm.s32 @!p0 $0x1BF5;
	p2 =	por !p2, p0  }
0x20: {  	[sflag:s8] =	ssyncset.s32 @!p0 $0xFFFFF086;
	s6 =	sadd.s32 @!p0 s3, s7;
	s7 =	simm.s32 @!p0 $0x108  }
0x21: {  	s3 =	sadd.s32 s3, s9;
	s6 =	sadd.s32 @!p0 $0x88, s6;
	s7 =	simm.s32 @p2 $0x1082  }
0x22: {  	[simem:s7], [sflag:s8] =	dma.local @!p0 [hbm:s6], $0xF7A  }
0x23: {  	s9 =	sor.u32 $0xD0000000, s2;
	s6 =	simm.s32 $0x108;
	_ =	swait.ge @!p0 [sflag:s8], $0x0  }
0x24: {  	s3 =	sadd.s32 $0x88, s3;
	s6 =	simm.s32 @!p1 $0x1082;
	[sflag:s4] =	ssyncset.s32 $0xFFFFF086  }
0x25: {  	[simem:s6], [sflag:s4] =	dma.local [hbm:s3], $0xF7A  }
0x26: {  	[smem:$0x3F99] =	sst s1;
	(tag) =	ssettag s2;
	_ =	strace s9  }
0x27: {  	s1 =	sld [smem:$0x3FA9]  }
0x28: {  	s2 =	sld [smem:$0x3FAA]  }
0x29: {  	s4 =	sld [smem:$0x3FAC]  }
0x2a: {  	p0 =	seq.s32 s5, $0x0;
	s5 =	sld [smem:$0x3FAD]  }
0x2b: {  	s6 =	sld [smem:$0x3FAE]  }
0x2c: {  	s7 =	sld [smem:$0x3FAF]  }
0x2d: {  	s3 =	simm.s32 $0x108;
	s8 =	sld [smem:$0x3FB0]  }
0x2e: {  	s3 =	simm.s32 @!p0 $0x1082;
	s9 =	sld [smem:$0x3FB1]  }
0x2f: {  	lr =	sadd.s32 s0, s3;
	s0 =	sld [smem:$0x3FA8]  }
0x30: {  	s3 =	sld [smem:$0x3FAB]  }
0x31: {  	[smem:$0x3FB4] =	sst s10  }
0x32: {  	s10 =	sld [smem:$0x3FB2];
	_ =	sdelay $0x3  }
0x33: {  	p0 =	seq.s32 s10, $0x1;
	s10 =	sld [smem:$0x3FB4];
	_ =	sdelay $0x3  }
0x34: {  	[smem:$0x3FB4] =	sst s10  }
0x35: {  	s10 =	sld [smem:$0x3FB3];
	_ =	sdelay $0x3  }
0x36: {  	p1 =	seq.s32 s10, $0x1;
	s10 =	sld [smem:$0x3FB4];
	_ =	sdelay $0x3  }
0x37: {  	[smem:$0x3FB4] =	sst s10  }
0x38: {  	s10 =	sld [smem:$0x3FB5]  }
0x39: {  	_ = 	snop;
	(pc) =	sbr.ind lr, $3  }
0x3a: {  	_ = 	snop  }
0x3b: {  	_ = 	snop  }
0x3c: {  	p2 =	seq.s32 s10, $0x1;
	s10 =	sld [smem:$0x3FB4]  }
0x3d: {  	_ =	shalt  }
0x3e: {  	_ =	shalt  }
0x3f: {  	_ =	shalt  }
0x40: {  	_ =	shalt  }
0x41: {  	_ =	shalt  }
0x42: {  	_ =	shalt  }
0x43: {  	_ =	shalt  }
0x44: {  	_ =	shalt  }
0x45: {  	_ =	shalt  }
0x46: {  	_ =	shalt  }
0x47: {  	_ =	shalt  }
0x48: {  	_ =	shalt  }
0x49: {  	_ =	shalt  }
0x4a: {  	_ =	shalt  }
0x4b: {  	_ =	shalt  }
0x4c: {  	_ =	shalt  }
0x4d: {  	_ =	shalt  }
0x4e: {  	_ =	shalt  }
0x4f: {  	_ =	shalt  }
0x50: {  	_ =	shalt  }
0x51: {  	_ =	shalt  }
0x52: {  	_ =	shalt  }
0x53: {  	_ =	shalt  }
0x54: {  	_ =	shalt  }
0x55: {  	_ =	shalt  }
0x56: {  	_ =	shalt  }
0x57: {  	_ =	shalt  }
0x58: {  	_ =	shalt  }
0x59: {  	_ =	shalt  }
0x5a: {  	_ =	shalt  }
0x5b: {  	_ =	shalt  }
0x5c: {  	_ =	shalt  }
0x5d: {  	_ =	shalt  }
0x5e: {  	_ =	shalt  }
0x5f: {  	_ =	shalt  }
0x60: {  	_ =	shalt  }
0x61: {  	_ =	shalt  }
0x62: {  	_ =	shalt  }
0x63: {  	_ =	shalt  }
0x64: {  	_ =	shalt  }
0x65: {  	_ =	shalt  }
0x66: {  	_ =	shalt  }
0x67: {  	_ =	shalt  }
0x68: {  	_ =	shalt  }
0x69: {  	_ =	shalt  }
0x6a: {  	_ =	shalt  }
0x6b: {  	_ =	shalt  }
0x6c: {  	_ =	shalt  }
0x6d: {  	_ =	shalt  }
0x6e: {  	_ =	shalt  }
0x6f: {  	_ =	shalt  }
0x70: {  	_ =	shalt  }
0x71: {  	_ =	shalt  }
0x72: {  	_ =	shalt  }
0x73: {  	_ =	shalt  }
0x74: {  	_ =	shalt  }
0x75: {  	_ =	shalt  }
0x76: {  	_ =	shalt  }
0x77: {  	_ =	shalt  }
0x78: {  	_ =	shalt  }
0x79: {  	_ =	shalt  }
0x7a: {  	_ =	shalt  }
0x7b: {  	_ =	shalt  }
0x7c: {  	_ =	shalt  }
0x7d: {  	_ =	shalt  }
0x7e: {  	_ =	shalt  }
0x7f: {  	_ =	shalt  }
0x80: {  	_ =	shalt  }
0x81: {  	_ =	shalt  }
0x82: {  	_ =	shalt  }
0x83: {  	_ =	shalt  }
0x84: {  	_ =	shalt  }
0x85: {  	_ =	shalt  }
0x86: {  	_ =	shalt  }
0x87: {  	_ =	shalt  }
.Lfunc_end0:
.L_simem_size_0:
called_computation_lowered:
.L_overlay_start_0:
0x88: {  	s2 =	sld [smem:$0x3FD9]  }
0x89: {  	s3 =	sld [smem:$0x3FFE];
	_ =	sdelay $0x1  }
0x8a: {  	s1 =	srdreg.scid  }
0x8b: {  	s0 =	sand.u32 $0x1, s1  }
0x8c: {  	s16 =	sshll.u32 s0, $0xA;
	s2 =	sadd.s32 s3, s2  }
0x8d: {  	s2 =	sadd.s32 s2, s16  }
0x8e: {  	[smem:$0x3FC0] =	sst s2  }
0x8f: {  	_ = 	snop  }
0x90: {  	(tm) =	ssettm $0x1  }
0x91: {  	s17 =	sld [smem:$0x3FFB];
	_ =	sdelay $0x3  }
0x92: {  	_ =	strace s17  }
0x93: {  	s2 =	sld [smem:$0x3FFC];
	_ =	sdelay $0x3  }
0x94: {  	_ =	strace s2  }
0x95: {  	s2 =	sld [smem:$0x3FFD];
	_ =	sdelay $0x3  }
0x96: {  	_ =	strace s2  }
0x97: {  	_ =	strace $0x8FFFFFFF  }
0x98: {  	s18 =	sld [smem:$0x3FDB];
	_ =	sdelay $0x1  }
0x99: {  	s19 =	simm.s32 $_scs_section_size  }
0x9a: {  	s4 =	simm.s32 $_size__tile_overlayer_lowered;
	s5 =	simm.s32 $_tile_overlayer_lowered  }
0x9b: {  	s22 =	simm.s32 $0x1BFF;
	s21 =	sshll.u32 s5, $0x1;
	s2 =	sadd.s32 s19, s18  }
0x9c: {  	s6 =	simm.s32 $0x0;
	s20 =	sshll.u32 s4, $0x1;
	s4 =	sadd.s32 s21, s2  }
0x9d: {  	[timem:s6], [sflag:s22] =	dma.local [hbm:s4], s20  }
0x9e: {  	_ =	swait.ge [sflag:s22], s20  }
0x9f: {  	s3 =	ssub.s32 $0x0, s20;
	[sflag:s22] =	ssyncset.done $0x0  }
0xa0: {  	[sflag:s22] =	ssyncadd.s32 s3;
	_ =	sdelay $0x1  }
0xa1: {  	s23 =	simm.s32 $0x1B8B  }
0xa2: {  	_ =	swait.ge [sflag:s23], $0x1  }
0xa3: {  	[sflag:s23] =	ssyncset.done $0x0  }
0xa4: {  	s25 =	simm.s32 $0x1B8E;
	s24 =	sld [smem:$0x3FFE];
	[sflag:s23] =	ssyncadd.s32 $0xFFFFFFFF  }
0xa5: {  	s26 =	simm.s32 $execute0_lowered;
	[smem:$0x3FD2] =	sst s25  }
0xa6: {  	s4 =	sshll.u32 s26, $0x1;
	_ =	strace $0x80000046;
	[dreg:$0x1] =	wrdreg $0xFFFFFFFF  }
0xa7: {  	s28 =	simm.s32 $_size_execute0_lowered;
	s2 =	sadd.s32 s2, s4;
	[dreg:$0x0] =	wrdreg $0x0  }
0xa8: {  	s4 =	sshll.u32 s28, $0x1;
	[dreg:$0x2] =	wrdreg s2  }
0xa9: {  	[dreg:$0x3] =	wrdreg s4  }
0xaa: {  	[dreg:$0x4] =	wrdreg $0xC0  }
0xab: {  	_ =	task [dreg:s6], $0x5FFFF  }
0xac: {  	[dreg:$0x1] =	wrdreg $0xFFFFFFFF  }
0xad: {  	[dreg:$0x0] =	wrdreg $0x60  }
0xae: {  	[dreg:$0x2] =	wrdreg s24  }
0xaf: {  	[dreg:$0x3] =	wrdreg $0x15C000  }
0xb0: {  	[dreg:$0x4] =	wrdreg $0x9  }
0xb1: {  	_ =	task.clear_ibuf [dreg:s6], $0x5FFFF;
	_ =	strace $0x90000046  }
0xb2: {  	s29 =	simm.s32 $0x9;
	_ =	strace $0x80000048  }
0xb3: {  	_ =	swait.ge [sflag:s29], $0x1  }
0xb4: {  	[sflag:s29] =	ssyncadd.s32 $0xFFFFFFFF  }
0xb5: {  	_ =	strace $0x90000048  }
0xb6: {  	_ =	sfence  }
0xb7: {  	s30 =	sld [smem:$0x0];
	_ =	sdelay $0x2  }
0xb8: {  	s31 =	sshll.u32 s1, $0xD;
	s1 =	sshrl.u32 s1, $0x2  }
0xb9: {  	s3 =	sand.u32 $0x4000, s31;
	s1 =	sadd.s32 s1, s30  }
0xba: {  	s0 =	sor.u32 s3, s0;
	s1 =	sshll.u32 s1, $0x11  }
0xbb: {  	s0 =	sor.u32 s1, s0  }
0xbc: {  	s0 =	sadd.s32 $0x8F2B, s0  }
0xbd: {  	[sflag:s0] =	ssyncadd.remote.s32 $0x1  }
0xbe: {  	_ =	sfence.sel $0xFFFF  }
0xbf: {  	[dreg:$0x0] =	wrdreg $0xFFFFFFFF;
	(pc) =	sbr.abs _section_cstart, $3  }
0xc0: {  	[dreg:$0x1] =	wrdreg $0xFFFFFFFF  }
0xc1: {  	_ =	task.clear_ibuf [dreg:s6], $0x2FFFF;
	_ =	strace $0x9FFFFFFF  }
0xc2: {  	(tm) =	ssettm $0x7FFFFFFF  }
0xc3: {  	_ =	shalt  }
tec
execute0_lowered:
.L_overlay_start_1:
0x0: {  	(tag) =	ssettag $0x1  }
0x1: {  	s2 =	srdreg.scid  }
0x2: {  	s3 =	stileid.u32;
	s2 =	sand.u32 $0x1, s2  }
0x3: {  	s3 =	sshll.u32 s3, $0x7;
	s4 =	sshll.u32 s2, $0x6  }
0x4: {  	s0 =	rddreg [dreg:$0x0];
	s6 =	ssub.s32 $0x2, s2;
	s2 =	sor.u32 s4, s3  }
0x5: {  	s5 =	sadd.s32 $0xE00, s0;
	s4 =	sadd.s32 $0x19E00, s0;
	s8 =	sor.u32 $0xC000, s2  }
0x6: {  	s7 =	sshrl.u32 s6, $0x1;
	s3 =	sadd.s32 $0x32E00, s0;
	s13 =	sadd.s32 s5, s8  }
0x7: {  	s15 =	sor.u32 $0xC800, s2;
	s14 =	sadd.s32 s4, s8;
	[dreg:$0x3] =	wrdreg s13  }
0x8: {  	s0 =	ssub.s32 s6, s7;
	s17 =	sadd.s32 s5, s15;
	[dreg:$0x4] =	wrdreg s14  }
0x9: {  	s16 =	sor.u32 $0xD000, s2;
	s6 =	sadd.s32 s4, s15;
	[dreg:$0x5] =	wrdreg s17  }
0xa: {  	s18 =	sadd.s32 s5, s16;
	[dreg:$0x6] =	wrdreg s6  }
0xb: {  	s20 =	sor.u32 $0xD800, s2;
	s19 =	sadd.s32 s4, s16;
	[dreg:$0x7] =	wrdreg s18  }
0xc: {  	s21 =	sor.u32 $0xE000, s2;
	s22 =	sadd.s32 s5, s20;
	[dreg:$0x8] =	wrdreg s19  }
0xd: {  	s23 =	sadd.s32 s5, s21;
	[dreg:$0x9] =	wrdreg s22  }
0xe: {  	s25 =	sor.u32 $0xE800, s2;
	s24 =	sadd.s32 s4, s21;
	[dreg:$0xb] =	wrdreg s23  }
0xf: {  	s26 =	sor.u32 $0xF000, s2;
	s9 =	sadd.s32 s5, s25;
	[dreg:$0xc] =	wrdreg s24  }
0x10: {  	s10 =	sadd.s32 s5, s26;
	[dreg:$0xd] =	wrdreg s9  }
0x11: {  	s11 =	sadd.s32 s4, s26;
	[dreg:$0xf] =	wrdreg s10  }
0x12: {  	s12 =	sor.u32 $0xF800, s2;
	s6 =	sadd.s32 s4, s20;
	[dreg:$0x10] =	wrdreg s11  }
0x13: {  	s7 =	sor.u32 $0x12800, s2;
	s14 =	sadd.s32 s5, s12;
	[dreg:$0xa] =	wrdreg s6  }
0x14: {  	s10 =	sadd.s32 s5, s7;
	[dreg:$0x11] =	wrdreg s14  }
0x15: {  	s13 =	sor.u32 $0x10000, s2;
	s6 =	sadd.s32 s4, s25;
	[dreg:$0x1d] =	wrdreg s10  }
0x16: {  	s15 =	sadd.s32 s5, s13;
	[dreg:$0xe] =	wrdreg s6  }
0x17: {  	s17 =	sor.u32 $0x10800, s2;
	s16 =	sadd.s32 s4, s13;
	[dreg:$0x13] =	wrdreg s15  }
0x18: {  	s18 =	sor.u32 $0x11000, s2;
	s19 =	sadd.s32 s5, s17;
	[dreg:$0x14] =	wrdreg s16  }
0x19: {  	s20 =	sadd.s32 s5, s18;
	[dreg:$0x15] =	wrdreg s19  }
0x1a: {  	s22 =	sor.u32 $0x11800, s2;
	s21 =	sadd.s32 s4, s18;
	[dreg:$0x17] =	wrdreg s20  }
0x1b: {  	s23 =	sor.u32 $0x12000, s2;
	s24 =	sadd.s32 s5, s22;
	[dreg:$0x18] =	wrdreg s21  }
0x1c: {  	s25 =	sadd.s32 s5, s23;
	[dreg:$0x19] =	wrdreg s24  }
0x1d: {  	s9 =	sor.u32 $0x13000, s2;
	s26 =	sadd.s32 s4, s23;
	[dreg:$0x1b] =	wrdreg s25  }
0x1e: {  	s11 =	sadd.s32 s5, s9;
	[dreg:$0x1c] =	wrdreg s26  }
0x1f: {  	s6 =	sadd.s32 s4, s12;
	[dreg:$0x1f] =	wrdreg s11  }
0x20: {  	s13 =	sor.u32 $0x13800, s2;
	s12 =	sadd.s32 s4, s9;
	[dreg:$0x12] =	wrdreg s6  }
0x21: {  	s14 =	sor.u32 $0x14000, s2;
	s15 =	sadd.s32 s5, s13;
	[smem:$0x79A] =	sst s12  }
0x22: {  	s18 =	sor.u32 $0x14800, s2;
	s16 =	sadd.s32 s5, s14;
	[smem:$0x79B] =	sst s15  }
0x23: {  	s23 =	sor.u32 $0x15800, s2;
	s20 =	sadd.s32 s5, s18;
	[smem:$0x79D] =	sst s16  }
0x24: {  	s25 =	sadd.s32 s5, s23;
	[smem:$0x79F] =	sst s20  }
0x25: {  	s6 =	sadd.s32 s4, s17;
	[smem:$0x7A3] =	sst s25  }
0x26: {  	s19 =	sor.u32 $0x15000, s2;
	s17 =	sadd.s32 s4, s14;
	[dreg:$0x16] =	wrdreg s6  }
0x27: {  	s24 =	sor.u32 $0x16000, s2;
	s21 =	sadd.s32 s5, s19;
	[smem:$0x79E] =	sst s17  }
0x28: {  	s26 =	sadd.s32 s5, s24;
	[smem:$0x7A1] =	sst s21  }
0x29: {  	s9 =	sor.u32 $0x16800, s2;
	s8 =	sadd.s32 s4, s24;
	[smem:$0x7A5] =	sst s26  }
0x2a: {  	s10 =	sor.u32 $0x17000, s2;
	s11 =	sadd.s32 s5, s9;
	[smem:$0x7A6] =	sst s8  }
0x2b: {  	s12 =	sadd.s32 s5, s10;
	[smem:$0x7A7] =	sst s11  }
0x2c: {  	s6 =	sadd.s32 s4, s22;
	[smem:$0x7A9] =	sst s12  }
0x2d: {  	s14 =	sor.u32 $0x17800, s2;
	s22 =	sadd.s32 s4, s19;
	[dreg:$0x1a] =	wrdreg s6  }
0x2e: {  	s15 =	sor.u32 $0x18000, s2;
	s16 =	sadd.s32 s5, s14;
	[smem:$0x7A2] =	sst s22  }
0x2f: {  	s17 =	sadd.s32 s5, s15;
	[smem:$0x7AB] =	sst s16  }
0x30: {  	s6 =	sadd.s32 s4, s7;
	[smem:$0x7AD] =	sst s17  }
0x31: {  	[dreg:$0x1e] =	wrdreg s6;
	s6 =	sadd.s32 s4, s13  }
0x32: {  	s19 =	sadd.s32 s5, s2;
	[smem:$0x79C] =	sst s6;
	s6 =	sadd.s32 s4, s18  }
0x33: {  	s7 =	sor.u32 $0x1000, s2;
	[smem:$0x7A0] =	sst s6;
	s6 =	sadd.s32 s4, s23  }
0x34: {  	[smem:$0x7A4] =	sst s6;
	s6 =	sadd.s32 s4, s9;
	s9 =	sadd.s32 s5, s7  }
0x35: {  	s8 =	sor.u32 $0x1800, s2;
	[smem:$0x7B1] =	sst s9;
	s9 =	sor.u32 $0x2000, s2  }
0x36: {  	[smem:$0x7AF] =	sst s19;
	s13 =	sadd.s32 s4, s10;
	s10 =	sadd.s32 s5, s9  }
0x37: {  	s21 =	sadd.s32 s5, s8;
	[smem:$0x7B3] =	sst s10;
	s10 =	sor.u32 $0x2800, s2  }
0x38: {  	[smem:$0x7B2] =	sst s21;
	s12 =	sadd.s32 s5, s10  }
0x39: {  	s11 =	sor.u32 $0x3000, s2;
	[smem:$0x7B4] =	sst s12;
	s12 =	sor.u32 $0x3800, s2  }
0x3a: {  	s22 =	sadd.s32 s5, s11;
	[smem:$0x7AA] =	sst s13;
	s13 =	sadd.s32 s5, s12  }
0x3b: {  	s17 =	sor.u32 $0x6000, s2;
	[smem:$0x7B6] =	sst s13;
	s13 =	sor.u32 $0x4000, s2  }
0x3c: {  	[smem:$0x7B5] =	sst s22;
	s18 =	sadd.s32 s4, s15;
	s15 =	sadd.s32 s5, s13  }
0x3d: {  	s24 =	sadd.s32 s5, s17;
	[smem:$0x7B7] =	sst s15;
	s15 =	sor.u32 $0x5000, s2  }
0x3e: {  	[smem:$0x7BB] =	sst s24;
	s16 =	sadd.s32 s5, s15  }
0x3f: {  	[smem:$0x7B9] =	sst s16;
	s16 =	sor.u32 $0x5800, s2  }
0x40: {  	[smem:$0x7AE] =	sst s18;
	s18 =	sadd.s32 s5, s16  }
0x41: {  	[smem:$0x7BA] =	sst s18;
	s18 =	sor.u32 $0x6800, s2  }
0x42: {  	[smem:$0x7A8] =	sst s6;
	s19 =	sadd.s32 s5, s18  }
0x43: {  	s6 =	sadd.s32 s4, s14;
	[smem:$0x7BC] =	sst s19;
	s19 =	sor.u32 $0x7000, s2  }
0x44: {  	s14 =	sor.u32 $0x4800, s2;
	[smem:$0x7AC] =	sst s6;
	s21 =	sadd.s32 s5, s19  }
0x45: {  	s23 =	sadd.s32 s5, s14;
	[smem:$0x7BD] =	sst s21;
	s21 =	sor.u32 $0x8000, s2  }
0x46: {  	s6 =	sor.u32 $0x800, s2;
	[smem:$0x7B8] =	sst s23;
	s22 =	sadd.s32 s5, s21  }
0x47: {  	s20 =	sadd.s32 s5, s6;
	[smem:$0x7BF] =	sst s22;
	s22 =	sor.u32 $0x8800, s2  }
0x48: {  	[smem:$0x7B0] =	sst s20;
	s20 =	sor.u32 $0x7800, s2;
	s24 =	sadd.s32 s5, s22  }
0x49: {  	s25 =	sadd.s32 s5, s20;
	[smem:$0x7C0] =	sst s24;
	s24 =	sor.u32 $0x9800, s2  }
0x4a: {  	s23 =	sor.u32 $0x9000, s2;
	[smem:$0x7BE] =	sst s25;
	s25 =	sadd.s32 s5, s24  }
0x4b: {  	s26 =	sadd.s32 s5, s23;
	[smem:$0x7C2] =	sst s25;
	s25 =	sor.u32 $0xA000, s2  }
0x4c: {  	[smem:$0x7C1] =	sst s26;
	s26 =	sor.u32 $0xA800, s2;
	s28 =	sadd.s32 s5, s25  }
0x4d: {  	[smem:$0x7C3] =	sst s28;
	s28 =	sadd.s32 s5, s26  }
0x4e: {  	[smem:$0x7C4] =	sst s28;
	s28 =	sor.u32 $0xB000, s2  }
0x4f: {  	s29 =	sadd.s32 s5, s28  }
0x50: {  	s1 =	simm.s32 $0x0;
	[smem:$0x7C5] =	sst s29;
	s29 =	sor.u32 $0xB800, s2  }
0x51: {  	[smem:$0x7FF] =	sst s1;
	s30 =	sor.u32 $0x18800, s2;
	s31 =	sadd.s32 s5, s29  }
0x52: {  	s5 =	sadd.s32 s5, s30;
	[smem:$0x7C6] =	sst s31  }
0x53: {  	[smem:$0x7C7] =	sst s5;
	s5 =	sadd.s32 s4, s30  }
0x54: {  	[smem:$0x7C8] =	sst s5;
	s5 =	sadd.s32 s4, s2  }
0x55: {  	s2 =	sadd.s32 s3, s2;
	[smem:$0x7C9] =	sst s5  }
0x56: {  	s5 =	sadd.s32 s4, s6;
	[smem:$0x7E1] =	sst s2  }
0x57: {  	s6 =	sadd.s32 s3, s6;
	[smem:$0x7CA] =	sst s5  }
0x58: {  	s5 =	sadd.s32 s4, s7;
	[smem:$0x7E2] =	sst s6  }
0x59: {  	s7 =	sadd.s32 s3, s7;
	[smem:$0x7CB] =	sst s5  }
0x5a: {  	s5 =	sadd.s32 s4, s8;
	[smem:$0x7E3] =	sst s7  }
0x5b: {  	s8 =	sadd.s32 s3, s8;
	[smem:$0x7CC] =	sst s5  }
0x5c: {  	s7 =	sadd.s32 s3, s25;
	[smem:$0x7E4] =	sst s8  }
0x5d: {  	s5 =	sadd.s32 s4, s9;
	[smem:$0x7F5] =	sst s7  }
0x5e: {  	s9 =	sadd.s32 s3, s9;
	[smem:$0x7CD] =	sst s5  }
0x5f: {  	s8 =	sadd.s32 s3, s26;
	[smem:$0x7E5] =	sst s9  }
0x60: {  	[smem:$0x7F6] =	sst s8  }
0x61: {  	s5 =	sadd.s32 s4, s10;
	s9 =	rddreg [dreg:$0x1]  }
0x62: {  	s10 =	sadd.s32 s3, s10;
	[smem:$0x7CE] =	sst s5  }
0x63: {  	s5 =	sadd.s32 s4, s11;
	[smem:$0x7E6] =	sst s10  }
0x64: {  	s11 =	sadd.s32 s3, s11;
	[smem:$0x7CF] =	sst s5  }
0x65: {  	s10 =	sadd.s32 s3, s28;
	[smem:$0x7E7] =	sst s11  }
0x66: {  	s5 =	sadd.s32 s4, s12;
	[smem:$0x7F7] =	sst s10  }
0x67: {  	s12 =	sadd.s32 s3, s12;
	[smem:$0x7D0] =	sst s5  }
0x68: {  	s5 =	sadd.s32 s4, s13;
	[smem:$0x7E8] =	sst s12  }
0x69: {  	s6 =	stileid.u32;
	s13 =	sadd.s32 s3, s13;
	[smem:$0x7D1] =	sst s5  }
0x6a: {  	s2 =	smul.u32 $0x3000, s6;
	s5 =	sadd.s32 s4, s14;
	[smem:$0x7E9] =	sst s13  }
0x6b: {  	s0 =	smax.u32 s0, $0x1;
	s14 =	sadd.s32 s3, s14;
	[smem:$0x7D2] =	sst s5  }
0x6c: {  	s6 =	sadd.s32 s2, s9;
	s5 =	sadd.s32 s4, s15;
	[smem:$0x7EA] =	sst s14  }
0x6d: {  	s11 =	sadd.s32 $0x200, s6;
	s15 =	sadd.s32 s3, s15;
	[smem:$0x7D3] =	sst s5  }
0x6e: {  	s7 =	sadd.s32 $0x2400, s6;
	s5 =	sadd.s32 s4, s16;
	[smem:$0x7EB] =	sst s15  }
0x6f: {  	s8 =	sadd.s32 $0x2600, s6;
	s16 =	sadd.s32 s3, s16;
	[smem:$0x7D4] =	sst s5  }
0x70: {  	s9 =	sadd.s32 $0x2800, s6;
	s5 =	sadd.s32 s4, s17;
	[smem:$0x7EC] =	sst s16  }
0x71: {  	s10 =	sadd.s32 $0x2A00, s6;
	s17 =	sadd.s32 s3, s17;
	[smem:$0x7D5] =	sst s5  }
0x72: {  	s12 =	sshrl.u32 s11, $0x3;
	s5 =	sadd.s32 s4, s18;
	[smem:$0x7ED] =	sst s17  }
0x73: {  	s11 =	sadd.s32 $0x2C00, s6;
	s18 =	sadd.s32 s3, s18;
	[smem:$0x7D6] =	sst s5  }
0x74: {  	s30 =	sshrl.u32 s10, $0x3;
	s5 =	sadd.s32 s4, s19;
	[smem:$0x7EE] =	sst s18  }
0x75: {  	s13 =	sadd.s32 $0x400, s6;
	s19 =	sadd.s32 s3, s19;
	[smem:$0x7D7] =	sst s5  }
0x76: {  	s31 =	sshrl.u32 s11, $0x3;
	s5 =	sadd.s32 s4, s20;
	[smem:$0x7EF] =	sst s19  }
0x77: {  	s14 =	sadd.s32 $0x600, s6;
	s20 =	sadd.s32 s3, s20;
	[smem:$0x7D8] =	sst s5  }
0x78: {  	s15 =	sadd.s32 $0x800, s6;
	s5 =	sadd.s32 s4, s21;
	[smem:$0x7F0] =	sst s20  }
0x79: {  	s16 =	sshrl.u32 s15, $0x3;
	s21 =	sadd.s32 s3, s21;
	[smem:$0x7D9] =	sst s5  }
0x7a: {  	s17 =	sadd.s32 $0xA00, s6;
	s5 =	sadd.s32 s4, s22;
	[smem:$0x7F1] =	sst s21  }
0x7b: {  	s18 =	sadd.s32 $0xC00, s6;
	s22 =	sadd.s32 s3, s22;
	[smem:$0x7DA] =	sst s5  }
0x7c: {  	s19 =	sadd.s32 $0xE00, s6;
	s5 =	sadd.s32 s4, s23;
	[smem:$0x7F2] =	sst s22  }
0x7d: {  	s15 =	sshrl.u32 s19, $0x3;
	[smem:$0x7DB] =	sst s5;
	s5 =	sadd.s32 s4, s24  }
0x7e: {  	s20 =	sadd.s32 $0x1000, s6;
	[smem:$0x7DC] =	sst s5;
	s5 =	sadd.s32 s4, s25  }
0x7f: {  	s21 =	sadd.s32 $0x1200, s6;
	[smem:$0x7DD] =	sst s5;
	s5 =	sadd.s32 s4, s26  }
0x80: {  	s22 =	sadd.s32 $0x1400, s6;
	[smem:$0x7DE] =	sst s5;
	s5 =	sadd.s32 s4, s28  }
0x81: {  	s25 =	sadd.s32 $0x1A00, s6;
	s4 =	sadd.s32 s4, s29;
	[smem:$0x7DF] =	sst s5  }
0x82: {  	s26 =	sadd.s32 $0x1C00, s6;
	[smem:$0x7E0] =	sst s4;
	s4 =	sadd.s32 s3, s23  }
0x83: {  	s28 =	sshrl.u32 s8, $0x3;
	s5 =	sadd.s32 s3, s24;
	[smem:$0x7F3] =	sst s4  }
0x84: {  	s3 =	sadd.s32 s3, s29;
	s23 =	sadd.s32 $0x1600, s6;
	[smem:$0x7F4] =	sst s5  }
0x85: {  	s24 =	sadd.s32 $0x1800, s6;
	s29 =	sshrl.u32 s9, $0x3;
	[smem:$0x7F8] =	sst s3  }
0x86: {  	s19 =	sshrl.u32 s23, $0x3;
	_ =	strace $0x80000047;
	[smem:$0x7F9] =	sst s0  }
0x87: {  	s3 =	sadd.s32 $0x1E00, s6;
	s4 =	sadd.s32 $0x2000, s6;
	[smem:$0x7FA] =	sst s12  }
0x88: {  	s5 =	sadd.s32 $0x2200, s6;
	s0 =	sshrl.u32 s13, $0x3;
	[smem:$0x7FD] =	sst s16  }
0x89: {  	s13 =	sshrl.u32 s17, $0x3;
	s16 =	sshrl.u32 s20, $0x3;
	s17 =	sshrl.u32 s21, $0x3  }
0x8a: {  	s20 =	sshrl.u32 s24, $0x3;
	s21 =	sshrl.u32 s25, $0x3;
	s23 =	sshrl.u32 s3, $0x3  }
0x8b: {  	s24 =	sshrl.u32 s4, $0x3;
	s25 =	sshrl.u32 s5, $0x3;
	s12 =	sadd.s32 $0x2E00, s6  }
0x8c: {  	s3 =	simm.s32 $0x6400;
	s4 =	simm.s32 $0x2;
	s5 =	simm.s32 $0x1  }
0x8d: {  	[smem:$0x7FB] =	sst s0;
	s0 =	sshrl.u32 s14, $0x3;
	s14 =	sshrl.u32 s18, $0x3  }
0x8e: {  	s18 =	sshrl.u32 s22, $0x3;
	s22 =	sshrl.u32 s26, $0x3;
	s26 =	sshrl.u32 s7, $0x3  }
0x8f: {  	v0 =	vimm.f32 $0.0e+00;
	v1 =	vlaneseq.u32;
	s7 =	simm.s32 $0x0;
	[smem:$0x7FC] =	sst s0;
	s0 =	sshrl.u32 s12, $0x3  }
.LBB2_1:
0x90: {  	s8 =	sld [smem:$0x7AF];
	_ =	sdelay $0x1  }
0x91: {  	s9 =	sld [smem:$0x7C9]  }
0x92: {  	[tilespmem:s1], [sflag:$0x1] =	stream.linear.gather [hbm4b:s8+s1], $0x200, $0x38;
	[tilespmem:$0x18C00] =	vst v63  }
0x93: {  	s10 =	sld [smem:$0x7B0]  }
0x94: {  	[tilespmem:s3], [sflag:$0x1] =	stream.linear.gather [hbm4b:s9+s1], $0x200, $0x38;
	[tilespmem:$0x18C00] =	vst v63  }
0x95: {  	s11 =	sld [smem:$0x7CA];
	s9 =	simm.s32 $0x200  }
0x96: {  	[tilespmem:s9], [sflag:$0x1] =	stream.linear.gather [hbm4b:s10+s1], $0x200, $0x38;
	[tilespmem:$0x18C00] =	vst v63  }
0x97: {  	s12 =	simm.s32 $0x6600;
	s9 =	sld [smem:$0x7B1]  }
0x98: {  	[tilespmem:s12], [sflag:$0x1] =	stream.linear.gather [hbm4b:s11+s1], $0x200, $0x38;
	[tilespmem:$0x18C00] =	vst v63  }
0x99: {  	s10 =	simm.s32 $0x400;
	s11 =	sld [smem:$0x7CB]  }
0x9a: {  	[tilespmem:s10], [sflag:$0x1] =	stream.linear.gather [hbm4b:s9+s1], $0x200, $0x38;
	[tilespmem:$0x18C00] =	vst v63  }
0x9b: {  	s12 =	simm.s32 $0x6800;
	s9 =	sld [smem:$0x7B2]  }
0x9c: {  	[tilespmem:s12], [sflag:$0x1] =	stream.linear.gather [hbm4b:s11+s1], $0x200, $0x38;
	[tilespmem:$0x18C00] =	vst v63  }
0x9d: {  	s10 =	simm.s32 $0x600;
	s11 =	sld [smem:$0x7CC]  }
0x9e: {  	[tilespmem:s10], [sflag:$0x1] =	stream.linear.gather [hbm4b:s9+s1], $0x200, $0x38;
	[tilespmem:$0x18C00] =	vst v63  }
0x9f: {  	s12 =	simm.s32 $0x6A00;
	s9 =	sld [smem:$0x7B3]  }
0xa0: {  	[tilespmem:s12], [sflag:$0x1] =	stream.linear.gather [hbm4b:s11+s1], $0x200, $0x38;
	[tilespmem:$0x18C00] =	vst v63  }
0xa1: {  	s10 =	simm.s32 $0x800;
	s11 =	sld [smem:$0x7CD]  }
0xa2: {  	[tilespmem:s10], [sflag:$0x1] =	stream.linear.gather [hbm4b:s9+s1], $0x200, $0x38;
	[tilespmem:$0x18C00] =	vst v63  }
0xa3: {  	s12 =	simm.s32 $0x6C00;
	s9 =	sld [smem:$0x7B4]  }
0xa4: {  	[tilespmem:s12], [sflag:$0x1] =	stream.linear.gather [hbm4b:s11+s1], $0x200, $0x38;
	[tilespmem:$0x18C00] =	vst v63  }
0xa5: {  	s10 =	simm.s32 $0xA00;
	s11 =	sld [smem:$0x7CE]  }
0xa6: {  	[tilespmem:s10], [sflag:$0x1] =	stream.linear.gather [hbm4b:s9+s1], $0x200, $0x38;
	[tilespmem:$0x18C00] =	vst v63  }
0xa7: {  	s12 =	simm.s32 $0x6E00;
	s9 =	sld [smem:$0x7B5]  }
0xa8: {  	[tilespmem:s12], [sflag:$0x1] =	stream.linear.gather [hbm4b:s11+s1], $0x200, $0x38;
	[tilespmem:$0x18C00] =	vst v63  }
0xa9: {  	s10 =	simm.s32 $0xC00;
	s11 =	sld [smem:$0x7CF]  }
0xaa: {  	[tilespmem:s10], [sflag:$0x1] =	stream.linear.gather [hbm4b:s9+s1], $0x200, $0x38;
	[tilespmem:$0x18C00] =	vst v63  }
0xab: {  	s12 =	simm.s32 $0x7000;
	s9 =	sld [smem:$0x7B6]  }
0xac: {  	[tilespmem:s12], [sflag:$0x1] =	stream.linear.gather [hbm4b:s11+s1], $0x200, $0x38;
	[tilespmem:$0x18C00] =	vst v63  }
0xad: {  	s10 =	simm.s32 $0xE00;
	s11 =	sld [smem:$0x7D0]  }
0xae: {  	[tilespmem:s10], [sflag:$0x1] =	stream.linear.gather [hbm4b:s9+s1], $0x200, $0x38;
	[tilespmem:$0x18C00] =	vst v63  }
0xaf: {  	s12 =	simm.s32 $0x7200;
	s9 =	sld [smem:$0x7B7]  }
0xb0: {  	[tilespmem:s12], [sflag:$0x1] =	stream.linear.gather [hbm4b:s11+s1], $0x200, $0x38;
	[tilespmem:$0x18C00] =	vst v63  }
0xb1: {  	s10 =	simm.s32 $0x1000;
	s11 =	sld [smem:$0x7D1]  }
0xb2: {  	[tilespmem:s10], [sflag:$0x1] =	stream.linear.gather [hbm4b:s9+s1], $0x200, $0x38;
	[tilespmem:$0x18C00] =	vst v63  }
0xb3: {  	s12 =	simm.s32 $0x7400;
	s9 =	sld [smem:$0x7B8]  }
0xb4: {  	[tilespmem:s12], [sflag:$0x1] =	stream.linear.gather [hbm4b:s11+s1], $0x200, $0x38;
	[tilespmem:$0x18C00] =	vst v63  }
0xb5: {  	s10 =	simm.s32 $0x1200;
	s11 =	sld [smem:$0x7D2]  }
0xb6: {  	[tilespmem:s10], [sflag:$0x1] =	stream.linear.gather [hbm4b:s9+s1], $0x200, $0x38;
	[tilespmem:$0x18C00] =	vst v63  }
0xb7: {  	s12 =	simm.s32 $0x7600;
	s9 =	sld [smem:$0x7B9]  }
0xb8: {  	[tilespmem:s12], [sflag:$0x1] =	stream.linear.gather [hbm4b:s11+s1], $0x200, $0x38;
	[tilespmem:$0x18C00] =	vst v63  }
0xb9: {  	s10 =	simm.s32 $0x1400;
	s11 =	sld [smem:$0x7D3]  }
0xba: {  	[tilespmem:s10], [sflag:$0x1] =	stream.linear.gather [hbm4b:s9+s1], $0x200, $0x38;
	[tilespmem:$0x18C00] =	vst v63  }
0xbb: {  	s12 =	simm.s32 $0x7800;
	s9 =	sld [smem:$0x7BA]  }
0xbc: {  	[tilespmem:s12], [sflag:$0x1] =	stream.linear.gather [hbm4b:s11+s1], $0x200, $0x38;
	[tilespmem:$0x18C00] =	vst v63  }
0xbd: {  	s10 =	simm.s32 $0x1600;
	s11 =	sld [smem:$0x7D4]  }
0xbe: {  	[tilespmem:s10], [sflag:$0x1] =	stream.linear.gather [hbm4b:s9+s1], $0x200, $0x38;
	[tilespmem:$0x18C00] =	vst v63  }
0xbf: {  	s12 =	simm.s32 $0x7A00;
	s9 =	sld [smem:$0x7BB]  }
0xc0: {  	[tilespmem:s12], [sflag:$0x1] =	stream.linear.gather [hbm4b:s11+s1], $0x200, $0x38;
	[tilespmem:$0x18C00] =	vst v63  }
0xc1: {  	s10 =	simm.s32 $0x1800;
	s11 =	sld [smem:$0x7D5]  }
0xc2: {  	[tilespmem:s10], [sflag:$0x1] =	stream.linear.gather [hbm4b:s9+s1], $0x200, $0x38;
	[tilespmem:$0x18C00] =	vst v63  }
0xc3: {  	s12 =	simm.s32 $0x7C00;
	s9 =	sld [smem:$0x7BC]  }
0xc4: {  	[tilespmem:s12], [sflag:$0x1] =	stream.linear.gather [hbm4b:s11+s1], $0x200, $0x38;
	[tilespmem:$0x18C00] =	vst v63  }
0xc5: {  	s10 =	simm.s32 $0x1A00;
	s11 =	sld [smem:$0x7D6]  }
0xc6: {  	[tilespmem:s10], [sflag:$0x1] =	stream.linear.gather [hbm4b:s9+s1], $0x200, $0x38;
	[tilespmem:$0x18C00] =	vst v63  }
0xc7: {  	s12 =	simm.s32 $0x7E00;
	s9 =	sld [smem:$0x7BD]  }
0xc8: {  	[tilespmem:s12], [sflag:$0x1] =	stream.linear.gather [hbm4b:s11+s1], $0x200, $0x38;
	[tilespmem:$0x18C00] =	vst v63  }
0xc9: {  	s10 =	simm.s32 $0x1C00;
	s11 =	sld [smem:$0x7D7]  }
0xca: {  	[tilespmem:s10], [sflag:$0x1] =	stream.linear.gather [hbm4b:s9+s1], $0x200, $0x38;
	[tilespmem:$0x18C00] =	vst v63  }
0xcb: {  	s12 =	simm.s32 $0x8000;
	s9 =	sld [smem:$0x7BE]  }
0xcc: {  	[tilespmem:s12], [sflag:$0x1] =	stream.linear.gather [hbm4b:s11+s1], $0x200, $0x38;
	[tilespmem:$0x18C00] =	vst v63  }
0xcd: {  	s10 =	simm.s32 $0x1E00;
	s11 =	sld [smem:$0x7D8]  }
0xce: {  	[tilespmem:s10], [sflag:$0x1] =	stream.linear.gather [hbm4b:s9+s1], $0x200, $0x38;
	[tilespmem:$0x18C00] =	vst v63  }
0xcf: {  	s12 =	simm.s32 $0x8200;
	s9 =	sld [smem:$0x7BF]  }
0xd0: {  	[tilespmem:s12], [sflag:$0x1] =	stream.linear.gather [hbm4b:s11+s1], $0x200, $0x38;
	[tilespmem:$0x18C00] =	vst v63  }
0xd1: {  	s10 =	simm.s32 $0x2000;
	s11 =	sld [smem:$0x7D9]  }
0xd2: {  	[tilespmem:s10], [sflag:$0x1] =	stream.linear.gather [hbm4b:s9+s1], $0x200, $0x38;
	[tilespmem:$0x18C00] =	vst v63  }
0xd3: {  	s12 =	simm.s32 $0x8400;
	s9 =	sld [smem:$0x7C0]  }
0xd4: {  	[tilespmem:s12], [sflag:$0x1] =	stream.linear.gather [hbm4b:s11+s1], $0x200, $0x38;
	[tilespmem:$0x18C00] =	vst v63  }
0xd5: {  	s10 =	simm.s32 $0x2200;
	s11 =	sld [smem:$0x7DA]  }
0xd6: {  	[tilespmem:s10], [sflag:$0x1] =	stream.linear.gather [hbm4b:s9+s1], $0x200, $0x38;
	[tilespmem:$0x18C00] =	vst v63  }
0xd7: {  	s12 =	simm.s32 $0x8600;
	s9 =	sld [smem:$0x7C1]  }
0xd8: {  	[tilespmem:s12], [sflag:$0x1] =	stream.linear.gather [hbm4b:s11+s1], $0x200, $0x38;
	[tilespmem:$0x18C00] =	vst v63  }
0xd9: {  	s10 =	simm.s32 $0x2400;
	s11 =	sld [smem:$0x7DB]  }
0xda: {  	[tilespmem:s10], [sflag:$0x1] =	stream.linear.gather [hbm4b:s9+s1], $0x200, $0x38;
	[tilespmem:$0x18C00] =	vst v63  }
0xdb: {  	s12 =	simm.s32 $0x8800;
	s9 =	sld [smem:$0x7C2]  }
0xdc: {  	[tilespmem:s12], [sflag:$0x1] =	stream.linear.gather [hbm4b:s11+s1], $0x200, $0x38;
	[tilespmem:$0x18C00] =	vst v63  }
0xdd: {  	s10 =	simm.s32 $0x2600;
	s11 =	sld [smem:$0x7DC]  }
0xde: {  	[tilespmem:s10], [sflag:$0x1] =	stream.linear.gather [hbm4b:s9+s1], $0x200, $0x38;
	[tilespmem:$0x18C00] =	vst v63  }
0xdf: {  	s12 =	simm.s32 $0x8A00;
	s9 =	sld [smem:$0x7C3]  }
0xe0: {  	[tilespmem:s12], [sflag:$0x1] =	stream.linear.gather [hbm4b:s11+s1], $0x200, $0x38;
	[tilespmem:$0x18C00] =	vst v63  }
0xe1: {  	s10 =	simm.s32 $0x2800;
	s11 =	sld [smem:$0x7DD]  }
0xe2: {  	[tilespmem:s10], [sflag:$0x1] =	stream.linear.gather [hbm4b:s9+s1], $0x200, $0x38;
	[tilespmem:$0x18C00] =	vst v63  }
0xe3: {  	s12 =	simm.s32 $0x8C00;
	s9 =	sld [smem:$0x7C4]  }
0xe4: {  	[tilespmem:s12], [sflag:$0x1] =	stream.linear.gather [hbm4b:s11+s1], $0x200, $0x38;
	[tilespmem:$0x18C00] =	vst v63  }
0xe5: {  	s10 =	simm.s32 $0x2A00;
	s11 =	sld [smem:$0x7DE]  }
0xe6: {  	[tilespmem:s10], [sflag:$0x1] =	stream.linear.gather [hbm4b:s9+s1], $0x200, $0x38;
	[tilespmem:$0x18C00] =	vst v63  }
0xe7: {  	s12 =	simm.s32 $0x8E00;
	s9 =	sld [smem:$0x7C5]  }
0xe8: {  	[tilespmem:s12], [sflag:$0x1] =	stream.linear.gather [hbm4b:s11+s1], $0x200, $0x38;
	[tilespmem:$0x18C00] =	vst v63  }
0xe9: {  	s10 =	simm.s32 $0x2C00;
	s11 =	sld [smem:$0x7DF]  }
0xea: {  	[tilespmem:s10], [sflag:$0x1] =	stream.linear.gather [hbm4b:s9+s1], $0x200, $0x38;
	[tilespmem:$0x18C00] =	vst v63  }
0xeb: {  	s12 =	simm.s32 $0x9000;
	s9 =	sld [smem:$0x7C6]  }
0xec: {  	[tilespmem:s12], [sflag:$0x1] =	stream.linear.gather [hbm4b:s11+s1], $0x200, $0x38;
	[tilespmem:$0x18C00] =	vst v63  }
0xed: {  	s10 =	simm.s32 $0x2E00;
	s11 =	sld [smem:$0x7E0]  }
0xee: {  	[tilespmem:s10], [sflag:$0x1] =	stream.linear.gather [hbm4b:s9+s1], $0x200, $0x38;
	[tilespmem:$0x18C00] =	vst v63  }
0xef: {  	s12 =	simm.s32 $0x9200;
	s9 =	rddreg [dreg:$0x3]  }
0xf0: {  	[tilespmem:s12], [sflag:$0x1] =	stream.linear.gather [hbm4b:s11+s1], $0x200, $0x38;
	[tilespmem:$0x18C00] =	vst v63  }
0xf1: {  	s10 =	simm.s32 $0x3000;
	s11 =	rddreg [dreg:$0x4]  }
0xf2: {  	[tilespmem:s10], [sflag:$0x1] =	stream.linear.gather [hbm4b:s9+s1], $0x200, $0x38;
	[tilespmem:$0x18C00] =	vst v63  }
0xf3: {  	s12 =	simm.s32 $0x9400;
	s9 =	rddreg [dreg:$0x5]  }
0xf4: {  	[tilespmem:s12], [sflag:$0x1] =	stream.linear.gather [hbm4b:s11+s1], $0x200, $0x38;
	[tilespmem:$0x18C00] =	vst v63  }
0xf5: {  	s10 =	simm.s32 $0x3200;
	s11 =	rddreg [dreg:$0x6]  }
0xf6: {  	[tilespmem:s10], [sflag:$0x1] =	stream.linear.gather [hbm4b:s9+s1], $0x200, $0x38;
	[tilespmem:$0x18C00] =	vst v63  }
0xf7: {  	s12 =	simm.s32 $0x9600;
	s9 =	rddreg [dreg:$0x7]  }
0xf8: {  	[tilespmem:s12], [sflag:$0x1] =	stream.linear.gather [hbm4b:s11+s1], $0x200, $0x38;
	[tilespmem:$0x18C00] =	vst v63  }
0xf9: {  	s10 =	simm.s32 $0x3400;
	s11 =	rddreg [dreg:$0x8]  }
0xfa: {  	[tilespmem:s10], [sflag:$0x1] =	stream.linear.gather [hbm4b:s9+s1], $0x200, $0x38;
	[tilespmem:$0x18C00] =	vst v63  }
0xfb: {  	s12 =	simm.s32 $0x9800;
	s9 =	rddreg [dreg:$0x9]  }
0xfc: {  	[tilespmem:s12], [sflag:$0x1] =	stream.linear.gather [hbm4b:s11+s1], $0x200, $0x38;
	[tilespmem:$0x18C00] =	vst v63  }
0xfd: {  	s10 =	simm.s32 $0x3600;
	s11 =	rddreg [dreg:$0xa]  }
0xfe: {  	[tilespmem:s10], [sflag:$0x1] =	stream.linear.gather [hbm4b:s9+s1], $0x200, $0x38;
	[tilespmem:$0x18C00] =	vst v63  }
0xff: {  	s12 =	simm.s32 $0x9A00;
	s9 =	rddreg [dreg:$0xb]  }
0x100: {  	[tilespmem:s12], [sflag:$0x1] =	stream.linear.gather [hbm4b:s11+s1], $0x200, $0x38;
	[tilespmem:$0x18C00] =	vst v63  }
0x101: {  	s10 =	simm.s32 $0x3800;
	s11 =	rddreg [dreg:$0xc]  }
0x102: {  	[tilespmem:s10], [sflag:$0x1] =	stream.linear.gather [hbm4b:s9+s1], $0x200, $0x38;
	[tilespmem:$0x18C00] =	vst v63  }
0x103: {  	s12 =	simm.s32 $0x9C00;
	s9 =	rddreg [dreg:$0xd]  }
0x104: {  	[tilespmem:s12], [sflag:$0x1] =	stream.linear.gather [hbm4b:s11+s1], $0x200, $0x38;
	[tilespmem:$0x18C00] =	vst v63  }
0x105: {  	s10 =	simm.s32 $0x3A00;
	s11 =	rddreg [dreg:$0xe]  }
0x106: {  	[tilespmem:s10], [sflag:$0x1] =	stream.linear.gather [hbm4b:s9+s1], $0x200, $0x38;
	[tilespmem:$0x18C00] =	vst v63  }
0x107: {  	s12 =	simm.s32 $0x9E00;
	s9 =	rddreg [dreg:$0xf]  }
0x108: {  	[tilespmem:s12], [sflag:$0x1] =	stream.linear.gather [hbm4b:s11+s1], $0x200, $0x38;
	[tilespmem:$0x18C00] =	vst v63  }
0x109: {  	s10 =	simm.s32 $0x3C00;
	s11 =	rddreg [dreg:$0x10]  }
0x10a: {  	[tilespmem:s10], [sflag:$0x1] =	stream.linear.gather [hbm4b:s9+s1], $0x200, $0x38;
	[tilespmem:$0x18C00] =	vst v63  }
0x10b: {  	s12 =	simm.s32 $0xA000;
	s9 =	rddreg [dreg:$0x11]  }
0x10c: {  	[tilespmem:s12], [sflag:$0x1] =	stream.linear.gather [hbm4b:s11+s1], $0x200, $0x38;
	[tilespmem:$0x18C00] =	vst v63  }
0x10d: {  	s10 =	simm.s32 $0x3E00;
	s11 =	rddreg [dreg:$0x12]  }
0x10e: {  	[tilespmem:s10], [sflag:$0x1] =	stream.linear.gather [hbm4b:s9+s1], $0x200, $0x38;
	[tilespmem:$0x18C00] =	vst v63  }
0x10f: {  	s12 =	simm.s32 $0xA200;
	s9 =	rddreg [dreg:$0x13]  }
0x110: {  	[tilespmem:s12], [sflag:$0x1] =	stream.linear.gather [hbm4b:s11+s1], $0x200, $0x38;
	[tilespmem:$0x18C00] =	vst v63  }
0x111: {  	s10 =	simm.s32 $0x4000;
	s11 =	rddreg [dreg:$0x14]  }
0x112: {  	[tilespmem:s10], [sflag:$0x1] =	stream.linear.gather [hbm4b:s9+s1], $0x200, $0x38;
	[tilespmem:$0x18C00] =	vst v63  }
0x113: {  	s12 =	simm.s32 $0xA400;
	s9 =	rddreg [dreg:$0x15]  }
0x114: {  	[tilespmem:s12], [sflag:$0x1] =	stream.linear.gather [hbm4b:s11+s1], $0x200, $0x38;
	[tilespmem:$0x18C00] =	vst v63  }
0x115: {  	s10 =	simm.s32 $0x4200;
	s11 =	rddreg [dreg:$0x16]  }
0x116: {  	[tilespmem:s10], [sflag:$0x1] =	stream.linear.gather [hbm4b:s9+s1], $0x200, $0x38;
	[tilespmem:$0x18C00] =	vst v63  }
0x117: {  	s12 =	simm.s32 $0xA600;
	s9 =	rddreg [dreg:$0x17]  }
0x118: {  	[tilespmem:s12], [sflag:$0x1] =	stream.linear.gather [hbm4b:s11+s1], $0x200, $0x38;
	[tilespmem:$0x18C00] =	vst v63  }
0x119: {  	s10 =	simm.s32 $0x4400;
	s11 =	rddreg [dreg:$0x18]  }
0x11a: {  	[tilespmem:s10], [sflag:$0x1] =	stream.linear.gather [hbm4b:s9+s1], $0x200, $0x38;
	[tilespmem:$0x18C00] =	vst v63  }
0x11b: {  	s12 =	simm.s32 $0xA800;
	s9 =	rddreg [dreg:$0x19]  }
0x11c: {  	[tilespmem:s12], [sflag:$0x1] =	stream.linear.gather [hbm4b:s11+s1], $0x200, $0x38;
	[tilespmem:$0x18C00] =	vst v63  }
0x11d: {  	s10 =	simm.s32 $0x4600;
	s11 =	rddreg [dreg:$0x1a]  }
0x11e: {  	[tilespmem:s10], [sflag:$0x1] =	stream.linear.gather [hbm4b:s9+s1], $0x200, $0x38;
	[tilespmem:$0x18C00] =	vst v63  }
0x11f: {  	s12 =	simm.s32 $0xAA00;
	s9 =	rddreg [dreg:$0x1b]  }
0x120: {  	[tilespmem:s12], [sflag:$0x1] =	stream.linear.gather [hbm4b:s11+s1], $0x200, $0x38;
	[tilespmem:$0x18C00] =	vst v63  }
0x121: {  	s10 =	simm.s32 $0x4800;
	s11 =	rddreg [dreg:$0x1c]  }
0x122: {  	[tilespmem:s10], [sflag:$0x1] =	stream.linear.gather [hbm4b:s9+s1], $0x200, $0x38;
	[tilespmem:$0x18C00] =	vst v63  }
0x123: {  	s12 =	simm.s32 $0xAC00;
	s9 =	rddreg [dreg:$0x1d]  }
0x124: {  	[tilespmem:s12], [sflag:$0x1] =	stream.linear.gather [hbm4b:s11+s1], $0x200, $0x38;
	[tilespmem:$0x18C00] =	vst v63  }
0x125: {  	s10 =	simm.s32 $0x4A00;
	s11 =	rddreg [dreg:$0x1e]  }
0x126: {  	[tilespmem:s10], [sflag:$0x1] =	stream.linear.gather [hbm4b:s9+s1], $0x200, $0x38;
	[tilespmem:$0x18C00] =	vst v63  }
0x127: {  	s12 =	simm.s32 $0xAE00;
	s9 =	rddreg [dreg:$0x1f]  }
0x128: {  	[tilespmem:s12], [sflag:$0x1] =	stream.linear.gather [hbm4b:s11+s1], $0x200, $0x38;
	[tilespmem:$0x18C00] =	vst v63  }
0x129: {  	s10 =	simm.s32 $0x4C00;
	s11 =	sld [smem:$0x79A]  }
0x12a: {  	[tilespmem:s10], [sflag:$0x1] =	stream.linear.gather [hbm4b:s9+s1], $0x200, $0x38;
	[tilespmem:$0x18C00] =	vst v63  }
0x12b: {  	s12 =	simm.s32 $0xB000;
	s9 =	sld [smem:$0x79B]  }
0x12c: {  	[tilespmem:s12], [sflag:$0x1] =	stream.linear.gather [hbm4b:s11+s1], $0x200, $0x38;
	[tilespmem:$0x18C00] =	vst v63  }
0x12d: {  	s10 =	simm.s32 $0x4E00;
	s11 =	sld [smem:$0x79C]  }
0x12e: {  	[tilespmem:s10], [sflag:$0x1] =	stream.linear.gather [hbm4b:s9+s1], $0x200, $0x38;
	[tilespmem:$0x18C00] =	vst v63  }
0x12f: {  	s12 =	simm.s32 $0xB200;
	s9 =	sld [smem:$0x79D]  }
0x130: {  	[tilespmem:s12], [sflag:$0x1] =	stream.linear.gather [hbm4b:s11+s1], $0x200, $0x38;
	[tilespmem:$0x18C00] =	vst v63  }
0x131: {  	s10 =	simm.s32 $0x5000;
	s11 =	sld [smem:$0x79E]  }
0x132: {  	[tilespmem:s10], [sflag:$0x1] =	stream.linear.gather [hbm4b:s9+s1], $0x200, $0x38;
	[tilespmem:$0x18C00] =	vst v63  }
0x133: {  	s12 =	simm.s32 $0xB400;
	s9 =	sld [smem:$0x79F]  }
0x134: {  	[tilespmem:s12], [sflag:$0x1] =	stream.linear.gather [hbm4b:s11+s1], $0x200, $0x38;
	[tilespmem:$0x18C00] =	vst v63  }
0x135: {  	s10 =	simm.s32 $0x5200;
	s11 =	sld [smem:$0x7A0]  }
0x136: {  	[tilespmem:s10], [sflag:$0x1] =	stream.linear.gather [hbm4b:s9+s1], $0x200, $0x38;
	[tilespmem:$0x18C00] =	vst v63  }
0x137: {  	s12 =	simm.s32 $0xB600;
	s9 =	sld [smem:$0x7A1]  }
0x138: {  	[tilespmem:s12], [sflag:$0x1] =	stream.linear.gather [hbm4b:s11+s1], $0x200, $0x38;
	[tilespmem:$0x18C00] =	vst v63  }
0x139: {  	s10 =	simm.s32 $0x5400;
	s11 =	sld [smem:$0x7A2]  }
0x13a: {  	[tilespmem:s10], [sflag:$0x1] =	stream.linear.gather [hbm4b:s9+s1], $0x200, $0x38;
	[tilespmem:$0x18C00] =	vst v63  }
0x13b: {  	s12 =	simm.s32 $0xB800;
	s9 =	sld [smem:$0x7A3]  }
0x13c: {  	[tilespmem:s12], [sflag:$0x1] =	stream.linear.gather [hbm4b:s11+s1], $0x200, $0x38;
	[tilespmem:$0x18C00] =	vst v63  }
0x13d: {  	s10 =	simm.s32 $0x5600;
	s11 =	sld [smem:$0x7A4]  }
0x13e: {  	[tilespmem:s10], [sflag:$0x1] =	stream.linear.gather [hbm4b:s9+s1], $0x200, $0x38;
	[tilespmem:$0x18C00] =	vst v63  }
0x13f: {  	s12 =	simm.s32 $0xBA00;
	s9 =	sld [smem:$0x7A5]  }
0x140: {  	[tilespmem:s12], [sflag:$0x1] =	stream.linear.gather [hbm4b:s11+s1], $0x200, $0x38;
	[tilespmem:$0x18C00] =	vst v63  }
0x141: {  	s10 =	simm.s32 $0x5800;
	s11 =	sld [smem:$0x7A6]  }
0x142: {  	[tilespmem:s10], [sflag:$0x1] =	stream.linear.gather [hbm4b:s9+s1], $0x200, $0x38;
	[tilespmem:$0x18C00] =	vst v63  }
0x143: {  	s12 =	simm.s32 $0xBC00;
	s9 =	sld [smem:$0x7A7]  }
0x144: {  	[tilespmem:s12], [sflag:$0x1] =	stream.linear.gather [hbm4b:s11+s1], $0x200, $0x38;
	[tilespmem:$0x18C00] =	vst v63  }
0x145: {  	s10 =	simm.s32 $0x5A00;
	s11 =	sld [smem:$0x7A8]  }
0x146: {  	[tilespmem:s10], [sflag:$0x1] =	stream.linear.gather [hbm4b:s9+s1], $0x200, $0x38;
	[tilespmem:$0x18C00] =	vst v63  }
0x147: {  	s12 =	simm.s32 $0xBE00;
	s9 =	sld [smem:$0x7A9]  }
0x148: {  	[tilespmem:s12], [sflag:$0x1] =	stream.linear.gather [hbm4b:s11+s1], $0x200, $0x38;
	[tilespmem:$0x18C00] =	vst v63  }
0x149: {  	s10 =	simm.s32 $0x5C00;
	s11 =	sld [smem:$0x7AA]  }
0x14a: {  	[tilespmem:s10], [sflag:$0x1] =	stream.linear.gather [hbm4b:s9+s1], $0x200, $0x38;
	[tilespmem:$0x18C00] =	vst v63  }
0x14b: {  	s12 =	simm.s32 $0xC000;
	s9 =	sld [smem:$0x7AB]  }
0x14c: {  	[tilespmem:s12], [sflag:$0x1] =	stream.linear.gather [hbm4b:s11+s1], $0x200, $0x38;
	[tilespmem:$0x18C00] =	vst v63  }
0x14d: {  	s10 =	simm.s32 $0x5E00;
	s11 =	sld [smem:$0x7AC]  }
0x14e: {  	[tilespmem:s10], [sflag:$0x1] =	stream.linear.gather [hbm4b:s9+s1], $0x200, $0x38;
	[tilespmem:$0x18C00] =	vst v63  }
0x14f: {  	s12 =	simm.s32 $0xC200;
	s9 =	sld [smem:$0x7AD]  }
0x150: {  	[tilespmem:s12], [sflag:$0x1] =	stream.linear.gather [hbm4b:s11+s1], $0x200, $0x38;
	[tilespmem:$0x18C00] =	vst v63  }
0x151: {  	s10 =	simm.s32 $0x6000;
	s11 =	sld [smem:$0x7AE]  }
0x152: {  	[tilespmem:s10], [sflag:$0x1] =	stream.linear.gather [hbm4b:s9+s1], $0x200, $0x38;
	[tilespmem:$0x18C00] =	vst v63  }
0x153: {  	s12 =	simm.s32 $0xC400;
	s9 =	sld [smem:$0x7C7]  }
0x154: {  	[tilespmem:s12], [sflag:$0x1] =	stream.linear.gather [hbm4b:s11+s1], $0x200, $0x38;
	[tilespmem:$0x18C00] =	vst v63  }
0x155: {  	s10 =	simm.s32 $0x6200;
	s11 =	sld [smem:$0x7C8]  }
0x156: {  	[tilespmem:s10], [sflag:$0x1] =	stream.linear.gather [hbm4b:s9+s1], $0x200, $0x38;
	[tilespmem:$0x18C00] =	vst v63  }
0x157: {  	s8 =	simm.s32 $0x40;
	s12 =	simm.s32 $0xC600;
	s9 =	simm.s32 $0x0  }
0x158: {  	[tilespmem:s12], [sflag:$0x1] =	stream.linear.gather [hbm4b:s11+s1], $0x200, $0x38;
	[tilespmem:$0x18C00] =	vst v63  }
.LBB2_2:
0x159: {  	p0 =	sne.s32 s8, $0xBFC0;
	[tilespmem:s9+$0xC800] =	vst v0;
	s9 =	smov.u32 s8;
	s8 =	sadd.s32 $0x40, s8  }
.Ltmp0:
0x15a: {  	(pc) =	sbr.rel @p0 .LBB2_2-.Ltmp0, $2  }
0x15b: {  	_ =	sdelay $0x2  }
0x15c: {  	s9 =	sshra.s32 s9, $0x2  }
0x15d: {  	[tilespmem:s9+$0xC800] =	vst v0;
	s8 =	simm.s32 $0xC800  }
0x15e: {  	[spmem:s6] =	stream.linear.scatter [tilespmem:s8], [sflag:$0x2], $0x3000, $0x38;
	[tilespmem:$0x18C00] =	vst v63  }
0x15f: {  	_ =	swait.ge [sflag:s4], $0x3000  }
0x160: {  	[sflag:s4] =	ssyncset.done $0x0  }
0x161: {  	[sflag:s4] =	ssyncadd.s32 $0xFFFFD000  }
0x162: {  	_ =	swait.ge [sflag:s5], $0x200  }
0x163: {  	[sflag:s5] =	ssyncset.done $0x0  }
0x164: {  	[sflag:s5] =	ssyncadd.s32 $0xFFFFFE00  }
0x165: {  	_ =	swait.ge [sflag:s5], $0x200  }
0x166: {  	[sflag:s5] =	ssyncset.done $0x0  }
0x167: {  	[sflag:s5] =	ssyncadd.s32 $0xFFFFFE00  }
0x168: {  	_ =	swait.ge [sflag:s5], $0x200  }
0x169: {  	[sflag:s5] =	ssyncset.done $0x0  }
0x16a: {  	[sflag:s5] =	ssyncadd.s32 $0xFFFFFE00  }
0x16b: {  	_ =	swait.ge [sflag:s5], $0x200  }
0x16c: {  	[sflag:s5] =	ssyncset.done $0x0  }
0x16d: {  	[sflag:s5] =	ssyncadd.s32 $0xFFFFFE00  }
0x16e: {  	_ =	swait.ge [sflag:s5], $0x200  }
0x16f: {  	[sflag:s5] =	ssyncset.done $0x0  }
0x170: {  	[sflag:s5] =	ssyncadd.s32 $0xFFFFFE00  }
0x171: {  	_ =	swait.ge [sflag:s5], $0x200  }
0x172: {  	[sflag:s5] =	ssyncset.done $0x0  }
0x173: {  	[sflag:s5] =	ssyncadd.s32 $0xFFFFFE00  }
0x174: {  	_ =	swait.ge [sflag:s5], $0x200  }
0x175: {  	[sflag:s5] =	ssyncset.done $0x0  }
0x176: {  	[sflag:s5] =	ssyncadd.s32 $0xFFFFFE00  }
0x177: {  	_ =	swait.ge [sflag:s5], $0x200  }
0x178: {  	[sflag:s5] =	ssyncset.done $0x0  }
0x179: {  	[sflag:s5] =	ssyncadd.s32 $0xFFFFFE00  }
0x17a: {  	_ =	swait.ge [sflag:s5], $0x200  }
0x17b: {  	[sflag:s5] =	ssyncset.done $0x0  }
0x17c: {  	[sflag:s5] =	ssyncadd.s32 $0xFFFFFE00  }
0x17d: {  	_ =	swait.ge [sflag:s5], $0x200  }
0x17e: {  	[sflag:s5] =	ssyncset.done $0x0  }
0x17f: {  	[sflag:s5] =	ssyncadd.s32 $0xFFFFFE00  }
0x180: {  	_ =	swait.ge [sflag:s5], $0x200  }
0x181: {  	[sflag:s5] =	ssyncset.done $0x0  }
0x182: {  	[sflag:s5] =	ssyncadd.s32 $0xFFFFFE00  }
0x183: {  	_ =	swait.ge [sflag:s5], $0x200  }
0x184: {  	[sflag:s5] =	ssyncset.done $0x0  }
0x185: {  	[sflag:s5] =	ssyncadd.s32 $0xFFFFFE00  }
0x186: {  	_ =	swait.ge [sflag:s5], $0x200  }
0x187: {  	[sflag:s5] =	ssyncset.done $0x0  }
0x188: {  	[sflag:s5] =	ssyncadd.s32 $0xFFFFFE00  }
0x189: {  	_ =	swait.ge [sflag:s5], $0x200  }
0x18a: {  	[sflag:s5] =	ssyncset.done $0x0  }
0x18b: {  	[sflag:s5] =	ssyncadd.s32 $0xFFFFFE00  }
0x18c: {  	_ =	swait.ge [sflag:s5], $0x200  }
0x18d: {  	[sflag:s5] =	ssyncset.done $0x0  }
0x18e: {  	[sflag:s5] =	ssyncadd.s32 $0xFFFFFE00  }
0x18f: {  	_ =	swait.ge [sflag:s5], $0x200  }
0x190: {  	[sflag:s5] =	ssyncset.done $0x0  }
0x191: {  	[sflag:s5] =	ssyncadd.s32 $0xFFFFFE00  }
0x192: {  	_ =	swait.ge [sflag:s5], $0x200  }
0x193: {  	[sflag:s5] =	ssyncset.done $0x0  }
0x194: {  	[sflag:s5] =	ssyncadd.s32 $0xFFFFFE00  }
0x195: {  	_ =	swait.ge [sflag:s5], $0x200  }
0x196: {  	[sflag:s5] =	ssyncset.done $0x0  }
0x197: {  	[sflag:s5] =	ssyncadd.s32 $0xFFFFFE00  }
0x198: {  	_ =	swait.ge [sflag:s5], $0x200  }
0x199: {  	[sflag:s5] =	ssyncset.done $0x0  }
0x19a: {  	[sflag:s5] =	ssyncadd.s32 $0xFFFFFE00  }
0x19b: {  	_ =	swait.ge [sflag:s5], $0x200  }
0x19c: {  	[sflag:s5] =	ssyncset.done $0x0  }
0x19d: {  	[sflag:s5] =	ssyncadd.s32 $0xFFFFFE00  }
0x19e: {  	_ =	swait.ge [sflag:s5], $0x200  }
0x19f: {  	[sflag:s5] =	ssyncset.done $0x0  }
0x1a0: {  	[sflag:s5] =	ssyncadd.s32 $0xFFFFFE00  }
0x1a1: {  	_ =	swait.ge [sflag:s5], $0x200  }
0x1a2: {  	[sflag:s5] =	ssyncset.done $0x0  }
0x1a3: {  	[sflag:s5] =	ssyncadd.s32 $0xFFFFFE00  }
0x1a4: {  	_ =	swait.ge [sflag:s5], $0x200  }
0x1a5: {  	[sflag:s5] =	ssyncset.done $0x0  }
0x1a6: {  	[sflag:s5] =	ssyncadd.s32 $0xFFFFFE00  }
0x1a7: {  	_ =	swait.ge [sflag:s5], $0x200  }
0x1a8: {  	[sflag:s5] =	ssyncset.done $0x0  }
0x1a9: {  	[sflag:s5] =	ssyncadd.s32 $0xFFFFFE00  }
0x1aa: {  	_ =	swait.ge [sflag:s5], $0x200  }
0x1ab: {  	[sflag:s5] =	ssyncset.done $0x0  }
0x1ac: {  	[sflag:s5] =	ssyncadd.s32 $0xFFFFFE00  }
0x1ad: {  	_ =	swait.ge [sflag:s5], $0x200  }
0x1ae: {  	[sflag:s5] =	ssyncset.done $0x0  }
0x1af: {  	[sflag:s5] =	ssyncadd.s32 $0xFFFFFE00  }
0x1b0: {  	_ =	swait.ge [sflag:s5], $0x200  }
0x1b1: {  	[sflag:s5] =	ssyncset.done $0x0  }
0x1b2: {  	[sflag:s5] =	ssyncadd.s32 $0xFFFFFE00  }
0x1b3: {  	_ =	swait.ge [sflag:s5], $0x200  }
0x1b4: {  	[sflag:s5] =	ssyncset.done $0x0  }
0x1b5: {  	[sflag:s5] =	ssyncadd.s32 $0xFFFFFE00  }
0x1b6: {  	_ =	swait.ge [sflag:s5], $0x200  }
0x1b7: {  	[sflag:s5] =	ssyncset.done $0x0  }
0x1b8: {  	[sflag:s5] =	ssyncadd.s32 $0xFFFFFE00  }
0x1b9: {  	_ =	swait.ge [sflag:s5], $0x200  }
0x1ba: {  	[sflag:s5] =	ssyncset.done $0x0  }
0x1bb: {  	[sflag:s5] =	ssyncadd.s32 $0xFFFFFE00  }
0x1bc: {  	_ =	swait.ge [sflag:s5], $0x200  }
0x1bd: {  	[sflag:s5] =	ssyncset.done $0x0  }
0x1be: {  	[sflag:s5] =	ssyncadd.s32 $0xFFFFFE00  }
0x1bf: {  	_ =	swait.ge [sflag:s5], $0x200  }
0x1c0: {  	[sflag:s5] =	ssyncset.done $0x0  }
0x1c1: {  	[sflag:s5] =	ssyncadd.s32 $0xFFFFFE00  }
0x1c2: {  	_ =	swait.ge [sflag:s5], $0x200  }
0x1c3: {  	[sflag:s5] =	ssyncset.done $0x0  }
0x1c4: {  	[sflag:s5] =	ssyncadd.s32 $0xFFFFFE00  }
0x1c5: {  	_ =	swait.ge [sflag:s5], $0x200  }
0x1c6: {  	[sflag:s5] =	ssyncset.done $0x0  }
0x1c7: {  	[sflag:s5] =	ssyncadd.s32 $0xFFFFFE00  }
0x1c8: {  	_ =	swait.ge [sflag:s5], $0x200  }
0x1c9: {  	[sflag:s5] =	ssyncset.done $0x0  }
0x1ca: {  	[sflag:s5] =	ssyncadd.s32 $0xFFFFFE00  }
0x1cb: {  	_ =	swait.ge [sflag:s5], $0x200  }
0x1cc: {  	[sflag:s5] =	ssyncset.done $0x0  }
0x1cd: {  	[sflag:s5] =	ssyncadd.s32 $0xFFFFFE00  }
0x1ce: {  	_ =	swait.ge [sflag:s5], $0x200  }
0x1cf: {  	[sflag:s5] =	ssyncset.done $0x0  }
0x1d0: {  	[sflag:s5] =	ssyncadd.s32 $0xFFFFFE00  }
0x1d1: {  	_ =	swait.ge [sflag:s5], $0x200  }
0x1d2: {  	[sflag:s5] =	ssyncset.done $0x0  }
0x1d3: {  	[sflag:s5] =	ssyncadd.s32 $0xFFFFFE00  }
0x1d4: {  	_ =	swait.ge [sflag:s5], $0x200  }
0x1d5: {  	[sflag:s5] =	ssyncset.done $0x0  }
0x1d6: {  	[sflag:s5] =	ssyncadd.s32 $0xFFFFFE00  }
0x1d7: {  	_ =	swait.ge [sflag:s5], $0x200  }
0x1d8: {  	[sflag:s5] =	ssyncset.done $0x0  }
0x1d9: {  	[sflag:s5] =	ssyncadd.s32 $0xFFFFFE00  }
0x1da: {  	_ =	swait.ge [sflag:s5], $0x200  }
0x1db: {  	[sflag:s5] =	ssyncset.done $0x0  }
0x1dc: {  	[sflag:s5] =	ssyncadd.s32 $0xFFFFFE00  }
0x1dd: {  	_ =	swait.ge [sflag:s5], $0x200  }
0x1de: {  	[sflag:s5] =	ssyncset.done $0x0  }
0x1df: {  	[sflag:s5] =	ssyncadd.s32 $0xFFFFFE00  }
0x1e0: {  	_ =	swait.ge [sflag:s5], $0x200  }
0x1e1: {  	[sflag:s5] =	ssyncset.done $0x0  }
0x1e2: {  	[sflag:s5] =	ssyncadd.s32 $0xFFFFFE00  }
0x1e3: {  	_ =	swait.ge [sflag:s5], $0x200  }
0x1e4: {  	[sflag:s5] =	ssyncset.done $0x0  }
0x1e5: {  	[sflag:s5] =	ssyncadd.s32 $0xFFFFFE00  }
0x1e6: {  	_ =	swait.ge [sflag:s5], $0x200  }
0x1e7: {  	[sflag:s5] =	ssyncset.done $0x0  }
0x1e8: {  	[sflag:s5] =	ssyncadd.s32 $0xFFFFFE00  }
0x1e9: {  	_ =	swait.ge [sflag:s5], $0x200  }
0x1ea: {  	[sflag:s5] =	ssyncset.done $0x0  }
0x1eb: {  	[sflag:s5] =	ssyncadd.s32 $0xFFFFFE00  }
0x1ec: {  	_ =	swait.ge [sflag:s5], $0x200  }
0x1ed: {  	[sflag:s5] =	ssyncset.done $0x0  }
0x1ee: {  	[sflag:s5] =	ssyncadd.s32 $0xFFFFFE00  }
0x1ef: {  	_ =	swait.ge [sflag:s5], $0x200  }
0x1f0: {  	[sflag:s5] =	ssyncset.done $0x0  }
0x1f1: {  	[sflag:s5] =	ssyncadd.s32 $0xFFFFFE00  }
0x1f2: {  	_ =	swait.ge [sflag:s5], $0x200  }
0x1f3: {  	[sflag:s5] =	ssyncset.done $0x0  }
0x1f4: {  	[sflag:s5] =	ssyncadd.s32 $0xFFFFFE00  }
0x1f5: {  	_ =	swait.ge [sflag:s5], $0x200  }
0x1f6: {  	[sflag:s5] =	ssyncset.done $0x0  }
0x1f7: {  	[sflag:s5] =	ssyncadd.s32 $0xFFFFFE00  }
0x1f8: {  	_ =	swait.ge [sflag:s5], $0x200  }
0x1f9: {  	[sflag:s5] =	ssyncset.done $0x0  }
0x1fa: {  	[sflag:s5] =	ssyncadd.s32 $0xFFFFFE00  }
0x1fb: {  	_ =	swait.ge [sflag:s5], $0x200  }
0x1fc: {  	[sflag:s5] =	ssyncset.done $0x0  }
0x1fd: {  	[sflag:s5] =	ssyncadd.s32 $0xFFFFFE00  }
0x1fe: {  	_ =	swait.ge [sflag:s5], $0x200  }
0x1ff: {  	[sflag:s5] =	ssyncset.done $0x0  }
0x200: {  	[sflag:s5] =	ssyncadd.s32 $0xFFFFFE00  }
0x201: {  	_ =	swait.ge [sflag:s5], $0x200  }
0x202: {  	[sflag:s5] =	ssyncset.done $0x0  }
0x203: {  	[sflag:s5] =	ssyncadd.s32 $0xFFFFFE00  }
0x204: {  	_ =	swait.ge [sflag:s5], $0x200  }
0x205: {  	[sflag:s5] =	ssyncset.done $0x0  }
0x206: {  	[sflag:s5] =	ssyncadd.s32 $0xFFFFFE00  }
0x207: {  	_ =	swait.ge [sflag:s5], $0x200  }
0x208: {  	[sflag:s5] =	ssyncset.done $0x0  }
0x209: {  	[sflag:s5] =	ssyncadd.s32 $0xFFFFFE00  }
0x20a: {  	_ =	swait.ge [sflag:s5], $0x200  }
0x20b: {  	[sflag:s5] =	ssyncset.done $0x0  }
0x20c: {  	[sflag:s5] =	ssyncadd.s32 $0xFFFFFE00  }
0x20d: {  	_ =	swait.ge [sflag:s5], $0x200  }
0x20e: {  	[sflag:s5] =	ssyncset.done $0x0  }
0x20f: {  	[sflag:s5] =	ssyncadd.s32 $0xFFFFFE00  }
0x210: {  	_ =	swait.ge [sflag:s5], $0x200  }
0x211: {  	[sflag:s5] =	ssyncset.done $0x0  }
0x212: {  	[sflag:s5] =	ssyncadd.s32 $0xFFFFFE00  }
0x213: {  	_ =	swait.ge [sflag:s5], $0x200  }
0x214: {  	[sflag:s5] =	ssyncset.done $0x0  }
0x215: {  	[sflag:s5] =	ssyncadd.s32 $0xFFFFFE00  }
0x216: {  	_ =	swait.ge [sflag:s5], $0x200  }
0x217: {  	[sflag:s5] =	ssyncset.done $0x0  }
0x218: {  	[sflag:s5] =	ssyncadd.s32 $0xFFFFFE00  }
0x219: {  	_ =	swait.ge [sflag:s5], $0x200  }
0x21a: {  	[sflag:s5] =	ssyncset.done $0x0  }
0x21b: {  	[sflag:s5] =	ssyncadd.s32 $0xFFFFFE00  }
0x21c: {  	_ =	swait.ge [sflag:s5], $0x200  }
0x21d: {  	[sflag:s5] =	ssyncset.done $0x0  }
0x21e: {  	[sflag:s5] =	ssyncadd.s32 $0xFFFFFE00  }
0x21f: {  	_ =	swait.ge [sflag:s5], $0x200  }
0x220: {  	[sflag:s5] =	ssyncset.done $0x0  }
0x221: {  	[sflag:s5] =	ssyncadd.s32 $0xFFFFFE00  }
0x222: {  	_ =	swait.ge [sflag:s5], $0x200  }
0x223: {  	[sflag:s5] =	ssyncset.done $0x0  }
0x224: {  	[sflag:s5] =	ssyncadd.s32 $0xFFFFFE00  }
0x225: {  	_ =	swait.ge [sflag:s5], $0x200  }
0x226: {  	[sflag:s5] =	ssyncset.done $0x0  }
0x227: {  	[sflag:s5] =	ssyncadd.s32 $0xFFFFFE00  }
0x228: {  	_ =	swait.ge [sflag:s5], $0x200  }
0x229: {  	[sflag:s5] =	ssyncset.done $0x0  }
0x22a: {  	[sflag:s5] =	ssyncadd.s32 $0xFFFFFE00  }
0x22b: {  	_ =	swait.ge [sflag:s5], $0x200  }
0x22c: {  	[sflag:s5] =	ssyncset.done $0x0  }
0x22d: {  	[sflag:s5] =	ssyncadd.s32 $0xFFFFFE00  }
0x22e: {  	_ =	swait.ge [sflag:s5], $0x200  }
0x22f: {  	[sflag:s5] =	ssyncset.done $0x0  }
0x230: {  	[sflag:s5] =	ssyncadd.s32 $0xFFFFFE00  }
0x231: {  	_ =	swait.ge [sflag:s5], $0x200  }
0x232: {  	[sflag:s5] =	ssyncset.done $0x0  }
0x233: {  	[sflag:s5] =	ssyncadd.s32 $0xFFFFFE00  }
0x234: {  	_ =	swait.ge [sflag:s5], $0x200  }
0x235: {  	[sflag:s5] =	ssyncset.done $0x0  }
0x236: {  	[sflag:s5] =	ssyncadd.s32 $0xFFFFFE00  }
0x237: {  	_ =	swait.ge [sflag:s5], $0x200  }
0x238: {  	[sflag:s5] =	ssyncset.done $0x0  }
0x239: {  	[sflag:s5] =	ssyncadd.s32 $0xFFFFFE00  }
0x23a: {  	_ =	swait.ge [sflag:s5], $0x200  }
0x23b: {  	[sflag:s5] =	ssyncset.done $0x0  }
0x23c: {  	[sflag:s5] =	ssyncadd.s32 $0xFFFFFE00  }
0x23d: {  	_ =	swait.ge [sflag:s5], $0x200  }
0x23e: {  	[sflag:s5] =	ssyncset.done $0x0  }
0x23f: {  	[sflag:s5] =	ssyncadd.s32 $0xFFFFFE00  }
0x240: {  	_ =	swait.ge [sflag:s5], $0x200  }
0x241: {  	[sflag:s5] =	ssyncset.done $0x0  }
0x242: {  	[sflag:s5] =	ssyncadd.s32 $0xFFFFFE00  }
0x243: {  	_ =	swait.ge [sflag:s5], $0x200  }
0x244: {  	[sflag:s5] =	ssyncset.done $0x0  }
0x245: {  	[sflag:s5] =	ssyncadd.s32 $0xFFFFFE00  }
0x246: {  	_ =	swait.ge [sflag:s5], $0x200  }
0x247: {  	[sflag:s5] =	ssyncset.done $0x0  }
0x248: {  	[sflag:s5] =	ssyncadd.s32 $0xFFFFFE00  }
0x249: {  	_ =	swait.ge [sflag:s5], $0x200  }
0x24a: {  	[sflag:s5] =	ssyncset.done $0x0  }
0x24b: {  	[sflag:s5] =	ssyncadd.s32 $0xFFFFFE00  }
0x24c: {  	_ =	swait.ge [sflag:s5], $0x200  }
0x24d: {  	[sflag:s5] =	ssyncset.done $0x0  }
0x24e: {  	[sflag:s5] =	ssyncadd.s32 $0xFFFFFE00  }
0x24f: {  	_ =	swait.ge [sflag:s5], $0x200  }
0x250: {  	[sflag:s5] =	ssyncset.done $0x0  }
0x251: {  	[sflag:s5] =	ssyncadd.s32 $0xFFFFFE00  }
0x252: {  	_ =	swait.ge [sflag:s5], $0x200  }
0x253: {  	[sflag:s5] =	ssyncset.done $0x0  }
0x254: {  	[sflag:s5] =	ssyncadd.s32 $0xFFFFFE00  }
0x255: {  	_ =	swait.ge [sflag:s5], $0x200  }
0x256: {  	[sflag:s5] =	ssyncset.done $0x0  }
0x257: {  	[sflag:s5] =	ssyncadd.s32 $0xFFFFFE00  }
0x258: {  	_ =	swait.ge [sflag:s5], $0x200  }
0x259: {  	[sflag:s5] =	ssyncset.done $0x0  }
0x25a: {  	[sflag:s5] =	ssyncadd.s32 $0xFFFFFE00  }
0x25b: {  	_ =	swait.ge [sflag:s5], $0x200  }
0x25c: {  	[sflag:s5] =	ssyncset.done $0x0  }
0x25d: {  	[sflag:s5] =	ssyncadd.s32 $0xFFFFFE00  }
0x25e: {  	_ =	swait.ge [sflag:s5], $0x200  }
0x25f: {  	[sflag:s5] =	ssyncset.done $0x0  }
0x260: {  	[sflag:s5] =	ssyncadd.s32 $0xFFFFFE00  }
0x261: {  	_ =	swait.ge [sflag:s5], $0x200  }
0x262: {  	[sflag:s5] =	ssyncset.done $0x0  }
0x263: {  	[sflag:s5] =	ssyncadd.s32 $0xFFFFFE00  }
0x264: {  	_ =	swait.ge [sflag:s5], $0x200  }
0x265: {  	[sflag:s5] =	ssyncset.done $0x0  }
0x266: {  	[sflag:s5] =	ssyncadd.s32 $0xFFFFFE00  }
0x267: {  	_ =	swait.ge [sflag:s5], $0x200  }
0x268: {  	[sflag:s5] =	ssyncset.done $0x0  }
0x269: {  	[sflag:s5] =	ssyncadd.s32 $0xFFFFFE00  }
0x26a: {  	_ =	swait.ge [sflag:s5], $0x200  }
0x26b: {  	[sflag:s5] =	ssyncset.done $0x0  }
0x26c: {  	[sflag:s5] =	ssyncadd.s32 $0xFFFFFE00  }
0x26d: {  	_ =	swait.ge [sflag:s5], $0x200  }
0x26e: {  	[sflag:s5] =	ssyncset.done $0x0  }
0x26f: {  	[sflag:s5] =	ssyncadd.s32 $0xFFFFFE00  }
0x270: {  	_ =	swait.ge [sflag:s5], $0x200  }
0x271: {  	[sflag:s5] =	ssyncset.done $0x0  }
0x272: {  	[sflag:s5] =	ssyncadd.s32 $0xFFFFFE00  }
0x273: {  	_ =	swait.ge [sflag:s5], $0x200  }
0x274: {  	[sflag:s5] =	ssyncset.done $0x0  }
0x275: {  	[sflag:s5] =	ssyncadd.s32 $0xFFFFFE00  }
0x276: {  	_ =	swait.ge [sflag:s5], $0x200  }
0x277: {  	[sflag:s5] =	ssyncset.done $0x0  }
0x278: {  	[sflag:s5] =	ssyncadd.s32 $0xFFFFFE00  }
0x279: {  	_ =	swait.ge [sflag:s5], $0x200  }
0x27a: {  	[sflag:s5] =	ssyncset.done $0x0  }
0x27b: {  	[sflag:s5] =	ssyncadd.s32 $0xFFFFFE00  }
0x27c: {  	_ =	swait.ge [sflag:s5], $0x200  }
0x27d: {  	[sflag:s5] =	ssyncset.done $0x0  }
0x27e: {  	[sflag:s5] =	ssyncadd.s32 $0xFFFFFE00  }
0x27f: {  	_ =	swait.ge [sflag:s5], $0x200  }
0x280: {  	[sflag:s5] =	ssyncset.done $0x0  }
0x281: {  	[sflag:s5] =	ssyncadd.s32 $0xFFFFFE00  }
0x282: {  	_ =	swait.ge [sflag:s5], $0x200  }
0x283: {  	[sflag:s5] =	ssyncset.done $0x0  }
0x284: {  	[sflag:s5] =	ssyncadd.s32 $0xFFFFFE00  }
0x285: {  	_ =	swait.ge [sflag:s5], $0x200  }
0x286: {  	[sflag:s5] =	ssyncset.done $0x0  }
0x287: {  	[sflag:s5] =	ssyncadd.s32 $0xFFFFFE00  }
0x288: {  	_ =	swait.ge [sflag:s5], $0x200  }
0x289: {  	[sflag:s5] =	ssyncset.done $0x0  }
0x28a: {  	[sflag:s5] =	ssyncadd.s32 $0xFFFFFE00  }
0x28b: {  	_ =	swait.ge [sflag:s5], $0x200  }
0x28c: {  	s9 =	simm.s32 $0xF800;
	[sflag:s5] =	ssyncset.done $0x0  }
0x28d: {  	s10 =	simm.s32 $0x0;
	s8 =	simm.s32 $0x0;
	[sflag:s5] =	ssyncadd.s32 $0xFFFFFE00  }
.LBB2_4:
0x28e: {  	v4 =	vmov s8;
	_ =	sdelay $0x1  }
0x28f: {  	s11 =	sshll.u32 s10, $0x4  }
0x290: {  	s11 =	sor.u32 s2, s11  }
0x291: {  	v3 =	vmov s9;
	s12 =	simm.s32 $0x800;
	v2 =	vor.u32 s11, v1;
	s11 =	simm.s32 $0x0  }
.LBB2_5:
0x292: {  	p0 =	sne.s32 s12, $0x18800;
	v5 =	vld.idx.msk [tilespmem:v4+s11+$0x0 ss:$0x1], $0xffff;
	_ =	sdelay $0x3  }
.Ltmp1:
0x293: {  	(pc) =	sbr.rel @p0 .LBB2_5-.Ltmp1, $4  }
0x294: {  	_ = 	snop  }
0x295: {  	v5 =	vshll.u32 v5, $0x9  }
0x296: {  	v5 =	vadd.s32 v5, v2  }
0x297: {  	[tilespmem:v3+s11+$0x0 ss:$0x1] =	vst.idx.msk $0xffff, v5;
	s11 =	sshra.s32 s12, $0x2;
	s12 =	sadd.s32 $0x800, s12  }
0x298: {  	_ =	sdelay $0x3  }
0x299: {  	v4 =	vld.idx.msk [tilespmem:v4+s11+$0x0 ss:$0x1], $0xffff  }
0x29a: {  	s10 =	sadd.s32 $0x1, s10  }
0x29b: {  	p0 =	sne.s32 s10, $0x20  }
.Ltmp2:
0x29c: {  	_ = 	snop;
	(pc) =	sbr.rel @p0 .LBB2_4-.Ltmp2, $4  }
0x29d: {  	_ = 	snop  }
0x29e: {  	v4 =	vshll.u32 v4, $0x9  }
0x29f: {  	v2 =	vadd.s32 v4, v2  }
0x2a0: {  	s8 =	sadd.s32 $0x10, s8;
	s9 =	sadd.s32 $0x10, s9;
	[tilespmem:v3+s11+$0x0 ss:$0x1] =	vst.idx.msk $0xffff, v2  }
0x2a1: {  	s8 =	rddreg [dreg:$0x1];
	s9 =	simm.s32 $0xF800  }
0x2a2: {  	[spmem:s8] =	stream.indirect.scatter.add.f32 [tilespmem:s3], [sflag:$0x2], $0x1, s9, s3, $0xb8;
	[tilespmem:$0x18C00] =	vst v63  }
0x2a3: {  	s10 =	stileid.u32;
	_ =	swait.ge [sflag:s4], $0x6400  }
0x2a4: {  	s8 =	sshll.u32 s10, $0x6;
	s10 =	sld [smem:$0x7E1]  }
0x2a5: {  	[sflag:s4] =	ssyncset.done $0x0  }
0x2a6: {  	s11 =	sshrl.u32 s6, $0x3;
	s8 =	sor.u32 $0x1C01, s8;
	[sflag:s4] =	ssyncadd.s32 $0xFFFF9C00  }
0x2a7: {  	[hbm:s10], [sflag:s8] =	dma.local [spmem:s11], $0x40  }
0x2a8: {  	s9 =	sld [smem:$0x7E2]  }
0x2a9: {  	s10 =	sld [smem:$0x7FA];
	_ =	sdelay $0x2  }
0x2aa: {  	[hbm:s9], [sflag:s8] =	dma.local [spmem:s10], $0x40  }
0x2ab: {  	s9 =	sld [smem:$0x7E3]  }
0x2ac: {  	s10 =	sld [smem:$0x7FB];
	_ =	sdelay $0x2  }
0x2ad: {  	[hbm:s9], [sflag:s8] =	dma.local [spmem:s10], $0x40  }
0x2ae: {  	s9 =	sld [smem:$0x7E4]  }
0x2af: {  	s10 =	sld [smem:$0x7FC];
	_ =	sdelay $0x2  }
0x2b0: {  	[hbm:s9], [sflag:s8] =	dma.local [spmem:s10], $0x40  }
0x2b1: {  	s9 =	sld [smem:$0x7E5]  }
0x2b2: {  	s10 =	sld [smem:$0x7FD];
	_ =	sdelay $0x2  }
0x2b3: {  	[hbm:s9], [sflag:s8] =	dma.local [spmem:s10], $0x40  }
0x2b4: {  	s9 =	sld [smem:$0x7E6];
	_ =	sdelay $0x2  }
0x2b5: {  	[hbm:s9], [sflag:s8] =	dma.local [spmem:s13], $0x40  }
0x2b6: {  	s9 =	sld [smem:$0x7E7];
	_ =	sdelay $0x2  }
0x2b7: {  	[hbm:s9], [sflag:s8] =	dma.local [spmem:s14], $0x40  }
0x2b8: {  	s9 =	sld [smem:$0x7E8];
	_ =	sdelay $0x2  }
0x2b9: {  	[hbm:s9], [sflag:s8] =	dma.local [spmem:s15], $0x40  }
0x2ba: {  	s9 =	sld [smem:$0x7E9];
	_ =	sdelay $0x2  }
0x2bb: {  	[hbm:s9], [sflag:s8] =	dma.local [spmem:s16], $0x40  }
0x2bc: {  	s9 =	sld [smem:$0x7EA];
	_ =	sdelay $0x2  }
0x2bd: {  	[hbm:s9], [sflag:s8] =	dma.local [spmem:s17], $0x40  }
0x2be: {  	s9 =	sld [smem:$0x7EB];
	_ =	sdelay $0x2  }
0x2bf: {  	[hbm:s9], [sflag:s8] =	dma.local [spmem:s18], $0x40  }
0x2c0: {  	s9 =	sld [smem:$0x7EC];
	_ =	sdelay $0x2  }
0x2c1: {  	[hbm:s9], [sflag:s8] =	dma.local [spmem:s19], $0x40  }
0x2c2: {  	s9 =	sld [smem:$0x7ED];
	_ =	sdelay $0x2  }
0x2c3: {  	[hbm:s9], [sflag:s8] =	dma.local [spmem:s20], $0x40  }
0x2c4: {  	s9 =	sld [smem:$0x7EE];
	_ =	sdelay $0x2  }
0x2c5: {  	[hbm:s9], [sflag:s8] =	dma.local [spmem:s21], $0x40  }
0x2c6: {  	s9 =	sld [smem:$0x7EF];
	_ =	sdelay $0x2  }
0x2c7: {  	[hbm:s9], [sflag:s8] =	dma.local [spmem:s22], $0x40  }
0x2c8: {  	s9 =	sld [smem:$0x7F0];
	_ =	sdelay $0x2  }
0x2c9: {  	[hbm:s9], [sflag:s8] =	dma.local [spmem:s23], $0x40  }
0x2ca: {  	s9 =	sld [smem:$0x7F1];
	_ =	sdelay $0x2  }
0x2cb: {  	[hbm:s9], [sflag:s8] =	dma.local [spmem:s24], $0x40  }
0x2cc: {  	s9 =	sld [smem:$0x7F2];
	_ =	sdelay $0x2  }
0x2cd: {  	[hbm:s9], [sflag:s8] =	dma.local [spmem:s25], $0x40  }
0x2ce: {  	s9 =	sld [smem:$0x7F3];
	_ =	sdelay $0x2  }
0x2cf: {  	[hbm:s9], [sflag:s8] =	dma.local [spmem:s26], $0x40  }
0x2d0: {  	s9 =	sld [smem:$0x7F4];
	_ =	sdelay $0x2  }
0x2d1: {  	[hbm:s9], [sflag:s8] =	dma.local [spmem:s28], $0x40  }
0x2d2: {  	s9 =	sld [smem:$0x7F5];
	_ =	sdelay $0x2  }
0x2d3: {  	[hbm:s9], [sflag:s8] =	dma.local [spmem:s29], $0x40  }
0x2d4: {  	s9 =	sld [smem:$0x7F6];
	_ =	sdelay $0x2  }
0x2d5: {  	[hbm:s9], [sflag:s8] =	dma.local [spmem:s30], $0x40  }
0x2d6: {  	s9 =	sld [smem:$0x7F7];
	_ =	sdelay $0x2  }
0x2d7: {  	[hbm:s9], [sflag:s8] =	dma.local [spmem:s31], $0x40  }
0x2d8: {  	s9 =	sld [smem:$0x7F8];
	_ =	sdelay $0x2  }
0x2d9: {  	[hbm:s9], [sflag:s8] =	dma.local [spmem:s0], $0x40  }
0x2da: {  	_ =	swait.ge [sflag:s5], $0x40  }
0x2db: {  	[sflag:s5] =	ssyncset.done $0x0  }
0x2dc: {  	[sflag:s5] =	ssyncadd.s32 $0xFFFFFFC0  }
0x2dd: {  	_ =	swait.ge [sflag:s5], $0x40  }
0x2de: {  	[sflag:s5] =	ssyncset.done $0x0  }
0x2df: {  	[sflag:s5] =	ssyncadd.s32 $0xFFFFFFC0  }
0x2e0: {  	_ =	swait.ge [sflag:s5], $0x40  }
0x2e1: {  	[sflag:s5] =	ssyncset.done $0x0  }
0x2e2: {  	[sflag:s5] =	ssyncadd.s32 $0xFFFFFFC0  }
0x2e3: {  	_ =	swait.ge [sflag:s5], $0x40  }
0x2e4: {  	[sflag:s5] =	ssyncset.done $0x0  }
0x2e5: {  	[sflag:s5] =	ssyncadd.s32 $0xFFFFFFC0  }
0x2e6: {  	_ =	swait.ge [sflag:s5], $0x40  }
0x2e7: {  	[sflag:s5] =	ssyncset.done $0x0  }
0x2e8: {  	[sflag:s5] =	ssyncadd.s32 $0xFFFFFFC0  }
0x2e9: {  	_ =	swait.ge [sflag:s5], $0x40  }
0x2ea: {  	[sflag:s5] =	ssyncset.done $0x0  }
0x2eb: {  	[sflag:s5] =	ssyncadd.s32 $0xFFFFFFC0  }
0x2ec: {  	_ =	swait.ge [sflag:s5], $0x40  }
0x2ed: {  	[sflag:s5] =	ssyncset.done $0x0  }
0x2ee: {  	[sflag:s5] =	ssyncadd.s32 $0xFFFFFFC0  }
0x2ef: {  	_ =	swait.ge [sflag:s5], $0x40  }
0x2f0: {  	[sflag:s5] =	ssyncset.done $0x0  }
0x2f1: {  	[sflag:s5] =	ssyncadd.s32 $0xFFFFFFC0  }
0x2f2: {  	_ =	swait.ge [sflag:s5], $0x40  }
0x2f3: {  	[sflag:s5] =	ssyncset.done $0x0  }
0x2f4: {  	[sflag:s5] =	ssyncadd.s32 $0xFFFFFFC0  }
0x2f5: {  	_ =	swait.ge [sflag:s5], $0x40  }
0x2f6: {  	[sflag:s5] =	ssyncset.done $0x0  }
0x2f7: {  	[sflag:s5] =	ssyncadd.s32 $0xFFFFFFC0  }
0x2f8: {  	_ =	swait.ge [sflag:s5], $0x40  }
0x2f9: {  	[sflag:s5] =	ssyncset.done $0x0  }
0x2fa: {  	[sflag:s5] =	ssyncadd.s32 $0xFFFFFFC0  }
0x2fb: {  	_ =	swait.ge [sflag:s5], $0x40  }
0x2fc: {  	[sflag:s5] =	ssyncset.done $0x0  }
0x2fd: {  	[sflag:s5] =	ssyncadd.s32 $0xFFFFFFC0  }
0x2fe: {  	_ =	swait.ge [sflag:s5], $0x40  }
0x2ff: {  	[sflag:s5] =	ssyncset.done $0x0  }
0x300: {  	[sflag:s5] =	ssyncadd.s32 $0xFFFFFFC0  }
0x301: {  	_ =	swait.ge [sflag:s5], $0x40  }
0x302: {  	[sflag:s5] =	ssyncset.done $0x0  }
0x303: {  	[sflag:s5] =	ssyncadd.s32 $0xFFFFFFC0  }
0x304: {  	_ =	swait.ge [sflag:s5], $0x40  }
0x305: {  	[sflag:s5] =	ssyncset.done $0x0  }
0x306: {  	[sflag:s5] =	ssyncadd.s32 $0xFFFFFFC0  }
0x307: {  	_ =	swait.ge [sflag:s5], $0x40  }
0x308: {  	[sflag:s5] =	ssyncset.done $0x0  }
0x309: {  	[sflag:s5] =	ssyncadd.s32 $0xFFFFFFC0  }
0x30a: {  	_ =	swait.ge [sflag:s5], $0x40  }
0x30b: {  	[sflag:s5] =	ssyncset.done $0x0  }
0x30c: {  	[sflag:s5] =	ssyncadd.s32 $0xFFFFFFC0  }
0x30d: {  	_ =	swait.ge [sflag:s5], $0x40  }
0x30e: {  	[sflag:s5] =	ssyncset.done $0x0  }
0x30f: {  	[sflag:s5] =	ssyncadd.s32 $0xFFFFFFC0  }
0x310: {  	_ =	swait.ge [sflag:s5], $0x40  }
0x311: {  	[sflag:s5] =	ssyncset.done $0x0  }
0x312: {  	[sflag:s5] =	ssyncadd.s32 $0xFFFFFFC0  }
0x313: {  	_ =	swait.ge [sflag:s5], $0x40  }
0x314: {  	[sflag:s5] =	ssyncset.done $0x0  }
0x315: {  	[sflag:s5] =	ssyncadd.s32 $0xFFFFFFC0  }
0x316: {  	_ =	swait.ge [sflag:s5], $0x40  }
0x317: {  	[sflag:s5] =	ssyncset.done $0x0  }
0x318: {  	[sflag:s5] =	ssyncadd.s32 $0xFFFFFFC0  }
0x319: {  	_ =	swait.ge [sflag:s5], $0x40  }
0x31a: {  	[sflag:s5] =	ssyncset.done $0x0  }
0x31b: {  	[sflag:s5] =	ssyncadd.s32 $0xFFFFFFC0  }
0x31c: {  	_ =	swait.ge [sflag:s5], $0x40  }
0x31d: {  	[sflag:s5] =	ssyncset.done $0x0  }
0x31e: {  	[sflag:s5] =	ssyncadd.s32 $0xFFFFFFC0  }
0x31f: {  	_ =	swait.ge [sflag:s5], $0x40  }
0x320: {  	s12 =	sld [smem:$0x7F9];
	_ =	sdelay $0x1  }
0x321: {  	s7 =	sadd.s32 $0x1, s7  }
0x322: {  	p0 =	sne.s32 s7, s12  }
.Ltmp3:
0x323: {  	_ = 	snop;
	(pc) =	sbr.rel @p0 .LBB2_1-.Ltmp3, $3  }
0x324: {  	_ =	sdelay $0x1  }
0x325: {  	[sflag:s5] =	ssyncset.done $0x0  }
0x326: {  	[sflag:s5] =	ssyncadd.s32 $0xFFFFFFC0  }
0x327: {  	_ =	sfence.sel $0x180000  }
0x328: {  	[bflag:$0x0] =	sbarrier.arrive $0xFFFF  }
0x329: {  	_ =	strace $0x90000047  }
0x32a: {  	s0 =	stileid.u32;
	[bflag:$0x2] =	sbarrier.arrive $0xFFFF  }
0x32b: {  	p0 =	sne.s32 s0, $0x0;
	s0 =	rddreg [dreg:$0x2]  }
0x32c: {  	s0 =	sadd.s32 @!p0 $0x100000, s0  }
0x32d: {  	[sflag:s0] =	ssyncadd.tile.s32 @!p0 $0x1;
	_ =	shalt  }
.Lfunc_end2:
_tile_overlayer_lowered:
.L_overlay_start_2:
0x32e: {  	(tag) =	ssettag $0x2  }
0x32f: {  	s0 =	rddreg [dreg:$0x0];
	s2 =	stileid.u32  }
0x330: {  	s1 =	rddreg [dreg:$0x1];
	p0 =	sne.s32 s2, $0x0  }
0x331: {  	s3 =	rddreg [dreg:$0x2];
	[bflag:$0x3] =	sbarrier.arrive $0xFFFF;
	s2 =	simm.s32 @!p0 $0x1C02  }
0x332: {  	[timem:s3], [sflag:s2] =	dma.local @!p0 [hbm:s0], s1  }
0x333: {  	s0 =	simm.s32 @!p0 $0x2  }
0x334: {  	_ =	swait.ge @!p0 [sflag:s0], s1  }
0x335: {  	s1 =	ssub.s32 @!p0 $0x0, s1;
	[sflag:s0] =	ssyncset.done @!p0 $0x0  }
0x336: {  	[sflag:s0] =	ssyncadd.s32 @!p0 s1  }
0x337: {  	[bflag:$0x3] =	sbarrier.arrive $0xFFFF  }
0x338: {  	_ =	shalt  }

</sc_bundles>
